<compile_context>
chip_gen: v7x
topology: tpu7x:2x2x1
jax: 0.10.2.dev20260603
libtpu: 0.0.44.dev20260713+nightly
codegen_flags: <defaults>
</compile_context>

<pallas_src>
import functools

import jax
import jax.numpy as jnp
from jax import lax
from jax.experimental import pallas as pl
from jax.experimental.pallas import tpu as pltpu
from jax.experimental.pallas import tpu_sc as plsc

E = 8
K = 2
D = 768
L = 2048
H = 4 * D

A = K * L
TB = 256
G = (A + E * (TB - 1)) // TB + 1
P = G * TB
GPAD = 64
HS = 2

NW = 32
RPW = P // NW
RC = 40
TPW = L // NW
CB = 16


def _gelu_exact(h):
    return 0.5 * h * (1.0 + lax.erf(h * (2.0 ** -0.5)))


def _excl_cumsum_cols(m, chunk=256):
    n = m.shape[0]
    ri = lax.broadcasted_iota(jnp.int32, (chunk, chunk), 0)
    ci = lax.broadcasted_iota(jnp.int32, (chunk, chunk), 1)
    tstrict = (ci < ri).astype(jnp.float32)
    carry = jnp.zeros((1, m.shape[1]), jnp.float32)
    parts = []
    for c in range(n // chunk):
        blk = m[c * chunk:(c + 1) * chunk, :]
        parts.append(jnp.dot(tstrict, blk, preferred_element_type=jnp.float32)
                     + carry)
        carry = carry + jnp.sum(blk, axis=0, keepdims=True)
    return jnp.concatenate(parts, axis=0)


def _router_body(x_ref, wg_ref, pos_ref, g_ref, be_ref, loss_ref):
    x = x_ref[...]
    wg = wg_ref[...]
    logits = jnp.dot(x, wg, preferred_element_type=jnp.float32)
    lane = lax.broadcasted_iota(jnp.int32, (L, E), 1)
    m1 = jnp.max(logits, axis=1, keepdims=True)
    i1 = jnp.min(jnp.where(logits == m1, lane, E), axis=1, keepdims=True)
    oh1 = (lane == i1).astype(jnp.float32)
    logits2 = jnp.where(lane == i1, -jnp.inf, logits)
    m2 = jnp.max(logits2, axis=1, keepdims=True)
    i2 = jnp.min(jnp.where(logits2 == m2, lane, E), axis=1, keepdims=True)
    oh2 = (lane == i2).astype(jnp.float32)
    a = jnp.exp(m2 - m1)
    g1 = 1.0 / (1.0 + a)
    g2 = a / (1.0 + a)
    g_ref[...] = jnp.concatenate([g1, g2], axis=1)

    counts = jnp.sum(oh1 + oh2, axis=0, keepdims=True)
    cn = counts / A
    loss_ref[...] = jnp.sum((cn - 1.0 / E) ** 2, axis=1, keepdims=True) / E

    pc = jnp.floor((counts + (TB - 1)) / TB) * TB
    ei = lax.broadcasted_iota(jnp.int32, (E, E), 0)
    ej = lax.broadcasted_iota(jnp.int32, (E, E), 1)
    te = (ei < ej).astype(jnp.float32)
    off = jnp.dot(pc, te, preferred_element_type=jnp.float32)
    end = off + pc

    cs = _excl_cumsum_cols(oh1 + oh2)
    p0 = jnp.sum(oh1 * (off + cs), axis=1, keepdims=True)
    p1 = jnp.sum(oh2 * (off + cs + oh1), axis=1, keepdims=True)
    pos_ref[...] = jnp.concatenate([p0, p1], axis=1).astype(jnp.int32)

    b128 = lax.broadcasted_iota(jnp.int32, (GPAD, E), 0).astype(jnp.float32) * TB
    bc = jnp.sum((b128 >= end).astype(jnp.float32), axis=1, keepdims=True)
    be_ref[...] = jnp.minimum(bc, E - 1).astype(jnp.int32)


def _dispatch_body(pos_hbm, g_hbm, st_hbm, sg_hbm,
                   pos_v, g_v, st_v, sg_v):
    wid = lax.axis_index("s") * 2 + lax.axis_index("c")

    @pl.when(wid == 0)
    def _():
        with jax.named_scope("disp_load"):
            pltpu.sync_copy(pos_hbm, pos_v)
            pltpu.sync_copy(g_hbm, g_v)

        zi = jnp.zeros((16,), jnp.int32)
        zf = jnp.zeros((16,), jnp.float32)

        with jax.named_scope("disp_init"):
            def init_body(i, carry):
                for u in range(4):
                    st_v[pl.ds(i * 64 + u * 16, 16)] = zi
                    sg_v[pl.ds(i * 64 + u * 16, 16)] = zf
                return carry

            lax.fori_loop(0, P // 64, init_body, 0)

        iota16 = lax.iota(jnp.int32, 16)

        with jax.named_scope("disp_scatter"):
            def scat_body(i, carry):
                for u in range(4):
                    o = i * 64 + u * 16
                    idx = pos_v[pl.ds(o, 16)]
                    tok = lax.shift_right_logical(o + iota16, 1)
                    plsc.store_scatter(st_v, [idx], tok)
                    plsc.store_scatter(sg_v, [idx], g_v[pl.ds(o, 16)])
                return carry

            lax.fori_loop(0, A // 64, scat_body, 0)

        with jax.named_scope("disp_write"):
            pltpu.sync_copy(st_v, st_hbm)
            pltpu.sync_copy(sg_v, sg_hbm)


def _gmm_body(be_ref, st_ref, x_ref, w1_ref, w2_ref, sg_ref, ysp_ref,
              ys_ref, xbs_ref):
    hc = pl.program_id(0)
    b = pl.program_id(1)

    @pl.when(hc == 0)
    def _():
        stb = st_ref[...]
        tok = lax.broadcasted_iota(jnp.int32, (TB, L), 1)
        oh = (tok == stb).astype(jnp.float32)
        xb = jnp.dot(oh, x_ref[...], preferred_element_type=jnp.float32)
        xbs_ref[pl.ds(b * TB, TB), :] = xb.astype(jnp.bfloat16)

    xb = xbs_ref[pl.ds(b * TB, TB), :].astype(jnp.float32)
    h = _gelu_exact(jnp.dot(xb, w1_ref[0], preferred_element_type=jnp.float32))
    y = jnp.dot(h, w2_ref[0], preferred_element_type=jnp.float32)
    y = y * sg_ref[...]

    @pl.when(hc == 0)
    def _():
        ys_ref[...] = y

    @pl.when(hc == 1)
    def _():
        ys_ref[...] = ysp_ref[...] + y


def _combine_body(ys_hbm, pos_hbm, out_hbm,
                  p_v, b0, b1, o0, o1, gs0, gs1, ws0, ws1):
    wid = lax.axis_index("s") * 2 + lax.axis_index("c")
    tbase = wid * TPW
    pltpu.sync_copy(pos_hbm.at[pl.ds(2 * tbase, 2 * TPW)], p_v)

    def gat(c, buf, sem):
        return pltpu.async_copy(
            ys_hbm.at[p_v.at[pl.ds(c * 2 * CB, 2 * CB)]], buf, sem)

    def wrt(c, buf, sem):
        return pltpu.async_copy(
            buf, out_hbm.at[pl.ds(tbase + c * CB, CB)], sem)

    def add(buf, obuf):
        def row_body(r, rc):
            for k in range(D // 16):
                s = pl.ds(k * 16, 16)
                obuf[r, s] = buf[2 * r, s] + buf[2 * r + 1, s]
            return rc

        lax.fori_loop(0, CB, row_body, 0)

    cg0 = gat(0, b0, gs0)
    cg1 = gat(1, b1, gs1)
    cg0.wait()
    add(b0, o0)
    cg2 = gat(2, b0, gs0)
    cw0 = wrt(0, o0, ws0)
    cg1.wait()
    add(b1, o1)
    cg3 = gat(3, b1, gs1)
    cw1 = wrt(1, o1, ws1)
    cg2.wait()
    cw0.wait()
    add(b0, o0)
    cw2 = wrt(2, o0, ws0)
    cg3.wait()
    cw1.wait()
    add(b1, o1)
    cw3 = wrt(3, o1, ws1)
    cw2.wait()
    cw3.wait()


def _make_sc_kernels():
    mesh = plsc.VectorSubcoreMesh(core_axis_name="c", subcore_axis_name="s",
                                  num_cores=2, num_subcores=16)
    sc_params = pltpu.CompilerParams(needs_layout_passes=False)
    dispatch = pl.kernel(
        _dispatch_body,
        compiler_params=sc_params,
        out_type=(
            jax.ShapeDtypeStruct((P,), jnp.int32),
            jax.ShapeDtypeStruct((P,), jnp.float32),
        ),
        mesh=mesh,
        scratch_types=[
            pltpu.VMEM((A,), jnp.int32),
            pltpu.VMEM((A,), jnp.float32),
            pltpu.VMEM((P,), jnp.int32),
            pltpu.VMEM((P,), jnp.float32),
        ],
    )
    combine = pl.kernel(
        _combine_body,
        compiler_params=sc_params,
        out_type=jax.ShapeDtypeStruct((L, D), jnp.float32),
        mesh=mesh,
        scratch_types=[
            pltpu.VMEM((2 * TPW,), jnp.int32),
            pltpu.VMEM((2 * CB, D), jnp.float32),
            pltpu.VMEM((2 * CB, D), jnp.float32),
            pltpu.VMEM((CB, D), jnp.float32),
            pltpu.VMEM((CB, D), jnp.float32),
            pltpu.SemaphoreType.DMA,
            pltpu.SemaphoreType.DMA,
            pltpu.SemaphoreType.DMA,
            pltpu.SemaphoreType.DMA,
        ],
    )
    return dispatch, combine


def kernel(x, Wg, W1, W2):
    _dispatch, _combine = _make_sc_kernels()
    x2 = x.reshape(L, D)

    pos, g01, be, loss = pl.pallas_call(
        _router_body,
        out_shape=(
            jax.ShapeDtypeStruct((L, K), jnp.int32),
            jax.ShapeDtypeStruct((L, K), jnp.float32),
            jax.ShapeDtypeStruct((GPAD, 1), jnp.int32),
            jax.ShapeDtypeStruct((1, 1), jnp.float32),
        ),
    )(x2, Wg)

    st, sg = _dispatch(pos.reshape(A), g01.reshape(A))

    grid_spec = pltpu.PrefetchScalarGridSpec(
        num_scalar_prefetch=1,
        grid=(HS, G),
        in_specs=[
            pl.BlockSpec((TB, 1), lambda hc, b, be: (b, 0)),
            pl.BlockSpec((L, D), lambda hc, b, be: (0, 0)),
            pl.BlockSpec((1, D, H // HS), lambda hc, b, be: (be[b], 0, hc)),
            pl.BlockSpec((1, H // HS, D), lambda hc, b, be: (be[b], hc, 0)),
            pl.BlockSpec((TB, 1), lambda hc, b, be: (b, 0)),
            pl.BlockSpec((TB, D), lambda hc, b, be: (b, 0)),
        ],
        out_specs=pl.BlockSpec((TB, D), lambda hc, b, be: (b, 0)),
        scratch_shapes=[pltpu.VMEM((P, D), jnp.bfloat16)],
    )
    ys = pl.pallas_call(
        _gmm_body,
        grid_spec=grid_spec,
        out_shape=jax.ShapeDtypeStruct((P, D), jnp.float32),
        input_output_aliases={6: 0},
    )(be.reshape(GPAD)[:G], st.reshape(P, 1), x2, W1, W2, sg.reshape(P, 1),
      jnp.zeros((P, D), jnp.float32))

    out = _combine(ys, pos.reshape(A))

    return out.reshape(1, L, D), loss.reshape(())

# --- scband reference (transcript-rebuilt; emitter-appended) ---
"""Pipeline reference for scband-hybrid-block-76467597738250 (READ-ONLY COPY).

The authoritative reference and input builder live on the scoring server;
editing this copy changes nothing except your own understanding.
"""

import jax, jax.numpy as jnp
import numpy as np

NUM_EXPERTS = 8
TOP_K = 2
DIM = 768
B, L = 1, 2048


def setup_inputs(seed: int = 0) -> dict:
    key = jax.random.key(seed)
    k1, k2, k3, k4 = jax.random.split(key, 4)
    x = jax.random.normal(k1, (B, L, DIM), dtype=jnp.float32)
    Wg = jax.random.normal(k2, (DIM, NUM_EXPERTS), dtype=jnp.float32) * 0.02
    W1 = jax.random.normal(k3, (NUM_EXPERTS, DIM, 4 * DIM), dtype=jnp.float32) * 0.02
    W2 = jax.random.normal(k4, (NUM_EXPERTS, 4 * DIM, DIM), dtype=jnp.float32) * 0.02
    return {"x": x, "Wg": Wg, "W1": W1, "W2": W2}


def reference(x, Wg, W1, W2):
    # Faithful JAX translation of ExpertRouter.forward (the MoE routing core of HybridBlock).
    Bx, Lx, D = x.shape
    E = Wg.shape[1]
    gate_logits = x @ Wg                                   # [B, L, E]
    top_k_logits, top_k_indices = jax.lax.top_k(gate_logits, TOP_K)
    top_k_gates = jax.nn.softmax(top_k_logits, axis=-1)    # [B, L, K]
    # expert_counts buffer starts at zero; update = sum of one-hot mask over (B, L, K)
    expert_mask = jax.nn.one_hot(top_k_indices, E, dtype=jnp.float32)  # [B, L, K, E]
    expert_counts = jnp.sum(expert_mask, axis=(0, 1, 2))               # [E]
    outputs = jnp.zeros_like(x)
    for e in range(E):
        # expert e FFN: Linear(D,4D) -> GELU(exact) -> Linear(4D,D), no bias
        expert_out = jax.nn.gelu(x @ W1[e], approximate=False) @ W2[e]  # [B, L, D]
        # combined mask*gate weight over the top_k slots (same math as torch double loop)
        w_e = jnp.sum(top_k_gates * (top_k_indices == e).astype(jnp.float32), axis=-1)  # [B, L]
        outputs = outputs + w_e[..., None] * expert_out
    # load balance loss: mse(counts/sum, uniform) computed after the count update
    total = expert_counts.sum()
    counts_normalized = expert_counts / total
    target = jnp.ones_like(counts_normalized) / E
    load_balance_loss = jnp.mean((counts_normalized - target) ** 2)
    return outputs, load_balance_loss

if __name__ == "__main__":
    import jax
    _d = setup_inputs()
    print(jax.jit(kernel)(*tuple(_d.values())))

</pallas_src>

<mosaic_0001>
#map = affine_map<(d0, d1) -> (0, 0)>
#map1 = affine_map<(d0, d1) -> (0)>
module attributes {stable_mosaic.version = 14 : i64} {
  func.func @_combine_body(%arg0: i32, %arg1: i32, %arg2: memref<6144x768xf32, #tpu.memory_space<hbm>>, %arg3: memref<4096xi32, #tpu.memory_space<hbm>>, %arg4: memref<2048x768xf32, #tpu.memory_space<hbm>>, %arg5: memref<128xi32, #tpu.memory_space<vmem>>, %arg6: memref<32x768xf32, #tpu.memory_space<vmem>>, %arg7: memref<32x768xf32, #tpu.memory_space<vmem>>, %arg8: memref<16x768xf32, #tpu.memory_space<vmem>>, %arg9: memref<16x768xf32, #tpu.memory_space<vmem>>, %arg10: memref<!tpu.dma_semaphore, #tpu.memory_space<semaphore_mem>>, %arg11: memref<!tpu.dma_semaphore, #tpu.memory_space<semaphore_mem>>, %arg12: memref<!tpu.dma_semaphore, #tpu.memory_space<semaphore_mem>>, %arg13: memref<!tpu.dma_semaphore, #tpu.memory_space<semaphore_mem>>) attributes {dimension_semantics = [#tpu.dimension_semantics<core_parallel>, #tpu.dimension_semantics<subcore_parallel>], iteration_bounds = array<i64: 2, 16>, scalar_prefetch = 0 : i64, scratch_operands = 9 : i64, tpu.core_type = #tpu.core_type<sc_vector_subcore>, window_params = [{transform_indices = #map}, {transform_indices = #map1}, {transform_indices = #map}]} {
    %mul3A = arith.constant 2 : i32
    %mul3A_0 = arith.muli %arg1, %mul3A : i32
    %add3A = arith.addi %mul3A_0, %arg0 : i32
    %mul3A_1 = arith.constant 64 : i32
    %mul3A_2 = arith.muli %add3A, %mul3A_1 : i32
    %mul3A_3 = arith.constant 2 : i32
    %mul3A_4 = arith.muli %mul3A_3, %mul3A_2 : i32
    "tpu.region"() ({
      %run_scoped3A = tpu.sem_alloc : memref<!tpu.dma_semaphore, #tpu.memory_space<semaphore_mem>>
      %dma_start3A_106 = tpu.memref_slice %arg3[%mul3A_4] : memref<4096xi32, #tpu.memory_space<hbm>> -> memref<128xi32, #tpu.memory_space<hbm>>
      %dma_start3A_107 = tpu.memref_slice %arg3[%mul3A_4] : memref<4096xi32, #tpu.memory_space<hbm>> -> memref<128xi32, #tpu.memory_space<hbm>>
      tpu.enqueue_dma source(%dma_start3A_107 : memref<128xi32, #tpu.memory_space<hbm>>) target(%arg5 : memref<128xi32, #tpu.memory_space<vmem>>) target_semaphore(%run_scoped3A : memref<!tpu.dma_semaphore, #tpu.memory_space<semaphore_mem>>)
      %dma_wait3A_108 = tpu.memref_slice %arg3[%mul3A_4] : memref<4096xi32, #tpu.memory_space<hbm>> -> memref<128xi32, #tpu.memory_space<hbm>>
      %dma_wait3A_109 = tpu.memref_slice %arg3[%mul3A_4] : memref<4096xi32, #tpu.memory_space<hbm>> -> memref<128xi32, #tpu.memory_space<hbm>>
      tpu.wait_dma2 semaphore(%run_scoped3A : memref<!tpu.dma_semaphore, #tpu.memory_space<semaphore_mem>>) src(%dma_wait3A_109 : memref<128xi32, #tpu.memory_space<hbm>>) dst(%arg5 : memref<128xi32, #tpu.memory_space<vmem>>)
      tpu.yield
    }) : () -> ()
    %dma_start3A = arith.constant 0 : i32
    %dma_start3A_5 = tpu.memref_slice %arg5[%dma_start3A] : memref<128xi32, #tpu.memory_space<vmem>> -> memref<32xi32, #tpu.memory_space<vmem>>
    %dma_start3A_6 = arith.constant 0 : i32
    %dma_start3A_7 = arith.constant 0 : i32
    %dma_start3A_8 = tpu.memref_slice %arg2[%dma_start3A_6, %dma_start3A_7] : memref<6144x768xf32, #tpu.memory_space<hbm>> -> memref<6144x768xf32, #tpu.memory_space<hbm>>
    tpu.enqueue_indirect_dma source(%dma_start3A_8 : memref<6144x768xf32, #tpu.memory_space<hbm>>) target(%arg6 : memref<32x768xf32, #tpu.memory_space<vmem>>) offsets(%dma_start3A_5 : memref<32xi32, #tpu.memory_space<vmem>>) semaphore(%arg10 : memref<!tpu.dma_semaphore, #tpu.memory_space<semaphore_mem>>)
    %dma_start3A_9 = arith.constant 32 : i32
    %dma_start3A_10 = tpu.memref_slice %arg5[%dma_start3A_9] : memref<128xi32, #tpu.memory_space<vmem>> -> memref<32xi32, #tpu.memory_space<vmem>>
    %dma_start3A_11 = arith.constant 0 : i32
    %dma_start3A_12 = arith.constant 0 : i32
    %dma_start3A_13 = tpu.memref_slice %arg2[%dma_start3A_11, %dma_start3A_12] : memref<6144x768xf32, #tpu.memory_space<hbm>> -> memref<6144x768xf32, #tpu.memory_space<hbm>>
    tpu.enqueue_indirect_dma source(%dma_start3A_13 : memref<6144x768xf32, #tpu.memory_space<hbm>>) target(%arg7 : memref<32x768xf32, #tpu.memory_space<vmem>>) offsets(%dma_start3A_10 : memref<32xi32, #tpu.memory_space<vmem>>) semaphore(%arg11 : memref<!tpu.dma_semaphore, #tpu.memory_space<semaphore_mem>>)
    %dma_wait3A = arith.constant 0 : i32
    %dma_wait3A_14 = tpu.memref_slice %arg5[%dma_wait3A] : memref<128xi32, #tpu.memory_space<vmem>> -> memref<32xi32, #tpu.memory_space<vmem>>
    %dma_wait3A_15 = arith.constant 0 : i32
    %dma_wait3A_16 = arith.constant 0 : i32
    %dma_wait3A_17 = tpu.memref_slice %arg2[%dma_wait3A_15, %dma_wait3A_16] : memref<6144x768xf32, #tpu.memory_space<hbm>> -> memref<6144x768xf32, #tpu.memory_space<hbm>>
    tpu.wait_indirect_dma semaphore(%arg10 : memref<!tpu.dma_semaphore, #tpu.memory_space<semaphore_mem>>) src(%dma_wait3A_17 : memref<6144x768xf32, #tpu.memory_space<hbm>>) dst(%arg6 : memref<32x768xf32, #tpu.memory_space<vmem>>)
    %scan3A = arith.constant 0 : i32
    %scan3A_18 = arith.constant 0 : i32
    %scan3A_19 = arith.constant 16 : i32
    %scan3A_20 = arith.addi %scan3A_18, %scan3A_19 : i32
    %scan3A_21 = arith.constant 1 : i32
    scf.for %scan3A_106 = %scan3A_18 to %scan3A_20 step %scan3A_21  : i32 {
      %mul3A_107 = arith.constant 2 : i32
      %mul3A_108 = arith.muli %mul3A_107, %scan3A_106 : i32
      %get3A = arith.index_cast %mul3A_108 : i32 to index
      %get3A_109 = arith.constant 0 : index
      %get3A_110 = tpu.vector_load %arg6[%get3A, %get3A_109] {strides = array<i32>} : memref<32x768xf32, #tpu.memory_space<vmem>>, vector<16xf32>,
      %mul3A_111 = arith.constant 2 : i32
      %mul3A_112 = arith.muli %mul3A_111, %scan3A_106 : i32
      %add3A_113 = arith.constant 1 : i32
      %add3A_114 = arith.addi %mul3A_112, %add3A_113 : i32
      %get3A_115 = arith.index_cast %add3A_114 : i32 to index
      %get3A_116 = arith.constant 0 : index
      %get3A_117 = tpu.vector_load %arg6[%get3A_115, %get3A_116] {strides = array<i32>} : memref<32x768xf32, #tpu.memory_space<vmem>>, vector<16xf32>,
      %add3A_118 = arith.addf %get3A_110, %get3A_117 : vector<16xf32>
      %swap3A = arith.index_cast %scan3A_106 : i32 to index
      %swap3A_119 = arith.constant 0 : index
      %swap3A_120 = tpu.vector_load %arg8[%swap3A, %swap3A_119] {strides = array<i32>} : memref<16x768xf32, #tpu.memory_space<vmem>>, vector<16xf32>,
      tpu.vector_store %arg8[%swap3A, %swap3A_119], %add3A_118 {strides = array<i32>} : memref<16x768xf32, #tpu.memory_space<vmem>>, vector<16xf32>,
      %mul3A_121 = arith.constant 2 : i32
      %mul3A_122 = arith.muli %mul3A_121, %scan3A_106 : i32
      %get3A_123 = arith.index_cast %mul3A_122 : i32 to index
      %get3A_124 = arith.constant 16 : index
      %get3A_125 = tpu.vector_load %arg6[%get3A_123, %get3A_124] {strides = array<i32>} : memref<32x768xf32, #tpu.memory_space<vmem>>, vector<16xf32>,
      %mul3A_126 = arith.constant 2 : i32
      %mul3A_127 = arith.muli %mul3A_126, %scan3A_106 : i32
      %add3A_128 = arith.constant 1 : i32
      %add3A_129 = arith.addi %mul3A_127, %add3A_128 : i32
      %get3A_130 = arith.index_cast %add3A_129 : i32 to index
      %get3A_131 = arith.constant 16 : index
      %get3A_132 = tpu.vector_load %arg6[%get3A_130, %get3A_131] {strides = array<i32>} : memref<32x768xf32, #tpu.memory_space<vmem>>, vector<16xf32>,
      %add3A_133 = arith.addf %get3A_125, %get3A_132 : vector<16xf32>
      %swap3A_134 = arith.index_cast %scan3A_106 : i32 to index
      %swap3A_135 = arith.constant 16 : index
      %swap3A_136 = tpu.vector_load %arg8[%swap3A_134, %swap3A_135] {strides = array<i32>} : memref<16x768xf32, #tpu.memory_space<vmem>>, vector<16xf32>,
      tpu.vector_store %arg8[%swap3A_134, %swap3A_135], %add3A_133 {strides = array<i32>} : memref<16x768xf32, #tpu.memory_space<vmem>>, vector<16xf32>,
      %mul3A_137 = arith.constant 2 : i32
      %mul3A_138 = arith.muli %mul3A_137, %scan3A_106 : i32
      %get3A_139 = arith.index_cast %mul3A_138 : i32 to index
      %get3A_140 = arith.constant 32 : index
      %get3A_141 = tpu.vector_load %arg6[%get3A_139, %get3A_140] {strides = array<i32>} : memref<32x768xf32, #tpu.memory_space<vmem>>, vector<16xf32>,
      %mul3A_142 = arith.constant 2 : i32
      %mul3A_143 = arith.muli %mul3A_142, %scan3A_106 : i32
      %add3A_144 = arith.constant 1 : i32
      %add3A_145 = arith.addi %mul3A_143, %add3A_144 : i32
      %get3A_146 = arith.index_cast %add3A_145 : i32 to index
      %get3A_147 = arith.constant 32 : index
      %get3A_148 = tpu.vector_load %arg6[%get3A_146, %get3A_147] {strides = array<i32>} : memref<32x768xf32, #tpu.memory_space<vmem>>, vector<16xf32>,
      %add3A_149 = arith.addf %get3A_141, %get3A_148 : vector<16xf32>
      %swap3A_150 = arith.index_cast %scan3A_106 : i32 to index
      %swap3A_151 = arith.constant 32 : index
      %swap3A_152 = tpu.vector_load %arg8[%swap3A_150, %swap3A_151] {strides = array<i32>} : memref<16x768xf32, #tpu.memory_space<vmem>>, vector<16xf32>,
      tpu.vector_store %arg8[%swap3A_150, %swap3A_151], %add3A_149 {strides = array<i32>} : memref<16x768xf32, #tpu.memory_space<vmem>>, vector<16xf32>,
      %mul3A_153 = arith.constant 2 : i32
      %mul3A_154 = arith.muli %mul3A_153, %scan3A_106 : i32
      %get3A_155 = arith.index_cast %mul3A_154 : i32 to index
      %get3A_156 = arith.constant 48 : index
      %get3A_157 = tpu.vector_load %arg6[%get3A_155, %get3A_156] {strides = array<i32>} : memref<32x768xf32, #tpu.memory_space<vmem>>, vector<16xf32>,
      %mul3A_158 = arith.constant 2 : i32
      %mul3A_159 = arith.muli %mul3A_158, %scan3A_106 : i32
      %add3A_160 = arith.constant 1 : i32
      %add3A_161 = arith.addi %mul3A_159, %add3A_160 : i32
      %get3A_162 = arith.index_cast %add3A_161 : i32 to index
      %get3A_163 = arith.constant 48 : index
      %get3A_164 = tpu.vector_load %arg6[%get3A_162, %get3A_163] {strides = array<i32>} : memref<32x768xf32, #tpu.memory_space<vmem>>, vector<16xf32>,
      %add3A_165 = arith.addf %get3A_157, %get3A_164 : vector<16xf32>
      %swap3A_166 = arith.index_cast %scan3A_106 : i32 to index
      %swap3A_167 = arith.constant 48 : index
      %swap3A_168 = tpu.vector_load %arg8[%swap3A_166, %swap3A_167] {strides = array<i32>} : memref<16x768xf32, #tpu.memory_space<vmem>>, vector<16xf32>,
      tpu.vector_store %arg8[%swap3A_166, %swap3A_167], %add3A_165 {strides = array<i32>} : memref<16x768xf32, #tpu.memory_space<vmem>>, vector<16xf32>,
      %mul3A_169 = arith.constant 2 : i32
      %mul3A_170 = arith.muli %mul3A_169, %scan3A_106 : i32
      %get3A_171 = arith.index_cast %mul3A_170 : i32 to index
      %get3A_172 = arith.constant 64 : index
      %get3A_173 = tpu.vector_load %arg6[%get3A_171, %get3A_172] {strides = array<i32>} : memref<32x768xf32, #tpu.memory_space<vmem>>, vector<16xf32>,
      %mul3A_174 = arith.constant 2 : i32
      %mul3A_175 = arith.muli %mul3A_174, %scan3A_106 : i32
      %add3A_176 = arith.constant 1 : i32
      %add3A_177 = arith.addi %mul3A_175, %add3A_176 : i32
      %get3A_178 = arith.index_cast %add3A_177 : i32 to index
      %get3A_179 = arith.constant 64 : index
      %get3A_180 = tpu.vector_load %arg6[%get3A_178, %get3A_179] {strides = array<i32>} : memref<32x768xf32, #tpu.memory_space<vmem>>, vector<16xf32>,
      %add3A_181 = arith.addf %get3A_173, %get3A_180 : vector<16xf32>
      %swap3A_182 = arith.index_cast %scan3A_106 : i32 to index
      %swap3A_183 = arith.constant 64 : index
      %swap3A_184 = tpu.vector_load %arg8[%swap3A_182, %swap3A_183] {strides = array<i32>} : memref<16x768xf32, #tpu.memory_space<vmem>>, vector<16xf32>,
      tpu.vector_store %arg8[%swap3A_182, %swap3A_183], %add3A_181 {strides = array<i32>} : memref<16x768xf32, #tpu.memory_space<vmem>>, vector<16xf32>,
      %mul3A_185 = arith.constant 2 : i32
      %mul3A_186 = arith.muli %mul3A_185, %scan3A_106 : i32
      %get3A_187 = arith.index_cast %mul3A_186 : i32 to index
      %get3A_188 = arith.constant 80 : index
      %get3A_189 = tpu.vector_load %arg6[%get3A_187, %get3A_188] {strides = array<i32>} : memref<32x768xf32, #tpu.memory_space<vmem>>, vector<16xf32>,
      %mul3A_190 = arith.constant 2 : i32
      %mul3A_191 = arith.muli %mul3A_190, %scan3A_106 : i32
      %add3A_192 = arith.constant 1 : i32
      %add3A_193 = arith.addi %mul3A_191, %add3A_192 : i32
      %get3A_194 = arith.index_cast %add3A_193 : i32 to index
      %get3A_195 = arith.constant 80 : index
      %get3A_196 = tpu.vector_load %arg6[%get3A_194, %get3A_195] {strides = array<i32>} : memref<32x768xf32, #tpu.memory_space<vmem>>, vector<16xf32>,
      %add3A_197 = arith.addf %get3A_189, %get3A_196 : vector<16xf32>
      %swap3A_198 = arith.index_cast %scan3A_106 : i32 to index
      %swap3A_199 = arith.constant 80 : index
      %swap3A_200 = tpu.vector_load %arg8[%swap3A_198, %swap3A_199] {strides = array<i32>} : memref<16x768xf32, #tpu.memory_space<vmem>>, vector<16xf32>,
      tpu.vector_store %arg8[%swap3A_198, %swap3A_199], %add3A_197 {strides = array<i32>} : memref<16x768xf32, #tpu.memory_space<vmem>>, vector<16xf32>,
      %mul3A_201 = arith.constant 2 : i32
      %mul3A_202 = arith.muli %mul3A_201, %scan3A_106 : i32
      %get3A_203 = arith.index_cast %mul3A_202 : i32 to index
      %get3A_204 = arith.constant 96 : index
      %get3A_205 = tpu.vector_load %arg6[%get3A_203, %get3A_204] {strides = array<i32>} : memref<32x768xf32, #tpu.memory_space<vmem>>, vector<16xf32>,
      %mul3A_206 = arith.constant 2 : i32
      %mul3A_207 = arith.muli %mul3A_206, %scan3A_106 : i32
      %add3A_208 = arith.constant 1 : i32
      %add3A_209 = arith.addi %mul3A_207, %add3A_208 : i32
      %get3A_210 = arith.index_cast %add3A_209 : i32 to index
      %get3A_211 = arith.constant 96 : index
      %get3A_212 = tpu.vector_load %arg6[%get3A_210, %get3A_211] {strides = array<i32>} : memref<32x768xf32, #tpu.memory_space<vmem>>, vector<16xf32>,
      %add3A_213 = arith.addf %get3A_205, %get3A_212 : vector<16xf32>
      %swap3A_214 = arith.index_cast %scan3A_106 : i32 to index
      %swap3A_215 = arith.constant 96 : index
      %swap3A_216 = tpu.vector_load %arg8[%swap3A_214, %swap3A_215] {strides = array<i32>} : memref<16x768xf32, #tpu.memory_space<vmem>>, vector<16xf32>,
      tpu.vector_store %arg8[%swap3A_214, %swap3A_215], %add3A_213 {strides = array<i32>} : memref<16x768xf32, #tpu.memory_space<vmem>>, vector<16xf32>,
      %mul3A_217 = arith.constant 2 : i32
      %mul3A_218 = arith.muli %mul3A_217, %scan3A_106 : i32
      %get3A_219 = arith.index_cast %mul3A_218 : i32 to index
      %get3A_220 = arith.constant 112 : index
      %get3A_221 = tpu.vector_load %arg6[%get3A_219, %get3A_220] {strides = array<i32>} : memref<32x768xf32, #tpu.memory_space<vmem>>, vector<16xf32>,
      %mul3A_222 = arith.constant 2 : i32
      %mul3A_223 = arith.muli %mul3A_222, %scan3A_106 : i32
      %add3A_224 = arith.constant 1 : i32
      %add3A_225 = arith.addi %mul3A_223, %add3A_224 : i32
      %get3A_226 = arith.index_cast %add3A_225 : i32 to index
      %get3A_227 = arith.constant 112 : index
      %get3A_228 = tpu.vector_load %arg6[%get3A_226, %get3A_227] {strides = array<i32>} : memref<32x768xf32, #tpu.memory_space<vmem>>, vector<16xf32>,
      %add3A_229 = arith.addf %get3A_221, %get3A_228 : vector<16xf32>
      %swap3A_230 = arith.index_cast %scan3A_106 : i32 to index
      %swap3A_231 = arith.constant 112 : index
      %swap3A_232 = tpu.vector_load %arg8[%swap3A_230, %swap3A_231] {strides = array<i32>} : memref<16x768xf32, #tpu.memory_space<vmem>>, vector<16xf32>,
      tpu.vector_store %arg8[%swap3A_230, %swap3A_231], %add3A_229 {strides = array<i32>} : memref<16x768xf32, #tpu.memory_space<vmem>>, vector<16xf32>,
      %mul3A_233 = arith.constant 2 : i32
      %mul3A_234 = arith.muli %mul3A_233, %scan3A_106 : i32
      %get3A_235 = arith.index_cast %mul3A_234 : i32 to index
      %get3A_236 = arith.constant 128 : index
      %get3A_237 = tpu.vector_load %arg6[%get3A_235, %get3A_236] {strides = array<i32>} : memref<32x768xf32, #tpu.memory_space<vmem>>, vector<16xf32>,
      %mul3A_238 = arith.constant 2 : i32
      %mul3A_239 = arith.muli %mul3A_238, %scan3A_106 : i32
      %add3A_240 = arith.constant 1 : i32
      %add3A_241 = arith.addi %mul3A_239, %add3A_240 : i32
      %get3A_242 = arith.index_cast %add3A_241 : i32 to index
      %get3A_243 = arith.constant 128 : index
      %get3A_244 = tpu.vector_load %arg6[%get3A_242, %get3A_243] {strides = array<i32>} : memref<32x768xf32, #tpu.memory_space<vmem>>, vector<16xf32>,
      %add3A_245 = arith.addf %get3A_237, %get3A_244 : vector<16xf32>
      %swap3A_246 = arith.index_cast %scan3A_106 : i32 to index
      %swap3A_247 = arith.constant 128 : index
      %swap3A_248 = tpu.vector_load %arg8[%swap3A_246, %swap3A_247] {strides = array<i32>} : memref<16x768xf32, #tpu.memory_space<vmem>>, vector<16xf32>,
      tpu.vector_store %arg8[%swap3A_246, %swap3A_247], %add3A_245 {strides = array<i32>} : memref<16x768xf32, #tpu.memory_space<vmem>>, vector<16xf32>,
      %mul3A_249 = arith.constant 2 : i32
      %mul3A_250 = arith.muli %mul3A_249, %scan3A_106 : i32
      %get3A_251 = arith.index_cast %mul3A_250 : i32 to index
      %get3A_252 = arith.constant 144 : index
      %get3A_253 = tpu.vector_load %arg6[%get3A_251, %get3A_252] {strides = array<i32>} : memref<32x768xf32, #tpu.memory_space<vmem>>, vector<16xf32>,
      %mul3A_254 = arith.constant 2 : i32
      %mul3A_255 = arith.muli %mul3A_254, %scan3A_106 : i32
      %add3A_256 = arith.constant 1 : i32
      %add3A_257 = arith.addi %mul3A_255, %add3A_256 : i32
      %get3A_258 = arith.index_cast %add3A_257 : i32 to index
      %get3A_259 = arith.constant 144 : index
      %get3A_260 = tpu.vector_load %arg6[%get3A_258, %get3A_259] {strides = array<i32>} : memref<32x768xf32, #tpu.memory_space<vmem>>, vector<16xf32>,
      %add3A_261 = arith.addf %get3A_253, %get3A_260 : vector<16xf32>
      %swap3A_262 = arith.index_cast %scan3A_106 : i32 to index
      %swap3A_263 = arith.constant 144 : index
      %swap3A_264 = tpu.vector_load %arg8[%swap3A_262, %swap3A_263] {strides = array<i32>} : memref<16x768xf32, #tpu.memory_space<vmem>>, vector<16xf32>,
      tpu.vector_store %arg8[%swap3A_262, %swap3A_263], %add3A_261 {strides = array<i32>} : memref<16x768xf32, #tpu.memory_space<vmem>>, vector<16xf32>,
      %mul3A_265 = arith.constant 2 : i32
      %mul3A_266 = arith.muli %mul3A_265, %scan3A_106 : i32
      %get3A_267 = arith.index_cast %mul3A_266 : i32 to index
      %get3A_268 = arith.constant 160 : index
      %get3A_269 = tpu.vector_load %arg6[%get3A_267, %get3A_268] {strides = array<i32>} : memref<32x768xf32, #tpu.memory_space<vmem>>, vector<16xf32>,
      %mul3A_270 = arith.constant 2 : i32
      %mul3A_271 = arith.muli %mul3A_270, %scan3A_106 : i32
      %add3A_272 = arith.constant 1 : i32
      %add3A_273 = arith.addi %mul3A_271, %add3A_272 : i32
      %get3A_274 = arith.index_cast %add3A_273 : i32 to index
      %get3A_275 = arith.constant 160 : index
      %get3A_276 = tpu.vector_load %arg6[%get3A_274, %get3A_275] {strides = array<i32>} : memref<32x768xf32, #tpu.memory_space<vmem>>, vector<16xf32>,
      %add3A_277 = arith.addf %get3A_269, %get3A_276 : vector<16xf32>
      %swap3A_278 = arith.index_cast %scan3A_106 : i32 to index
      %swap3A_279 = arith.constant 160 : index
      %swap3A_280 = tpu.vector_load %arg8[%swap3A_278, %swap3A_279] {strides = array<i32>} : memref<16x768xf32, #tpu.memory_space<vmem>>, vector<16xf32>,
      tpu.vector_store %arg8[%swap3A_278, %swap3A_279], %add3A_277 {strides = array<i32>} : memref<16x768xf32, #tpu.memory_space<vmem>>, vector<16xf32>,
      %mul3A_281 = arith.constant 2 : i32
      %mul3A_282 = arith.muli %mul3A_281, %scan3A_106 : i32
      %get3A_283 = arith.index_cast %mul3A_282 : i32 to index
      %get3A_284 = arith.constant 176 : index
      %get3A_285 = tpu.vector_load %arg6[%get3A_283, %get3A_284] {strides = array<i32>} : memref<32x768xf32, #tpu.memory_space<vmem>>, vector<16xf32>,
      %mul3A_286 = arith.constant 2 : i32
      %mul3A_287 = arith.muli %mul3A_286, %scan3A_106 : i32
      %add3A_288 = arith.constant 1 : i32
      %add3A_289 = arith.addi %mul3A_287, %add3A_288 : i32
      %get3A_290 = arith.index_cast %add3A_289 : i32 to index
      %get3A_291 = arith.constant 176 : index
      %get3A_292 = tpu.vector_load %arg6[%get3A_290, %get3A_291] {strides = array<i32>} : memref<32x768xf32, #tpu.memory_space<vmem>>, vector<16xf32>,
      %add3A_293 = arith.addf %get3A_285, %get3A_292 : vector<16xf32>
      %swap3A_294 = arith.index_cast %scan3A_106 : i32 to index
      %swap3A_295 = arith.constant 176 : index
      %swap3A_296 = tpu.vector_load %arg8[%swap3A_294, %swap3A_295] {strides = array<i32>} : memref<16x768xf32, #tpu.memory_space<vmem>>, vector<16xf32>,
      tpu.vector_store %arg8[%swap3A_294, %swap3A_295], %add3A_293 {strides = array<i32>} : memref<16x768xf32, #tpu.memory_space<vmem>>, vector<16xf32>,
      %mul3A_297 = arith.constant 2 : i32
      %mul3A_298 = arith.muli %mul3A_297, %scan3A_106 : i32
      %get3A_299 = arith.index_cast %mul3A_298 : i32 to index
      %get3A_300 = arith.constant 192 : index
      %get3A_301 = tpu.vector_load %arg6[%get3A_299, %get3A_300] {strides = array<i32>} : memref<32x768xf32, #tpu.memory_space<vmem>>, vector<16xf32>,
      %mul3A_302 = arith.constant 2 : i32
      %mul3A_303 = arith.muli %mul3A_302, %scan3A_106 : i32
      %add3A_304 = arith.constant 1 : i32
      %add3A_305 = arith.addi %mul3A_303, %add3A_304 : i32
      %get3A_306 = arith.index_cast %add3A_305 : i32 to index
      %get3A_307 = arith.constant 192 : index
      %get3A_308 = tpu.vector_load %arg6[%get3A_306, %get3A_307] {strides = array<i32>} : memref<32x768xf32, #tpu.memory_space<vmem>>, vector<16xf32>,
      %add3A_309 = arith.addf %get3A_301, %get3A_308 : vector<16xf32>
      %swap3A_310 = arith.index_cast %scan3A_106 : i32 to index
      %swap3A_311 = arith.constant 192 : index
      %swap3A_312 = tpu.vector_load %arg8[%swap3A_310, %swap3A_311] {strides = array<i32>} : memref<16x768xf32, #tpu.memory_space<vmem>>, vector<16xf32>,
      tpu.vector_store %arg8[%swap3A_310, %swap3A_311], %add3A_309 {strides = array<i32>} : memref<16x768xf32, #tpu.memory_space<vmem>>, vector<16xf32>,
      %mul3A_313 = arith.constant 2 : i32
      %mul3A_314 = arith.muli %mul3A_313, %scan3A_106 : i32
      %get3A_315 = arith.index_cast %mul3A_314 : i32 to index
      %get3A_316 = arith.constant 208 : index
      %get3A_317 = tpu.vector_load %arg6[%get3A_315, %get3A_316] {strides = array<i32>} : memref<32x768xf32, #tpu.memory_space<vmem>>, vector<16xf32>,
      %mul3A_318 = arith.constant 2 : i32
      %mul3A_319 = arith.muli %mul3A_318, %scan3A_106 : i32
      %add3A_320 = arith.constant 1 : i32
      %add3A_321 = arith.addi %mul3A_319, %add3A_320 : i32
      %get3A_322 = arith.index_cast %add3A_321 : i32 to index
      %get3A_323 = arith.constant 208 : index
      %get3A_324 = tpu.vector_load %arg6[%get3A_322, %get3A_323] {strides = array<i32>} : memref<32x768xf32, #tpu.memory_space<vmem>>, vector<16xf32>,
      %add3A_325 = arith.addf %get3A_317, %get3A_324 : vector<16xf32>
      %swap3A_326 = arith.index_cast %scan3A_106 : i32 to index
      %swap3A_327 = arith.constant 208 : index
      %swap3A_328 = tpu.vector_load %arg8[%swap3A_326, %swap3A_327] {strides = array<i32>} : memref<16x768xf32, #tpu.memory_space<vmem>>, vector<16xf32>,
      tpu.vector_store %arg8[%swap3A_326, %swap3A_327], %add3A_325 {strides = array<i32>} : memref<16x768xf32, #tpu.memory_space<vmem>>, vector<16xf32>,
      %mul3A_329 = arith.constant 2 : i32
      %mul3A_330 = arith.muli %mul3A_329, %scan3A_106 : i32
      %get3A_331 = arith.index_cast %mul3A_330 : i32 to index
      %get3A_332 = arith.constant 224 : index
      %get3A_333 = tpu.vector_load %arg6[%get3A_331, %get3A_332] {strides = array<i32>} : memref<32x768xf32, #tpu.memory_space<vmem>>, vector<16xf32>,
      %mul3A_334 = arith.constant 2 : i32
      %mul3A_335 = arith.muli %mul3A_334, %scan3A_106 : i32
      %add3A_336 = arith.constant 1 : i32
      %add3A_337 = arith.addi %mul3A_335, %add3A_336 : i32
      %get3A_338 = arith.index_cast %add3A_337 : i32 to index
      %get3A_339 = arith.constant 224 : index
      %get3A_340 = tpu.vector_load %arg6[%get3A_338, %get3A_339] {strides = array<i32>} : memref<32x768xf32, #tpu.memory_space<vmem>>, vector<16xf32>,
      %add3A_341 = arith.addf %get3A_333, %get3A_340 : vector<16xf32>
      %swap3A_342 = arith.index_cast %scan3A_106 : i32 to index
      %swap3A_343 = arith.constant 224 : index
      %swap3A_344 = tpu.vector_load %arg8[%swap3A_342, %swap3A_343] {strides = array<i32>} : memref<16x768xf32, #tpu.memory_space<vmem>>, vector<16xf32>,
      tpu.vector_store %arg8[%swap3A_342, %swap3A_343], %add3A_341 {strides = array<i32>} : memref<16x768xf32, #tpu.memory_space<vmem>>, vector<16xf32>,
      %mul3A_345 = arith.constant 2 : i32
      %mul3A_346 = arith.muli %mul3A_345, %scan3A_106 : i32
      %get3A_347 = arith.index_cast %mul3A_346 : i32 to index
      %get3A_348 = arith.constant 240 : index
      %get3A_349 = tpu.vector_load %arg6[%get3A_347, %get3A_348] {strides = array<i32>} : memref<32x768xf32, #tpu.memory_space<vmem>>, vector<16xf32>,
      %mul3A_350 = arith.constant 2 : i32
      %mul3A_351 = arith.muli %mul3A_350, %scan3A_106 : i32
      %add3A_352 = arith.constant 1 : i32
      %add3A_353 = arith.addi %mul3A_351, %add3A_352 : i32
      %get3A_354 = arith.index_cast %add3A_353 : i32 to index
      %get3A_355 = arith.constant 240 : index
      %get3A_356 = tpu.vector_load %arg6[%get3A_354, %get3A_355] {strides = array<i32>} : memref<32x768xf32, #tpu.memory_space<vmem>>, vector<16xf32>,
      %add3A_357 = arith.addf %get3A_349, %get3A_356 : vector<16xf32>
      %swap3A_358 = arith.index_cast %scan3A_106 : i32 to index
      %swap3A_359 = arith.constant 240 : index
      %swap3A_360 = tpu.vector_load %arg8[%swap3A_358, %swap3A_359] {strides = array<i32>} : memref<16x768xf32, #tpu.memory_space<vmem>>, vector<16xf32>,
      tpu.vector_store %arg8[%swap3A_358, %swap3A_359], %add3A_357 {strides = array<i32>} : memref<16x768xf32, #tpu.memory_space<vmem>>, vector<16xf32>,
      %mul3A_361 = arith.constant 2 : i32
      %mul3A_362 = arith.muli %mul3A_361, %scan3A_106 : i32
      %get3A_363 = arith.index_cast %mul3A_362 : i32 to index
      %get3A_364 = arith.constant 256 : index
      %get3A_365 = tpu.vector_load %arg6[%get3A_363, %get3A_364] {strides = array<i32>} : memref<32x768xf32, #tpu.memory_space<vmem>>, vector<16xf32>,
      %mul3A_366 = arith.constant 2 : i32
      %mul3A_367 = arith.muli %mul3A_366, %scan3A_106 : i32
      %add3A_368 = arith.constant 1 : i32
      %add3A_369 = arith.addi %mul3A_367, %add3A_368 : i32
      %get3A_370 = arith.index_cast %add3A_369 : i32 to index
      %get3A_371 = arith.constant 256 : index
      %get3A_372 = tpu.vector_load %arg6[%get3A_370, %get3A_371] {strides = array<i32>} : memref<32x768xf32, #tpu.memory_space<vmem>>, vector<16xf32>,
      %add3A_373 = arith.addf %get3A_365, %get3A_372 : vector<16xf32>
      %swap3A_374 = arith.index_cast %scan3A_106 : i32 to index
      %swap3A_375 = arith.constant 256 : index
      %swap3A_376 = tpu.vector_load %arg8[%swap3A_374, %swap3A_375] {strides = array<i32>} : memref<16x768xf32, #tpu.memory_space<vmem>>, vector<16xf32>,
      tpu.vector_store %arg8[%swap3A_374, %swap3A_375], %add3A_373 {strides = array<i32>} : memref<16x768xf32, #tpu.memory_space<vmem>>, vector<16xf32>,
      %mul3A_377 = arith.constant 2 : i32
      %mul3A_378 = arith.muli %mul3A_377, %scan3A_106 : i32
      %get3A_379 = arith.index_cast %mul3A_378 : i32 to index
      %get3A_380 = arith.constant 272 : index
      %get3A_381 = tpu.vector_load %arg6[%get3A_379, %get3A_380] {strides = array<i32>} : memref<32x768xf32, #tpu.memory_space<vmem>>, vector<16xf32>,
      %mul3A_382 = arith.constant 2 : i32
      %mul3A_383 = arith.muli %mul3A_382, %scan3A_106 : i32
      %add3A_384 = arith.constant 1 : i32
      %add3A_385 = arith.addi %mul3A_383, %add3A_384 : i32
      %get3A_386 = arith.index_cast %add3A_385 : i32 to index
      %get3A_387 = arith.constant 272 : index
      %get3A_388 = tpu.vector_load %arg6[%get3A_386, %get3A_387] {strides = array<i32>} : memref<32x768xf32, #tpu.memory_space<vmem>>, vector<16xf32>,
      %add3A_389 = arith.addf %get3A_381, %get3A_388 : vector<16xf32>
      %swap3A_390 = arith.index_cast %scan3A_106 : i32 to index
      %swap3A_391 = arith.constant 272 : index
      %swap3A_392 = tpu.vector_load %arg8[%swap3A_390, %swap3A_391] {strides = array<i32>} : memref<16x768xf32, #tpu.memory_space<vmem>>, vector<16xf32>,
      tpu.vector_store %arg8[%swap3A_390, %swap3A_391], %add3A_389 {strides = array<i32>} : memref<16x768xf32, #tpu.memory_space<vmem>>, vector<16xf32>,
      %mul3A_393 = arith.constant 2 : i32
      %mul3A_394 = arith.muli %mul3A_393, %scan3A_106 : i32
      %get3A_395 = arith.index_cast %mul3A_394 : i32 to index
      %get3A_396 = arith.constant 288 : index
      %get3A_397 = tpu.vector_load %arg6[%get3A_395, %get3A_396] {strides = array<i32>} : memref<32x768xf32, #tpu.memory_space<vmem>>, vector<16xf32>,
      %mul3A_398 = arith.constant 2 : i32
      %mul3A_399 = arith.muli %mul3A_398, %scan3A_106 : i32
      %add3A_400 = arith.constant 1 : i32
      %add3A_401 = arith.addi %mul3A_399, %add3A_400 : i32
      %get3A_402 = arith.index_cast %add3A_401 : i32 to index
      %get3A_403 = arith.constant 288 : index
      %get3A_404 = tpu.vector_load %arg6[%get3A_402, %get3A_403] {strides = array<i32>} : memref<32x768xf32, #tpu.memory_space<vmem>>, vector<16xf32>,
      %add3A_405 = arith.addf %get3A_397, %get3A_404 : vector<16xf32>
      %swap3A_406 = arith.index_cast %scan3A_106 : i32 to index
      %swap3A_407 = arith.constant 288 : index
      %swap3A_408 = tpu.vector_load %arg8[%swap3A_406, %swap3A_407] {strides = array<i32>} : memref<16x768xf32, #tpu.memory_space<vmem>>, vector<16xf32>,
      tpu.vector_store %arg8[%swap3A_406, %swap3A_407], %add3A_405 {strides = array<i32>} : memref<16x768xf32, #tpu.memory_space<vmem>>, vector<16xf32>,
      %mul3A_409 = arith.constant 2 : i32
      %mul3A_410 = arith.muli %mul3A_409, %scan3A_106 : i32
      %get3A_411 = arith.index_cast %mul3A_410 : i32 to index
      %get3A_412 = arith.constant 304 : index
      %get3A_413 = tpu.vector_load %arg6[%get3A_411, %get3A_412] {strides = array<i32>} : memref<32x768xf32, #tpu.memory_space<vmem>>, vector<16xf32>,
      %mul3A_414 = arith.constant 2 : i32
      %mul3A_415 = arith.muli %mul3A_414, %scan3A_106 : i32
      %add3A_416 = arith.constant 1 : i32
      %add3A_417 = arith.addi %mul3A_415, %add3A_416 : i32
      %get3A_418 = arith.index_cast %add3A_417 : i32 to index
      %get3A_419 = arith.constant 304 : index
      %get3A_420 = tpu.vector_load %arg6[%get3A_418, %get3A_419] {strides = array<i32>} : memref<32x768xf32, #tpu.memory_space<vmem>>, vector<16xf32>,
      %add3A_421 = arith.addf %get3A_413, %get3A_420 : vector<16xf32>
      %swap3A_422 = arith.index_cast %scan3A_106 : i32 to index
      %swap3A_423 = arith.constant 304 : index
      %swap3A_424 = tpu.vector_load %arg8[%swap3A_422, %swap3A_423] {strides = array<i32>} : memref<16x768xf32, #tpu.memory_space<vmem>>, vector<16xf32>,
      tpu.vector_store %arg8[%swap3A_422, %swap3A_423], %add3A_421 {strides = array<i32>} : memref<16x768xf32, #tpu.memory_space<vmem>>, vector<16xf32>,
      %mul3A_425 = arith.constant 2 : i32
      %mul3A_426 = arith.muli %mul3A_425, %scan3A_106 : i32
      %get3A_427 = arith.index_cast %mul3A_426 : i32 to index
      %get3A_428 = arith.constant 320 : index
      %get3A_429 = tpu.vector_load %arg6[%get3A_427, %get3A_428] {strides = array<i32>} : memref<32x768xf32, #tpu.memory_space<vmem>>, vector<16xf32>,
      %mul3A_430 = arith.constant 2 : i32
      %mul3A_431 = arith.muli %mul3A_430, %scan3A_106 : i32
      %add3A_432 = arith.constant 1 : i32
      %add3A_433 = arith.addi %mul3A_431, %add3A_432 : i32
      %get3A_434 = arith.index_cast %add3A_433 : i32 to index
      %get3A_435 = arith.constant 320 : index
      %get3A_436 = tpu.vector_load %arg6[%get3A_434, %get3A_435] {strides = array<i32>} : memref<32x768xf32, #tpu.memory_space<vmem>>, vector<16xf32>,
      %add3A_437 = arith.addf %get3A_429, %get3A_436 : vector<16xf32>
      %swap3A_438 = arith.index_cast %scan3A_106 : i32 to index
      %swap3A_439 = arith.constant 320 : index
      %swap3A_440 = tpu.vector_load %arg8[%swap3A_438, %swap3A_439] {strides = array<i32>} : memref<16x768xf32, #tpu.memory_space<vmem>>, vector<16xf32>,
      tpu.vector_store %arg8[%swap3A_438, %swap3A_439], %add3A_437 {strides = array<i32>} : memref<16x768xf32, #tpu.memory_space<vmem>>, vector<16xf32>,
      %mul3A_441 = arith.constant 2 : i32
      %mul3A_442 = arith.muli %mul3A_441, %scan3A_106 : i32
      %get3A_443 = arith.index_cast %mul3A_442 : i32 to index
      %get3A_444 = arith.constant 336 : index
      %get3A_445 = tpu.vector_load %arg6[%get3A_443, %get3A_444] {strides = array<i32>} : memref<32x768xf32, #tpu.memory_space<vmem>>, vector<16xf32>,
      %mul3A_446 = arith.constant 2 : i32
      %mul3A_447 = arith.muli %mul3A_446, %scan3A_106 : i32
      %add3A_448 = arith.constant 1 : i32
      %add3A_449 = arith.addi %mul3A_447, %add3A_448 : i32
      %get3A_450 = arith.index_cast %add3A_449 : i32 to index
      %get3A_451 = arith.constant 336 : index
      %get3A_452 = tpu.vector_load %arg6[%get3A_450, %get3A_451] {strides = array<i32>} : memref<32x768xf32, #tpu.memory_space<vmem>>, vector<16xf32>,
      %add3A_453 = arith.addf %get3A_445, %get3A_452 : vector<16xf32>
      %swap3A_454 = arith.index_cast %scan3A_106 : i32 to index
      %swap3A_455 = arith.constant 336 : index
      %swap3A_456 = tpu.vector_load %arg8[%swap3A_454, %swap3A_455] {strides = array<i32>} : memref<16x768xf32, #tpu.memory_space<vmem>>, vector<16xf32>,
      tpu.vector_store %arg8[%swap3A_454, %swap3A_455], %add3A_453 {strides = array<i32>} : memref<16x768xf32, #tpu.memory_space<vmem>>, vector<16xf32>,
      %mul3A_457 = arith.constant 2 : i32
      %mul3A_458 = arith.muli %mul3A_457, %scan3A_106 : i32
      %get3A_459 = arith.index_cast %mul3A_458 : i32 to index
      %get3A_460 = arith.constant 352 : index
      %get3A_461 = tpu.vector_load %arg6[%get3A_459, %get3A_460] {strides = array<i32>} : memref<32x768xf32, #tpu.memory_space<vmem>>, vector<16xf32>,
      %mul3A_462 = arith.constant 2 : i32
      %mul3A_463 = arith.muli %mul3A_462, %scan3A_106 : i32
      %add3A_464 = arith.constant 1 : i32
      %add3A_465 = arith.addi %mul3A_463, %add3A_464 : i32
      %get3A_466 = arith.index_cast %add3A_465 : i32 to index
      %get3A_467 = arith.constant 352 : index
      %get3A_468 = tpu.vector_load %arg6[%get3A_466, %get3A_467] {strides = array<i32>} : memref<32x768xf32, #tpu.memory_space<vmem>>, vector<16xf32>,
      %add3A_469 = arith.addf %get3A_461, %get3A_468 : vector<16xf32>
      %swap3A_470 = arith.index_cast %scan3A_106 : i32 to index
      %swap3A_471 = arith.constant 352 : index
      %swap3A_472 = tpu.vector_load %arg8[%swap3A_470, %swap3A_471] {strides = array<i32>} : memref<16x768xf32, #tpu.memory_space<vmem>>, vector<16xf32>,
      tpu.vector_store %arg8[%swap3A_470, %swap3A_471], %add3A_469 {strides = array<i32>} : memref<16x768xf32, #tpu.memory_space<vmem>>, vector<16xf32>,
      %mul3A_473 = arith.constant 2 : i32
      %mul3A_474 = arith.muli %mul3A_473, %scan3A_106 : i32
      %get3A_475 = arith.index_cast %mul3A_474 : i32 to index
      %get3A_476 = arith.constant 368 : index
      %get3A_477 = tpu.vector_load %arg6[%get3A_475, %get3A_476] {strides = array<i32>} : memref<32x768xf32, #tpu.memory_space<vmem>>, vector<16xf32>,
      %mul3A_478 = arith.constant 2 : i32
      %mul3A_479 = arith.muli %mul3A_478, %scan3A_106 : i32
      %add3A_480 = arith.constant 1 : i32
      %add3A_481 = arith.addi %mul3A_479, %add3A_480 : i32
      %get3A_482 = arith.index_cast %add3A_481 : i32 to index
      %get3A_483 = arith.constant 368 : index
      %get3A_484 = tpu.vector_load %arg6[%get3A_482, %get3A_483] {strides = array<i32>} : memref<32x768xf32, #tpu.memory_space<vmem>>, vector<16xf32>,
      %add3A_485 = arith.addf %get3A_477, %get3A_484 : vector<16xf32>
      %swap3A_486 = arith.index_cast %scan3A_106 : i32 to index
      %swap3A_487 = arith.constant 368 : index
      %swap3A_488 = tpu.vector_load %arg8[%swap3A_486, %swap3A_487] {strides = array<i32>} : memref<16x768xf32, #tpu.memory_space<vmem>>, vector<16xf32>,
      tpu.vector_store %arg8[%swap3A_486, %swap3A_487], %add3A_485 {strides = array<i32>} : memref<16x768xf32, #tpu.memory_space<vmem>>, vector<16xf32>,
      %mul3A_489 = arith.constant 2 : i32
      %mul3A_490 = arith.muli %mul3A_489, %scan3A_106 : i32
      %get3A_491 = arith.index_cast %mul3A_490 : i32 to index
      %get3A_492 = arith.constant 384 : index
      %get3A_493 = tpu.vector_load %arg6[%get3A_491, %get3A_492] {strides = array<i32>} : memref<32x768xf32, #tpu.memory_space<vmem>>, vector<16xf32>,
      %mul3A_494 = arith.constant 2 : i32
      %mul3A_495 = arith.muli %mul3A_494, %scan3A_106 : i32
      %add3A_496 = arith.constant 1 : i32
      %add3A_497 = arith.addi %mul3A_495, %add3A_496 : i32
      %get3A_498 = arith.index_cast %add3A_497 : i32 to index
      %get3A_499 = arith.constant 384 : index
      %get3A_500 = tpu.vector_load %arg6[%get3A_498, %get3A_499] {strides = array<i32>} : memref<32x768xf32, #tpu.memory_space<vmem>>, vector<16xf32>,
      %add3A_501 = arith.addf %get3A_493, %get3A_500 : vector<16xf32>
      %swap3A_502 = arith.index_cast %scan3A_106 : i32 to index
      %swap3A_503 = arith.constant 384 : index
      %swap3A_504 = tpu.vector_load %arg8[%swap3A_502, %swap3A_503] {strides = array<i32>} : memref<16x768xf32, #tpu.memory_space<vmem>>, vector<16xf32>,
      tpu.vector_store %arg8[%swap3A_502, %swap3A_503], %add3A_501 {strides = array<i32>} : memref<16x768xf32, #tpu.memory_space<vmem>>, vector<16xf32>,
      %mul3A_505 = arith.constant 2 : i32
      %mul3A_506 = arith.muli %mul3A_505, %scan3A_106 : i32
      %get3A_507 = arith.index_cast %mul3A_506 : i32 to index
      %get3A_508 = arith.constant 400 : index
      %get3A_509 = tpu.vector_load %arg6[%get3A_507, %get3A_508] {strides = array<i32>} : memref<32x768xf32, #tpu.memory_space<vmem>>, vector<16xf32>,
      %mul3A_510 = arith.constant 2 : i32
      %mul3A_511 = arith.muli %mul3A_510, %scan3A_106 : i32
      %add3A_512 = arith.constant 1 : i32
      %add3A_513 = arith.addi %mul3A_511, %add3A_512 : i32
      %get3A_514 = arith.index_cast %add3A_513 : i32 to index
      %get3A_515 = arith.constant 400 : index
      %get3A_516 = tpu.vector_load %arg6[%get3A_514, %get3A_515] {strides = array<i32>} : memref<32x768xf32, #tpu.memory_space<vmem>>, vector<16xf32>,
      %add3A_517 = arith.addf %get3A_509, %get3A_516 : vector<16xf32>
      %swap3A_518 = arith.index_cast %scan3A_106 : i32 to index
      %swap3A_519 = arith.constant 400 : index
      %swap3A_520 = tpu.vector_load %arg8[%swap3A_518, %swap3A_519] {strides = array<i32>} : memref<16x768xf32, #tpu.memory_space<vmem>>, vector<16xf32>,
      tpu.vector_store %arg8[%swap3A_518, %swap3A_519], %add3A_517 {strides = array<i32>} : memref<16x768xf32, #tpu.memory_space<vmem>>, vector<16xf32>,
      %mul3A_521 = arith.constant 2 : i32
      %mul3A_522 = arith.muli %mul3A_521, %scan3A_106 : i32
      %get3A_523 = arith.index_cast %mul3A_522 : i32 to index
      %get3A_524 = arith.constant 416 : index
      %get3A_525 = tpu.vector_load %arg6[%get3A_523, %get3A_524] {strides = array<i32>} : memref<32x768xf32, #tpu.memory_space<vmem>>, vector<16xf32>,
      %mul3A_526 = arith.constant 2 : i32
      %mul3A_527 = arith.muli %mul3A_526, %scan3A_106 : i32
      %add3A_528 = arith.constant 1 : i32
      %add3A_529 = arith.addi %mul3A_527, %add3A_528 : i32
      %get3A_530 = arith.index_cast %add3A_529 : i32 to index
      %get3A_531 = arith.constant 416 : index
      %get3A_532 = tpu.vector_load %arg6[%get3A_530, %get3A_531] {strides = array<i32>} : memref<32x768xf32, #tpu.memory_space<vmem>>, vector<16xf32>,
      %add3A_533 = arith.addf %get3A_525, %get3A_532 : vector<16xf32>
      %swap3A_534 = arith.index_cast %scan3A_106 : i32 to index
      %swap3A_535 = arith.constant 416 : index
      %swap3A_536 = tpu.vector_load %arg8[%swap3A_534, %swap3A_535] {strides = array<i32>} : memref<16x768xf32, #tpu.memory_space<vmem>>, vector<16xf32>,
      tpu.vector_store %arg8[%swap3A_534, %swap3A_535], %add3A_533 {strides = array<i32>} : memref<16x768xf32, #tpu.memory_space<vmem>>, vector<16xf32>,
      %mul3A_537 = arith.constant 2 : i32
      %mul3A_538 = arith.muli %mul3A_537, %scan3A_106 : i32
      %get3A_539 = arith.index_cast %mul3A_538 : i32 to index
      %get3A_540 = arith.constant 432 : index
      %get3A_541 = tpu.vector_load %arg6[%get3A_539, %get3A_540] {strides = array<i32>} : memref<32x768xf32, #tpu.memory_space<vmem>>, vector<16xf32>,
      %mul3A_542 = arith.constant 2 : i32
      %mul3A_543 = arith.muli %mul3A_542, %scan3A_106 : i32
      %add3A_544 = arith.constant 1 : i32
      %add3A_545 = arith.addi %mul3A_543, %add3A_544 : i32
      %get3A_546 = arith.index_cast %add3A_545 : i32 to index
      %get3A_547 = arith.constant 432 : index
      %get3A_548 = tpu.vector_load %arg6[%get3A_546, %get3A_547] {strides = array<i32>} : memref<32x768xf32, #tpu.memory_space<vmem>>, vector<16xf32>,
      %add3A_549 = arith.addf %get3A_541, %get3A_548 : vector<16xf32>
      %swap3A_550 = arith.index_cast %scan3A_106 : i32 to index
      %swap3A_551 = arith.constant 432 : index
      %swap3A_552 = tpu.vector_load %arg8[%swap3A_550, %swap3A_551] {strides = array<i32>} : memref<16x768xf32, #tpu.memory_space<vmem>>, vector<16xf32>,
      tpu.vector_store %arg8[%swap3A_550, %swap3A_551], %add3A_549 {strides = array<i32>} : memref<16x768xf32, #tpu.memory_space<vmem>>, vector<16xf32>,
      %mul3A_553 = arith.constant 2 : i32
      %mul3A_554 = arith.muli %mul3A_553, %scan3A_106 : i32
      %get3A_555 = arith.index_cast %mul3A_554 : i32 to index
      %get3A_556 = arith.constant 448 : index
      %get3A_557 = tpu.vector_load %arg6[%get3A_555, %get3A_556] {strides = array<i32>} : memref<32x768xf32, #tpu.memory_space<vmem>>, vector<16xf32>,
      %mul3A_558 = arith.constant 2 : i32
      %mul3A_559 = arith.muli %mul3A_558, %scan3A_106 : i32
      %add3A_560 = arith.constant 1 : i32
      %add3A_561 = arith.addi %mul3A_559, %add3A_560 : i32
      %get3A_562 = arith.index_cast %add3A_561 : i32 to index
      %get3A_563 = arith.constant 448 : index
      %get3A_564 = tpu.vector_load %arg6[%get3A_562, %get3A_563] {strides = array<i32>} : memref<32x768xf32, #tpu.memory_space<vmem>>, vector<16xf32>,
      %add3A_565 = arith.addf %get3A_557, %get3A_564 : vector<16xf32>
      %swap3A_566 = arith.index_cast %scan3A_106 : i32 to index
      %swap3A_567 = arith.constant 448 : index
      %swap3A_568 = tpu.vector_load %arg8[%swap3A_566, %swap3A_567] {strides = array<i32>} : memref<16x768xf32, #tpu.memory_space<vmem>>, vector<16xf32>,
      tpu.vector_store %arg8[%swap3A_566, %swap3A_567], %add3A_565 {strides = array<i32>} : memref<16x768xf32, #tpu.memory_space<vmem>>, vector<16xf32>,
      %mul3A_569 = arith.constant 2 : i32
      %mul3A_570 = arith.muli %mul3A_569, %scan3A_106 : i32
      %get3A_571 = arith.index_cast %mul3A_570 : i32 to index
      %get3A_572 = arith.constant 464 : index
      %get3A_573 = tpu.vector_load %arg6[%get3A_571, %get3A_572] {strides = array<i32>} : memref<32x768xf32, #tpu.memory_space<vmem>>, vector<16xf32>,
      %mul3A_574 = arith.constant 2 : i32
      %mul3A_575 = arith.muli %mul3A_574, %scan3A_106 : i32
      %add3A_576 = arith.constant 1 : i32
      %add3A_577 = arith.addi %mul3A_575, %add3A_576 : i32
      %get3A_578 = arith.index_cast %add3A_577 : i32 to index
      %get3A_579 = arith.constant 464 : index
      %get3A_580 = tpu.vector_load %arg6[%get3A_578, %get3A_579] {strides = array<i32>} : memref<32x768xf32, #tpu.memory_space<vmem>>, vector<16xf32>,
      %add3A_581 = arith.addf %get3A_573, %get3A_580 : vector<16xf32>
      %swap3A_582 = arith.index_cast %scan3A_106 : i32 to index
      %swap3A_583 = arith.constant 464 : index
      %swap3A_584 = tpu.vector_load %arg8[%swap3A_582, %swap3A_583] {strides = array<i32>} : memref<16x768xf32, #tpu.memory_space<vmem>>, vector<16xf32>,
      tpu.vector_store %arg8[%swap3A_582, %swap3A_583], %add3A_581 {strides = array<i32>} : memref<16x768xf32, #tpu.memory_space<vmem>>, vector<16xf32>,
      %mul3A_585 = arith.constant 2 : i32
      %mul3A_586 = arith.muli %mul3A_585, %scan3A_106 : i32
      %get3A_587 = arith.index_cast %mul3A_586 : i32 to index
      %get3A_588 = arith.constant 480 : index
      %get3A_589 = tpu.vector_load %arg6[%get3A_587, %get3A_588] {strides = array<i32>} : memref<32x768xf32, #tpu.memory_space<vmem>>, vector<16xf32>,
      %mul3A_590 = arith.constant 2 : i32
      %mul3A_591 = arith.muli %mul3A_590, %scan3A_106 : i32
      %add3A_592 = arith.constant 1 : i32
      %add3A_593 = arith.addi %mul3A_591, %add3A_592 : i32
      %get3A_594 = arith.index_cast %add3A_593 : i32 to index
      %get3A_595 = arith.constant 480 : index
      %get3A_596 = tpu.vector_load %arg6[%get3A_594, %get3A_595] {strides = array<i32>} : memref<32x768xf32, #tpu.memory_space<vmem>>, vector<16xf32>,
      %add3A_597 = arith.addf %get3A_589, %get3A_596 : vector<16xf32>
      %swap3A_598 = arith.index_cast %scan3A_106 : i32 to index
      %swap3A_599 = arith.constant 480 : index
      %swap3A_600 = tpu.vector_load %arg8[%swap3A_598, %swap3A_599] {strides = array<i32>} : memref<16x768xf32, #tpu.memory_space<vmem>>, vector<16xf32>,
      tpu.vector_store %arg8[%swap3A_598, %swap3A_599], %add3A_597 {strides = array<i32>} : memref<16x768xf32, #tpu.memory_space<vmem>>, vector<16xf32>,
      %mul3A_601 = arith.constant 2 : i32
      %mul3A_602 = arith.muli %mul3A_601, %scan3A_106 : i32
      %get3A_603 = arith.index_cast %mul3A_602 : i32 to index
      %get3A_604 = arith.constant 496 : index
      %get3A_605 = tpu.vector_load %arg6[%get3A_603, %get3A_604] {strides = array<i32>} : memref<32x768xf32, #tpu.memory_space<vmem>>, vector<16xf32>,
      %mul3A_606 = arith.constant 2 : i32
      %mul3A_607 = arith.muli %mul3A_606, %scan3A_106 : i32
      %add3A_608 = arith.constant 1 : i32
      %add3A_609 = arith.addi %mul3A_607, %add3A_608 : i32
      %get3A_610 = arith.index_cast %add3A_609 : i32 to index
      %get3A_611 = arith.constant 496 : index
      %get3A_612 = tpu.vector_load %arg6[%get3A_610, %get3A_611] {strides = array<i32>} : memref<32x768xf32, #tpu.memory_space<vmem>>, vector<16xf32>,
      %add3A_613 = arith.addf %get3A_605, %get3A_612 : vector<16xf32>
      %swap3A_614 = arith.index_cast %scan3A_106 : i32 to index
      %swap3A_615 = arith.constant 496 : index
      %swap3A_616 = tpu.vector_load %arg8[%swap3A_614, %swap3A_615] {strides = array<i32>} : memref<16x768xf32, #tpu.memory_space<vmem>>, vector<16xf32>,
      tpu.vector_store %arg8[%swap3A_614, %swap3A_615], %add3A_613 {strides = array<i32>} : memref<16x768xf32, #tpu.memory_space<vmem>>, vector<16xf32>,
      %mul3A_617 = arith.constant 2 : i32
      %mul3A_618 = arith.muli %mul3A_617, %scan3A_106 : i32
      %get3A_619 = arith.index_cast %mul3A_618 : i32 to index
      %get3A_620 = arith.constant 512 : index
      %get3A_621 = tpu.vector_load %arg6[%get3A_619, %get3A_620] {strides = array<i32>} : memref<32x768xf32, #tpu.memory_space<vmem>>, vector<16xf32>,
      %mul3A_622 = arith.constant 2 : i32
      %mul3A_623 = arith.muli %mul3A_622, %scan3A_106 : i32
      %add3A_624 = arith.constant 1 : i32
      %add3A_625 = arith.addi %mul3A_623, %add3A_624 : i32
      %get3A_626 = arith.index_cast %add3A_625 : i32 to index
      %get3A_627 = arith.constant 512 : index
      %get3A_628 = tpu.vector_load %arg6[%get3A_626, %get3A_627] {strides = array<i32>} : memref<32x768xf32, #tpu.memory_space<vmem>>, vector<16xf32>,
      %add3A_629 = arith.addf %get3A_621, %get3A_628 : vector<16xf32>
      %swap3A_630 = arith.index_cast %scan3A_106 : i32 to index
      %swap3A_631 = arith.constant 512 : index
      %swap3A_632 = tpu.vector_load %arg8[%swap3A_630, %swap3A_631] {strides = array<i32>} : memref<16x768xf32, #tpu.memory_space<vmem>>, vector<16xf32>,
      tpu.vector_store %arg8[%swap3A_630, %swap3A_631], %add3A_629 {strides = array<i32>} : memref<16x768xf32, #tpu.memory_space<vmem>>, vector<16xf32>,
      %mul3A_633 = arith.constant 2 : i32
      %mul3A_634 = arith.muli %mul3A_633, %scan3A_106 : i32
      %get3A_635 = arith.index_cast %mul3A_634 : i32 to index
      %get3A_636 = arith.constant 528 : index
      %get3A_637 = tpu.vector_load %arg6[%get3A_635, %get3A_636] {strides = array<i32>} : memref<32x768xf32, #tpu.memory_space<vmem>>, vector<16xf32>,
      %mul3A_638 = arith.constant 2 : i32
      %mul3A_639 = arith.muli %mul3A_638, %scan3A_106 : i32
      %add3A_640 = arith.constant 1 : i32
      %add3A_641 = arith.addi %mul3A_639, %add3A_640 : i32
      %get3A_642 = arith.index_cast %add3A_641 : i32 to index
      %get3A_643 = arith.constant 528 : index
      %get3A_644 = tpu.vector_load %arg6[%get3A_642, %get3A_643] {strides = array<i32>} : memref<32x768xf32, #tpu.memory_space<vmem>>, vector<16xf32>,
      %add3A_645 = arith.addf %get3A_637, %get3A_644 : vector<16xf32>
      %swap3A_646 = arith.index_cast %scan3A_106 : i32 to index
      %swap3A_647 = arith.constant 528 : index
      %swap3A_648 = tpu.vector_load %arg8[%swap3A_646, %swap3A_647] {strides = array<i32>} : memref<16x768xf32, #tpu.memory_space<vmem>>, vector<16xf32>,
      tpu.vector_store %arg8[%swap3A_646, %swap3A_647], %add3A_645 {strides = array<i32>} : memref<16x768xf32, #tpu.memory_space<vmem>>, vector<16xf32>,
      %mul3A_649 = arith.constant 2 : i32
      %mul3A_650 = arith.muli %mul3A_649, %scan3A_106 : i32
      %get3A_651 = arith.index_cast %mul3A_650 : i32 to index
      %get3A_652 = arith.constant 544 : index
      %get3A_653 = tpu.vector_load %arg6[%get3A_651, %get3A_652] {strides = array<i32>} : memref<32x768xf32, #tpu.memory_space<vmem>>, vector<16xf32>,
      %mul3A_654 = arith.constant 2 : i32
      %mul3A_655 = arith.muli %mul3A_654, %scan3A_106 : i32
      %add3A_656 = arith.constant 1 : i32
      %add3A_657 = arith.addi %mul3A_655, %add3A_656 : i32
      %get3A_658 = arith.index_cast %add3A_657 : i32 to index
      %get3A_659 = arith.constant 544 : index
      %get3A_660 = tpu.vector_load %arg6[%get3A_658, %get3A_659] {strides = array<i32>} : memref<32x768xf32, #tpu.memory_space<vmem>>, vector<16xf32>,
      %add3A_661 = arith.addf %get3A_653, %get3A_660 : vector<16xf32>
      %swap3A_662 = arith.index_cast %scan3A_106 : i32 to index
      %swap3A_663 = arith.constant 544 : index
      %swap3A_664 = tpu.vector_load %arg8[%swap3A_662, %swap3A_663] {strides = array<i32>} : memref<16x768xf32, #tpu.memory_space<vmem>>, vector<16xf32>,
      tpu.vector_store %arg8[%swap3A_662, %swap3A_663], %add3A_661 {strides = array<i32>} : memref<16x768xf32, #tpu.memory_space<vmem>>, vector<16xf32>,
      %mul3A_665 = arith.constant 2 : i32
      %mul3A_666 = arith.muli %mul3A_665, %scan3A_106 : i32
      %get3A_667 = arith.index_cast %mul3A_666 : i32 to index
      %get3A_668 = arith.constant 560 : index
      %get3A_669 = tpu.vector_load %arg6[%get3A_667, %get3A_668] {strides = array<i32>} : memref<32x768xf32, #tpu.memory_space<vmem>>, vector<16xf32>,
      %mul3A_670 = arith.constant 2 : i32
      %mul3A_671 = arith.muli %mul3A_670, %scan3A_106 : i32
      %add3A_672 = arith.constant 1 : i32
      %add3A_673 = arith.addi %mul3A_671, %add3A_672 : i32
      %get3A_674 = arith.index_cast %add3A_673 : i32 to index
      %get3A_675 = arith.constant 560 : index
      %get3A_676 = tpu.vector_load %arg6[%get3A_674, %get3A_675] {strides = array<i32>} : memref<32x768xf32, #tpu.memory_space<vmem>>, vector<16xf32>,
      %add3A_677 = arith.addf %get3A_669, %get3A_676 : vector<16xf32>
      %swap3A_678 = arith.index_cast %scan3A_106 : i32 to index
      %swap3A_679 = arith.constant 560 : index
      %swap3A_680 = tpu.vector_load %arg8[%swap3A_678, %swap3A_679] {strides = array<i32>} : memref<16x768xf32, #tpu.memory_space<vmem>>, vector<16xf32>,
      tpu.vector_store %arg8[%swap3A_678, %swap3A_679], %add3A_677 {strides = array<i32>} : memref<16x768xf32, #tpu.memory_space<vmem>>, vector<16xf32>,
      %mul3A_681 = arith.constant 2 : i32
      %mul3A_682 = arith.muli %mul3A_681, %scan3A_106 : i32
      %get3A_683 = arith.index_cast %mul3A_682 : i32 to index
      %get3A_684 = arith.constant 576 : index
      %get3A_685 = tpu.vector_load %arg6[%get3A_683, %get3A_684] {strides = array<i32>} : memref<32x768xf32, #tpu.memory_space<vmem>>, vector<16xf32>,
      %mul3A_686 = arith.constant 2 : i32
      %mul3A_687 = arith.muli %mul3A_686, %scan3A_106 : i32
      %add3A_688 = arith.constant 1 : i32
      %add3A_689 = arith.addi %mul3A_687, %add3A_688 : i32
      %get3A_690 = arith.index_cast %add3A_689 : i32 to index
      %get3A_691 = arith.constant 576 : index
      %get3A_692 = tpu.vector_load %arg6[%get3A_690, %get3A_691] {strides = array<i32>} : memref<32x768xf32, #tpu.memory_space<vmem>>, vector<16xf32>,
      %add3A_693 = arith.addf %get3A_685, %get3A_692 : vector<16xf32>
      %swap3A_694 = arith.index_cast %scan3A_106 : i32 to index
      %swap3A_695 = arith.constant 576 : index
      %swap3A_696 = tpu.vector_load %arg8[%swap3A_694, %swap3A_695] {strides = array<i32>} : memref<16x768xf32, #tpu.memory_space<vmem>>, vector<16xf32>,
      tpu.vector_store %arg8[%swap3A_694, %swap3A_695], %add3A_693 {strides = array<i32>} : memref<16x768xf32, #tpu.memory_space<vmem>>, vector<16xf32>,
      %mul3A_697 = arith.constant 2 : i32
      %mul3A_698 = arith.muli %mul3A_697, %scan3A_106 : i32
      %get3A_699 = arith.index_cast %mul3A_698 : i32 to index
      %get3A_700 = arith.constant 592 : index
      %get3A_701 = tpu.vector_load %arg6[%get3A_699, %get3A_700] {strides = array<i32>} : memref<32x768xf32, #tpu.memory_space<vmem>>, vector<16xf32>,
      %mul3A_702 = arith.constant 2 : i32
      %mul3A_703 = arith.muli %mul3A_702, %scan3A_106 : i32
      %add3A_704 = arith.constant 1 : i32
      %add3A_705 = arith.addi %mul3A_703, %add3A_704 : i32
      %get3A_706 = arith.index_cast %add3A_705 : i32 to index
      %get3A_707 = arith.constant 592 : index
      %get3A_708 = tpu.vector_load %arg6[%get3A_706, %get3A_707] {strides = array<i32>} : memref<32x768xf32, #tpu.memory_space<vmem>>, vector<16xf32>,
      %add3A_709 = arith.addf %get3A_701, %get3A_708 : vector<16xf32>
      %swap3A_710 = arith.index_cast %scan3A_106 : i32 to index
      %swap3A_711 = arith.constant 592 : index
      %swap3A_712 = tpu.vector_load %arg8[%swap3A_710, %swap3A_711] {strides = array<i32>} : memref<16x768xf32, #tpu.memory_space<vmem>>, vector<16xf32>,
      tpu.vector_store %arg8[%swap3A_710, %swap3A_711], %add3A_709 {strides = array<i32>} : memref<16x768xf32, #tpu.memory_space<vmem>>, vector<16xf32>,
      %mul3A_713 = arith.constant 2 : i32
      %mul3A_714 = arith.muli %mul3A_713, %scan3A_106 : i32
      %get3A_715 = arith.index_cast %mul3A_714 : i32 to index
      %get3A_716 = arith.constant 608 : index
      %get3A_717 = tpu.vector_load %arg6[%get3A_715, %get3A_716] {strides = array<i32>} : memref<32x768xf32, #tpu.memory_space<vmem>>, vector<16xf32>,
      %mul3A_718 = arith.constant 2 : i32
      %mul3A_719 = arith.muli %mul3A_718, %scan3A_106 : i32
      %add3A_720 = arith.constant 1 : i32
      %add3A_721 = arith.addi %mul3A_719, %add3A_720 : i32
      %get3A_722 = arith.index_cast %add3A_721 : i32 to index
      %get3A_723 = arith.constant 608 : index
      %get3A_724 = tpu.vector_load %arg6[%get3A_722, %get3A_723] {strides = array<i32>} : memref<32x768xf32, #tpu.memory_space<vmem>>, vector<16xf32>,
      %add3A_725 = arith.addf %get3A_717, %get3A_724 : vector<16xf32>
      %swap3A_726 = arith.index_cast %scan3A_106 : i32 to index
      %swap3A_727 = arith.constant 608 : index
      %swap3A_728 = tpu.vector_load %arg8[%swap3A_726, %swap3A_727] {strides = array<i32>} : memref<16x768xf32, #tpu.memory_space<vmem>>, vector<16xf32>,
      tpu.vector_store %arg8[%swap3A_726, %swap3A_727], %add3A_725 {strides = array<i32>} : memref<16x768xf32, #tpu.memory_space<vmem>>, vector<16xf32>,
      %mul3A_729 = arith.constant 2 : i32
      %mul3A_730 = arith.muli %mul3A_729, %scan3A_106 : i32
      %get3A_731 = arith.index_cast %mul3A_730 : i32 to index
      %get3A_732 = arith.constant 624 : index
      %get3A_733 = tpu.vector_load %arg6[%get3A_731, %get3A_732] {strides = array<i32>} : memref<32x768xf32, #tpu.memory_space<vmem>>, vector<16xf32>,
      %mul3A_734 = arith.constant 2 : i32
      %mul3A_735 = arith.muli %mul3A_734, %scan3A_106 : i32
      %add3A_736 = arith.constant 1 : i32
      %add3A_737 = arith.addi %mul3A_735, %add3A_736 : i32
      %get3A_738 = arith.index_cast %add3A_737 : i32 to index
      %get3A_739 = arith.constant 624 : index
      %get3A_740 = tpu.vector_load %arg6[%get3A_738, %get3A_739] {strides = array<i32>} : memref<32x768xf32, #tpu.memory_space<vmem>>, vector<16xf32>,
      %add3A_741 = arith.addf %get3A_733, %get3A_740 : vector<16xf32>
      %swap3A_742 = arith.index_cast %scan3A_106 : i32 to index
      %swap3A_743 = arith.constant 624 : index
      %swap3A_744 = tpu.vector_load %arg8[%swap3A_742, %swap3A_743] {strides = array<i32>} : memref<16x768xf32, #tpu.memory_space<vmem>>, vector<16xf32>,
      tpu.vector_store %arg8[%swap3A_742, %swap3A_743], %add3A_741 {strides = array<i32>} : memref<16x768xf32, #tpu.memory_space<vmem>>, vector<16xf32>,
      %mul3A_745 = arith.constant 2 : i32
      %mul3A_746 = arith.muli %mul3A_745, %scan3A_106 : i32
      %get3A_747 = arith.index_cast %mul3A_746 : i32 to index
      %get3A_748 = arith.constant 640 : index
      %get3A_749 = tpu.vector_load %arg6[%get3A_747, %get3A_748] {strides = array<i32>} : memref<32x768xf32, #tpu.memory_space<vmem>>, vector<16xf32>,
      %mul3A_750 = arith.constant 2 : i32
      %mul3A_751 = arith.muli %mul3A_750, %scan3A_106 : i32
      %add3A_752 = arith.constant 1 : i32
      %add3A_753 = arith.addi %mul3A_751, %add3A_752 : i32
      %get3A_754 = arith.index_cast %add3A_753 : i32 to index
      %get3A_755 = arith.constant 640 : index
      %get3A_756 = tpu.vector_load %arg6[%get3A_754, %get3A_755] {strides = array<i32>} : memref<32x768xf32, #tpu.memory_space<vmem>>, vector<16xf32>,
      %add3A_757 = arith.addf %get3A_749, %get3A_756 : vector<16xf32>
      %swap3A_758 = arith.index_cast %scan3A_106 : i32 to index
      %swap3A_759 = arith.constant 640 : index
      %swap3A_760 = tpu.vector_load %arg8[%swap3A_758, %swap3A_759] {strides = array<i32>} : memref<16x768xf32, #tpu.memory_space<vmem>>, vector<16xf32>,
      tpu.vector_store %arg8[%swap3A_758, %swap3A_759], %add3A_757 {strides = array<i32>} : memref<16x768xf32, #tpu.memory_space<vmem>>, vector<16xf32>,
      %mul3A_761 = arith.constant 2 : i32
      %mul3A_762 = arith.muli %mul3A_761, %scan3A_106 : i32
      %get3A_763 = arith.index_cast %mul3A_762 : i32 to index
      %get3A_764 = arith.constant 656 : index
      %get3A_765 = tpu.vector_load %arg6[%get3A_763, %get3A_764] {strides = array<i32>} : memref<32x768xf32, #tpu.memory_space<vmem>>, vector<16xf32>,
      %mul3A_766 = arith.constant 2 : i32
      %mul3A_767 = arith.muli %mul3A_766, %scan3A_106 : i32
      %add3A_768 = arith.constant 1 : i32
      %add3A_769 = arith.addi %mul3A_767, %add3A_768 : i32
      %get3A_770 = arith.index_cast %add3A_769 : i32 to index
      %get3A_771 = arith.constant 656 : index
      %get3A_772 = tpu.vector_load %arg6[%get3A_770, %get3A_771] {strides = array<i32>} : memref<32x768xf32, #tpu.memory_space<vmem>>, vector<16xf32>,
      %add3A_773 = arith.addf %get3A_765, %get3A_772 : vector<16xf32>
      %swap3A_774 = arith.index_cast %scan3A_106 : i32 to index
      %swap3A_775 = arith.constant 656 : index
      %swap3A_776 = tpu.vector_load %arg8[%swap3A_774, %swap3A_775] {strides = array<i32>} : memref<16x768xf32, #tpu.memory_space<vmem>>, vector<16xf32>,
      tpu.vector_store %arg8[%swap3A_774, %swap3A_775], %add3A_773 {strides = array<i32>} : memref<16x768xf32, #tpu.memory_space<vmem>>, vector<16xf32>,
      %mul3A_777 = arith.constant 2 : i32
      %mul3A_778 = arith.muli %mul3A_777, %scan3A_106 : i32
      %get3A_779 = arith.index_cast %mul3A_778 : i32 to index
      %get3A_780 = arith.constant 672 : index
      %get3A_781 = tpu.vector_load %arg6[%get3A_779, %get3A_780] {strides = array<i32>} : memref<32x768xf32, #tpu.memory_space<vmem>>, vector<16xf32>,
      %mul3A_782 = arith.constant 2 : i32
      %mul3A_783 = arith.muli %mul3A_782, %scan3A_106 : i32
      %add3A_784 = arith.constant 1 : i32
      %add3A_785 = arith.addi %mul3A_783, %add3A_784 : i32
      %get3A_786 = arith.index_cast %add3A_785 : i32 to index
      %get3A_787 = arith.constant 672 : index
      %get3A_788 = tpu.vector_load %arg6[%get3A_786, %get3A_787] {strides = array<i32>} : memref<32x768xf32, #tpu.memory_space<vmem>>, vector<16xf32>,
      %add3A_789 = arith.addf %get3A_781, %get3A_788 : vector<16xf32>
      %swap3A_790 = arith.index_cast %scan3A_106 : i32 to index
      %swap3A_791 = arith.constant 672 : index
      %swap3A_792 = tpu.vector_load %arg8[%swap3A_790, %swap3A_791] {strides = array<i32>} : memref<16x768xf32, #tpu.memory_space<vmem>>, vector<16xf32>,
      tpu.vector_store %arg8[%swap3A_790, %swap3A_791], %add3A_789 {strides = array<i32>} : memref<16x768xf32, #tpu.memory_space<vmem>>, vector<16xf32>,
      %mul3A_793 = arith.constant 2 : i32
      %mul3A_794 = arith.muli %mul3A_793, %scan3A_106 : i32
      %get3A_795 = arith.index_cast %mul3A_794 : i32 to index
      %get3A_796 = arith.constant 688 : index
      %get3A_797 = tpu.vector_load %arg6[%get3A_795, %get3A_796] {strides = array<i32>} : memref<32x768xf32, #tpu.memory_space<vmem>>, vector<16xf32>,
      %mul3A_798 = arith.constant 2 : i32
      %mul3A_799 = arith.muli %mul3A_798, %scan3A_106 : i32
      %add3A_800 = arith.constant 1 : i32
      %add3A_801 = arith.addi %mul3A_799, %add3A_800 : i32
      %get3A_802 = arith.index_cast %add3A_801 : i32 to index
      %get3A_803 = arith.constant 688 : index
      %get3A_804 = tpu.vector_load %arg6[%get3A_802, %get3A_803] {strides = array<i32>} : memref<32x768xf32, #tpu.memory_space<vmem>>, vector<16xf32>,
      %add3A_805 = arith.addf %get3A_797, %get3A_804 : vector<16xf32>
      %swap3A_806 = arith.index_cast %scan3A_106 : i32 to index
      %swap3A_807 = arith.constant 688 : index
      %swap3A_808 = tpu.vector_load %arg8[%swap3A_806, %swap3A_807] {strides = array<i32>} : memref<16x768xf32, #tpu.memory_space<vmem>>, vector<16xf32>,
      tpu.vector_store %arg8[%swap3A_806, %swap3A_807], %add3A_805 {strides = array<i32>} : memref<16x768xf32, #tpu.memory_space<vmem>>, vector<16xf32>,
      %mul3A_809 = arith.constant 2 : i32
      %mul3A_810 = arith.muli %mul3A_809, %scan3A_106 : i32
      %get3A_811 = arith.index_cast %mul3A_810 : i32 to index
      %get3A_812 = arith.constant 704 : index
      %get3A_813 = tpu.vector_load %arg6[%get3A_811, %get3A_812] {strides = array<i32>} : memref<32x768xf32, #tpu.memory_space<vmem>>, vector<16xf32>,
      %mul3A_814 = arith.constant 2 : i32
      %mul3A_815 = arith.muli %mul3A_814, %scan3A_106 : i32
      %add3A_816 = arith.constant 1 : i32
      %add3A_817 = arith.addi %mul3A_815, %add3A_816 : i32
      %get3A_818 = arith.index_cast %add3A_817 : i32 to index
      %get3A_819 = arith.constant 704 : index
      %get3A_820 = tpu.vector_load %arg6[%get3A_818, %get3A_819] {strides = array<i32>} : memref<32x768xf32, #tpu.memory_space<vmem>>, vector<16xf32>,
      %add3A_821 = arith.addf %get3A_813, %get3A_820 : vector<16xf32>
      %swap3A_822 = arith.index_cast %scan3A_106 : i32 to index
      %swap3A_823 = arith.constant 704 : index
      %swap3A_824 = tpu.vector_load %arg8[%swap3A_822, %swap3A_823] {strides = array<i32>} : memref<16x768xf32, #tpu.memory_space<vmem>>, vector<16xf32>,
      tpu.vector_store %arg8[%swap3A_822, %swap3A_823], %add3A_821 {strides = array<i32>} : memref<16x768xf32, #tpu.memory_space<vmem>>, vector<16xf32>,
      %mul3A_825 = arith.constant 2 : i32
      %mul3A_826 = arith.muli %mul3A_825, %scan3A_106 : i32
      %get3A_827 = arith.index_cast %mul3A_826 : i32 to index
      %get3A_828 = arith.constant 720 : index
      %get3A_829 = tpu.vector_load %arg6[%get3A_827, %get3A_828] {strides = array<i32>} : memref<32x768xf32, #tpu.memory_space<vmem>>, vector<16xf32>,
      %mul3A_830 = arith.constant 2 : i32
      %mul3A_831 = arith.muli %mul3A_830, %scan3A_106 : i32
      %add3A_832 = arith.constant 1 : i32
      %add3A_833 = arith.addi %mul3A_831, %add3A_832 : i32
      %get3A_834 = arith.index_cast %add3A_833 : i32 to index
      %get3A_835 = arith.constant 720 : index
      %get3A_836 = tpu.vector_load %arg6[%get3A_834, %get3A_835] {strides = array<i32>} : memref<32x768xf32, #tpu.memory_space<vmem>>, vector<16xf32>,
      %add3A_837 = arith.addf %get3A_829, %get3A_836 : vector<16xf32>
      %swap3A_838 = arith.index_cast %scan3A_106 : i32 to index
      %swap3A_839 = arith.constant 720 : index
      %swap3A_840 = tpu.vector_load %arg8[%swap3A_838, %swap3A_839] {strides = array<i32>} : memref<16x768xf32, #tpu.memory_space<vmem>>, vector<16xf32>,
      tpu.vector_store %arg8[%swap3A_838, %swap3A_839], %add3A_837 {strides = array<i32>} : memref<16x768xf32, #tpu.memory_space<vmem>>, vector<16xf32>,
      %mul3A_841 = arith.constant 2 : i32
      %mul3A_842 = arith.muli %mul3A_841, %scan3A_106 : i32
      %get3A_843 = arith.index_cast %mul3A_842 : i32 to index
      %get3A_844 = arith.constant 736 : index
      %get3A_845 = tpu.vector_load %arg6[%get3A_843, %get3A_844] {strides = array<i32>} : memref<32x768xf32, #tpu.memory_space<vmem>>, vector<16xf32>,
      %mul3A_846 = arith.constant 2 : i32
      %mul3A_847 = arith.muli %mul3A_846, %scan3A_106 : i32
      %add3A_848 = arith.constant 1 : i32
      %add3A_849 = arith.addi %mul3A_847, %add3A_848 : i32
      %get3A_850 = arith.index_cast %add3A_849 : i32 to index
      %get3A_851 = arith.constant 736 : index
      %get3A_852 = tpu.vector_load %arg6[%get3A_850, %get3A_851] {strides = array<i32>} : memref<32x768xf32, #tpu.memory_space<vmem>>, vector<16xf32>,
      %add3A_853 = arith.addf %get3A_845, %get3A_852 : vector<16xf32>
      %swap3A_854 = arith.index_cast %scan3A_106 : i32 to index
      %swap3A_855 = arith.constant 736 : index
      %swap3A_856 = tpu.vector_load %arg8[%swap3A_854, %swap3A_855] {strides = array<i32>} : memref<16x768xf32, #tpu.memory_space<vmem>>, vector<16xf32>,
      tpu.vector_store %arg8[%swap3A_854, %swap3A_855], %add3A_853 {strides = array<i32>} : memref<16x768xf32, #tpu.memory_space<vmem>>, vector<16xf32>,
      %mul3A_857 = arith.constant 2 : i32
      %mul3A_858 = arith.muli %mul3A_857, %scan3A_106 : i32
      %get3A_859 = arith.index_cast %mul3A_858 : i32 to index
      %get3A_860 = arith.constant 752 : index
      %get3A_861 = tpu.vector_load %arg6[%get3A_859, %get3A_860] {strides = array<i32>} : memref<32x768xf32, #tpu.memory_space<vmem>>, vector<16xf32>,
      %mul3A_862 = arith.constant 2 : i32
      %mul3A_863 = arith.muli %mul3A_862, %scan3A_106 : i32
      %add3A_864 = arith.constant 1 : i32
      %add3A_865 = arith.addi %mul3A_863, %add3A_864 : i32
      %get3A_866 = arith.index_cast %add3A_865 : i32 to index
      %get3A_867 = arith.constant 752 : index
      %get3A_868 = tpu.vector_load %arg6[%get3A_866, %get3A_867] {strides = array<i32>} : memref<32x768xf32, #tpu.memory_space<vmem>>, vector<16xf32>,
      %add3A_869 = arith.addf %get3A_861, %get3A_868 : vector<16xf32>
      %swap3A_870 = arith.index_cast %scan3A_106 : i32 to index
      %swap3A_871 = arith.constant 752 : index
      %swap3A_872 = tpu.vector_load %arg8[%swap3A_870, %swap3A_871] {strides = array<i32>} : memref<16x768xf32, #tpu.memory_space<vmem>>, vector<16xf32>,
      tpu.vector_store %arg8[%swap3A_870, %swap3A_871], %add3A_869 {strides = array<i32>} : memref<16x768xf32, #tpu.memory_space<vmem>>, vector<16xf32>,
    }
    %scan3A_22 = arith.constant 16 : i32
    %dma_start3A_23 = arith.constant 64 : i32
    %dma_start3A_24 = tpu.memref_slice %arg5[%dma_start3A_23] : memref<128xi32, #tpu.memory_space<vmem>> -> memref<32xi32, #tpu.memory_space<vmem>>
    %dma_start3A_25 = arith.constant 0 : i32
    %dma_start3A_26 = arith.constant 0 : i32
    %dma_start3A_27 = tpu.memref_slice %arg2[%dma_start3A_25, %dma_start3A_26] : memref<6144x768xf32, #tpu.memory_space<hbm>> -> memref<6144x768xf32, #tpu.memory_space<hbm>>
    tpu.enqueue_indirect_dma source(%dma_start3A_27 : memref<6144x768xf32, #tpu.memory_space<hbm>>) target(%arg6 : memref<32x768xf32, #tpu.memory_space<vmem>>) offsets(%dma_start3A_24 : memref<32xi32, #tpu.memory_space<vmem>>) semaphore(%arg10 : memref<!tpu.dma_semaphore, #tpu.memory_space<semaphore_mem>>)
    %add3A_28 = arith.constant 0 : i32
    %add3A_29 = arith.addi %mul3A_2, %add3A_28 : i32
    %dma_start3A_30 = arith.constant 0 : i32
    %dma_start3A_31 = tpu.memref_slice %arg4[%add3A_29, %dma_start3A_30] : memref<2048x768xf32, #tpu.memory_space<hbm>> -> memref<16x768xf32, #tpu.memory_space<hbm>>
    %dma_start3A_32 = arith.constant 0 : i32
    %dma_start3A_33 = tpu.memref_slice %arg4[%add3A_29, %dma_start3A_32] : memref<2048x768xf32, #tpu.memory_space<hbm>> -> memref<16x768xf32, #tpu.memory_space<hbm>>
    tpu.enqueue_dma source(%arg8 : memref<16x768xf32, #tpu.memory_space<vmem>>) target(%dma_start3A_33 : memref<16x768xf32, #tpu.memory_space<hbm>>) target_semaphore(%arg12 : memref<!tpu.dma_semaphore, #tpu.memory_space<semaphore_mem>>)
    %dma_wait3A_34 = arith.constant 32 : i32
    %dma_wait3A_35 = tpu.memref_slice %arg5[%dma_wait3A_34] : memref<128xi32, #tpu.memory_space<vmem>> -> memref<32xi32, #tpu.memory_space<vmem>>
    %dma_wait3A_36 = arith.constant 0 : i32
    %dma_wait3A_37 = arith.constant 0 : i32
    %dma_wait3A_38 = tpu.memref_slice %arg2[%dma_wait3A_36, %dma_wait3A_37] : memref<6144x768xf32, #tpu.memory_space<hbm>> -> memref<6144x768xf32, #tpu.memory_space<hbm>>
    tpu.wait_indirect_dma semaphore(%arg11 : memref<!tpu.dma_semaphore, #tpu.memory_space<semaphore_mem>>) src(%dma_wait3A_38 : memref<6144x768xf32, #tpu.memory_space<hbm>>) dst(%arg7 : memref<32x768xf32, #tpu.memory_space<vmem>>)
    %scan3A_39 = arith.constant 0 : i32
    %scan3A_40 = arith.constant 0 : i32
    %scan3A_41 = arith.constant 16 : i32
    %scan3A_42 = arith.addi %scan3A_40, %scan3A_41 : i32
    %scan3A_43 = arith.constant 1 : i32
    scf.for %scan3A_106 = %scan3A_40 to %scan3A_42 step %scan3A_43  : i32 {
      %mul3A_107 = arith.constant 2 : i32
      %mul3A_108 = arith.muli %mul3A_107, %scan3A_106 : i32
      %get3A = arith.index_cast %mul3A_108 : i32 to index
      %get3A_109 = arith.constant 0 : index
      %get3A_110 = tpu.vector_load %arg7[%get3A, %get3A_109] {strides = array<i32>} : memref<32x768xf32, #tpu.memory_space<vmem>>, vector<16xf32>,
      %mul3A_111 = arith.constant 2 : i32
      %mul3A_112 = arith.muli %mul3A_111, %scan3A_106 : i32
      %add3A_113 = arith.constant 1 : i32
      %add3A_114 = arith.addi %mul3A_112, %add3A_113 : i32
      %get3A_115 = arith.index_cast %add3A_114 : i32 to index
      %get3A_116 = arith.constant 0 : index
      %get3A_117 = tpu.vector_load %arg7[%get3A_115, %get3A_116] {strides = array<i32>} : memref<32x768xf32, #tpu.memory_space<vmem>>, vector<16xf32>,
      %add3A_118 = arith.addf %get3A_110, %get3A_117 : vector<16xf32>
      %swap3A = arith.index_cast %scan3A_106 : i32 to index
      %swap3A_119 = arith.constant 0 : index
      %swap3A_120 = tpu.vector_load %arg9[%swap3A, %swap3A_119] {strides = array<i32>} : memref<16x768xf32, #tpu.memory_space<vmem>>, vector<16xf32>,
      tpu.vector_store %arg9[%swap3A, %swap3A_119], %add3A_118 {strides = array<i32>} : memref<16x768xf32, #tpu.memory_space<vmem>>, vector<16xf32>,
      %mul3A_121 = arith.constant 2 : i32
      %mul3A_122 = arith.muli %mul3A_121, %scan3A_106 : i32
      %get3A_123 = arith.index_cast %mul3A_122 : i32 to index
      %get3A_124 = arith.constant 16 : index
      %get3A_125 = tpu.vector_load %arg7[%get3A_123, %get3A_124] {strides = array<i32>} : memref<32x768xf32, #tpu.memory_space<vmem>>, vector<16xf32>,
      %mul3A_126 = arith.constant 2 : i32
      %mul3A_127 = arith.muli %mul3A_126, %scan3A_106 : i32
      %add3A_128 = arith.constant 1 : i32
      %add3A_129 = arith.addi %mul3A_127, %add3A_128 : i32
      %get3A_130 = arith.index_cast %add3A_129 : i32 to index
      %get3A_131 = arith.constant 16 : index
      %get3A_132 = tpu.vector_load %arg7[%get3A_130, %get3A_131] {strides = array<i32>} : memref<32x768xf32, #tpu.memory_space<vmem>>, vector<16xf32>,
      %add3A_133 = arith.addf %get3A_125, %get3A_132 : vector<16xf32>
      %swap3A_134 = arith.index_cast %scan3A_106 : i32 to index
      %swap3A_135 = arith.constant 16 : index
      %swap3A_136 = tpu.vector_load %arg9[%swap3A_134, %swap3A_135] {strides = array<i32>} : memref<16x768xf32, #tpu.memory_space<vmem>>, vector<16xf32>,
      tpu.vector_store %arg9[%swap3A_134, %swap3A_135], %add3A_133 {strides = array<i32>} : memref<16x768xf32, #tpu.memory_space<vmem>>, vector<16xf32>,
      %mul3A_137 = arith.constant 2 : i32
      %mul3A_138 = arith.muli %mul3A_137, %scan3A_106 : i32
      %get3A_139 = arith.index_cast %mul3A_138 : i32 to index
      %get3A_140 = arith.constant 32 : index
      %get3A_141 = tpu.vector_load %arg7[%get3A_139, %get3A_140] {strides = array<i32>} : memref<32x768xf32, #tpu.memory_space<vmem>>, vector<16xf32>,
      %mul3A_142 = arith.constant 2 : i32
      %mul3A_143 = arith.muli %mul3A_142, %scan3A_106 : i32
      %add3A_144 = arith.constant 1 : i32
      %add3A_145 = arith.addi %mul3A_143, %add3A_144 : i32
      %get3A_146 = arith.index_cast %add3A_145 : i32 to index
      %get3A_147 = arith.constant 32 : index
      %get3A_148 = tpu.vector_load %arg7[%get3A_146, %get3A_147] {strides = array<i32>} : memref<32x768xf32, #tpu.memory_space<vmem>>, vector<16xf32>,
      %add3A_149 = arith.addf %get3A_141, %get3A_148 : vector<16xf32>
      %swap3A_150 = arith.index_cast %scan3A_106 : i32 to index
      %swap3A_151 = arith.constant 32 : index
      %swap3A_152 = tpu.vector_load %arg9[%swap3A_150, %swap3A_151] {strides = array<i32>} : memref<16x768xf32, #tpu.memory_space<vmem>>, vector<16xf32>,
      tpu.vector_store %arg9[%swap3A_150, %swap3A_151], %add3A_149 {strides = array<i32>} : memref<16x768xf32, #tpu.memory_space<vmem>>, vector<16xf32>,
      %mul3A_153 = arith.constant 2 : i32
      %mul3A_154 = arith.muli %mul3A_153, %scan3A_106 : i32
      %get3A_155 = arith.index_cast %mul3A_154 : i32 to index
      %get3A_156 = arith.constant 48 : index
      %get3A_157 = tpu.vector_load %arg7[%get3A_155, %get3A_156] {strides = array<i32>} : memref<32x768xf32, #tpu.memory_space<vmem>>, vector<16xf32>,
      %mul3A_158 = arith.constant 2 : i32
      %mul3A_159 = arith.muli %mul3A_158, %scan3A_106 : i32
      %add3A_160 = arith.constant 1 : i32
      %add3A_161 = arith.addi %mul3A_159, %add3A_160 : i32
      %get3A_162 = arith.index_cast %add3A_161 : i32 to index
      %get3A_163 = arith.constant 48 : index
      %get3A_164 = tpu.vector_load %arg7[%get3A_162, %get3A_163] {strides = array<i32>} : memref<32x768xf32, #tpu.memory_space<vmem>>, vector<16xf32>,
      %add3A_165 = arith.addf %get3A_157, %get3A_164 : vector<16xf32>
      %swap3A_166 = arith.index_cast %scan3A_106 : i32 to index
      %swap3A_167 = arith.constant 48 : index
      %swap3A_168 = tpu.vector_load %arg9[%swap3A_166, %swap3A_167] {strides = array<i32>} : memref<16x768xf32, #tpu.memory_space<vmem>>, vector<16xf32>,
      tpu.vector_store %arg9[%swap3A_166, %swap3A_167], %add3A_165 {strides = array<i32>} : memref<16x768xf32, #tpu.memory_space<vmem>>, vector<16xf32>,
      %mul3A_169 = arith.constant 2 : i32
      %mul3A_170 = arith.muli %mul3A_169, %scan3A_106 : i32
      %get3A_171 = arith.index_cast %mul3A_170 : i32 to index
      %get3A_172 = arith.constant 64 : index
      %get3A_173 = tpu.vector_load %arg7[%get3A_171, %get3A_172] {strides = array<i32>} : memref<32x768xf32, #tpu.memory_space<vmem>>, vector<16xf32>,
      %mul3A_174 = arith.constant 2 : i32
      %mul3A_175 = arith.muli %mul3A_174, %scan3A_106 : i32
      %add3A_176 = arith.constant 1 : i32
      %add3A_177 = arith.addi %mul3A_175, %add3A_176 : i32
      %get3A_178 = arith.index_cast %add3A_177 : i32 to index
      %get3A_179 = arith.constant 64 : index
      %get3A_180 = tpu.vector_load %arg7[%get3A_178, %get3A_179] {strides = array<i32>} : memref<32x768xf32, #tpu.memory_space<vmem>>, vector<16xf32>,
      %add3A_181 = arith.addf %get3A_173, %get3A_180 : vector<16xf32>
      %swap3A_182 = arith.index_cast %scan3A_106 : i32 to index
      %swap3A_183 = arith.constant 64 : index
      %swap3A_184 = tpu.vector_load %arg9[%swap3A_182, %swap3A_183] {strides = array<i32>} : memref<16x768xf32, #tpu.memory_space<vmem>>, vector<16xf32>,
      tpu.vector_store %arg9[%swap3A_182, %swap3A_183], %add3A_181 {strides = array<i32>} : memref<16x768xf32, #tpu.memory_space<vmem>>, vector<16xf32>,
      %mul3A_185 = arith.constant 2 : i32
      %mul3A_186 = arith.muli %mul3A_185, %scan3A_106 : i32
      %get3A_187 = arith.index_cast %mul3A_186 : i32 to index
      %get3A_188 = arith.constant 80 : index
      %get3A_189 = tpu.vector_load %arg7[%get3A_187, %get3A_188] {strides = array<i32>} : memref<32x768xf32, #tpu.memory_space<vmem>>, vector<16xf32>,
      %mul3A_190 = arith.constant 2 : i32
      %mul3A_191 = arith.muli %mul3A_190, %scan3A_106 : i32
      %add3A_192 = arith.constant 1 : i32
      %add3A_193 = arith.addi %mul3A_191, %add3A_192 : i32
      %get3A_194 = arith.index_cast %add3A_193 : i32 to index
      %get3A_195 = arith.constant 80 : index
      %get3A_196 = tpu.vector_load %arg7[%get3A_194, %get3A_195] {strides = array<i32>} : memref<32x768xf32, #tpu.memory_space<vmem>>, vector<16xf32>,
      %add3A_197 = arith.addf %get3A_189, %get3A_196 : vector<16xf32>
      %swap3A_198 = arith.index_cast %scan3A_106 : i32 to index
      %swap3A_199 = arith.constant 80 : index
      %swap3A_200 = tpu.vector_load %arg9[%swap3A_198, %swap3A_199] {strides = array<i32>} : memref<16x768xf32, #tpu.memory_space<vmem>>, vector<16xf32>,
      tpu.vector_store %arg9[%swap3A_198, %swap3A_199], %add3A_197 {strides = array<i32>} : memref<16x768xf32, #tpu.memory_space<vmem>>, vector<16xf32>,
      %mul3A_201 = arith.constant 2 : i32
      %mul3A_202 = arith.muli %mul3A_201, %scan3A_106 : i32
      %get3A_203 = arith.index_cast %mul3A_202 : i32 to index
      %get3A_204 = arith.constant 96 : index
      %get3A_205 = tpu.vector_load %arg7[%get3A_203, %get3A_204] {strides = array<i32>} : memref<32x768xf32, #tpu.memory_space<vmem>>, vector<16xf32>,
      %mul3A_206 = arith.constant 2 : i32
      %mul3A_207 = arith.muli %mul3A_206, %scan3A_106 : i32
      %add3A_208 = arith.constant 1 : i32
      %add3A_209 = arith.addi %mul3A_207, %add3A_208 : i32
      %get3A_210 = arith.index_cast %add3A_209 : i32 to index
      %get3A_211 = arith.constant 96 : index
      %get3A_212 = tpu.vector_load %arg7[%get3A_210, %get3A_211] {strides = array<i32>} : memref<32x768xf32, #tpu.memory_space<vmem>>, vector<16xf32>,
      %add3A_213 = arith.addf %get3A_205, %get3A_212 : vector<16xf32>
      %swap3A_214 = arith.index_cast %scan3A_106 : i32 to index
      %swap3A_215 = arith.constant 96 : index
      %swap3A_216 = tpu.vector_load %arg9[%swap3A_214, %swap3A_215] {strides = array<i32>} : memref<16x768xf32, #tpu.memory_space<vmem>>, vector<16xf32>,
      tpu.vector_store %arg9[%swap3A_214, %swap3A_215], %add3A_213 {strides = array<i32>} : memref<16x768xf32, #tpu.memory_space<vmem>>, vector<16xf32>,
      %mul3A_217 = arith.constant 2 : i32
      %mul3A_218 = arith.muli %mul3A_217, %scan3A_106 : i32
      %get3A_219 = arith.index_cast %mul3A_218 : i32 to index
      %get3A_220 = arith.constant 112 : index
      %get3A_221 = tpu.vector_load %arg7[%get3A_219, %get3A_220] {strides = array<i32>} : memref<32x768xf32, #tpu.memory_space<vmem>>, vector<16xf32>,
      %mul3A_222 = arith.constant 2 : i32
      %mul3A_223 = arith.muli %mul3A_222, %scan3A_106 : i32
      %add3A_224 = arith.constant 1 : i32
      %add3A_225 = arith.addi %mul3A_223, %add3A_224 : i32
      %get3A_226 = arith.index_cast %add3A_225 : i32 to index
      %get3A_227 = arith.constant 112 : index
      %get3A_228 = tpu.vector_load %arg7[%get3A_226, %get3A_227] {strides = array<i32>} : memref<32x768xf32, #tpu.memory_space<vmem>>, vector<16xf32>,
      %add3A_229 = arith.addf %get3A_221, %get3A_228 : vector<16xf32>
      %swap3A_230 = arith.index_cast %scan3A_106 : i32 to index
      %swap3A_231 = arith.constant 112 : index
      %swap3A_232 = tpu.vector_load %arg9[%swap3A_230, %swap3A_231] {strides = array<i32>} : memref<16x768xf32, #tpu.memory_space<vmem>>, vector<16xf32>,
      tpu.vector_store %arg9[%swap3A_230, %swap3A_231], %add3A_229 {strides = array<i32>} : memref<16x768xf32, #tpu.memory_space<vmem>>, vector<16xf32>,
      %mul3A_233 = arith.constant 2 : i32
      %mul3A_234 = arith.muli %mul3A_233, %scan3A_106 : i32
      %get3A_235 = arith.index_cast %mul3A_234 : i32 to index
      %get3A_236 = arith.constant 128 : index
      %get3A_237 = tpu.vector_load %arg7[%get3A_235, %get3A_236] {strides = array<i32>} : memref<32x768xf32, #tpu.memory_space<vmem>>, vector<16xf32>,
      %mul3A_238 = arith.constant 2 : i32
      %mul3A_239 = arith.muli %mul3A_238, %scan3A_106 : i32
      %add3A_240 = arith.constant 1 : i32
      %add3A_241 = arith.addi %mul3A_239, %add3A_240 : i32
      %get3A_242 = arith.index_cast %add3A_241 : i32 to index
      %get3A_243 = arith.constant 128 : index
      %get3A_244 = tpu.vector_load %arg7[%get3A_242, %get3A_243] {strides = array<i32>} : memref<32x768xf32, #tpu.memory_space<vmem>>, vector<16xf32>,
      %add3A_245 = arith.addf %get3A_237, %get3A_244 : vector<16xf32>
      %swap3A_246 = arith.index_cast %scan3A_106 : i32 to index
      %swap3A_247 = arith.constant 128 : index
      %swap3A_248 = tpu.vector_load %arg9[%swap3A_246, %swap3A_247] {strides = array<i32>} : memref<16x768xf32, #tpu.memory_space<vmem>>, vector<16xf32>,
      tpu.vector_store %arg9[%swap3A_246, %swap3A_247], %add3A_245 {strides = array<i32>} : memref<16x768xf32, #tpu.memory_space<vmem>>, vector<16xf32>,
      %mul3A_249 = arith.constant 2 : i32
      %mul3A_250 = arith.muli %mul3A_249, %scan3A_106 : i32
      %get3A_251 = arith.index_cast %mul3A_250 : i32 to index
      %get3A_252 = arith.constant 144 : index
      %get3A_253 = tpu.vector_load %arg7[%get3A_251, %get3A_252] {strides = array<i32>} : memref<32x768xf32, #tpu.memory_space<vmem>>, vector<16xf32>,
      %mul3A_254 = arith.constant 2 : i32
      %mul3A_255 = arith.muli %mul3A_254, %scan3A_106 : i32
      %add3A_256 = arith.constant 1 : i32
      %add3A_257 = arith.addi %mul3A_255, %add3A_256 : i32
      %get3A_258 = arith.index_cast %add3A_257 : i32 to index
      %get3A_259 = arith.constant 144 : index
      %get3A_260 = tpu.vector_load %arg7[%get3A_258, %get3A_259] {strides = array<i32>} : memref<32x768xf32, #tpu.memory_space<vmem>>, vector<16xf32>,
      %add3A_261 = arith.addf %get3A_253, %get3A_260 : vector<16xf32>
      %swap3A_262 = arith.index_cast %scan3A_106 : i32 to index
      %swap3A_263 = arith.constant 144 : index
      %swap3A_264 = tpu.vector_load %arg9[%swap3A_262, %swap3A_263] {strides = array<i32>} : memref<16x768xf32, #tpu.memory_space<vmem>>, vector<16xf32>,
      tpu.vector_store %arg9[%swap3A_262, %swap3A_263], %add3A_261 {strides = array<i32>} : memref<16x768xf32, #tpu.memory_space<vmem>>, vector<16xf32>,
      %mul3A_265 = arith.constant 2 : i32
      %mul3A_266 = arith.muli %mul3A_265, %scan3A_106 : i32
      %get3A_267 = arith.index_cast %mul3A_266 : i32 to index
      %get3A_268 = arith.constant 160 : index
      %get3A_269 = tpu.vector_load %arg7[%get3A_267, %get3A_268] {strides = array<i32>} : memref<32x768xf32, #tpu.memory_space<vmem>>, vector<16xf32>,
      %mul3A_270 = arith.constant 2 : i32
      %mul3A_271 = arith.muli %mul3A_270, %scan3A_106 : i32
      %add3A_272 = arith.constant 1 : i32
      %add3A_273 = arith.addi %mul3A_271, %add3A_272 : i32
      %get3A_274 = arith.index_cast %add3A_273 : i32 to index
      %get3A_275 = arith.constant 160 : index
      %get3A_276 = tpu.vector_load %arg7[%get3A_274, %get3A_275] {strides = array<i32>} : memref<32x768xf32, #tpu.memory_space<vmem>>, vector<16xf32>,
      %add3A_277 = arith.addf %get3A_269, %get3A_276 : vector<16xf32>
      %swap3A_278 = arith.index_cast %scan3A_106 : i32 to index
      %swap3A_279 = arith.constant 160 : index
      %swap3A_280 = tpu.vector_load %arg9[%swap3A_278, %swap3A_279] {strides = array<i32>} : memref<16x768xf32, #tpu.memory_space<vmem>>, vector<16xf32>,
      tpu.vector_store %arg9[%swap3A_278, %swap3A_279], %add3A_277 {strides = array<i32>} : memref<16x768xf32, #tpu.memory_space<vmem>>, vector<16xf32>,
      %mul3A_281 = arith.constant 2 : i32
      %mul3A_282 = arith.muli %mul3A_281, %scan3A_106 : i32
      %get3A_283 = arith.index_cast %mul3A_282 : i32 to index
      %get3A_284 = arith.constant 176 : index
      %get3A_285 = tpu.vector_load %arg7[%get3A_283, %get3A_284] {strides = array<i32>} : memref<32x768xf32, #tpu.memory_space<vmem>>, vector<16xf32>,
      %mul3A_286 = arith.constant 2 : i32
      %mul3A_287 = arith.muli %mul3A_286, %scan3A_106 : i32
      %add3A_288 = arith.constant 1 : i32
      %add3A_289 = arith.addi %mul3A_287, %add3A_288 : i32
      %get3A_290 = arith.index_cast %add3A_289 : i32 to index
      %get3A_291 = arith.constant 176 : index
      %get3A_292 = tpu.vector_load %arg7[%get3A_290, %get3A_291] {strides = array<i32>} : memref<32x768xf32, #tpu.memory_space<vmem>>, vector<16xf32>,
      %add3A_293 = arith.addf %get3A_285, %get3A_292 : vector<16xf32>
      %swap3A_294 = arith.index_cast %scan3A_106 : i32 to index
      %swap3A_295 = arith.constant 176 : index
      %swap3A_296 = tpu.vector_load %arg9[%swap3A_294, %swap3A_295] {strides = array<i32>} : memref<16x768xf32, #tpu.memory_space<vmem>>, vector<16xf32>,
      tpu.vector_store %arg9[%swap3A_294, %swap3A_295], %add3A_293 {strides = array<i32>} : memref<16x768xf32, #tpu.memory_space<vmem>>, vector<16xf32>,
      %mul3A_297 = arith.constant 2 : i32
      %mul3A_298 = arith.muli %mul3A_297, %scan3A_106 : i32
      %get3A_299 = arith.index_cast %mul3A_298 : i32 to index
      %get3A_300 = arith.constant 192 : index
      %get3A_301 = tpu.vector_load %arg7[%get3A_299, %get3A_300] {strides = array<i32>} : memref<32x768xf32, #tpu.memory_space<vmem>>, vector<16xf32>,
      %mul3A_302 = arith.constant 2 : i32
      %mul3A_303 = arith.muli %mul3A_302, %scan3A_106 : i32
      %add3A_304 = arith.constant 1 : i32
      %add3A_305 = arith.addi %mul3A_303, %add3A_304 : i32
      %get3A_306 = arith.index_cast %add3A_305 : i32 to index
      %get3A_307 = arith.constant 192 : index
      %get3A_308 = tpu.vector_load %arg7[%get3A_306, %get3A_307] {strides = array<i32>} : memref<32x768xf32, #tpu.memory_space<vmem>>, vector<16xf32>,
      %add3A_309 = arith.addf %get3A_301, %get3A_308 : vector<16xf32>
      %swap3A_310 = arith.index_cast %scan3A_106 : i32 to index
      %swap3A_311 = arith.constant 192 : index
      %swap3A_312 = tpu.vector_load %arg9[%swap3A_310, %swap3A_311] {strides = array<i32>} : memref<16x768xf32, #tpu.memory_space<vmem>>, vector<16xf32>,
      tpu.vector_store %arg9[%swap3A_310, %swap3A_311], %add3A_309 {strides = array<i32>} : memref<16x768xf32, #tpu.memory_space<vmem>>, vector<16xf32>,
      %mul3A_313 = arith.constant 2 : i32
      %mul3A_314 = arith.muli %mul3A_313, %scan3A_106 : i32
      %get3A_315 = arith.index_cast %mul3A_314 : i32 to index
      %get3A_316 = arith.constant 208 : index
      %get3A_317 = tpu.vector_load %arg7[%get3A_315, %get3A_316] {strides = array<i32>} : memref<32x768xf32, #tpu.memory_space<vmem>>, vector<16xf32>,
      %mul3A_318 = arith.constant 2 : i32
      %mul3A_319 = arith.muli %mul3A_318, %scan3A_106 : i32
      %add3A_320 = arith.constant 1 : i32
      %add3A_321 = arith.addi %mul3A_319, %add3A_320 : i32
      %get3A_322 = arith.index_cast %add3A_321 : i32 to index
      %get3A_323 = arith.constant 208 : index
      %get3A_324 = tpu.vector_load %arg7[%get3A_322, %get3A_323] {strides = array<i32>} : memref<32x768xf32, #tpu.memory_space<vmem>>, vector<16xf32>,
      %add3A_325 = arith.addf %get3A_317, %get3A_324 : vector<16xf32>
      %swap3A_326 = arith.index_cast %scan3A_106 : i32 to index
      %swap3A_327 = arith.constant 208 : index
      %swap3A_328 = tpu.vector_load %arg9[%swap3A_326, %swap3A_327] {strides = array<i32>} : memref<16x768xf32, #tpu.memory_space<vmem>>, vector<16xf32>,
      tpu.vector_store %arg9[%swap3A_326, %swap3A_327], %add3A_325 {strides = array<i32>} : memref<16x768xf32, #tpu.memory_space<vmem>>, vector<16xf32>,
      %mul3A_329 = arith.constant 2 : i32
      %mul3A_330 = arith.muli %mul3A_329, %scan3A_106 : i32
      %get3A_331 = arith.index_cast %mul3A_330 : i32 to index
      %get3A_332 = arith.constant 224 : index
      %get3A_333 = tpu.vector_load %arg7[%get3A_331, %get3A_332] {strides = array<i32>} : memref<32x768xf32, #tpu.memory_space<vmem>>, vector<16xf32>,
      %mul3A_334 = arith.constant 2 : i32
      %mul3A_335 = arith.muli %mul3A_334, %scan3A_106 : i32
      %add3A_336 = arith.constant 1 : i32
      %add3A_337 = arith.addi %mul3A_335, %add3A_336 : i32
      %get3A_338 = arith.index_cast %add3A_337 : i32 to index
      %get3A_339 = arith.constant 224 : index
      %get3A_340 = tpu.vector_load %arg7[%get3A_338, %get3A_339] {strides = array<i32>} : memref<32x768xf32, #tpu.memory_space<vmem>>, vector<16xf32>,
      %add3A_341 = arith.addf %get3A_333, %get3A_340 : vector<16xf32>
      %swap3A_342 = arith.index_cast %scan3A_106 : i32 to index
      %swap3A_343 = arith.constant 224 : index
      %swap3A_344 = tpu.vector_load %arg9[%swap3A_342, %swap3A_343] {strides = array<i32>} : memref<16x768xf32, #tpu.memory_space<vmem>>, vector<16xf32>,
      tpu.vector_store %arg9[%swap3A_342, %swap3A_343], %add3A_341 {strides = array<i32>} : memref<16x768xf32, #tpu.memory_space<vmem>>, vector<16xf32>,
      %mul3A_345 = arith.constant 2 : i32
      %mul3A_346 = arith.muli %mul3A_345, %scan3A_106 : i32
      %get3A_347 = arith.index_cast %mul3A_346 : i32 to index
      %get3A_348 = arith.constant 240 : index
      %get3A_349 = tpu.vector_load %arg7[%get3A_347, %get3A_348] {strides = array<i32>} : memref<32x768xf32, #tpu.memory_space<vmem>>, vector<16xf32>,
      %mul3A_350 = arith.constant 2 : i32
      %mul3A_351 = arith.muli %mul3A_350, %scan3A_106 : i32
      %add3A_352 = arith.constant 1 : i32
      %add3A_353 = arith.addi %mul3A_351, %add3A_352 : i32
      %get3A_354 = arith.index_cast %add3A_353 : i32 to index
      %get3A_355 = arith.constant 240 : index
      %get3A_356 = tpu.vector_load %arg7[%get3A_354, %get3A_355] {strides = array<i32>} : memref<32x768xf32, #tpu.memory_space<vmem>>, vector<16xf32>,
      %add3A_357 = arith.addf %get3A_349, %get3A_356 : vector<16xf32>
      %swap3A_358 = arith.index_cast %scan3A_106 : i32 to index
      %swap3A_359 = arith.constant 240 : index
      %swap3A_360 = tpu.vector_load %arg9[%swap3A_358, %swap3A_359] {strides = array<i32>} : memref<16x768xf32, #tpu.memory_space<vmem>>, vector<16xf32>,
      tpu.vector_store %arg9[%swap3A_358, %swap3A_359], %add3A_357 {strides = array<i32>} : memref<16x768xf32, #tpu.memory_space<vmem>>, vector<16xf32>,
      %mul3A_361 = arith.constant 2 : i32
      %mul3A_362 = arith.muli %mul3A_361, %scan3A_106 : i32
      %get3A_363 = arith.index_cast %mul3A_362 : i32 to index
      %get3A_364 = arith.constant 256 : index
      %get3A_365 = tpu.vector_load %arg7[%get3A_363, %get3A_364] {strides = array<i32>} : memref<32x768xf32, #tpu.memory_space<vmem>>, vector<16xf32>,
      %mul3A_366 = arith.constant 2 : i32
      %mul3A_367 = arith.muli %mul3A_366, %scan3A_106 : i32
      %add3A_368 = arith.constant 1 : i32
      %add3A_369 = arith.addi %mul3A_367, %add3A_368 : i32
      %get3A_370 = arith.index_cast %add3A_369 : i32 to index
      %get3A_371 = arith.constant 256 : index
      %get3A_372 = tpu.vector_load %arg7[%get3A_370, %get3A_371] {strides = array<i32>} : memref<32x768xf32, #tpu.memory_space<vmem>>, vector<16xf32>,
      %add3A_373 = arith.addf %get3A_365, %get3A_372 : vector<16xf32>
      %swap3A_374 = arith.index_cast %scan3A_106 : i32 to index
      %swap3A_375 = arith.constant 256 : index
      %swap3A_376 = tpu.vector_load %arg9[%swap3A_374, %swap3A_375] {strides = array<i32>} : memref<16x768xf32, #tpu.memory_space<vmem>>, vector<16xf32>,
      tpu.vector_store %arg9[%swap3A_374, %swap3A_375], %add3A_373 {strides = array<i32>} : memref<16x768xf32, #tpu.memory_space<vmem>>, vector<16xf32>,
      %mul3A_377 = arith.constant 2 : i32
      %mul3A_378 = arith.muli %mul3A_377, %scan3A_106 : i32
      %get3A_379 = arith.index_cast %mul3A_378 : i32 to index
      %get3A_380 = arith.constant 272 : index
      %get3A_381 = tpu.vector_load %arg7[%get3A_379, %get3A_380] {strides = array<i32>} : memref<32x768xf32, #tpu.memory_space<vmem>>, vector<16xf32>,
      %mul3A_382 = arith.constant 2 : i32
      %mul3A_383 = arith.muli %mul3A_382, %scan3A_106 : i32
      %add3A_384 = arith.constant 1 : i32
      %add3A_385 = arith.addi %mul3A_383, %add3A_384 : i32
      %get3A_386 = arith.index_cast %add3A_385 : i32 to index
      %get3A_387 = arith.constant 272 : index
      %get3A_388 = tpu.vector_load %arg7[%get3A_386, %get3A_387] {strides = array<i32>} : memref<32x768xf32, #tpu.memory_space<vmem>>, vector<16xf32>,
      %add3A_389 = arith.addf %get3A_381, %get3A_388 : vector<16xf32>
      %swap3A_390 = arith.index_cast %scan3A_106 : i32 to index
      %swap3A_391 = arith.constant 272 : index
      %swap3A_392 = tpu.vector_load %arg9[%swap3A_390, %swap3A_391] {strides = array<i32>} : memref<16x768xf32, #tpu.memory_space<vmem>>, vector<16xf32>,
      tpu.vector_store %arg9[%swap3A_390, %swap3A_391], %add3A_389 {strides = array<i32>} : memref<16x768xf32, #tpu.memory_space<vmem>>, vector<16xf32>,
      %mul3A_393 = arith.constant 2 : i32
      %mul3A_394 = arith.muli %mul3A_393, %scan3A_106 : i32
      %get3A_395 = arith.index_cast %mul3A_394 : i32 to index
      %get3A_396 = arith.constant 288 : index
      %get3A_397 = tpu.vector_load %arg7[%get3A_395, %get3A_396] {strides = array<i32>} : memref<32x768xf32, #tpu.memory_space<vmem>>, vector<16xf32>,
      %mul3A_398 = arith.constant 2 : i32
      %mul3A_399 = arith.muli %mul3A_398, %scan3A_106 : i32
      %add3A_400 = arith.constant 1 : i32
      %add3A_401 = arith.addi %mul3A_399, %add3A_400 : i32
      %get3A_402 = arith.index_cast %add3A_401 : i32 to index
      %get3A_403 = arith.constant 288 : index
      %get3A_404 = tpu.vector_load %arg7[%get3A_402, %get3A_403] {strides = array<i32>} : memref<32x768xf32, #tpu.memory_space<vmem>>, vector<16xf32>,
      %add3A_405 = arith.addf %get3A_397, %get3A_404 : vector<16xf32>
      %swap3A_406 = arith.index_cast %scan3A_106 : i32 to index
      %swap3A_407 = arith.constant 288 : index
      %swap3A_408 = tpu.vector_load %arg9[%swap3A_406, %swap3A_407] {strides = array<i32>} : memref<16x768xf32, #tpu.memory_space<vmem>>, vector<16xf32>,
      tpu.vector_store %arg9[%swap3A_406, %swap3A_407], %add3A_405 {strides = array<i32>} : memref<16x768xf32, #tpu.memory_space<vmem>>, vector<16xf32>,
      %mul3A_409 = arith.constant 2 : i32
      %mul3A_410 = arith.muli %mul3A_409, %scan3A_106 : i32
      %get3A_411 = arith.index_cast %mul3A_410 : i32 to index
      %get3A_412 = arith.constant 304 : index
      %get3A_413 = tpu.vector_load %arg7[%get3A_411, %get3A_412] {strides = array<i32>} : memref<32x768xf32, #tpu.memory_space<vmem>>, vector<16xf32>,
      %mul3A_414 = arith.constant 2 : i32
      %mul3A_415 = arith.muli %mul3A_414, %scan3A_106 : i32
      %add3A_416 = arith.constant 1 : i32
      %add3A_417 = arith.addi %mul3A_415, %add3A_416 : i32
      %get3A_418 = arith.index_cast %add3A_417 : i32 to index
      %get3A_419 = arith.constant 304 : index
      %get3A_420 = tpu.vector_load %arg7[%get3A_418, %get3A_419] {strides = array<i32>} : memref<32x768xf32, #tpu.memory_space<vmem>>, vector<16xf32>,
      %add3A_421 = arith.addf %get3A_413, %get3A_420 : vector<16xf32>
      %swap3A_422 = arith.index_cast %scan3A_106 : i32 to index
      %swap3A_423 = arith.constant 304 : index
      %swap3A_424 = tpu.vector_load %arg9[%swap3A_422, %swap3A_423] {strides = array<i32>} : memref<16x768xf32, #tpu.memory_space<vmem>>, vector<16xf32>,
      tpu.vector_store %arg9[%swap3A_422, %swap3A_423], %add3A_421 {strides = array<i32>} : memref<16x768xf32, #tpu.memory_space<vmem>>, vector<16xf32>,
      %mul3A_425 = arith.constant 2 : i32
      %mul3A_426 = arith.muli %mul3A_425, %scan3A_106 : i32
      %get3A_427 = arith.index_cast %mul3A_426 : i32 to index
      %get3A_428 = arith.constant 320 : index
      %get3A_429 = tpu.vector_load %arg7[%get3A_427, %get3A_428] {strides = array<i32>} : memref<32x768xf32, #tpu.memory_space<vmem>>, vector<16xf32>,
      %mul3A_430 = arith.constant 2 : i32
      %mul3A_431 = arith.muli %mul3A_430, %scan3A_106 : i32
      %add3A_432 = arith.constant 1 : i32
      %add3A_433 = arith.addi %mul3A_431, %add3A_432 : i32
      %get3A_434 = arith.index_cast %add3A_433 : i32 to index
      %get3A_435 = arith.constant 320 : index
      %get3A_436 = tpu.vector_load %arg7[%get3A_434, %get3A_435] {strides = array<i32>} : memref<32x768xf32, #tpu.memory_space<vmem>>, vector<16xf32>,
      %add3A_437 = arith.addf %get3A_429, %get3A_436 : vector<16xf32>
      %swap3A_438 = arith.index_cast %scan3A_106 : i32 to index
      %swap3A_439 = arith.constant 320 : index
      %swap3A_440 = tpu.vector_load %arg9[%swap3A_438, %swap3A_439] {strides = array<i32>} : memref<16x768xf32, #tpu.memory_space<vmem>>, vector<16xf32>,
      tpu.vector_store %arg9[%swap3A_438, %swap3A_439], %add3A_437 {strides = array<i32>} : memref<16x768xf32, #tpu.memory_space<vmem>>, vector<16xf32>,
      %mul3A_441 = arith.constant 2 : i32
      %mul3A_442 = arith.muli %mul3A_441, %scan3A_106 : i32
      %get3A_443 = arith.index_cast %mul3A_442 : i32 to index
      %get3A_444 = arith.constant 336 : index
      %get3A_445 = tpu.vector_load %arg7[%get3A_443, %get3A_444] {strides = array<i32>} : memref<32x768xf32, #tpu.memory_space<vmem>>, vector<16xf32>,
      %mul3A_446 = arith.constant 2 : i32
      %mul3A_447 = arith.muli %mul3A_446, %scan3A_106 : i32
      %add3A_448 = arith.constant 1 : i32
      %add3A_449 = arith.addi %mul3A_447, %add3A_448 : i32
      %get3A_450 = arith.index_cast %add3A_449 : i32 to index
      %get3A_451 = arith.constant 336 : index
      %get3A_452 = tpu.vector_load %arg7[%get3A_450, %get3A_451] {strides = array<i32>} : memref<32x768xf32, #tpu.memory_space<vmem>>, vector<16xf32>,
      %add3A_453 = arith.addf %get3A_445, %get3A_452 : vector<16xf32>
      %swap3A_454 = arith.index_cast %scan3A_106 : i32 to index
      %swap3A_455 = arith.constant 336 : index
      %swap3A_456 = tpu.vector_load %arg9[%swap3A_454, %swap3A_455] {strides = array<i32>} : memref<16x768xf32, #tpu.memory_space<vmem>>, vector<16xf32>,
      tpu.vector_store %arg9[%swap3A_454, %swap3A_455], %add3A_453 {strides = array<i32>} : memref<16x768xf32, #tpu.memory_space<vmem>>, vector<16xf32>,
      %mul3A_457 = arith.constant 2 : i32
      %mul3A_458 = arith.muli %mul3A_457, %scan3A_106 : i32
      %get3A_459 = arith.index_cast %mul3A_458 : i32 to index
      %get3A_460 = arith.constant 352 : index
      %get3A_461 = tpu.vector_load %arg7[%get3A_459, %get3A_460] {strides = array<i32>} : memref<32x768xf32, #tpu.memory_space<vmem>>, vector<16xf32>,
      %mul3A_462 = arith.constant 2 : i32
      %mul3A_463 = arith.muli %mul3A_462, %scan3A_106 : i32
      %add3A_464 = arith.constant 1 : i32
      %add3A_465 = arith.addi %mul3A_463, %add3A_464 : i32
      %get3A_466 = arith.index_cast %add3A_465 : i32 to index
      %get3A_467 = arith.constant 352 : index
      %get3A_468 = tpu.vector_load %arg7[%get3A_466, %get3A_467] {strides = array<i32>} : memref<32x768xf32, #tpu.memory_space<vmem>>, vector<16xf32>,
      %add3A_469 = arith.addf %get3A_461, %get3A_468 : vector<16xf32>
      %swap3A_470 = arith.index_cast %scan3A_106 : i32 to index
      %swap3A_471 = arith.constant 352 : index
      %swap3A_472 = tpu.vector_load %arg9[%swap3A_470, %swap3A_471] {strides = array<i32>} : memref<16x768xf32, #tpu.memory_space<vmem>>, vector<16xf32>,
      tpu.vector_store %arg9[%swap3A_470, %swap3A_471], %add3A_469 {strides = array<i32>} : memref<16x768xf32, #tpu.memory_space<vmem>>, vector<16xf32>,
      %mul3A_473 = arith.constant 2 : i32
      %mul3A_474 = arith.muli %mul3A_473, %scan3A_106 : i32
      %get3A_475 = arith.index_cast %mul3A_474 : i32 to index
      %get3A_476 = arith.constant 368 : index
      %get3A_477 = tpu.vector_load %arg7[%get3A_475, %get3A_476] {strides = array<i32>} : memref<32x768xf32, #tpu.memory_space<vmem>>, vector<16xf32>,
      %mul3A_478 = arith.constant 2 : i32
      %mul3A_479 = arith.muli %mul3A_478, %scan3A_106 : i32
      %add3A_480 = arith.constant 1 : i32
      %add3A_481 = arith.addi %mul3A_479, %add3A_480 : i32
      %get3A_482 = arith.index_cast %add3A_481 : i32 to index
      %get3A_483 = arith.constant 368 : index
      %get3A_484 = tpu.vector_load %arg7[%get3A_482, %get3A_483] {strides = array<i32>} : memref<32x768xf32, #tpu.memory_space<vmem>>, vector<16xf32>,
      %add3A_485 = arith.addf %get3A_477, %get3A_484 : vector<16xf32>
      %swap3A_486 = arith.index_cast %scan3A_106 : i32 to index
      %swap3A_487 = arith.constant 368 : index
      %swap3A_488 = tpu.vector_load %arg9[%swap3A_486, %swap3A_487] {strides = array<i32>} : memref<16x768xf32, #tpu.memory_space<vmem>>, vector<16xf32>,
      tpu.vector_store %arg9[%swap3A_486, %swap3A_487], %add3A_485 {strides = array<i32>} : memref<16x768xf32, #tpu.memory_space<vmem>>, vector<16xf32>,
      %mul3A_489 = arith.constant 2 : i32
      %mul3A_490 = arith.muli %mul3A_489, %scan3A_106 : i32
      %get3A_491 = arith.index_cast %mul3A_490 : i32 to index
      %get3A_492 = arith.constant 384 : index
      %get3A_493 = tpu.vector_load %arg7[%get3A_491, %get3A_492] {strides = array<i32>} : memref<32x768xf32, #tpu.memory_space<vmem>>, vector<16xf32>,
      %mul3A_494 = arith.constant 2 : i32
      %mul3A_495 = arith.muli %mul3A_494, %scan3A_106 : i32
      %add3A_496 = arith.constant 1 : i32
      %add3A_497 = arith.addi %mul3A_495, %add3A_496 : i32
      %get3A_498 = arith.index_cast %add3A_497 : i32 to index
      %get3A_499 = arith.constant 384 : index
      %get3A_500 = tpu.vector_load %arg7[%get3A_498, %get3A_499] {strides = array<i32>} : memref<32x768xf32, #tpu.memory_space<vmem>>, vector<16xf32>,
      %add3A_501 = arith.addf %get3A_493, %get3A_500 : vector<16xf32>
      %swap3A_502 = arith.index_cast %scan3A_106 : i32 to index
      %swap3A_503 = arith.constant 384 : index
      %swap3A_504 = tpu.vector_load %arg9[%swap3A_502, %swap3A_503] {strides = array<i32>} : memref<16x768xf32, #tpu.memory_space<vmem>>, vector<16xf32>,
      tpu.vector_store %arg9[%swap3A_502, %swap3A_503], %add3A_501 {strides = array<i32>} : memref<16x768xf32, #tpu.memory_space<vmem>>, vector<16xf32>,
      %mul3A_505 = arith.constant 2 : i32
      %mul3A_506 = arith.muli %mul3A_505, %scan3A_106 : i32
      %get3A_507 = arith.index_cast %mul3A_506 : i32 to index
      %get3A_508 = arith.constant 400 : index
      %get3A_509 = tpu.vector_load %arg7[%get3A_507, %get3A_508] {strides = array<i32>} : memref<32x768xf32, #tpu.memory_space<vmem>>, vector<16xf32>,
      %mul3A_510 = arith.constant 2 : i32
      %mul3A_511 = arith.muli %mul3A_510, %scan3A_106 : i32
      %add3A_512 = arith.constant 1 : i32
      %add3A_513 = arith.addi %mul3A_511, %add3A_512 : i32
      %get3A_514 = arith.index_cast %add3A_513 : i32 to index
      %get3A_515 = arith.constant 400 : index
      %get3A_516 = tpu.vector_load %arg7[%get3A_514, %get3A_515] {strides = array<i32>} : memref<32x768xf32, #tpu.memory_space<vmem>>, vector<16xf32>,
      %add3A_517 = arith.addf %get3A_509, %get3A_516 : vector<16xf32>
      %swap3A_518 = arith.index_cast %scan3A_106 : i32 to index
      %swap3A_519 = arith.constant 400 : index
      %swap3A_520 = tpu.vector_load %arg9[%swap3A_518, %swap3A_519] {strides = array<i32>} : memref<16x768xf32, #tpu.memory_space<vmem>>, vector<16xf32>,
      tpu.vector_store %arg9[%swap3A_518, %swap3A_519], %add3A_517 {strides = array<i32>} : memref<16x768xf32, #tpu.memory_space<vmem>>, vector<16xf32>,
      %mul3A_521 = arith.constant 2 : i32
      %mul3A_522 = arith.muli %mul3A_521, %scan3A_106 : i32
      %get3A_523 = arith.index_cast %mul3A_522 : i32 to index
      %get3A_524 = arith.constant 416 : index
      %get3A_525 = tpu.vector_load %arg7[%get3A_523, %get3A_524] {strides = array<i32>} : memref<32x768xf32, #tpu.memory_space<vmem>>, vector<16xf32>,
      %mul3A_526 = arith.constant 2 : i32
      %mul3A_527 = arith.muli %mul3A_526, %scan3A_106 : i32
      %add3A_528 = arith.constant 1 : i32
      %add3A_529 = arith.addi %mul3A_527, %add3A_528 : i32
      %get3A_530 = arith.index_cast %add3A_529 : i32 to index
      %get3A_531 = arith.constant 416 : index
      %get3A_532 = tpu.vector_load %arg7[%get3A_530, %get3A_531] {strides = array<i32>} : memref<32x768xf32, #tpu.memory_space<vmem>>, vector<16xf32>,
      %add3A_533 = arith.addf %get3A_525, %get3A_532 : vector<16xf32>
      %swap3A_534 = arith.index_cast %scan3A_106 : i32 to index
      %swap3A_535 = arith.constant 416 : index
      %swap3A_536 = tpu.vector_load %arg9[%swap3A_534, %swap3A_535] {strides = array<i32>} : memref<16x768xf32, #tpu.memory_space<vmem>>, vector<16xf32>,
      tpu.vector_store %arg9[%swap3A_534, %swap3A_535], %add3A_533 {strides = array<i32>} : memref<16x768xf32, #tpu.memory_space<vmem>>, vector<16xf32>,
      %mul3A_537 = arith.constant 2 : i32
      %mul3A_538 = arith.muli %mul3A_537, %scan3A_106 : i32
      %get3A_539 = arith.index_cast %mul3A_538 : i32 to index
      %get3A_540 = arith.constant 432 : index
      %get3A_541 = tpu.vector_load %arg7[%get3A_539, %get3A_540] {strides = array<i32>} : memref<32x768xf32, #tpu.memory_space<vmem>>, vector<16xf32>,
      %mul3A_542 = arith.constant 2 : i32
      %mul3A_543 = arith.muli %mul3A_542, %scan3A_106 : i32
      %add3A_544 = arith.constant 1 : i32
      %add3A_545 = arith.addi %mul3A_543, %add3A_544 : i32
      %get3A_546 = arith.index_cast %add3A_545 : i32 to index
      %get3A_547 = arith.constant 432 : index
      %get3A_548 = tpu.vector_load %arg7[%get3A_546, %get3A_547] {strides = array<i32>} : memref<32x768xf32, #tpu.memory_space<vmem>>, vector<16xf32>,
      %add3A_549 = arith.addf %get3A_541, %get3A_548 : vector<16xf32>
      %swap3A_550 = arith.index_cast %scan3A_106 : i32 to index
      %swap3A_551 = arith.constant 432 : index
      %swap3A_552 = tpu.vector_load %arg9[%swap3A_550, %swap3A_551] {strides = array<i32>} : memref<16x768xf32, #tpu.memory_space<vmem>>, vector<16xf32>,
      tpu.vector_store %arg9[%swap3A_550, %swap3A_551], %add3A_549 {strides = array<i32>} : memref<16x768xf32, #tpu.memory_space<vmem>>, vector<16xf32>,
      %mul3A_553 = arith.constant 2 : i32
      %mul3A_554 = arith.muli %mul3A_553, %scan3A_106 : i32
      %get3A_555 = arith.index_cast %mul3A_554 : i32 to index
      %get3A_556 = arith.constant 448 : index
      %get3A_557 = tpu.vector_load %arg7[%get3A_555, %get3A_556] {strides = array<i32>} : memref<32x768xf32, #tpu.memory_space<vmem>>, vector<16xf32>,
      %mul3A_558 = arith.constant 2 : i32
      %mul3A_559 = arith.muli %mul3A_558, %scan3A_106 : i32
      %add3A_560 = arith.constant 1 : i32
      %add3A_561 = arith.addi %mul3A_559, %add3A_560 : i32
      %get3A_562 = arith.index_cast %add3A_561 : i32 to index
      %get3A_563 = arith.constant 448 : index
      %get3A_564 = tpu.vector_load %arg7[%get3A_562, %get3A_563] {strides = array<i32>} : memref<32x768xf32, #tpu.memory_space<vmem>>, vector<16xf32>,
      %add3A_565 = arith.addf %get3A_557, %get3A_564 : vector<16xf32>
      %swap3A_566 = arith.index_cast %scan3A_106 : i32 to index
      %swap3A_567 = arith.constant 448 : index
      %swap3A_568 = tpu.vector_load %arg9[%swap3A_566, %swap3A_567] {strides = array<i32>} : memref<16x768xf32, #tpu.memory_space<vmem>>, vector<16xf32>,
      tpu.vector_store %arg9[%swap3A_566, %swap3A_567], %add3A_565 {strides = array<i32>} : memref<16x768xf32, #tpu.memory_space<vmem>>, vector<16xf32>,
      %mul3A_569 = arith.constant 2 : i32
      %mul3A_570 = arith.muli %mul3A_569, %scan3A_106 : i32
      %get3A_571 = arith.index_cast %mul3A_570 : i32 to index
      %get3A_572 = arith.constant 464 : index
      %get3A_573 = tpu.vector_load %arg7[%get3A_571, %get3A_572] {strides = array<i32>} : memref<32x768xf32, #tpu.memory_space<vmem>>, vector<16xf32>,
      %mul3A_574 = arith.constant 2 : i32
      %mul3A_575 = arith.muli %mul3A_574, %scan3A_106 : i32
      %add3A_576 = arith.constant 1 : i32
      %add3A_577 = arith.addi %mul3A_575, %add3A_576 : i32
      %get3A_578 = arith.index_cast %add3A_577 : i32 to index
      %get3A_579 = arith.constant 464 : index
      %get3A_580 = tpu.vector_load %arg7[%get3A_578, %get3A_579] {strides = array<i32>} : memref<32x768xf32, #tpu.memory_space<vmem>>, vector<16xf32>,
      %add3A_581 = arith.addf %get3A_573, %get3A_580 : vector<16xf32>
      %swap3A_582 = arith.index_cast %scan3A_106 : i32 to index
      %swap3A_583 = arith.constant 464 : index
      %swap3A_584 = tpu.vector_load %arg9[%swap3A_582, %swap3A_583] {strides = array<i32>} : memref<16x768xf32, #tpu.memory_space<vmem>>, vector<16xf32>,
      tpu.vector_store %arg9[%swap3A_582, %swap3A_583], %add3A_581 {strides = array<i32>} : memref<16x768xf32, #tpu.memory_space<vmem>>, vector<16xf32>,
      %mul3A_585 = arith.constant 2 : i32
      %mul3A_586 = arith.muli %mul3A_585, %scan3A_106 : i32
      %get3A_587 = arith.index_cast %mul3A_586 : i32 to index
      %get3A_588 = arith.constant 480 : index
      %get3A_589 = tpu.vector_load %arg7[%get3A_587, %get3A_588] {strides = array<i32>} : memref<32x768xf32, #tpu.memory_space<vmem>>, vector<16xf32>,
      %mul3A_590 = arith.constant 2 : i32
      %mul3A_591 = arith.muli %mul3A_590, %scan3A_106 : i32
      %add3A_592 = arith.constant 1 : i32
      %add3A_593 = arith.addi %mul3A_591, %add3A_592 : i32
      %get3A_594 = arith.index_cast %add3A_593 : i32 to index
      %get3A_595 = arith.constant 480 : index
      %get3A_596 = tpu.vector_load %arg7[%get3A_594, %get3A_595] {strides = array<i32>} : memref<32x768xf32, #tpu.memory_space<vmem>>, vector<16xf32>,
      %add3A_597 = arith.addf %get3A_589, %get3A_596 : vector<16xf32>
      %swap3A_598 = arith.index_cast %scan3A_106 : i32 to index
      %swap3A_599 = arith.constant 480 : index
      %swap3A_600 = tpu.vector_load %arg9[%swap3A_598, %swap3A_599] {strides = array<i32>} : memref<16x768xf32, #tpu.memory_space<vmem>>, vector<16xf32>,
      tpu.vector_store %arg9[%swap3A_598, %swap3A_599], %add3A_597 {strides = array<i32>} : memref<16x768xf32, #tpu.memory_space<vmem>>, vector<16xf32>,
      %mul3A_601 = arith.constant 2 : i32
      %mul3A_602 = arith.muli %mul3A_601, %scan3A_106 : i32
      %get3A_603 = arith.index_cast %mul3A_602 : i32 to index
      %get3A_604 = arith.constant 496 : index
      %get3A_605 = tpu.vector_load %arg7[%get3A_603, %get3A_604] {strides = array<i32>} : memref<32x768xf32, #tpu.memory_space<vmem>>, vector<16xf32>,
      %mul3A_606 = arith.constant 2 : i32
      %mul3A_607 = arith.muli %mul3A_606, %scan3A_106 : i32
      %add3A_608 = arith.constant 1 : i32
      %add3A_609 = arith.addi %mul3A_607, %add3A_608 : i32
      %get3A_610 = arith.index_cast %add3A_609 : i32 to index
      %get3A_611 = arith.constant 496 : index
      %get3A_612 = tpu.vector_load %arg7[%get3A_610, %get3A_611] {strides = array<i32>} : memref<32x768xf32, #tpu.memory_space<vmem>>, vector<16xf32>,
      %add3A_613 = arith.addf %get3A_605, %get3A_612 : vector<16xf32>
      %swap3A_614 = arith.index_cast %scan3A_106 : i32 to index
      %swap3A_615 = arith.constant 496 : index
      %swap3A_616 = tpu.vector_load %arg9[%swap3A_614, %swap3A_615] {strides = array<i32>} : memref<16x768xf32, #tpu.memory_space<vmem>>, vector<16xf32>,
      tpu.vector_store %arg9[%swap3A_614, %swap3A_615], %add3A_613 {strides = array<i32>} : memref<16x768xf32, #tpu.memory_space<vmem>>, vector<16xf32>,
      %mul3A_617 = arith.constant 2 : i32
      %mul3A_618 = arith.muli %mul3A_617, %scan3A_106 : i32
      %get3A_619 = arith.index_cast %mul3A_618 : i32 to index
      %get3A_620 = arith.constant 512 : index
      %get3A_621 = tpu.vector_load %arg7[%get3A_619, %get3A_620] {strides = array<i32>} : memref<32x768xf32, #tpu.memory_space<vmem>>, vector<16xf32>,
      %mul3A_622 = arith.constant 2 : i32
      %mul3A_623 = arith.muli %mul3A_622, %scan3A_106 : i32
      %add3A_624 = arith.constant 1 : i32
      %add3A_625 = arith.addi %mul3A_623, %add3A_624 : i32
      %get3A_626 = arith.index_cast %add3A_625 : i32 to index
      %get3A_627 = arith.constant 512 : index
      %get3A_628 = tpu.vector_load %arg7[%get3A_626, %get3A_627] {strides = array<i32>} : memref<32x768xf32, #tpu.memory_space<vmem>>, vector<16xf32>,
      %add3A_629 = arith.addf %get3A_621, %get3A_628 : vector<16xf32>
      %swap3A_630 = arith.index_cast %scan3A_106 : i32 to index
      %swap3A_631 = arith.constant 512 : index
      %swap3A_632 = tpu.vector_load %arg9[%swap3A_630, %swap3A_631] {strides = array<i32>} : memref<16x768xf32, #tpu.memory_space<vmem>>, vector<16xf32>,
      tpu.vector_store %arg9[%swap3A_630, %swap3A_631], %add3A_629 {strides = array<i32>} : memref<16x768xf32, #tpu.memory_space<vmem>>, vector<16xf32>,
      %mul3A_633 = arith.constant 2 : i32
      %mul3A_634 = arith.muli %mul3A_633, %scan3A_106 : i32
      %get3A_635 = arith.index_cast %mul3A_634 : i32 to index
      %get3A_636 = arith.constant 528 : index
      %get3A_637 = tpu.vector_load %arg7[%get3A_635, %get3A_636] {strides = array<i32>} : memref<32x768xf32, #tpu.memory_space<vmem>>, vector<16xf32>,
      %mul3A_638 = arith.constant 2 : i32
      %mul3A_639 = arith.muli %mul3A_638, %scan3A_106 : i32
      %add3A_640 = arith.constant 1 : i32
      %add3A_641 = arith.addi %mul3A_639, %add3A_640 : i32
      %get3A_642 = arith.index_cast %add3A_641 : i32 to index
      %get3A_643 = arith.constant 528 : index
      %get3A_644 = tpu.vector_load %arg7[%get3A_642, %get3A_643] {strides = array<i32>} : memref<32x768xf32, #tpu.memory_space<vmem>>, vector<16xf32>,
      %add3A_645 = arith.addf %get3A_637, %get3A_644 : vector<16xf32>
      %swap3A_646 = arith.index_cast %scan3A_106 : i32 to index
      %swap3A_647 = arith.constant 528 : index
      %swap3A_648 = tpu.vector_load %arg9[%swap3A_646, %swap3A_647] {strides = array<i32>} : memref<16x768xf32, #tpu.memory_space<vmem>>, vector<16xf32>,
      tpu.vector_store %arg9[%swap3A_646, %swap3A_647], %add3A_645 {strides = array<i32>} : memref<16x768xf32, #tpu.memory_space<vmem>>, vector<16xf32>,
      %mul3A_649 = arith.constant 2 : i32
      %mul3A_650 = arith.muli %mul3A_649, %scan3A_106 : i32
      %get3A_651 = arith.index_cast %mul3A_650 : i32 to index
      %get3A_652 = arith.constant 544 : index
      %get3A_653 = tpu.vector_load %arg7[%get3A_651, %get3A_652] {strides = array<i32>} : memref<32x768xf32, #tpu.memory_space<vmem>>, vector<16xf32>,
      %mul3A_654 = arith.constant 2 : i32
      %mul3A_655 = arith.muli %mul3A_654, %scan3A_106 : i32
      %add3A_656 = arith.constant 1 : i32
      %add3A_657 = arith.addi %mul3A_655, %add3A_656 : i32
      %get3A_658 = arith.index_cast %add3A_657 : i32 to index
      %get3A_659 = arith.constant 544 : index
      %get3A_660 = tpu.vector_load %arg7[%get3A_658, %get3A_659] {strides = array<i32>} : memref<32x768xf32, #tpu.memory_space<vmem>>, vector<16xf32>,
      %add3A_661 = arith.addf %get3A_653, %get3A_660 : vector<16xf32>
      %swap3A_662 = arith.index_cast %scan3A_106 : i32 to index
      %swap3A_663 = arith.constant 544 : index
      %swap3A_664 = tpu.vector_load %arg9[%swap3A_662, %swap3A_663] {strides = array<i32>} : memref<16x768xf32, #tpu.memory_space<vmem>>, vector<16xf32>,
      tpu.vector_store %arg9[%swap3A_662, %swap3A_663], %add3A_661 {strides = array<i32>} : memref<16x768xf32, #tpu.memory_space<vmem>>, vector<16xf32>,
      %mul3A_665 = arith.constant 2 : i32
      %mul3A_666 = arith.muli %mul3A_665, %scan3A_106 : i32
      %get3A_667 = arith.index_cast %mul3A_666 : i32 to index
      %get3A_668 = arith.constant 560 : index
      %get3A_669 = tpu.vector_load %arg7[%get3A_667, %get3A_668] {strides = array<i32>} : memref<32x768xf32, #tpu.memory_space<vmem>>, vector<16xf32>,
      %mul3A_670 = arith.constant 2 : i32
      %mul3A_671 = arith.muli %mul3A_670, %scan3A_106 : i32
      %add3A_672 = arith.constant 1 : i32
      %add3A_673 = arith.addi %mul3A_671, %add3A_672 : i32
      %get3A_674 = arith.index_cast %add3A_673 : i32 to index
      %get3A_675 = arith.constant 560 : index
      %get3A_676 = tpu.vector_load %arg7[%get3A_674, %get3A_675] {strides = array<i32>} : memref<32x768xf32, #tpu.memory_space<vmem>>, vector<16xf32>,
      %add3A_677 = arith.addf %get3A_669, %get3A_676 : vector<16xf32>
      %swap3A_678 = arith.index_cast %scan3A_106 : i32 to index
      %swap3A_679 = arith.constant 560 : index
      %swap3A_680 = tpu.vector_load %arg9[%swap3A_678, %swap3A_679] {strides = array<i32>} : memref<16x768xf32, #tpu.memory_space<vmem>>, vector<16xf32>,
      tpu.vector_store %arg9[%swap3A_678, %swap3A_679], %add3A_677 {strides = array<i32>} : memref<16x768xf32, #tpu.memory_space<vmem>>, vector<16xf32>,
      %mul3A_681 = arith.constant 2 : i32
      %mul3A_682 = arith.muli %mul3A_681, %scan3A_106 : i32
      %get3A_683 = arith.index_cast %mul3A_682 : i32 to index
      %get3A_684 = arith.constant 576 : index
      %get3A_685 = tpu.vector_load %arg7[%get3A_683, %get3A_684] {strides = array<i32>} : memref<32x768xf32, #tpu.memory_space<vmem>>, vector<16xf32>,
      %mul3A_686 = arith.constant 2 : i32
      %mul3A_687 = arith.muli %mul3A_686, %scan3A_106 : i32
      %add3A_688 = arith.constant 1 : i32
      %add3A_689 = arith.addi %mul3A_687, %add3A_688 : i32
      %get3A_690 = arith.index_cast %add3A_689 : i32 to index
      %get3A_691 = arith.constant 576 : index
      %get3A_692 = tpu.vector_load %arg7[%get3A_690, %get3A_691] {strides = array<i32>} : memref<32x768xf32, #tpu.memory_space<vmem>>, vector<16xf32>,
      %add3A_693 = arith.addf %get3A_685, %get3A_692 : vector<16xf32>
      %swap3A_694 = arith.index_cast %scan3A_106 : i32 to index
      %swap3A_695 = arith.constant 576 : index
      %swap3A_696 = tpu.vector_load %arg9[%swap3A_694, %swap3A_695] {strides = array<i32>} : memref<16x768xf32, #tpu.memory_space<vmem>>, vector<16xf32>,
      tpu.vector_store %arg9[%swap3A_694, %swap3A_695], %add3A_693 {strides = array<i32>} : memref<16x768xf32, #tpu.memory_space<vmem>>, vector<16xf32>,
      %mul3A_697 = arith.constant 2 : i32
      %mul3A_698 = arith.muli %mul3A_697, %scan3A_106 : i32
      %get3A_699 = arith.index_cast %mul3A_698 : i32 to index
      %get3A_700 = arith.constant 592 : index
      %get3A_701 = tpu.vector_load %arg7[%get3A_699, %get3A_700] {strides = array<i32>} : memref<32x768xf32, #tpu.memory_space<vmem>>, vector<16xf32>,
      %mul3A_702 = arith.constant 2 : i32
      %mul3A_703 = arith.muli %mul3A_702, %scan3A_106 : i32
      %add3A_704 = arith.constant 1 : i32
      %add3A_705 = arith.addi %mul3A_703, %add3A_704 : i32
      %get3A_706 = arith.index_cast %add3A_705 : i32 to index
      %get3A_707 = arith.constant 592 : index
      %get3A_708 = tpu.vector_load %arg7[%get3A_706, %get3A_707] {strides = array<i32>} : memref<32x768xf32, #tpu.memory_space<vmem>>, vector<16xf32>,
      %add3A_709 = arith.addf %get3A_701, %get3A_708 : vector<16xf32>
      %swap3A_710 = arith.index_cast %scan3A_106 : i32 to index
      %swap3A_711 = arith.constant 592 : index
      %swap3A_712 = tpu.vector_load %arg9[%swap3A_710, %swap3A_711] {strides = array<i32>} : memref<16x768xf32, #tpu.memory_space<vmem>>, vector<16xf32>,
      tpu.vector_store %arg9[%swap3A_710, %swap3A_711], %add3A_709 {strides = array<i32>} : memref<16x768xf32, #tpu.memory_space<vmem>>, vector<16xf32>,
      %mul3A_713 = arith.constant 2 : i32
      %mul3A_714 = arith.muli %mul3A_713, %scan3A_106 : i32
      %get3A_715 = arith.index_cast %mul3A_714 : i32 to index
      %get3A_716 = arith.constant 608 : index
      %get3A_717 = tpu.vector_load %arg7[%get3A_715, %get3A_716] {strides = array<i32>} : memref<32x768xf32, #tpu.memory_space<vmem>>, vector<16xf32>,
      %mul3A_718 = arith.constant 2 : i32
      %mul3A_719 = arith.muli %mul3A_718, %scan3A_106 : i32
      %add3A_720 = arith.constant 1 : i32
      %add3A_721 = arith.addi %mul3A_719, %add3A_720 : i32
      %get3A_722 = arith.index_cast %add3A_721 : i32 to index
      %get3A_723 = arith.constant 608 : index
      %get3A_724 = tpu.vector_load %arg7[%get3A_722, %get3A_723] {strides = array<i32>} : memref<32x768xf32, #tpu.memory_space<vmem>>, vector<16xf32>,
      %add3A_725 = arith.addf %get3A_717, %get3A_724 : vector<16xf32>
      %swap3A_726 = arith.index_cast %scan3A_106 : i32 to index
      %swap3A_727 = arith.constant 608 : index
      %swap3A_728 = tpu.vector_load %arg9[%swap3A_726, %swap3A_727] {strides = array<i32>} : memref<16x768xf32, #tpu.memory_space<vmem>>, vector<16xf32>,
      tpu.vector_store %arg9[%swap3A_726, %swap3A_727], %add3A_725 {strides = array<i32>} : memref<16x768xf32, #tpu.memory_space<vmem>>, vector<16xf32>,
      %mul3A_729 = arith.constant 2 : i32
      %mul3A_730 = arith.muli %mul3A_729, %scan3A_106 : i32
      %get3A_731 = arith.index_cast %mul3A_730 : i32 to index
      %get3A_732 = arith.constant 624 : index
      %get3A_733 = tpu.vector_load %arg7[%get3A_731, %get3A_732] {strides = array<i32>} : memref<32x768xf32, #tpu.memory_space<vmem>>, vector<16xf32>,
      %mul3A_734 = arith.constant 2 : i32
      %mul3A_735 = arith.muli %mul3A_734, %scan3A_106 : i32
      %add3A_736 = arith.constant 1 : i32
      %add3A_737 = arith.addi %mul3A_735, %add3A_736 : i32
      %get3A_738 = arith.index_cast %add3A_737 : i32 to index
      %get3A_739 = arith.constant 624 : index
      %get3A_740 = tpu.vector_load %arg7[%get3A_738, %get3A_739] {strides = array<i32>} : memref<32x768xf32, #tpu.memory_space<vmem>>, vector<16xf32>,
      %add3A_741 = arith.addf %get3A_733, %get3A_740 : vector<16xf32>
      %swap3A_742 = arith.index_cast %scan3A_106 : i32 to index
      %swap3A_743 = arith.constant 624 : index
      %swap3A_744 = tpu.vector_load %arg9[%swap3A_742, %swap3A_743] {strides = array<i32>} : memref<16x768xf32, #tpu.memory_space<vmem>>, vector<16xf32>,
      tpu.vector_store %arg9[%swap3A_742, %swap3A_743], %add3A_741 {strides = array<i32>} : memref<16x768xf32, #tpu.memory_space<vmem>>, vector<16xf32>,
      %mul3A_745 = arith.constant 2 : i32
      %mul3A_746 = arith.muli %mul3A_745, %scan3A_106 : i32
      %get3A_747 = arith.index_cast %mul3A_746 : i32 to index
      %get3A_748 = arith.constant 640 : index
      %get3A_749 = tpu.vector_load %arg7[%get3A_747, %get3A_748] {strides = array<i32>} : memref<32x768xf32, #tpu.memory_space<vmem>>, vector<16xf32>,
      %mul3A_750 = arith.constant 2 : i32
      %mul3A_751 = arith.muli %mul3A_750, %scan3A_106 : i32
      %add3A_752 = arith.constant 1 : i32
      %add3A_753 = arith.addi %mul3A_751, %add3A_752 : i32
      %get3A_754 = arith.index_cast %add3A_753 : i32 to index
      %get3A_755 = arith.constant 640 : index
      %get3A_756 = tpu.vector_load %arg7[%get3A_754, %get3A_755] {strides = array<i32>} : memref<32x768xf32, #tpu.memory_space<vmem>>, vector<16xf32>,
      %add3A_757 = arith.addf %get3A_749, %get3A_756 : vector<16xf32>
      %swap3A_758 = arith.index_cast %scan3A_106 : i32 to index
      %swap3A_759 = arith.constant 640 : index
      %swap3A_760 = tpu.vector_load %arg9[%swap3A_758, %swap3A_759] {strides = array<i32>} : memref<16x768xf32, #tpu.memory_space<vmem>>, vector<16xf32>,
      tpu.vector_store %arg9[%swap3A_758, %swap3A_759], %add3A_757 {strides = array<i32>} : memref<16x768xf32, #tpu.memory_space<vmem>>, vector<16xf32>,
      %mul3A_761 = arith.constant 2 : i32
      %mul3A_762 = arith.muli %mul3A_761, %scan3A_106 : i32
      %get3A_763 = arith.index_cast %mul3A_762 : i32 to index
      %get3A_764 = arith.constant 656 : index
      %get3A_765 = tpu.vector_load %arg7[%get3A_763, %get3A_764] {strides = array<i32>} : memref<32x768xf32, #tpu.memory_space<vmem>>, vector<16xf32>,
      %mul3A_766 = arith.constant 2 : i32
      %mul3A_767 = arith.muli %mul3A_766, %scan3A_106 : i32
      %add3A_768 = arith.constant 1 : i32
      %add3A_769 = arith.addi %mul3A_767, %add3A_768 : i32
      %get3A_770 = arith.index_cast %add3A_769 : i32 to index
      %get3A_771 = arith.constant 656 : index
      %get3A_772 = tpu.vector_load %arg7[%get3A_770, %get3A_771] {strides = array<i32>} : memref<32x768xf32, #tpu.memory_space<vmem>>, vector<16xf32>,
      %add3A_773 = arith.addf %get3A_765, %get3A_772 : vector<16xf32>
      %swap3A_774 = arith.index_cast %scan3A_106 : i32 to index
      %swap3A_775 = arith.constant 656 : index
      %swap3A_776 = tpu.vector_load %arg9[%swap3A_774, %swap3A_775] {strides = array<i32>} : memref<16x768xf32, #tpu.memory_space<vmem>>, vector<16xf32>,
      tpu.vector_store %arg9[%swap3A_774, %swap3A_775], %add3A_773 {strides = array<i32>} : memref<16x768xf32, #tpu.memory_space<vmem>>, vector<16xf32>,
      %mul3A_777 = arith.constant 2 : i32
      %mul3A_778 = arith.muli %mul3A_777, %scan3A_106 : i32
      %get3A_779 = arith.index_cast %mul3A_778 : i32 to index
      %get3A_780 = arith.constant 672 : index
      %get3A_781 = tpu.vector_load %arg7[%get3A_779, %get3A_780] {strides = array<i32>} : memref<32x768xf32, #tpu.memory_space<vmem>>, vector<16xf32>,
      %mul3A_782 = arith.constant 2 : i32
      %mul3A_783 = arith.muli %mul3A_782, %scan3A_106 : i32
      %add3A_784 = arith.constant 1 : i32
      %add3A_785 = arith.addi %mul3A_783, %add3A_784 : i32
      %get3A_786 = arith.index_cast %add3A_785 : i32 to index
      %get3A_787 = arith.constant 672 : index
      %get3A_788 = tpu.vector_load %arg7[%get3A_786, %get3A_787] {strides = array<i32>} : memref<32x768xf32, #tpu.memory_space<vmem>>, vector<16xf32>,
      %add3A_789 = arith.addf %get3A_781, %get3A_788 : vector<16xf32>
      %swap3A_790 = arith.index_cast %scan3A_106 : i32 to index
      %swap3A_791 = arith.constant 672 : index
      %swap3A_792 = tpu.vector_load %arg9[%swap3A_790, %swap3A_791] {strides = array<i32>} : memref<16x768xf32, #tpu.memory_space<vmem>>, vector<16xf32>,
      tpu.vector_store %arg9[%swap3A_790, %swap3A_791], %add3A_789 {strides = array<i32>} : memref<16x768xf32, #tpu.memory_space<vmem>>, vector<16xf32>,
      %mul3A_793 = arith.constant 2 : i32
      %mul3A_794 = arith.muli %mul3A_793, %scan3A_106 : i32
      %get3A_795 = arith.index_cast %mul3A_794 : i32 to index
      %get3A_796 = arith.constant 688 : index
      %get3A_797 = tpu.vector_load %arg7[%get3A_795, %get3A_796] {strides = array<i32>} : memref<32x768xf32, #tpu.memory_space<vmem>>, vector<16xf32>,
      %mul3A_798 = arith.constant 2 : i32
      %mul3A_799 = arith.muli %mul3A_798, %scan3A_106 : i32
      %add3A_800 = arith.constant 1 : i32
      %add3A_801 = arith.addi %mul3A_799, %add3A_800 : i32
      %get3A_802 = arith.index_cast %add3A_801 : i32 to index
      %get3A_803 = arith.constant 688 : index
      %get3A_804 = tpu.vector_load %arg7[%get3A_802, %get3A_803] {strides = array<i32>} : memref<32x768xf32, #tpu.memory_space<vmem>>, vector<16xf32>,
      %add3A_805 = arith.addf %get3A_797, %get3A_804 : vector<16xf32>
      %swap3A_806 = arith.index_cast %scan3A_106 : i32 to index
      %swap3A_807 = arith.constant 688 : index
      %swap3A_808 = tpu.vector_load %arg9[%swap3A_806, %swap3A_807] {strides = array<i32>} : memref<16x768xf32, #tpu.memory_space<vmem>>, vector<16xf32>,
      tpu.vector_store %arg9[%swap3A_806, %swap3A_807], %add3A_805 {strides = array<i32>} : memref<16x768xf32, #tpu.memory_space<vmem>>, vector<16xf32>,
      %mul3A_809 = arith.constant 2 : i32
      %mul3A_810 = arith.muli %mul3A_809, %scan3A_106 : i32
      %get3A_811 = arith.index_cast %mul3A_810 : i32 to index
      %get3A_812 = arith.constant 704 : index
      %get3A_813 = tpu.vector_load %arg7[%get3A_811, %get3A_812] {strides = array<i32>} : memref<32x768xf32, #tpu.memory_space<vmem>>, vector<16xf32>,
      %mul3A_814 = arith.constant 2 : i32
      %mul3A_815 = arith.muli %mul3A_814, %scan3A_106 : i32
      %add3A_816 = arith.constant 1 : i32
      %add3A_817 = arith.addi %mul3A_815, %add3A_816 : i32
      %get3A_818 = arith.index_cast %add3A_817 : i32 to index
      %get3A_819 = arith.constant 704 : index
      %get3A_820 = tpu.vector_load %arg7[%get3A_818, %get3A_819] {strides = array<i32>} : memref<32x768xf32, #tpu.memory_space<vmem>>, vector<16xf32>,
      %add3A_821 = arith.addf %get3A_813, %get3A_820 : vector<16xf32>
      %swap3A_822 = arith.index_cast %scan3A_106 : i32 to index
      %swap3A_823 = arith.constant 704 : index
      %swap3A_824 = tpu.vector_load %arg9[%swap3A_822, %swap3A_823] {strides = array<i32>} : memref<16x768xf32, #tpu.memory_space<vmem>>, vector<16xf32>,
      tpu.vector_store %arg9[%swap3A_822, %swap3A_823], %add3A_821 {strides = array<i32>} : memref<16x768xf32, #tpu.memory_space<vmem>>, vector<16xf32>,
      %mul3A_825 = arith.constant 2 : i32
      %mul3A_826 = arith.muli %mul3A_825, %scan3A_106 : i32
      %get3A_827 = arith.index_cast %mul3A_826 : i32 to index
      %get3A_828 = arith.constant 720 : index
      %get3A_829 = tpu.vector_load %arg7[%get3A_827, %get3A_828] {strides = array<i32>} : memref<32x768xf32, #tpu.memory_space<vmem>>, vector<16xf32>,
      %mul3A_830 = arith.constant 2 : i32
      %mul3A_831 = arith.muli %mul3A_830, %scan3A_106 : i32
      %add3A_832 = arith.constant 1 : i32
      %add3A_833 = arith.addi %mul3A_831, %add3A_832 : i32
      %get3A_834 = arith.index_cast %add3A_833 : i32 to index
      %get3A_835 = arith.constant 720 : index
      %get3A_836 = tpu.vector_load %arg7[%get3A_834, %get3A_835] {strides = array<i32>} : memref<32x768xf32, #tpu.memory_space<vmem>>, vector<16xf32>,
      %add3A_837 = arith.addf %get3A_829, %get3A_836 : vector<16xf32>
      %swap3A_838 = arith.index_cast %scan3A_106 : i32 to index
      %swap3A_839 = arith.constant 720 : index
      %swap3A_840 = tpu.vector_load %arg9[%swap3A_838, %swap3A_839] {strides = array<i32>} : memref<16x768xf32, #tpu.memory_space<vmem>>, vector<16xf32>,
      tpu.vector_store %arg9[%swap3A_838, %swap3A_839], %add3A_837 {strides = array<i32>} : memref<16x768xf32, #tpu.memory_space<vmem>>, vector<16xf32>,
      %mul3A_841 = arith.constant 2 : i32
      %mul3A_842 = arith.muli %mul3A_841, %scan3A_106 : i32
      %get3A_843 = arith.index_cast %mul3A_842 : i32 to index
      %get3A_844 = arith.constant 736 : index
      %get3A_845 = tpu.vector_load %arg7[%get3A_843, %get3A_844] {strides = array<i32>} : memref<32x768xf32, #tpu.memory_space<vmem>>, vector<16xf32>,
      %mul3A_846 = arith.constant 2 : i32
      %mul3A_847 = arith.muli %mul3A_846, %scan3A_106 : i32
      %add3A_848 = arith.constant 1 : i32
      %add3A_849 = arith.addi %mul3A_847, %add3A_848 : i32
      %get3A_850 = arith.index_cast %add3A_849 : i32 to index
      %get3A_851 = arith.constant 736 : index
      %get3A_852 = tpu.vector_load %arg7[%get3A_850, %get3A_851] {strides = array<i32>} : memref<32x768xf32, #tpu.memory_space<vmem>>, vector<16xf32>,
      %add3A_853 = arith.addf %get3A_845, %get3A_852 : vector<16xf32>
      %swap3A_854 = arith.index_cast %scan3A_106 : i32 to index
      %swap3A_855 = arith.constant 736 : index
      %swap3A_856 = tpu.vector_load %arg9[%swap3A_854, %swap3A_855] {strides = array<i32>} : memref<16x768xf32, #tpu.memory_space<vmem>>, vector<16xf32>,
      tpu.vector_store %arg9[%swap3A_854, %swap3A_855], %add3A_853 {strides = array<i32>} : memref<16x768xf32, #tpu.memory_space<vmem>>, vector<16xf32>,
      %mul3A_857 = arith.constant 2 : i32
      %mul3A_858 = arith.muli %mul3A_857, %scan3A_106 : i32
      %get3A_859 = arith.index_cast %mul3A_858 : i32 to index
      %get3A_860 = arith.constant 752 : index
      %get3A_861 = tpu.vector_load %arg7[%get3A_859, %get3A_860] {strides = array<i32>} : memref<32x768xf32, #tpu.memory_space<vmem>>, vector<16xf32>,
      %mul3A_862 = arith.constant 2 : i32
      %mul3A_863 = arith.muli %mul3A_862, %scan3A_106 : i32
      %add3A_864 = arith.constant 1 : i32
      %add3A_865 = arith.addi %mul3A_863, %add3A_864 : i32
      %get3A_866 = arith.index_cast %add3A_865 : i32 to index
      %get3A_867 = arith.constant 752 : index
      %get3A_868 = tpu.vector_load %arg7[%get3A_866, %get3A_867] {strides = array<i32>} : memref<32x768xf32, #tpu.memory_space<vmem>>, vector<16xf32>,
      %add3A_869 = arith.addf %get3A_861, %get3A_868 : vector<16xf32>
      %swap3A_870 = arith.index_cast %scan3A_106 : i32 to index
      %swap3A_871 = arith.constant 752 : index
      %swap3A_872 = tpu.vector_load %arg9[%swap3A_870, %swap3A_871] {strides = array<i32>} : memref<16x768xf32, #tpu.memory_space<vmem>>, vector<16xf32>,
      tpu.vector_store %arg9[%swap3A_870, %swap3A_871], %add3A_869 {strides = array<i32>} : memref<16x768xf32, #tpu.memory_space<vmem>>, vector<16xf32>,
    }
    %scan3A_44 = arith.constant 16 : i32
    %dma_start3A_45 = arith.constant 96 : i32
    %dma_start3A_46 = tpu.memref_slice %arg5[%dma_start3A_45] : memref<128xi32, #tpu.memory_space<vmem>> -> memref<32xi32, #tpu.memory_space<vmem>>
    %dma_start3A_47 = arith.constant 0 : i32
    %dma_start3A_48 = arith.constant 0 : i32
    %dma_start3A_49 = tpu.memref_slice %arg2[%dma_start3A_47, %dma_start3A_48] : memref<6144x768xf32, #tpu.memory_space<hbm>> -> memref<6144x768xf32, #tpu.memory_space<hbm>>
    tpu.enqueue_indirect_dma source(%dma_start3A_49 : memref<6144x768xf32, #tpu.memory_space<hbm>>) target(%arg7 : memref<32x768xf32, #tpu.memory_space<vmem>>) offsets(%dma_start3A_46 : memref<32xi32, #tpu.memory_space<vmem>>) semaphore(%arg11 : memref<!tpu.dma_semaphore, #tpu.memory_space<semaphore_mem>>)
    %add3A_50 = arith.constant 16 : i32
    %add3A_51 = arith.addi %mul3A_2, %add3A_50 : i32
    %dma_start3A_52 = arith.constant 0 : i32
    %dma_start3A_53 = tpu.memref_slice %arg4[%add3A_51, %dma_start3A_52] : memref<2048x768xf32, #tpu.memory_space<hbm>> -> memref<16x768xf32, #tpu.memory_space<hbm>>
    %dma_start3A_54 = arith.constant 0 : i32
    %dma_start3A_55 = tpu.memref_slice %arg4[%add3A_51, %dma_start3A_54] : memref<2048x768xf32, #tpu.memory_space<hbm>> -> memref<16x768xf32, #tpu.memory_space<hbm>>
    tpu.enqueue_dma source(%arg9 : memref<16x768xf32, #tpu.memory_space<vmem>>) target(%dma_start3A_55 : memref<16x768xf32, #tpu.memory_space<hbm>>) target_semaphore(%arg13 : memref<!tpu.dma_semaphore, #tpu.memory_space<semaphore_mem>>)
    %dma_wait3A_56 = arith.constant 64 : i32
    %dma_wait3A_57 = tpu.memref_slice %arg5[%dma_wait3A_56] : memref<128xi32, #tpu.memory_space<vmem>> -> memref<32xi32, #tpu.memory_space<vmem>>
    %dma_wait3A_58 = arith.constant 0 : i32
    %dma_wait3A_59 = arith.constant 0 : i32
    %dma_wait3A_60 = tpu.memref_slice %arg2[%dma_wait3A_58, %dma_wait3A_59] : memref<6144x768xf32, #tpu.memory_space<hbm>> -> memref<6144x768xf32, #tpu.memory_space<hbm>>
    tpu.wait_indirect_dma semaphore(%arg10 : memref<!tpu.dma_semaphore, #tpu.memory_space<semaphore_mem>>) src(%dma_wait3A_60 : memref<6144x768xf32, #tpu.memory_space<hbm>>) dst(%arg6 : memref<32x768xf32, #tpu.memory_space<vmem>>)
    %dma_wait3A_61 = arith.constant 0 : i32
    %dma_wait3A_62 = tpu.memref_slice %arg4[%add3A_29, %dma_wait3A_61] : memref<2048x768xf32, #tpu.memory_space<hbm>> -> memref<16x768xf32, #tpu.memory_space<hbm>>
    %dma_wait3A_63 = arith.constant 0 : i32
    %dma_wait3A_64 = tpu.memref_slice %arg4[%add3A_29, %dma_wait3A_63] : memref<2048x768xf32, #tpu.memory_space<hbm>> -> memref<16x768xf32, #tpu.memory_space<hbm>>
    tpu.wait_dma2 semaphore(%arg12 : memref<!tpu.dma_semaphore, #tpu.memory_space<semaphore_mem>>) src(%arg8 : memref<16x768xf32, #tpu.memory_space<vmem>>) dst(%dma_wait3A_64 : memref<16x768xf32, #tpu.memory_space<hbm>>)
    %scan3A_65 = arith.constant 0 : i32
    %scan3A_66 = arith.constant 0 : i32
    %scan3A_67 = arith.constant 16 : i32
    %scan3A_68 = arith.addi %scan3A_66, %scan3A_67 : i32
    %scan3A_69 = arith.constant 1 : i32
    scf.for %scan3A_106 = %scan3A_66 to %scan3A_68 step %scan3A_69  : i32 {
      %mul3A_107 = arith.constant 2 : i32
      %mul3A_108 = arith.muli %mul3A_107, %scan3A_106 : i32
      %get3A = arith.index_cast %mul3A_108 : i32 to index
      %get3A_109 = arith.constant 0 : index
      %get3A_110 = tpu.vector_load %arg6[%get3A, %get3A_109] {strides = array<i32>} : memref<32x768xf32, #tpu.memory_space<vmem>>, vector<16xf32>,
      %mul3A_111 = arith.constant 2 : i32
      %mul3A_112 = arith.muli %mul3A_111, %scan3A_106 : i32
      %add3A_113 = arith.constant 1 : i32
      %add3A_114 = arith.addi %mul3A_112, %add3A_113 : i32
      %get3A_115 = arith.index_cast %add3A_114 : i32 to index
      %get3A_116 = arith.constant 0 : index
      %get3A_117 = tpu.vector_load %arg6[%get3A_115, %get3A_116] {strides = array<i32>} : memref<32x768xf32, #tpu.memory_space<vmem>>, vector<16xf32>,
      %add3A_118 = arith.addf %get3A_110, %get3A_117 : vector<16xf32>
      %swap3A = arith.index_cast %scan3A_106 : i32 to index
      %swap3A_119 = arith.constant 0 : index
      %swap3A_120 = tpu.vector_load %arg8[%swap3A, %swap3A_119] {strides = array<i32>} : memref<16x768xf32, #tpu.memory_space<vmem>>, vector<16xf32>,
      tpu.vector_store %arg8[%swap3A, %swap3A_119], %add3A_118 {strides = array<i32>} : memref<16x768xf32, #tpu.memory_space<vmem>>, vector<16xf32>,
      %mul3A_121 = arith.constant 2 : i32
      %mul3A_122 = arith.muli %mul3A_121, %scan3A_106 : i32
      %get3A_123 = arith.index_cast %mul3A_122 : i32 to index
      %get3A_124 = arith.constant 16 : index
      %get3A_125 = tpu.vector_load %arg6[%get3A_123, %get3A_124] {strides = array<i32>} : memref<32x768xf32, #tpu.memory_space<vmem>>, vector<16xf32>,
      %mul3A_126 = arith.constant 2 : i32
      %mul3A_127 = arith.muli %mul3A_126, %scan3A_106 : i32
      %add3A_128 = arith.constant 1 : i32
      %add3A_129 = arith.addi %mul3A_127, %add3A_128 : i32
      %get3A_130 = arith.index_cast %add3A_129 : i32 to index
      %get3A_131 = arith.constant 16 : index
      %get3A_132 = tpu.vector_load %arg6[%get3A_130, %get3A_131] {strides = array<i32>} : memref<32x768xf32, #tpu.memory_space<vmem>>, vector<16xf32>,
      %add3A_133 = arith.addf %get3A_125, %get3A_132 : vector<16xf32>
      %swap3A_134 = arith.index_cast %scan3A_106 : i32 to index
      %swap3A_135 = arith.constant 16 : index
      %swap3A_136 = tpu.vector_load %arg8[%swap3A_134, %swap3A_135] {strides = array<i32>} : memref<16x768xf32, #tpu.memory_space<vmem>>, vector<16xf32>,
      tpu.vector_store %arg8[%swap3A_134, %swap3A_135], %add3A_133 {strides = array<i32>} : memref<16x768xf32, #tpu.memory_space<vmem>>, vector<16xf32>,
      %mul3A_137 = arith.constant 2 : i32
      %mul3A_138 = arith.muli %mul3A_137, %scan3A_106 : i32
      %get3A_139 = arith.index_cast %mul3A_138 : i32 to index
      %get3A_140 = arith.constant 32 : index
      %get3A_141 = tpu.vector_load %arg6[%get3A_139, %get3A_140] {strides = array<i32>} : memref<32x768xf32, #tpu.memory_space<vmem>>, vector<16xf32>,
      %mul3A_142 = arith.constant 2 : i32
      %mul3A_143 = arith.muli %mul3A_142, %scan3A_106 : i32
      %add3A_144 = arith.constant 1 : i32
      %add3A_145 = arith.addi %mul3A_143, %add3A_144 : i32
      %get3A_146 = arith.index_cast %add3A_145 : i32 to index
      %get3A_147 = arith.constant 32 : index
      %get3A_148 = tpu.vector_load %arg6[%get3A_146, %get3A_147] {strides = array<i32>} : memref<32x768xf32, #tpu.memory_space<vmem>>, vector<16xf32>,
      %add3A_149 = arith.addf %get3A_141, %get3A_148 : vector<16xf32>
      %swap3A_150 = arith.index_cast %scan3A_106 : i32 to index
      %swap3A_151 = arith.constant 32 : index
      %swap3A_152 = tpu.vector_load %arg8[%swap3A_150, %swap3A_151] {strides = array<i32>} : memref<16x768xf32, #tpu.memory_space<vmem>>, vector<16xf32>,
      tpu.vector_store %arg8[%swap3A_150, %swap3A_151], %add3A_149 {strides = array<i32>} : memref<16x768xf32, #tpu.memory_space<vmem>>, vector<16xf32>,
      %mul3A_153 = arith.constant 2 : i32
      %mul3A_154 = arith.muli %mul3A_153, %scan3A_106 : i32
      %get3A_155 = arith.index_cast %mul3A_154 : i32 to index
      %get3A_156 = arith.constant 48 : index
      %get3A_157 = tpu.vector_load %arg6[%get3A_155, %get3A_156] {strides = array<i32>} : memref<32x768xf32, #tpu.memory_space<vmem>>, vector<16xf32>,
      %mul3A_158 = arith.constant 2 : i32
      %mul3A_159 = arith.muli %mul3A_158, %scan3A_106 : i32
      %add3A_160 = arith.constant 1 : i32
      %add3A_161 = arith.addi %mul3A_159, %add3A_160 : i32
      %get3A_162 = arith.index_cast %add3A_161 : i32 to index
      %get3A_163 = arith.constant 48 : index
      %get3A_164 = tpu.vector_load %arg6[%get3A_162, %get3A_163] {strides = array<i32>} : memref<32x768xf32, #tpu.memory_space<vmem>>, vector<16xf32>,
      %add3A_165 = arith.addf %get3A_157, %get3A_164 : vector<16xf32>
      %swap3A_166 = arith.index_cast %scan3A_106 : i32 to index
      %swap3A_167 = arith.constant 48 : index
      %swap3A_168 = tpu.vector_load %arg8[%swap3A_166, %swap3A_167] {strides = array<i32>} : memref<16x768xf32, #tpu.memory_space<vmem>>, vector<16xf32>,
      tpu.vector_store %arg8[%swap3A_166, %swap3A_167], %add3A_165 {strides = array<i32>} : memref<16x768xf32, #tpu.memory_space<vmem>>, vector<16xf32>,
      %mul3A_169 = arith.constant 2 : i32
      %mul3A_170 = arith.muli %mul3A_169, %scan3A_106 : i32
      %get3A_171 = arith.index_cast %mul3A_170 : i32 to index
      %get3A_172 = arith.constant 64 : index
      %get3A_173 = tpu.vector_load %arg6[%get3A_171, %get3A_172] {strides = array<i32>} : memref<32x768xf32, #tpu.memory_space<vmem>>, vector<16xf32>,
      %mul3A_174 = arith.constant 2 : i32
      %mul3A_175 = arith.muli %mul3A_174, %scan3A_106 : i32
      %add3A_176 = arith.constant 1 : i32
      %add3A_177 = arith.addi %mul3A_175, %add3A_176 : i32
      %get3A_178 = arith.index_cast %add3A_177 : i32 to index
      %get3A_179 = arith.constant 64 : index
      %get3A_180 = tpu.vector_load %arg6[%get3A_178, %get3A_179] {strides = array<i32>} : memref<32x768xf32, #tpu.memory_space<vmem>>, vector<16xf32>,
      %add3A_181 = arith.addf %get3A_173, %get3A_180 : vector<16xf32>
      %swap3A_182 = arith.index_cast %scan3A_106 : i32 to index
      %swap3A_183 = arith.constant 64 : index
      %swap3A_184 = tpu.vector_load %arg8[%swap3A_182, %swap3A_183] {strides = array<i32>} : memref<16x768xf32, #tpu.memory_space<vmem>>, vector<16xf32>,
      tpu.vector_store %arg8[%swap3A_182, %swap3A_183], %add3A_181 {strides = array<i32>} : memref<16x768xf32, #tpu.memory_space<vmem>>, vector<16xf32>,
      %mul3A_185 = arith.constant 2 : i32
      %mul3A_186 = arith.muli %mul3A_185, %scan3A_106 : i32
      %get3A_187 = arith.index_cast %mul3A_186 : i32 to index
      %get3A_188 = arith.constant 80 : index
      %get3A_189 = tpu.vector_load %arg6[%get3A_187, %get3A_188] {strides = array<i32>} : memref<32x768xf32, #tpu.memory_space<vmem>>, vector<16xf32>,
      %mul3A_190 = arith.constant 2 : i32
      %mul3A_191 = arith.muli %mul3A_190, %scan3A_106 : i32
      %add3A_192 = arith.constant 1 : i32
      %add3A_193 = arith.addi %mul3A_191, %add3A_192 : i32
      %get3A_194 = arith.index_cast %add3A_193 : i32 to index
      %get3A_195 = arith.constant 80 : index
      %get3A_196 = tpu.vector_load %arg6[%get3A_194, %get3A_195] {strides = array<i32>} : memref<32x768xf32, #tpu.memory_space<vmem>>, vector<16xf32>,
      %add3A_197 = arith.addf %get3A_189, %get3A_196 : vector<16xf32>
      %swap3A_198 = arith.index_cast %scan3A_106 : i32 to index
      %swap3A_199 = arith.constant 80 : index
      %swap3A_200 = tpu.vector_load %arg8[%swap3A_198, %swap3A_199] {strides = array<i32>} : memref<16x768xf32, #tpu.memory_space<vmem>>, vector<16xf32>,
      tpu.vector_store %arg8[%swap3A_198, %swap3A_199], %add3A_197 {strides = array<i32>} : memref<16x768xf32, #tpu.memory_space<vmem>>, vector<16xf32>,
      %mul3A_201 = arith.constant 2 : i32
      %mul3A_202 = arith.muli %mul3A_201, %scan3A_106 : i32
      %get3A_203 = arith.index_cast %mul3A_202 : i32 to index
      %get3A_204 = arith.constant 96 : index
      %get3A_205 = tpu.vector_load %arg6[%get3A_203, %get3A_204] {strides = array<i32>} : memref<32x768xf32, #tpu.memory_space<vmem>>, vector<16xf32>,
      %mul3A_206 = arith.constant 2 : i32
      %mul3A_207 = arith.muli %mul3A_206, %scan3A_106 : i32
      %add3A_208 = arith.constant 1 : i32
      %add3A_209 = arith.addi %mul3A_207, %add3A_208 : i32
      %get3A_210 = arith.index_cast %add3A_209 : i32 to index
      %get3A_211 = arith.constant 96 : index
      %get3A_212 = tpu.vector_load %arg6[%get3A_210, %get3A_211] {strides = array<i32>} : memref<32x768xf32, #tpu.memory_space<vmem>>, vector<16xf32>,
      %add3A_213 = arith.addf %get3A_205, %get3A_212 : vector<16xf32>
      %swap3A_214 = arith.index_cast %scan3A_106 : i32 to index
      %swap3A_215 = arith.constant 96 : index
      %swap3A_216 = tpu.vector_load %arg8[%swap3A_214, %swap3A_215] {strides = array<i32>} : memref<16x768xf32, #tpu.memory_space<vmem>>, vector<16xf32>,
      tpu.vector_store %arg8[%swap3A_214, %swap3A_215], %add3A_213 {strides = array<i32>} : memref<16x768xf32, #tpu.memory_space<vmem>>, vector<16xf32>,
      %mul3A_217 = arith.constant 2 : i32
      %mul3A_218 = arith.muli %mul3A_217, %scan3A_106 : i32
      %get3A_219 = arith.index_cast %mul3A_218 : i32 to index
      %get3A_220 = arith.constant 112 : index
      %get3A_221 = tpu.vector_load %arg6[%get3A_219, %get3A_220] {strides = array<i32>} : memref<32x768xf32, #tpu.memory_space<vmem>>, vector<16xf32>,
      %mul3A_222 = arith.constant 2 : i32
      %mul3A_223 = arith.muli %mul3A_222, %scan3A_106 : i32
      %add3A_224 = arith.constant 1 : i32
      %add3A_225 = arith.addi %mul3A_223, %add3A_224 : i32
      %get3A_226 = arith.index_cast %add3A_225 : i32 to index
      %get3A_227 = arith.constant 112 : index
      %get3A_228 = tpu.vector_load %arg6[%get3A_226, %get3A_227] {strides = array<i32>} : memref<32x768xf32, #tpu.memory_space<vmem>>, vector<16xf32>,
      %add3A_229 = arith.addf %get3A_221, %get3A_228 : vector<16xf32>
      %swap3A_230 = arith.index_cast %scan3A_106 : i32 to index
      %swap3A_231 = arith.constant 112 : index
      %swap3A_232 = tpu.vector_load %arg8[%swap3A_230, %swap3A_231] {strides = array<i32>} : memref<16x768xf32, #tpu.memory_space<vmem>>, vector<16xf32>,
      tpu.vector_store %arg8[%swap3A_230, %swap3A_231], %add3A_229 {strides = array<i32>} : memref<16x768xf32, #tpu.memory_space<vmem>>, vector<16xf32>,
      %mul3A_233 = arith.constant 2 : i32
      %mul3A_234 = arith.muli %mul3A_233, %scan3A_106 : i32
      %get3A_235 = arith.index_cast %mul3A_234 : i32 to index
      %get3A_236 = arith.constant 128 : index
      %get3A_237 = tpu.vector_load %arg6[%get3A_235, %get3A_236] {strides = array<i32>} : memref<32x768xf32, #tpu.memory_space<vmem>>, vector<16xf32>,
      %mul3A_238 = arith.constant 2 : i32
      %mul3A_239 = arith.muli %mul3A_238, %scan3A_106 : i32
      %add3A_240 = arith.constant 1 : i32
      %add3A_241 = arith.addi %mul3A_239, %add3A_240 : i32
      %get3A_242 = arith.index_cast %add3A_241 : i32 to index
      %get3A_243 = arith.constant 128 : index
      %get3A_244 = tpu.vector_load %arg6[%get3A_242, %get3A_243] {strides = array<i32>} : memref<32x768xf32, #tpu.memory_space<vmem>>, vector<16xf32>,
      %add3A_245 = arith.addf %get3A_237, %get3A_244 : vector<16xf32>
      %swap3A_246 = arith.index_cast %scan3A_106 : i32 to index
      %swap3A_247 = arith.constant 128 : index
      %swap3A_248 = tpu.vector_load %arg8[%swap3A_246, %swap3A_247] {strides = array<i32>} : memref<16x768xf32, #tpu.memory_space<vmem>>, vector<16xf32>,
      tpu.vector_store %arg8[%swap3A_246, %swap3A_247], %add3A_245 {strides = array<i32>} : memref<16x768xf32, #tpu.memory_space<vmem>>, vector<16xf32>,
      %mul3A_249 = arith.constant 2 : i32
      %mul3A_250 = arith.muli %mul3A_249, %scan3A_106 : i32
      %get3A_251 = arith.index_cast %mul3A_250 : i32 to index
      %get3A_252 = arith.constant 144 : index
      %get3A_253 = tpu.vector_load %arg6[%get3A_251, %get3A_252] {strides = array<i32>} : memref<32x768xf32, #tpu.memory_space<vmem>>, vector<16xf32>,
      %mul3A_254 = arith.constant 2 : i32
      %mul3A_255 = arith.muli %mul3A_254, %scan3A_106 : i32
      %add3A_256 = arith.constant 1 : i32
      %add3A_257 = arith.addi %mul3A_255, %add3A_256 : i32
      %get3A_258 = arith.index_cast %add3A_257 : i32 to index
      %get3A_259 = arith.constant 144 : index
      %get3A_260 = tpu.vector_load %arg6[%get3A_258, %get3A_259] {strides = array<i32>} : memref<32x768xf32, #tpu.memory_space<vmem>>, vector<16xf32>,
      %add3A_261 = arith.addf %get3A_253, %get3A_260 : vector<16xf32>
      %swap3A_262 = arith.index_cast %scan3A_106 : i32 to index
      %swap3A_263 = arith.constant 144 : index
      %swap3A_264 = tpu.vector_load %arg8[%swap3A_262, %swap3A_263] {strides = array<i32>} : memref<16x768xf32, #tpu.memory_space<vmem>>, vector<16xf32>,
      tpu.vector_store %arg8[%swap3A_262, %swap3A_263], %add3A_261 {strides = array<i32>} : memref<16x768xf32, #tpu.memory_space<vmem>>, vector<16xf32>,
      %mul3A_265 = arith.constant 2 : i32
      %mul3A_266 = arith.muli %mul3A_265, %scan3A_106 : i32
      %get3A_267 = arith.index_cast %mul3A_266 : i32 to index
      %get3A_268 = arith.constant 160 : index
      %get3A_269 = tpu.vector_load %arg6[%get3A_267, %get3A_268] {strides = array<i32>} : memref<32x768xf32, #tpu.memory_space<vmem>>, vector<16xf32>,
      %mul3A_270 = arith.constant 2 : i32
      %mul3A_271 = arith.muli %mul3A_270, %scan3A_106 : i32
      %add3A_272 = arith.constant 1 : i32
      %add3A_273 = arith.addi %mul3A_271, %add3A_272 : i32
      %get3A_274 = arith.index_cast %add3A_273 : i32 to index
      %get3A_275 = arith.constant 160 : index
      %get3A_276 = tpu.vector_load %arg6[%get3A_274, %get3A_275] {strides = array<i32>} : memref<32x768xf32, #tpu.memory_space<vmem>>, vector<16xf32>,
      %add3A_277 = arith.addf %get3A_269, %get3A_276 : vector<16xf32>
      %swap3A_278 = arith.index_cast %scan3A_106 : i32 to index
      %swap3A_279 = arith.constant 160 : index
      %swap3A_280 = tpu.vector_load %arg8[%swap3A_278, %swap3A_279] {strides = array<i32>} : memref<16x768xf32, #tpu.memory_space<vmem>>, vector<16xf32>,
      tpu.vector_store %arg8[%swap3A_278, %swap3A_279], %add3A_277 {strides = array<i32>} : memref<16x768xf32, #tpu.memory_space<vmem>>, vector<16xf32>,
      %mul3A_281 = arith.constant 2 : i32
      %mul3A_282 = arith.muli %mul3A_281, %scan3A_106 : i32
      %get3A_283 = arith.index_cast %mul3A_282 : i32 to index
      %get3A_284 = arith.constant 176 : index
      %get3A_285 = tpu.vector_load %arg6[%get3A_283, %get3A_284] {strides = array<i32>} : memref<32x768xf32, #tpu.memory_space<vmem>>, vector<16xf32>,
      %mul3A_286 = arith.constant 2 : i32
      %mul3A_287 = arith.muli %mul3A_286, %scan3A_106 : i32
      %add3A_288 = arith.constant 1 : i32
      %add3A_289 = arith.addi %mul3A_287, %add3A_288 : i32
      %get3A_290 = arith.index_cast %add3A_289 : i32 to index
      %get3A_291 = arith.constant 176 : index
      %get3A_292 = tpu.vector_load %arg6[%get3A_290, %get3A_291] {strides = array<i32>} : memref<32x768xf32, #tpu.memory_space<vmem>>, vector<16xf32>,
      %add3A_293 = arith.addf %get3A_285, %get3A_292 : vector<16xf32>
      %swap3A_294 = arith.index_cast %scan3A_106 : i32 to index
      %swap3A_295 = arith.constant 176 : index
      %swap3A_296 = tpu.vector_load %arg8[%swap3A_294, %swap3A_295] {strides = array<i32>} : memref<16x768xf32, #tpu.memory_space<vmem>>, vector<16xf32>,
      tpu.vector_store %arg8[%swap3A_294, %swap3A_295], %add3A_293 {strides = array<i32>} : memref<16x768xf32, #tpu.memory_space<vmem>>, vector<16xf32>,
      %mul3A_297 = arith.constant 2 : i32
      %mul3A_298 = arith.muli %mul3A_297, %scan3A_106 : i32
      %get3A_299 = arith.index_cast %mul3A_298 : i32 to index
      %get3A_300 = arith.constant 192 : index
      %get3A_301 = tpu.vector_load %arg6[%get3A_299, %get3A_300] {strides = array<i32>} : memref<32x768xf32, #tpu.memory_space<vmem>>, vector<16xf32>,
      %mul3A_302 = arith.constant 2 : i32
      %mul3A_303 = arith.muli %mul3A_302, %scan3A_106 : i32
      %add3A_304 = arith.constant 1 : i32
      %add3A_305 = arith.addi %mul3A_303, %add3A_304 : i32
      %get3A_306 = arith.index_cast %add3A_305 : i32 to index
      %get3A_307 = arith.constant 192 : index
      %get3A_308 = tpu.vector_load %arg6[%get3A_306, %get3A_307] {strides = array<i32>} : memref<32x768xf32, #tpu.memory_space<vmem>>, vector<16xf32>,
      %add3A_309 = arith.addf %get3A_301, %get3A_308 : vector<16xf32>
      %swap3A_310 = arith.index_cast %scan3A_106 : i32 to index
      %swap3A_311 = arith.constant 192 : index
      %swap3A_312 = tpu.vector_load %arg8[%swap3A_310, %swap3A_311] {strides = array<i32>} : memref<16x768xf32, #tpu.memory_space<vmem>>, vector<16xf32>,
      tpu.vector_store %arg8[%swap3A_310, %swap3A_311], %add3A_309 {strides = array<i32>} : memref<16x768xf32, #tpu.memory_space<vmem>>, vector<16xf32>,
      %mul3A_313 = arith.constant 2 : i32
      %mul3A_314 = arith.muli %mul3A_313, %scan3A_106 : i32
      %get3A_315 = arith.index_cast %mul3A_314 : i32 to index
      %get3A_316 = arith.constant 208 : index
      %get3A_317 = tpu.vector_load %arg6[%get3A_315, %get3A_316] {strides = array<i32>} : memref<32x768xf32, #tpu.memory_space<vmem>>, vector<16xf32>,
      %mul3A_318 = arith.constant 2 : i32
      %mul3A_319 = arith.muli %mul3A_318, %scan3A_106 : i32
      %add3A_320 = arith.constant 1 : i32
      %add3A_321 = arith.addi %mul3A_319, %add3A_320 : i32
      %get3A_322 = arith.index_cast %add3A_321 : i32 to index
      %get3A_323 = arith.constant 208 : index
      %get3A_324 = tpu.vector_load %arg6[%get3A_322, %get3A_323] {strides = array<i32>} : memref<32x768xf32, #tpu.memory_space<vmem>>, vector<16xf32>,
      %add3A_325 = arith.addf %get3A_317, %get3A_324 : vector<16xf32>
      %swap3A_326 = arith.index_cast %scan3A_106 : i32 to index
      %swap3A_327 = arith.constant 208 : index
      %swap3A_328 = tpu.vector_load %arg8[%swap3A_326, %swap3A_327] {strides = array<i32>} : memref<16x768xf32, #tpu.memory_space<vmem>>, vector<16xf32>,
      tpu.vector_store %arg8[%swap3A_326, %swap3A_327], %add3A_325 {strides = array<i32>} : memref<16x768xf32, #tpu.memory_space<vmem>>, vector<16xf32>,
      %mul3A_329 = arith.constant 2 : i32
      %mul3A_330 = arith.muli %mul3A_329, %scan3A_106 : i32
      %get3A_331 = arith.index_cast %mul3A_330 : i32 to index
      %get3A_332 = arith.constant 224 : index
      %get3A_333 = tpu.vector_load %arg6[%get3A_331, %get3A_332] {strides = array<i32>} : memref<32x768xf32, #tpu.memory_space<vmem>>, vector<16xf32>,
      %mul3A_334 = arith.constant 2 : i32
      %mul3A_335 = arith.muli %mul3A_334, %scan3A_106 : i32
      %add3A_336 = arith.constant 1 : i32
      %add3A_337 = arith.addi %mul3A_335, %add3A_336 : i32
      %get3A_338 = arith.index_cast %add3A_337 : i32 to index
      %get3A_339 = arith.constant 224 : index
      %get3A_340 = tpu.vector_load %arg6[%get3A_338, %get3A_339] {strides = array<i32>} : memref<32x768xf32, #tpu.memory_space<vmem>>, vector<16xf32>,
      %add3A_341 = arith.addf %get3A_333, %get3A_340 : vector<16xf32>
      %swap3A_342 = arith.index_cast %scan3A_106 : i32 to index
      %swap3A_343 = arith.constant 224 : index
      %swap3A_344 = tpu.vector_load %arg8[%swap3A_342, %swap3A_343] {strides = array<i32>} : memref<16x768xf32, #tpu.memory_space<vmem>>, vector<16xf32>,
      tpu.vector_store %arg8[%swap3A_342, %swap3A_343], %add3A_341 {strides = array<i32>} : memref<16x768xf32, #tpu.memory_space<vmem>>, vector<16xf32>,
      %mul3A_345 = arith.constant 2 : i32
      %mul3A_346 = arith.muli %mul3A_345, %scan3A_106 : i32
      %get3A_347 = arith.index_cast %mul3A_346 : i32 to index
      %get3A_348 = arith.constant 240 : index
      %get3A_349 = tpu.vector_load %arg6[%get3A_347, %get3A_348] {strides = array<i32>} : memref<32x768xf32, #tpu.memory_space<vmem>>, vector<16xf32>,
      %mul3A_350 = arith.constant 2 : i32
      %mul3A_351 = arith.muli %mul3A_350, %scan3A_106 : i32
      %add3A_352 = arith.constant 1 : i32
      %add3A_353 = arith.addi %mul3A_351, %add3A_352 : i32
      %get3A_354 = arith.index_cast %add3A_353 : i32 to index
      %get3A_355 = arith.constant 240 : index
      %get3A_356 = tpu.vector_load %arg6[%get3A_354, %get3A_355] {strides = array<i32>} : memref<32x768xf32, #tpu.memory_space<vmem>>, vector<16xf32>,
      %add3A_357 = arith.addf %get3A_349, %get3A_356 : vector<16xf32>
      %swap3A_358 = arith.index_cast %scan3A_106 : i32 to index
      %swap3A_359 = arith.constant 240 : index
      %swap3A_360 = tpu.vector_load %arg8[%swap3A_358, %swap3A_359] {strides = array<i32>} : memref<16x768xf32, #tpu.memory_space<vmem>>, vector<16xf32>,
      tpu.vector_store %arg8[%swap3A_358, %swap3A_359], %add3A_357 {strides = array<i32>} : memref<16x768xf32, #tpu.memory_space<vmem>>, vector<16xf32>,
      %mul3A_361 = arith.constant 2 : i32
      %mul3A_362 = arith.muli %mul3A_361, %scan3A_106 : i32
      %get3A_363 = arith.index_cast %mul3A_362 : i32 to index
      %get3A_364 = arith.constant 256 : index
      %get3A_365 = tpu.vector_load %arg6[%get3A_363, %get3A_364] {strides = array<i32>} : memref<32x768xf32, #tpu.memory_space<vmem>>, vector<16xf32>,
      %mul3A_366 = arith.constant 2 : i32
      %mul3A_367 = arith.muli %mul3A_366, %scan3A_106 : i32
      %add3A_368 = arith.constant 1 : i32
      %add3A_369 = arith.addi %mul3A_367, %add3A_368 : i32
      %get3A_370 = arith.index_cast %add3A_369 : i32 to index
      %get3A_371 = arith.constant 256 : index
      %get3A_372 = tpu.vector_load %arg6[%get3A_370, %get3A_371] {strides = array<i32>} : memref<32x768xf32, #tpu.memory_space<vmem>>, vector<16xf32>,
      %add3A_373 = arith.addf %get3A_365, %get3A_372 : vector<16xf32>
      %swap3A_374 = arith.index_cast %scan3A_106 : i32 to index
      %swap3A_375 = arith.constant 256 : index
      %swap3A_376 = tpu.vector_load %arg8[%swap3A_374, %swap3A_375] {strides = array<i32>} : memref<16x768xf32, #tpu.memory_space<vmem>>, vector<16xf32>,
      tpu.vector_store %arg8[%swap3A_374, %swap3A_375], %add3A_373 {strides = array<i32>} : memref<16x768xf32, #tpu.memory_space<vmem>>, vector<16xf32>,
      %mul3A_377 = arith.constant 2 : i32
      %mul3A_378 = arith.muli %mul3A_377, %scan3A_106 : i32
      %get3A_379 = arith.index_cast %mul3A_378 : i32 to index
      %get3A_380 = arith.constant 272 : index
      %get3A_381 = tpu.vector_load %arg6[%get3A_379, %get3A_380] {strides = array<i32>} : memref<32x768xf32, #tpu.memory_space<vmem>>, vector<16xf32>,
      %mul3A_382 = arith.constant 2 : i32
      %mul3A_383 = arith.muli %mul3A_382, %scan3A_106 : i32
      %add3A_384 = arith.constant 1 : i32
      %add3A_385 = arith.addi %mul3A_383, %add3A_384 : i32
      %get3A_386 = arith.index_cast %add3A_385 : i32 to index
      %get3A_387 = arith.constant 272 : index
      %get3A_388 = tpu.vector_load %arg6[%get3A_386, %get3A_387] {strides = array<i32>} : memref<32x768xf32, #tpu.memory_space<vmem>>, vector<16xf32>,
      %add3A_389 = arith.addf %get3A_381, %get3A_388 : vector<16xf32>
      %swap3A_390 = arith.index_cast %scan3A_106 : i32 to index
      %swap3A_391 = arith.constant 272 : index
      %swap3A_392 = tpu.vector_load %arg8[%swap3A_390, %swap3A_391] {strides = array<i32>} : memref<16x768xf32, #tpu.memory_space<vmem>>, vector<16xf32>,
      tpu.vector_store %arg8[%swap3A_390, %swap3A_391], %add3A_389 {strides = array<i32>} : memref<16x768xf32, #tpu.memory_space<vmem>>, vector<16xf32>,
      %mul3A_393 = arith.constant 2 : i32
      %mul3A_394 = arith.muli %mul3A_393, %scan3A_106 : i32
      %get3A_395 = arith.index_cast %mul3A_394 : i32 to index
      %get3A_396 = arith.constant 288 : index
      %get3A_397 = tpu.vector_load %arg6[%get3A_395, %get3A_396] {strides = array<i32>} : memref<32x768xf32, #tpu.memory_space<vmem>>, vector<16xf32>,
      %mul3A_398 = arith.constant 2 : i32
      %mul3A_399 = arith.muli %mul3A_398, %scan3A_106 : i32
      %add3A_400 = arith.constant 1 : i32
      %add3A_401 = arith.addi %mul3A_399, %add3A_400 : i32
      %get3A_402 = arith.index_cast %add3A_401 : i32 to index
      %get3A_403 = arith.constant 288 : index
      %get3A_404 = tpu.vector_load %arg6[%get3A_402, %get3A_403] {strides = array<i32>} : memref<32x768xf32, #tpu.memory_space<vmem>>, vector<16xf32>,
      %add3A_405 = arith.addf %get3A_397, %get3A_404 : vector<16xf32>
      %swap3A_406 = arith.index_cast %scan3A_106 : i32 to index
      %swap3A_407 = arith.constant 288 : index
      %swap3A_408 = tpu.vector_load %arg8[%swap3A_406, %swap3A_407] {strides = array<i32>} : memref<16x768xf32, #tpu.memory_space<vmem>>, vector<16xf32>,
      tpu.vector_store %arg8[%swap3A_406, %swap3A_407], %add3A_405 {strides = array<i32>} : memref<16x768xf32, #tpu.memory_space<vmem>>, vector<16xf32>,
      %mul3A_409 = arith.constant 2 : i32
      %mul3A_410 = arith.muli %mul3A_409, %scan3A_106 : i32
      %get3A_411 = arith.index_cast %mul3A_410 : i32 to index
      %get3A_412 = arith.constant 304 : index
      %get3A_413 = tpu.vector_load %arg6[%get3A_411, %get3A_412] {strides = array<i32>} : memref<32x768xf32, #tpu.memory_space<vmem>>, vector<16xf32>,
      %mul3A_414 = arith.constant 2 : i32
      %mul3A_415 = arith.muli %mul3A_414, %scan3A_106 : i32
      %add3A_416 = arith.constant 1 : i32
      %add3A_417 = arith.addi %mul3A_415, %add3A_416 : i32
      %get3A_418 = arith.index_cast %add3A_417 : i32 to index
      %get3A_419 = arith.constant 304 : index
      %get3A_420 = tpu.vector_load %arg6[%get3A_418, %get3A_419] {strides = array<i32>} : memref<32x768xf32, #tpu.memory_space<vmem>>, vector<16xf32>,
      %add3A_421 = arith.addf %get3A_413, %get3A_420 : vector<16xf32>
      %swap3A_422 = arith.index_cast %scan3A_106 : i32 to index
      %swap3A_423 = arith.constant 304 : index
      %swap3A_424 = tpu.vector_load %arg8[%swap3A_422, %swap3A_423] {strides = array<i32>} : memref<16x768xf32, #tpu.memory_space<vmem>>, vector<16xf32>,
      tpu.vector_store %arg8[%swap3A_422, %swap3A_423], %add3A_421 {strides = array<i32>} : memref<16x768xf32, #tpu.memory_space<vmem>>, vector<16xf32>,
      %mul3A_425 = arith.constant 2 : i32
      %mul3A_426 = arith.muli %mul3A_425, %scan3A_106 : i32
      %get3A_427 = arith.index_cast %mul3A_426 : i32 to index
      %get3A_428 = arith.constant 320 : index
      %get3A_429 = tpu.vector_load %arg6[%get3A_427, %get3A_428] {strides = array<i32>} : memref<32x768xf32, #tpu.memory_space<vmem>>, vector<16xf32>,
      %mul3A_430 = arith.constant 2 : i32
      %mul3A_431 = arith.muli %mul3A_430, %scan3A_106 : i32
      %add3A_432 = arith.constant 1 : i32
      %add3A_433 = arith.addi %mul3A_431, %add3A_432 : i32
      %get3A_434 = arith.index_cast %add3A_433 : i32 to index
      %get3A_435 = arith.constant 320 : index
      %get3A_436 = tpu.vector_load %arg6[%get3A_434, %get3A_435] {strides = array<i32>} : memref<32x768xf32, #tpu.memory_space<vmem>>, vector<16xf32>,
      %add3A_437 = arith.addf %get3A_429, %get3A_436 : vector<16xf32>
      %swap3A_438 = arith.index_cast %scan3A_106 : i32 to index
      %swap3A_439 = arith.constant 320 : index
      %swap3A_440 = tpu.vector_load %arg8[%swap3A_438, %swap3A_439] {strides = array<i32>} : memref<16x768xf32, #tpu.memory_space<vmem>>, vector<16xf32>,
      tpu.vector_store %arg8[%swap3A_438, %swap3A_439], %add3A_437 {strides = array<i32>} : memref<16x768xf32, #tpu.memory_space<vmem>>, vector<16xf32>,
      %mul3A_441 = arith.constant 2 : i32
      %mul3A_442 = arith.muli %mul3A_441, %scan3A_106 : i32
      %get3A_443 = arith.index_cast %mul3A_442 : i32 to index
      %get3A_444 = arith.constant 336 : index
      %get3A_445 = tpu.vector_load %arg6[%get3A_443, %get3A_444] {strides = array<i32>} : memref<32x768xf32, #tpu.memory_space<vmem>>, vector<16xf32>,
      %mul3A_446 = arith.constant 2 : i32
      %mul3A_447 = arith.muli %mul3A_446, %scan3A_106 : i32
      %add3A_448 = arith.constant 1 : i32
      %add3A_449 = arith.addi %mul3A_447, %add3A_448 : i32
      %get3A_450 = arith.index_cast %add3A_449 : i32 to index
      %get3A_451 = arith.constant 336 : index
      %get3A_452 = tpu.vector_load %arg6[%get3A_450, %get3A_451] {strides = array<i32>} : memref<32x768xf32, #tpu.memory_space<vmem>>, vector<16xf32>,
      %add3A_453 = arith.addf %get3A_445, %get3A_452 : vector<16xf32>
      %swap3A_454 = arith.index_cast %scan3A_106 : i32 to index
      %swap3A_455 = arith.constant 336 : index
      %swap3A_456 = tpu.vector_load %arg8[%swap3A_454, %swap3A_455] {strides = array<i32>} : memref<16x768xf32, #tpu.memory_space<vmem>>, vector<16xf32>,
      tpu.vector_store %arg8[%swap3A_454, %swap3A_455], %add3A_453 {strides = array<i32>} : memref<16x768xf32, #tpu.memory_space<vmem>>, vector<16xf32>,
      %mul3A_457 = arith.constant 2 : i32
      %mul3A_458 = arith.muli %mul3A_457, %scan3A_106 : i32
      %get3A_459 = arith.index_cast %mul3A_458 : i32 to index
      %get3A_460 = arith.constant 352 : index
      %get3A_461 = tpu.vector_load %arg6[%get3A_459, %get3A_460] {strides = array<i32>} : memref<32x768xf32, #tpu.memory_space<vmem>>, vector<16xf32>,
      %mul3A_462 = arith.constant 2 : i32
      %mul3A_463 = arith.muli %mul3A_462, %scan3A_106 : i32
      %add3A_464 = arith.constant 1 : i32
      %add3A_465 = arith.addi %mul3A_463, %add3A_464 : i32
      %get3A_466 = arith.index_cast %add3A_465 : i32 to index
      %get3A_467 = arith.constant 352 : index
      %get3A_468 = tpu.vector_load %arg6[%get3A_466, %get3A_467] {strides = array<i32>} : memref<32x768xf32, #tpu.memory_space<vmem>>, vector<16xf32>,
      %add3A_469 = arith.addf %get3A_461, %get3A_468 : vector<16xf32>
      %swap3A_470 = arith.index_cast %scan3A_106 : i32 to index
      %swap3A_471 = arith.constant 352 : index
      %swap3A_472 = tpu.vector_load %arg8[%swap3A_470, %swap3A_471] {strides = array<i32>} : memref<16x768xf32, #tpu.memory_space<vmem>>, vector<16xf32>,
      tpu.vector_store %arg8[%swap3A_470, %swap3A_471], %add3A_469 {strides = array<i32>} : memref<16x768xf32, #tpu.memory_space<vmem>>, vector<16xf32>,
      %mul3A_473 = arith.constant 2 : i32
      %mul3A_474 = arith.muli %mul3A_473, %scan3A_106 : i32
      %get3A_475 = arith.index_cast %mul3A_474 : i32 to index
      %get3A_476 = arith.constant 368 : index
      %get3A_477 = tpu.vector_load %arg6[%get3A_475, %get3A_476] {strides = array<i32>} : memref<32x768xf32, #tpu.memory_space<vmem>>, vector<16xf32>,
      %mul3A_478 = arith.constant 2 : i32
      %mul3A_479 = arith.muli %mul3A_478, %scan3A_106 : i32
      %add3A_480 = arith.constant 1 : i32
      %add3A_481 = arith.addi %mul3A_479, %add3A_480 : i32
      %get3A_482 = arith.index_cast %add3A_481 : i32 to index
      %get3A_483 = arith.constant 368 : index
      %get3A_484 = tpu.vector_load %arg6[%get3A_482, %get3A_483] {strides = array<i32>} : memref<32x768xf32, #tpu.memory_space<vmem>>, vector<16xf32>,
      %add3A_485 = arith.addf %get3A_477, %get3A_484 : vector<16xf32>
      %swap3A_486 = arith.index_cast %scan3A_106 : i32 to index
      %swap3A_487 = arith.constant 368 : index
      %swap3A_488 = tpu.vector_load %arg8[%swap3A_486, %swap3A_487] {strides = array<i32>} : memref<16x768xf32, #tpu.memory_space<vmem>>, vector<16xf32>,
      tpu.vector_store %arg8[%swap3A_486, %swap3A_487], %add3A_485 {strides = array<i32>} : memref<16x768xf32, #tpu.memory_space<vmem>>, vector<16xf32>,
      %mul3A_489 = arith.constant 2 : i32
      %mul3A_490 = arith.muli %mul3A_489, %scan3A_106 : i32
      %get3A_491 = arith.index_cast %mul3A_490 : i32 to index
      %get3A_492 = arith.constant 384 : index
      %get3A_493 = tpu.vector_load %arg6[%get3A_491, %get3A_492] {strides = array<i32>} : memref<32x768xf32, #tpu.memory_space<vmem>>, vector<16xf32>,
      %mul3A_494 = arith.constant 2 : i32
      %mul3A_495 = arith.muli %mul3A_494, %scan3A_106 : i32
      %add3A_496 = arith.constant 1 : i32
      %add3A_497 = arith.addi %mul3A_495, %add3A_496 : i32
      %get3A_498 = arith.index_cast %add3A_497 : i32 to index
      %get3A_499 = arith.constant 384 : index
      %get3A_500 = tpu.vector_load %arg6[%get3A_498, %get3A_499] {strides = array<i32>} : memref<32x768xf32, #tpu.memory_space<vmem>>, vector<16xf32>,
      %add3A_501 = arith.addf %get3A_493, %get3A_500 : vector<16xf32>
      %swap3A_502 = arith.index_cast %scan3A_106 : i32 to index
      %swap3A_503 = arith.constant 384 : index
      %swap3A_504 = tpu.vector_load %arg8[%swap3A_502, %swap3A_503] {strides = array<i32>} : memref<16x768xf32, #tpu.memory_space<vmem>>, vector<16xf32>,
      tpu.vector_store %arg8[%swap3A_502, %swap3A_503], %add3A_501 {strides = array<i32>} : memref<16x768xf32, #tpu.memory_space<vmem>>, vector<16xf32>,
      %mul3A_505 = arith.constant 2 : i32
      %mul3A_506 = arith.muli %mul3A_505, %scan3A_106 : i32
      %get3A_507 = arith.index_cast %mul3A_506 : i32 to index
      %get3A_508 = arith.constant 400 : index
      %get3A_509 = tpu.vector_load %arg6[%get3A_507, %get3A_508] {strides = array<i32>} : memref<32x768xf32, #tpu.memory_space<vmem>>, vector<16xf32>,
      %mul3A_510 = arith.constant 2 : i32
      %mul3A_511 = arith.muli %mul3A_510, %scan3A_106 : i32
      %add3A_512 = arith.constant 1 : i32
      %add3A_513 = arith.addi %mul3A_511, %add3A_512 : i32
      %get3A_514 = arith.index_cast %add3A_513 : i32 to index
      %get3A_515 = arith.constant 400 : index
      %get3A_516 = tpu.vector_load %arg6[%get3A_514, %get3A_515] {strides = array<i32>} : memref<32x768xf32, #tpu.memory_space<vmem>>, vector<16xf32>,
      %add3A_517 = arith.addf %get3A_509, %get3A_516 : vector<16xf32>
      %swap3A_518 = arith.index_cast %scan3A_106 : i32 to index
      %swap3A_519 = arith.constant 400 : index
      %swap3A_520 = tpu.vector_load %arg8[%swap3A_518, %swap3A_519] {strides = array<i32>} : memref<16x768xf32, #tpu.memory_space<vmem>>, vector<16xf32>,
      tpu.vector_store %arg8[%swap3A_518, %swap3A_519], %add3A_517 {strides = array<i32>} : memref<16x768xf32, #tpu.memory_space<vmem>>, vector<16xf32>,
      %mul3A_521 = arith.constant 2 : i32
      %mul3A_522 = arith.muli %mul3A_521, %scan3A_106 : i32
      %get3A_523 = arith.index_cast %mul3A_522 : i32 to index
      %get3A_524 = arith.constant 416 : index
      %get3A_525 = tpu.vector_load %arg6[%get3A_523, %get3A_524] {strides = array<i32>} : memref<32x768xf32, #tpu.memory_space<vmem>>, vector<16xf32>,
      %mul3A_526 = arith.constant 2 : i32
      %mul3A_527 = arith.muli %mul3A_526, %scan3A_106 : i32
      %add3A_528 = arith.constant 1 : i32
      %add3A_529 = arith.addi %mul3A_527, %add3A_528 : i32
      %get3A_530 = arith.index_cast %add3A_529 : i32 to index
      %get3A_531 = arith.constant 416 : index
      %get3A_532 = tpu.vector_load %arg6[%get3A_530, %get3A_531] {strides = array<i32>} : memref<32x768xf32, #tpu.memory_space<vmem>>, vector<16xf32>,
      %add3A_533 = arith.addf %get3A_525, %get3A_532 : vector<16xf32>
      %swap3A_534 = arith.index_cast %scan3A_106 : i32 to index
      %swap3A_535 = arith.constant 416 : index
      %swap3A_536 = tpu.vector_load %arg8[%swap3A_534, %swap3A_535] {strides = array<i32>} : memref<16x768xf32, #tpu.memory_space<vmem>>, vector<16xf32>,
      tpu.vector_store %arg8[%swap3A_534, %swap3A_535], %add3A_533 {strides = array<i32>} : memref<16x768xf32, #tpu.memory_space<vmem>>, vector<16xf32>,
      %mul3A_537 = arith.constant 2 : i32
      %mul3A_538 = arith.muli %mul3A_537, %scan3A_106 : i32
      %get3A_539 = arith.index_cast %mul3A_538 : i32 to index
      %get3A_540 = arith.constant 432 : index
      %get3A_541 = tpu.vector_load %arg6[%get3A_539, %get3A_540] {strides = array<i32>} : memref<32x768xf32, #tpu.memory_space<vmem>>, vector<16xf32>,
      %mul3A_542 = arith.constant 2 : i32
      %mul3A_543 = arith.muli %mul3A_542, %scan3A_106 : i32
      %add3A_544 = arith.constant 1 : i32
      %add3A_545 = arith.addi %mul3A_543, %add3A_544 : i32
      %get3A_546 = arith.index_cast %add3A_545 : i32 to index
      %get3A_547 = arith.constant 432 : index
      %get3A_548 = tpu.vector_load %arg6[%get3A_546, %get3A_547] {strides = array<i32>} : memref<32x768xf32, #tpu.memory_space<vmem>>, vector<16xf32>,
      %add3A_549 = arith.addf %get3A_541, %get3A_548 : vector<16xf32>
      %swap3A_550 = arith.index_cast %scan3A_106 : i32 to index
      %swap3A_551 = arith.constant 432 : index
      %swap3A_552 = tpu.vector_load %arg8[%swap3A_550, %swap3A_551] {strides = array<i32>} : memref<16x768xf32, #tpu.memory_space<vmem>>, vector<16xf32>,
      tpu.vector_store %arg8[%swap3A_550, %swap3A_551], %add3A_549 {strides = array<i32>} : memref<16x768xf32, #tpu.memory_space<vmem>>, vector<16xf32>,
      %mul3A_553 = arith.constant 2 : i32
      %mul3A_554 = arith.muli %mul3A_553, %scan3A_106 : i32
      %get3A_555 = arith.index_cast %mul3A_554 : i32 to index
      %get3A_556 = arith.constant 448 : index
      %get3A_557 = tpu.vector_load %arg6[%get3A_555, %get3A_556] {strides = array<i32>} : memref<32x768xf32, #tpu.memory_space<vmem>>, vector<16xf32>,
      %mul3A_558 = arith.constant 2 : i32
      %mul3A_559 = arith.muli %mul3A_558, %scan3A_106 : i32
      %add3A_560 = arith.constant 1 : i32
      %add3A_561 = arith.addi %mul3A_559, %add3A_560 : i32
      %get3A_562 = arith.index_cast %add3A_561 : i32 to index
      %get3A_563 = arith.constant 448 : index
      %get3A_564 = tpu.vector_load %arg6[%get3A_562, %get3A_563] {strides = array<i32>} : memref<32x768xf32, #tpu.memory_space<vmem>>, vector<16xf32>,
      %add3A_565 = arith.addf %get3A_557, %get3A_564 : vector<16xf32>
      %swap3A_566 = arith.index_cast %scan3A_106 : i32 to index
      %swap3A_567 = arith.constant 448 : index
      %swap3A_568 = tpu.vector_load %arg8[%swap3A_566, %swap3A_567] {strides = array<i32>} : memref<16x768xf32, #tpu.memory_space<vmem>>, vector<16xf32>,
      tpu.vector_store %arg8[%swap3A_566, %swap3A_567], %add3A_565 {strides = array<i32>} : memref<16x768xf32, #tpu.memory_space<vmem>>, vector<16xf32>,
      %mul3A_569 = arith.constant 2 : i32
      %mul3A_570 = arith.muli %mul3A_569, %scan3A_106 : i32
      %get3A_571 = arith.index_cast %mul3A_570 : i32 to index
      %get3A_572 = arith.constant 464 : index
      %get3A_573 = tpu.vector_load %arg6[%get3A_571, %get3A_572] {strides = array<i32>} : memref<32x768xf32, #tpu.memory_space<vmem>>, vector<16xf32>,
      %mul3A_574 = arith.constant 2 : i32
      %mul3A_575 = arith.muli %mul3A_574, %scan3A_106 : i32
      %add3A_576 = arith.constant 1 : i32
      %add3A_577 = arith.addi %mul3A_575, %add3A_576 : i32
      %get3A_578 = arith.index_cast %add3A_577 : i32 to index
      %get3A_579 = arith.constant 464 : index
      %get3A_580 = tpu.vector_load %arg6[%get3A_578, %get3A_579] {strides = array<i32>} : memref<32x768xf32, #tpu.memory_space<vmem>>, vector<16xf32>,
      %add3A_581 = arith.addf %get3A_573, %get3A_580 : vector<16xf32>
      %swap3A_582 = arith.index_cast %scan3A_106 : i32 to index
      %swap3A_583 = arith.constant 464 : index
      %swap3A_584 = tpu.vector_load %arg8[%swap3A_582, %swap3A_583] {strides = array<i32>} : memref<16x768xf32, #tpu.memory_space<vmem>>, vector<16xf32>,
      tpu.vector_store %arg8[%swap3A_582, %swap3A_583], %add3A_581 {strides = array<i32>} : memref<16x768xf32, #tpu.memory_space<vmem>>, vector<16xf32>,
      %mul3A_585 = arith.constant 2 : i32
      %mul3A_586 = arith.muli %mul3A_585, %scan3A_106 : i32
      %get3A_587 = arith.index_cast %mul3A_586 : i32 to index
      %get3A_588 = arith.constant 480 : index
      %get3A_589 = tpu.vector_load %arg6[%get3A_587, %get3A_588] {strides = array<i32>} : memref<32x768xf32, #tpu.memory_space<vmem>>, vector<16xf32>,
      %mul3A_590 = arith.constant 2 : i32
      %mul3A_591 = arith.muli %mul3A_590, %scan3A_106 : i32
      %add3A_592 = arith.constant 1 : i32
      %add3A_593 = arith.addi %mul3A_591, %add3A_592 : i32
      %get3A_594 = arith.index_cast %add3A_593 : i32 to index
      %get3A_595 = arith.constant 480 : index
      %get3A_596 = tpu.vector_load %arg6[%get3A_594, %get3A_595] {strides = array<i32>} : memref<32x768xf32, #tpu.memory_space<vmem>>, vector<16xf32>,
      %add3A_597 = arith.addf %get3A_589, %get3A_596 : vector<16xf32>
      %swap3A_598 = arith.index_cast %scan3A_106 : i32 to index
      %swap3A_599 = arith.constant 480 : index
      %swap3A_600 = tpu.vector_load %arg8[%swap3A_598, %swap3A_599] {strides = array<i32>} : memref<16x768xf32, #tpu.memory_space<vmem>>, vector<16xf32>,
      tpu.vector_store %arg8[%swap3A_598, %swap3A_599], %add3A_597 {strides = array<i32>} : memref<16x768xf32, #tpu.memory_space<vmem>>, vector<16xf32>,
      %mul3A_601 = arith.constant 2 : i32
      %mul3A_602 = arith.muli %mul3A_601, %scan3A_106 : i32
      %get3A_603 = arith.index_cast %mul3A_602 : i32 to index
      %get3A_604 = arith.constant 496 : index
      %get3A_605 = tpu.vector_load %arg6[%get3A_603, %get3A_604] {strides = array<i32>} : memref<32x768xf32, #tpu.memory_space<vmem>>, vector<16xf32>,
      %mul3A_606 = arith.constant 2 : i32
      %mul3A_607 = arith.muli %mul3A_606, %scan3A_106 : i32
      %add3A_608 = arith.constant 1 : i32
      %add3A_609 = arith.addi %mul3A_607, %add3A_608 : i32
      %get3A_610 = arith.index_cast %add3A_609 : i32 to index
      %get3A_611 = arith.constant 496 : index
      %get3A_612 = tpu.vector_load %arg6[%get3A_610, %get3A_611] {strides = array<i32>} : memref<32x768xf32, #tpu.memory_space<vmem>>, vector<16xf32>,
      %add3A_613 = arith.addf %get3A_605, %get3A_612 : vector<16xf32>
      %swap3A_614 = arith.index_cast %scan3A_106 : i32 to index
      %swap3A_615 = arith.constant 496 : index
      %swap3A_616 = tpu.vector_load %arg8[%swap3A_614, %swap3A_615] {strides = array<i32>} : memref<16x768xf32, #tpu.memory_space<vmem>>, vector<16xf32>,
      tpu.vector_store %arg8[%swap3A_614, %swap3A_615], %add3A_613 {strides = array<i32>} : memref<16x768xf32, #tpu.memory_space<vmem>>, vector<16xf32>,
      %mul3A_617 = arith.constant 2 : i32
      %mul3A_618 = arith.muli %mul3A_617, %scan3A_106 : i32
      %get3A_619 = arith.index_cast %mul3A_618 : i32 to index
      %get3A_620 = arith.constant 512 : index
      %get3A_621 = tpu.vector_load %arg6[%get3A_619, %get3A_620] {strides = array<i32>} : memref<32x768xf32, #tpu.memory_space<vmem>>, vector<16xf32>,
      %mul3A_622 = arith.constant 2 : i32
      %mul3A_623 = arith.muli %mul3A_622, %scan3A_106 : i32
      %add3A_624 = arith.constant 1 : i32
      %add3A_625 = arith.addi %mul3A_623, %add3A_624 : i32
      %get3A_626 = arith.index_cast %add3A_625 : i32 to index
      %get3A_627 = arith.constant 512 : index
      %get3A_628 = tpu.vector_load %arg6[%get3A_626, %get3A_627] {strides = array<i32>} : memref<32x768xf32, #tpu.memory_space<vmem>>, vector<16xf32>,
      %add3A_629 = arith.addf %get3A_621, %get3A_628 : vector<16xf32>
      %swap3A_630 = arith.index_cast %scan3A_106 : i32 to index
      %swap3A_631 = arith.constant 512 : index
      %swap3A_632 = tpu.vector_load %arg8[%swap3A_630, %swap3A_631] {strides = array<i32>} : memref<16x768xf32, #tpu.memory_space<vmem>>, vector<16xf32>,
      tpu.vector_store %arg8[%swap3A_630, %swap3A_631], %add3A_629 {strides = array<i32>} : memref<16x768xf32, #tpu.memory_space<vmem>>, vector<16xf32>,
      %mul3A_633 = arith.constant 2 : i32
      %mul3A_634 = arith.muli %mul3A_633, %scan3A_106 : i32
      %get3A_635 = arith.index_cast %mul3A_634 : i32 to index
      %get3A_636 = arith.constant 528 : index
      %get3A_637 = tpu.vector_load %arg6[%get3A_635, %get3A_636] {strides = array<i32>} : memref<32x768xf32, #tpu.memory_space<vmem>>, vector<16xf32>,
      %mul3A_638 = arith.constant 2 : i32
      %mul3A_639 = arith.muli %mul3A_638, %scan3A_106 : i32
      %add3A_640 = arith.constant 1 : i32
      %add3A_641 = arith.addi %mul3A_639, %add3A_640 : i32
      %get3A_642 = arith.index_cast %add3A_641 : i32 to index
      %get3A_643 = arith.constant 528 : index
      %get3A_644 = tpu.vector_load %arg6[%get3A_642, %get3A_643] {strides = array<i32>} : memref<32x768xf32, #tpu.memory_space<vmem>>, vector<16xf32>,
      %add3A_645 = arith.addf %get3A_637, %get3A_644 : vector<16xf32>
      %swap3A_646 = arith.index_cast %scan3A_106 : i32 to index
      %swap3A_647 = arith.constant 528 : index
      %swap3A_648 = tpu.vector_load %arg8[%swap3A_646, %swap3A_647] {strides = array<i32>} : memref<16x768xf32, #tpu.memory_space<vmem>>, vector<16xf32>,
      tpu.vector_store %arg8[%swap3A_646, %swap3A_647], %add3A_645 {strides = array<i32>} : memref<16x768xf32, #tpu.memory_space<vmem>>, vector<16xf32>,
      %mul3A_649 = arith.constant 2 : i32
      %mul3A_650 = arith.muli %mul3A_649, %scan3A_106 : i32
      %get3A_651 = arith.index_cast %mul3A_650 : i32 to index
      %get3A_652 = arith.constant 544 : index
      %get3A_653 = tpu.vector_load %arg6[%get3A_651, %get3A_652] {strides = array<i32>} : memref<32x768xf32, #tpu.memory_space<vmem>>, vector<16xf32>,
      %mul3A_654 = arith.constant 2 : i32
      %mul3A_655 = arith.muli %mul3A_654, %scan3A_106 : i32
      %add3A_656 = arith.constant 1 : i32
      %add3A_657 = arith.addi %mul3A_655, %add3A_656 : i32
      %get3A_658 = arith.index_cast %add3A_657 : i32 to index
      %get3A_659 = arith.constant 544 : index
      %get3A_660 = tpu.vector_load %arg6[%get3A_658, %get3A_659] {strides = array<i32>} : memref<32x768xf32, #tpu.memory_space<vmem>>, vector<16xf32>,
      %add3A_661 = arith.addf %get3A_653, %get3A_660 : vector<16xf32>
      %swap3A_662 = arith.index_cast %scan3A_106 : i32 to index
      %swap3A_663 = arith.constant 544 : index
      %swap3A_664 = tpu.vector_load %arg8[%swap3A_662, %swap3A_663] {strides = array<i32>} : memref<16x768xf32, #tpu.memory_space<vmem>>, vector<16xf32>,
      tpu.vector_store %arg8[%swap3A_662, %swap3A_663], %add3A_661 {strides = array<i32>} : memref<16x768xf32, #tpu.memory_space<vmem>>, vector<16xf32>,
      %mul3A_665 = arith.constant 2 : i32
      %mul3A_666 = arith.muli %mul3A_665, %scan3A_106 : i32
      %get3A_667 = arith.index_cast %mul3A_666 : i32 to index
      %get3A_668 = arith.constant 560 : index
      %get3A_669 = tpu.vector_load %arg6[%get3A_667, %get3A_668] {strides = array<i32>} : memref<32x768xf32, #tpu.memory_space<vmem>>, vector<16xf32>,
      %mul3A_670 = arith.constant 2 : i32
      %mul3A_671 = arith.muli %mul3A_670, %scan3A_106 : i32
      %add3A_672 = arith.constant 1 : i32
      %add3A_673 = arith.addi %mul3A_671, %add3A_672 : i32
      %get3A_674 = arith.index_cast %add3A_673 : i32 to index
      %get3A_675 = arith.constant 560 : index
      %get3A_676 = tpu.vector_load %arg6[%get3A_674, %get3A_675] {strides = array<i32>} : memref<32x768xf32, #tpu.memory_space<vmem>>, vector<16xf32>,
      %add3A_677 = arith.addf %get3A_669, %get3A_676 : vector<16xf32>
      %swap3A_678 = arith.index_cast %scan3A_106 : i32 to index
      %swap3A_679 = arith.constant 560 : index
      %swap3A_680 = tpu.vector_load %arg8[%swap3A_678, %swap3A_679] {strides = array<i32>} : memref<16x768xf32, #tpu.memory_space<vmem>>, vector<16xf32>,
      tpu.vector_store %arg8[%swap3A_678, %swap3A_679], %add3A_677 {strides = array<i32>} : memref<16x768xf32, #tpu.memory_space<vmem>>, vector<16xf32>,
      %mul3A_681 = arith.constant 2 : i32
      %mul3A_682 = arith.muli %mul3A_681, %scan3A_106 : i32
      %get3A_683 = arith.index_cast %mul3A_682 : i32 to index
      %get3A_684 = arith.constant 576 : index
      %get3A_685 = tpu.vector_load %arg6[%get3A_683, %get3A_684] {strides = array<i32>} : memref<32x768xf32, #tpu.memory_space<vmem>>, vector<16xf32>,
      %mul3A_686 = arith.constant 2 : i32
      %mul3A_687 = arith.muli %mul3A_686, %scan3A_106 : i32
      %add3A_688 = arith.constant 1 : i32
      %add3A_689 = arith.addi %mul3A_687, %add3A_688 : i32
      %get3A_690 = arith.index_cast %add3A_689 : i32 to index
      %get3A_691 = arith.constant 576 : index
      %get3A_692 = tpu.vector_load %arg6[%get3A_690, %get3A_691] {strides = array<i32>} : memref<32x768xf32, #tpu.memory_space<vmem>>, vector<16xf32>,
      %add3A_693 = arith.addf %get3A_685, %get3A_692 : vector<16xf32>
      %swap3A_694 = arith.index_cast %scan3A_106 : i32 to index
      %swap3A_695 = arith.constant 576 : index
      %swap3A_696 = tpu.vector_load %arg8[%swap3A_694, %swap3A_695] {strides = array<i32>} : memref<16x768xf32, #tpu.memory_space<vmem>>, vector<16xf32>,
      tpu.vector_store %arg8[%swap3A_694, %swap3A_695], %add3A_693 {strides = array<i32>} : memref<16x768xf32, #tpu.memory_space<vmem>>, vector<16xf32>,
      %mul3A_697 = arith.constant 2 : i32
      %mul3A_698 = arith.muli %mul3A_697, %scan3A_106 : i32
      %get3A_699 = arith.index_cast %mul3A_698 : i32 to index
      %get3A_700 = arith.constant 592 : index
      %get3A_701 = tpu.vector_load %arg6[%get3A_699, %get3A_700] {strides = array<i32>} : memref<32x768xf32, #tpu.memory_space<vmem>>, vector<16xf32>,
      %mul3A_702 = arith.constant 2 : i32
      %mul3A_703 = arith.muli %mul3A_702, %scan3A_106 : i32
      %add3A_704 = arith.constant 1 : i32
      %add3A_705 = arith.addi %mul3A_703, %add3A_704 : i32
      %get3A_706 = arith.index_cast %add3A_705 : i32 to index
      %get3A_707 = arith.constant 592 : index
      %get3A_708 = tpu.vector_load %arg6[%get3A_706, %get3A_707] {strides = array<i32>} : memref<32x768xf32, #tpu.memory_space<vmem>>, vector<16xf32>,
      %add3A_709 = arith.addf %get3A_701, %get3A_708 : vector<16xf32>
      %swap3A_710 = arith.index_cast %scan3A_106 : i32 to index
      %swap3A_711 = arith.constant 592 : index
      %swap3A_712 = tpu.vector_load %arg8[%swap3A_710, %swap3A_711] {strides = array<i32>} : memref<16x768xf32, #tpu.memory_space<vmem>>, vector<16xf32>,
      tpu.vector_store %arg8[%swap3A_710, %swap3A_711], %add3A_709 {strides = array<i32>} : memref<16x768xf32, #tpu.memory_space<vmem>>, vector<16xf32>,
      %mul3A_713 = arith.constant 2 : i32
      %mul3A_714 = arith.muli %mul3A_713, %scan3A_106 : i32
      %get3A_715 = arith.index_cast %mul3A_714 : i32 to index
      %get3A_716 = arith.constant 608 : index
      %get3A_717 = tpu.vector_load %arg6[%get3A_715, %get3A_716] {strides = array<i32>} : memref<32x768xf32, #tpu.memory_space<vmem>>, vector<16xf32>,
      %mul3A_718 = arith.constant 2 : i32
      %mul3A_719 = arith.muli %mul3A_718, %scan3A_106 : i32
      %add3A_720 = arith.constant 1 : i32
      %add3A_721 = arith.addi %mul3A_719, %add3A_720 : i32
      %get3A_722 = arith.index_cast %add3A_721 : i32 to index
      %get3A_723 = arith.constant 608 : index
      %get3A_724 = tpu.vector_load %arg6[%get3A_722, %get3A_723] {strides = array<i32>} : memref<32x768xf32, #tpu.memory_space<vmem>>, vector<16xf32>,
      %add3A_725 = arith.addf %get3A_717, %get3A_724 : vector<16xf32>
      %swap3A_726 = arith.index_cast %scan3A_106 : i32 to index
      %swap3A_727 = arith.constant 608 : index
      %swap3A_728 = tpu.vector_load %arg8[%swap3A_726, %swap3A_727] {strides = array<i32>} : memref<16x768xf32, #tpu.memory_space<vmem>>, vector<16xf32>,
      tpu.vector_store %arg8[%swap3A_726, %swap3A_727], %add3A_725 {strides = array<i32>} : memref<16x768xf32, #tpu.memory_space<vmem>>, vector<16xf32>,
      %mul3A_729 = arith.constant 2 : i32
      %mul3A_730 = arith.muli %mul3A_729, %scan3A_106 : i32
      %get3A_731 = arith.index_cast %mul3A_730 : i32 to index
      %get3A_732 = arith.constant 624 : index
      %get3A_733 = tpu.vector_load %arg6[%get3A_731, %get3A_732] {strides = array<i32>} : memref<32x768xf32, #tpu.memory_space<vmem>>, vector<16xf32>,
      %mul3A_734 = arith.constant 2 : i32
      %mul3A_735 = arith.muli %mul3A_734, %scan3A_106 : i32
      %add3A_736 = arith.constant 1 : i32
      %add3A_737 = arith.addi %mul3A_735, %add3A_736 : i32
      %get3A_738 = arith.index_cast %add3A_737 : i32 to index
      %get3A_739 = arith.constant 624 : index
      %get3A_740 = tpu.vector_load %arg6[%get3A_738, %get3A_739] {strides = array<i32>} : memref<32x768xf32, #tpu.memory_space<vmem>>, vector<16xf32>,
      %add3A_741 = arith.addf %get3A_733, %get3A_740 : vector<16xf32>
      %swap3A_742 = arith.index_cast %scan3A_106 : i32 to index
      %swap3A_743 = arith.constant 624 : index
      %swap3A_744 = tpu.vector_load %arg8[%swap3A_742, %swap3A_743] {strides = array<i32>} : memref<16x768xf32, #tpu.memory_space<vmem>>, vector<16xf32>,
      tpu.vector_store %arg8[%swap3A_742, %swap3A_743], %add3A_741 {strides = array<i32>} : memref<16x768xf32, #tpu.memory_space<vmem>>, vector<16xf32>,
      %mul3A_745 = arith.constant 2 : i32
      %mul3A_746 = arith.muli %mul3A_745, %scan3A_106 : i32
      %get3A_747 = arith.index_cast %mul3A_746 : i32 to index
      %get3A_748 = arith.constant 640 : index
      %get3A_749 = tpu.vector_load %arg6[%get3A_747, %get3A_748] {strides = array<i32>} : memref<32x768xf32, #tpu.memory_space<vmem>>, vector<16xf32>,
      %mul3A_750 = arith.constant 2 : i32
      %mul3A_751 = arith.muli %mul3A_750, %scan3A_106 : i32
      %add3A_752 = arith.constant 1 : i32
      %add3A_753 = arith.addi %mul3A_751, %add3A_752 : i32
      %get3A_754 = arith.index_cast %add3A_753 : i32 to index
      %get3A_755 = arith.constant 640 : index
      %get3A_756 = tpu.vector_load %arg6[%get3A_754, %get3A_755] {strides = array<i32>} : memref<32x768xf32, #tpu.memory_space<vmem>>, vector<16xf32>,
      %add3A_757 = arith.addf %get3A_749, %get3A_756 : vector<16xf32>
      %swap3A_758 = arith.index_cast %scan3A_106 : i32 to index
      %swap3A_759 = arith.constant 640 : index
      %swap3A_760 = tpu.vector_load %arg8[%swap3A_758, %swap3A_759] {strides = array<i32>} : memref<16x768xf32, #tpu.memory_space<vmem>>, vector<16xf32>,
      tpu.vector_store %arg8[%swap3A_758, %swap3A_759], %add3A_757 {strides = array<i32>} : memref<16x768xf32, #tpu.memory_space<vmem>>, vector<16xf32>,
      %mul3A_761 = arith.constant 2 : i32
      %mul3A_762 = arith.muli %mul3A_761, %scan3A_106 : i32
      %get3A_763 = arith.index_cast %mul3A_762 : i32 to index
      %get3A_764 = arith.constant 656 : index
      %get3A_765 = tpu.vector_load %arg6[%get3A_763, %get3A_764] {strides = array<i32>} : memref<32x768xf32, #tpu.memory_space<vmem>>, vector<16xf32>,
      %mul3A_766 = arith.constant 2 : i32
      %mul3A_767 = arith.muli %mul3A_766, %scan3A_106 : i32
      %add3A_768 = arith.constant 1 : i32
      %add3A_769 = arith.addi %mul3A_767, %add3A_768 : i32
      %get3A_770 = arith.index_cast %add3A_769 : i32 to index
      %get3A_771 = arith.constant 656 : index
      %get3A_772 = tpu.vector_load %arg6[%get3A_770, %get3A_771] {strides = array<i32>} : memref<32x768xf32, #tpu.memory_space<vmem>>, vector<16xf32>,
      %add3A_773 = arith.addf %get3A_765, %get3A_772 : vector<16xf32>
      %swap3A_774 = arith.index_cast %scan3A_106 : i32 to index
      %swap3A_775 = arith.constant 656 : index
      %swap3A_776 = tpu.vector_load %arg8[%swap3A_774, %swap3A_775] {strides = array<i32>} : memref<16x768xf32, #tpu.memory_space<vmem>>, vector<16xf32>,
      tpu.vector_store %arg8[%swap3A_774, %swap3A_775], %add3A_773 {strides = array<i32>} : memref<16x768xf32, #tpu.memory_space<vmem>>, vector<16xf32>,
      %mul3A_777 = arith.constant 2 : i32
      %mul3A_778 = arith.muli %mul3A_777, %scan3A_106 : i32
      %get3A_779 = arith.index_cast %mul3A_778 : i32 to index
      %get3A_780 = arith.constant 672 : index
      %get3A_781 = tpu.vector_load %arg6[%get3A_779, %get3A_780] {strides = array<i32>} : memref<32x768xf32, #tpu.memory_space<vmem>>, vector<16xf32>,
      %mul3A_782 = arith.constant 2 : i32
      %mul3A_783 = arith.muli %mul3A_782, %scan3A_106 : i32
      %add3A_784 = arith.constant 1 : i32
      %add3A_785 = arith.addi %mul3A_783, %add3A_784 : i32
      %get3A_786 = arith.index_cast %add3A_785 : i32 to index
      %get3A_787 = arith.constant 672 : index
      %get3A_788 = tpu.vector_load %arg6[%get3A_786, %get3A_787] {strides = array<i32>} : memref<32x768xf32, #tpu.memory_space<vmem>>, vector<16xf32>,
      %add3A_789 = arith.addf %get3A_781, %get3A_788 : vector<16xf32>
      %swap3A_790 = arith.index_cast %scan3A_106 : i32 to index
      %swap3A_791 = arith.constant 672 : index
      %swap3A_792 = tpu.vector_load %arg8[%swap3A_790, %swap3A_791] {strides = array<i32>} : memref<16x768xf32, #tpu.memory_space<vmem>>, vector<16xf32>,
      tpu.vector_store %arg8[%swap3A_790, %swap3A_791], %add3A_789 {strides = array<i32>} : memref<16x768xf32, #tpu.memory_space<vmem>>, vector<16xf32>,
      %mul3A_793 = arith.constant 2 : i32
      %mul3A_794 = arith.muli %mul3A_793, %scan3A_106 : i32
      %get3A_795 = arith.index_cast %mul3A_794 : i32 to index
      %get3A_796 = arith.constant 688 : index
      %get3A_797 = tpu.vector_load %arg6[%get3A_795, %get3A_796] {strides = array<i32>} : memref<32x768xf32, #tpu.memory_space<vmem>>, vector<16xf32>,
      %mul3A_798 = arith.constant 2 : i32
      %mul3A_799 = arith.muli %mul3A_798, %scan3A_106 : i32
      %add3A_800 = arith.constant 1 : i32
      %add3A_801 = arith.addi %mul3A_799, %add3A_800 : i32
      %get3A_802 = arith.index_cast %add3A_801 : i32 to index
      %get3A_803 = arith.constant 688 : index
      %get3A_804 = tpu.vector_load %arg6[%get3A_802, %get3A_803] {strides = array<i32>} : memref<32x768xf32, #tpu.memory_space<vmem>>, vector<16xf32>,
      %add3A_805 = arith.addf %get3A_797, %get3A_804 : vector<16xf32>
      %swap3A_806 = arith.index_cast %scan3A_106 : i32 to index
      %swap3A_807 = arith.constant 688 : index
      %swap3A_808 = tpu.vector_load %arg8[%swap3A_806, %swap3A_807] {strides = array<i32>} : memref<16x768xf32, #tpu.memory_space<vmem>>, vector<16xf32>,
      tpu.vector_store %arg8[%swap3A_806, %swap3A_807], %add3A_805 {strides = array<i32>} : memref<16x768xf32, #tpu.memory_space<vmem>>, vector<16xf32>,
      %mul3A_809 = arith.constant 2 : i32
      %mul3A_810 = arith.muli %mul3A_809, %scan3A_106 : i32
      %get3A_811 = arith.index_cast %mul3A_810 : i32 to index
      %get3A_812 = arith.constant 704 : index
      %get3A_813 = tpu.vector_load %arg6[%get3A_811, %get3A_812] {strides = array<i32>} : memref<32x768xf32, #tpu.memory_space<vmem>>, vector<16xf32>,
      %mul3A_814 = arith.constant 2 : i32
      %mul3A_815 = arith.muli %mul3A_814, %scan3A_106 : i32
      %add3A_816 = arith.constant 1 : i32
      %add3A_817 = arith.addi %mul3A_815, %add3A_816 : i32
      %get3A_818 = arith.index_cast %add3A_817 : i32 to index
      %get3A_819 = arith.constant 704 : index
      %get3A_820 = tpu.vector_load %arg6[%get3A_818, %get3A_819] {strides = array<i32>} : memref<32x768xf32, #tpu.memory_space<vmem>>, vector<16xf32>,
      %add3A_821 = arith.addf %get3A_813, %get3A_820 : vector<16xf32>
      %swap3A_822 = arith.index_cast %scan3A_106 : i32 to index
      %swap3A_823 = arith.constant 704 : index
      %swap3A_824 = tpu.vector_load %arg8[%swap3A_822, %swap3A_823] {strides = array<i32>} : memref<16x768xf32, #tpu.memory_space<vmem>>, vector<16xf32>,
      tpu.vector_store %arg8[%swap3A_822, %swap3A_823], %add3A_821 {strides = array<i32>} : memref<16x768xf32, #tpu.memory_space<vmem>>, vector<16xf32>,
      %mul3A_825 = arith.constant 2 : i32
      %mul3A_826 = arith.muli %mul3A_825, %scan3A_106 : i32
      %get3A_827 = arith.index_cast %mul3A_826 : i32 to index
      %get3A_828 = arith.constant 720 : index
      %get3A_829 = tpu.vector_load %arg6[%get3A_827, %get3A_828] {strides = array<i32>} : memref<32x768xf32, #tpu.memory_space<vmem>>, vector<16xf32>,
      %mul3A_830 = arith.constant 2 : i32
      %mul3A_831 = arith.muli %mul3A_830, %scan3A_106 : i32
      %add3A_832 = arith.constant 1 : i32
      %add3A_833 = arith.addi %mul3A_831, %add3A_832 : i32
      %get3A_834 = arith.index_cast %add3A_833 : i32 to index
      %get3A_835 = arith.constant 720 : index
      %get3A_836 = tpu.vector_load %arg6[%get3A_834, %get3A_835] {strides = array<i32>} : memref<32x768xf32, #tpu.memory_space<vmem>>, vector<16xf32>,
      %add3A_837 = arith.addf %get3A_829, %get3A_836 : vector<16xf32>
      %swap3A_838 = arith.index_cast %scan3A_106 : i32 to index
      %swap3A_839 = arith.constant 720 : index
      %swap3A_840 = tpu.vector_load %arg8[%swap3A_838, %swap3A_839] {strides = array<i32>} : memref<16x768xf32, #tpu.memory_space<vmem>>, vector<16xf32>,
      tpu.vector_store %arg8[%swap3A_838, %swap3A_839], %add3A_837 {strides = array<i32>} : memref<16x768xf32, #tpu.memory_space<vmem>>, vector<16xf32>,
      %mul3A_841 = arith.constant 2 : i32
      %mul3A_842 = arith.muli %mul3A_841, %scan3A_106 : i32
      %get3A_843 = arith.index_cast %mul3A_842 : i32 to index
      %get3A_844 = arith.constant 736 : index
      %get3A_845 = tpu.vector_load %arg6[%get3A_843, %get3A_844] {strides = array<i32>} : memref<32x768xf32, #tpu.memory_space<vmem>>, vector<16xf32>,
      %mul3A_846 = arith.constant 2 : i32
      %mul3A_847 = arith.muli %mul3A_846, %scan3A_106 : i32
      %add3A_848 = arith.constant 1 : i32
      %add3A_849 = arith.addi %mul3A_847, %add3A_848 : i32
      %get3A_850 = arith.index_cast %add3A_849 : i32 to index
      %get3A_851 = arith.constant 736 : index
      %get3A_852 = tpu.vector_load %arg6[%get3A_850, %get3A_851] {strides = array<i32>} : memref<32x768xf32, #tpu.memory_space<vmem>>, vector<16xf32>,
      %add3A_853 = arith.addf %get3A_845, %get3A_852 : vector<16xf32>
      %swap3A_854 = arith.index_cast %scan3A_106 : i32 to index
      %swap3A_855 = arith.constant 736 : index
      %swap3A_856 = tpu.vector_load %arg8[%swap3A_854, %swap3A_855] {strides = array<i32>} : memref<16x768xf32, #tpu.memory_space<vmem>>, vector<16xf32>,
      tpu.vector_store %arg8[%swap3A_854, %swap3A_855], %add3A_853 {strides = array<i32>} : memref<16x768xf32, #tpu.memory_space<vmem>>, vector<16xf32>,
      %mul3A_857 = arith.constant 2 : i32
      %mul3A_858 = arith.muli %mul3A_857, %scan3A_106 : i32
      %get3A_859 = arith.index_cast %mul3A_858 : i32 to index
      %get3A_860 = arith.constant 752 : index
      %get3A_861 = tpu.vector_load %arg6[%get3A_859, %get3A_860] {strides = array<i32>} : memref<32x768xf32, #tpu.memory_space<vmem>>, vector<16xf32>,
      %mul3A_862 = arith.constant 2 : i32
      %mul3A_863 = arith.muli %mul3A_862, %scan3A_106 : i32
      %add3A_864 = arith.constant 1 : i32
      %add3A_865 = arith.addi %mul3A_863, %add3A_864 : i32
      %get3A_866 = arith.index_cast %add3A_865 : i32 to index
      %get3A_867 = arith.constant 752 : index
      %get3A_868 = tpu.vector_load %arg6[%get3A_866, %get3A_867] {strides = array<i32>} : memref<32x768xf32, #tpu.memory_space<vmem>>, vector<16xf32>,
      %add3A_869 = arith.addf %get3A_861, %get3A_868 : vector<16xf32>
      %swap3A_870 = arith.index_cast %scan3A_106 : i32 to index
      %swap3A_871 = arith.constant 752 : index
      %swap3A_872 = tpu.vector_load %arg8[%swap3A_870, %swap3A_871] {strides = array<i32>} : memref<16x768xf32, #tpu.memory_space<vmem>>, vector<16xf32>,
      tpu.vector_store %arg8[%swap3A_870, %swap3A_871], %add3A_869 {strides = array<i32>} : memref<16x768xf32, #tpu.memory_space<vmem>>, vector<16xf32>,
    }
    %scan3A_70 = arith.constant 16 : i32
    %add3A_71 = arith.constant 32 : i32
    %add3A_72 = arith.addi %mul3A_2, %add3A_71 : i32
    %dma_start3A_73 = arith.constant 0 : i32
    %dma_start3A_74 = tpu.memref_slice %arg4[%add3A_72, %dma_start3A_73] : memref<2048x768xf32, #tpu.memory_space<hbm>> -> memref<16x768xf32, #tpu.memory_space<hbm>>
    %dma_start3A_75 = arith.constant 0 : i32
    %dma_start3A_76 = tpu.memref_slice %arg4[%add3A_72, %dma_start3A_75] : memref<2048x768xf32, #tpu.memory_space<hbm>> -> memref<16x768xf32, #tpu.memory_space<hbm>>
    tpu.enqueue_dma source(%arg8 : memref<16x768xf32, #tpu.memory_space<vmem>>) target(%dma_start3A_76 : memref<16x768xf32, #tpu.memory_space<hbm>>) target_semaphore(%arg12 : memref<!tpu.dma_semaphore, #tpu.memory_space<semaphore_mem>>)
    %dma_wait3A_77 = arith.constant 96 : i32
    %dma_wait3A_78 = tpu.memref_slice %arg5[%dma_wait3A_77] : memref<128xi32, #tpu.memory_space<vmem>> -> memref<32xi32, #tpu.memory_space<vmem>>
    %dma_wait3A_79 = arith.constant 0 : i32
    %dma_wait3A_80 = arith.constant 0 : i32
    %dma_wait3A_81 = tpu.memref_slice %arg2[%dma_wait3A_79, %dma_wait3A_80] : memref<6144x768xf32, #tpu.memory_space<hbm>> -> memref<6144x768xf32, #tpu.memory_space<hbm>>
    tpu.wait_indirect_dma semaphore(%arg11 : memref<!tpu.dma_semaphore, #tpu.memory_space<semaphore_mem>>) src(%dma_wait3A_81 : memref<6144x768xf32, #tpu.memory_space<hbm>>) dst(%arg7 : memref<32x768xf32, #tpu.memory_space<vmem>>)
    %dma_wait3A_82 = arith.constant 0 : i32
    %dma_wait3A_83 = tpu.memref_slice %arg4[%add3A_51, %dma_wait3A_82] : memref<2048x768xf32, #tpu.memory_space<hbm>> -> memref<16x768xf32, #tpu.memory_space<hbm>>
    %dma_wait3A_84 = arith.constant 0 : i32
    %dma_wait3A_85 = tpu.memref_slice %arg4[%add3A_51, %dma_wait3A_84] : memref<2048x768xf32, #tpu.memory_space<hbm>> -> memref<16x768xf32, #tpu.memory_space<hbm>>
    tpu.wait_dma2 semaphore(%arg13 : memref<!tpu.dma_semaphore, #tpu.memory_space<semaphore_mem>>) src(%arg9 : memref<16x768xf32, #tpu.memory_space<vmem>>) dst(%dma_wait3A_85 : memref<16x768xf32, #tpu.memory_space<hbm>>)
    %scan3A_86 = arith.constant 0 : i32
    %scan3A_87 = arith.constant 0 : i32
    %scan3A_88 = arith.constant 16 : i32
    %scan3A_89 = arith.addi %scan3A_87, %scan3A_88 : i32
    %scan3A_90 = arith.constant 1 : i32
    scf.for %scan3A_106 = %scan3A_87 to %scan3A_89 step %scan3A_90  : i32 {
      %mul3A_107 = arith.constant 2 : i32
      %mul3A_108 = arith.muli %mul3A_107, %scan3A_106 : i32
      %get3A = arith.index_cast %mul3A_108 : i32 to index
      %get3A_109 = arith.constant 0 : index
      %get3A_110 = tpu.vector_load %arg7[%get3A, %get3A_109] {strides = array<i32>} : memref<32x768xf32, #tpu.memory_space<vmem>>, vector<16xf32>,
      %mul3A_111 = arith.constant 2 : i32
      %mul3A_112 = arith.muli %mul3A_111, %scan3A_106 : i32
      %add3A_113 = arith.constant 1 : i32
      %add3A_114 = arith.addi %mul3A_112, %add3A_113 : i32
      %get3A_115 = arith.index_cast %add3A_114 : i32 to index
      %get3A_116 = arith.constant 0 : index
      %get3A_117 = tpu.vector_load %arg7[%get3A_115, %get3A_116] {strides = array<i32>} : memref<32x768xf32, #tpu.memory_space<vmem>>, vector<16xf32>,
      %add3A_118 = arith.addf %get3A_110, %get3A_117 : vector<16xf32>
      %swap3A = arith.index_cast %scan3A_106 : i32 to index
      %swap3A_119 = arith.constant 0 : index
      %swap3A_120 = tpu.vector_load %arg9[%swap3A, %swap3A_119] {strides = array<i32>} : memref<16x768xf32, #tpu.memory_space<vmem>>, vector<16xf32>,
      tpu.vector_store %arg9[%swap3A, %swap3A_119], %add3A_118 {strides = array<i32>} : memref<16x768xf32, #tpu.memory_space<vmem>>, vector<16xf32>,
      %mul3A_121 = arith.constant 2 : i32
      %mul3A_122 = arith.muli %mul3A_121, %scan3A_106 : i32
      %get3A_123 = arith.index_cast %mul3A_122 : i32 to index
      %get3A_124 = arith.constant 16 : index
      %get3A_125 = tpu.vector_load %arg7[%get3A_123, %get3A_124] {strides = array<i32>} : memref<32x768xf32, #tpu.memory_space<vmem>>, vector<16xf32>,
      %mul3A_126 = arith.constant 2 : i32
      %mul3A_127 = arith.muli %mul3A_126, %scan3A_106 : i32
      %add3A_128 = arith.constant 1 : i32
      %add3A_129 = arith.addi %mul3A_127, %add3A_128 : i32
      %get3A_130 = arith.index_cast %add3A_129 : i32 to index
      %get3A_131 = arith.constant 16 : index
      %get3A_132 = tpu.vector_load %arg7[%get3A_130, %get3A_131] {strides = array<i32>} : memref<32x768xf32, #tpu.memory_space<vmem>>, vector<16xf32>,
      %add3A_133 = arith.addf %get3A_125, %get3A_132 : vector<16xf32>
      %swap3A_134 = arith.index_cast %scan3A_106 : i32 to index
      %swap3A_135 = arith.constant 16 : index
      %swap3A_136 = tpu.vector_load %arg9[%swap3A_134, %swap3A_135] {strides = array<i32>} : memref<16x768xf32, #tpu.memory_space<vmem>>, vector<16xf32>,
      tpu.vector_store %arg9[%swap3A_134, %swap3A_135], %add3A_133 {strides = array<i32>} : memref<16x768xf32, #tpu.memory_space<vmem>>, vector<16xf32>,
      %mul3A_137 = arith.constant 2 : i32
      %mul3A_138 = arith.muli %mul3A_137, %scan3A_106 : i32
      %get3A_139 = arith.index_cast %mul3A_138 : i32 to index
      %get3A_140 = arith.constant 32 : index
      %get3A_141 = tpu.vector_load %arg7[%get3A_139, %get3A_140] {strides = array<i32>} : memref<32x768xf32, #tpu.memory_space<vmem>>, vector<16xf32>,
      %mul3A_142 = arith.constant 2 : i32
      %mul3A_143 = arith.muli %mul3A_142, %scan3A_106 : i32
      %add3A_144 = arith.constant 1 : i32
      %add3A_145 = arith.addi %mul3A_143, %add3A_144 : i32
      %get3A_146 = arith.index_cast %add3A_145 : i32 to index
      %get3A_147 = arith.constant 32 : index
      %get3A_148 = tpu.vector_load %arg7[%get3A_146, %get3A_147] {strides = array<i32>} : memref<32x768xf32, #tpu.memory_space<vmem>>, vector<16xf32>,
      %add3A_149 = arith.addf %get3A_141, %get3A_148 : vector<16xf32>
      %swap3A_150 = arith.index_cast %scan3A_106 : i32 to index
      %swap3A_151 = arith.constant 32 : index
      %swap3A_152 = tpu.vector_load %arg9[%swap3A_150, %swap3A_151] {strides = array<i32>} : memref<16x768xf32, #tpu.memory_space<vmem>>, vector<16xf32>,
      tpu.vector_store %arg9[%swap3A_150, %swap3A_151], %add3A_149 {strides = array<i32>} : memref<16x768xf32, #tpu.memory_space<vmem>>, vector<16xf32>,
      %mul3A_153 = arith.constant 2 : i32
      %mul3A_154 = arith.muli %mul3A_153, %scan3A_106 : i32
      %get3A_155 = arith.index_cast %mul3A_154 : i32 to index
      %get3A_156 = arith.constant 48 : index
      %get3A_157 = tpu.vector_load %arg7[%get3A_155, %get3A_156] {strides = array<i32>} : memref<32x768xf32, #tpu.memory_space<vmem>>, vector<16xf32>,
      %mul3A_158 = arith.constant 2 : i32
      %mul3A_159 = arith.muli %mul3A_158, %scan3A_106 : i32
      %add3A_160 = arith.constant 1 : i32
      %add3A_161 = arith.addi %mul3A_159, %add3A_160 : i32
      %get3A_162 = arith.index_cast %add3A_161 : i32 to index
      %get3A_163 = arith.constant 48 : index
      %get3A_164 = tpu.vector_load %arg7[%get3A_162, %get3A_163] {strides = array<i32>} : memref<32x768xf32, #tpu.memory_space<vmem>>, vector<16xf32>,
      %add3A_165 = arith.addf %get3A_157, %get3A_164 : vector<16xf32>
      %swap3A_166 = arith.index_cast %scan3A_106 : i32 to index
      %swap3A_167 = arith.constant 48 : index
      %swap3A_168 = tpu.vector_load %arg9[%swap3A_166, %swap3A_167] {strides = array<i32>} : memref<16x768xf32, #tpu.memory_space<vmem>>, vector<16xf32>,
      tpu.vector_store %arg9[%swap3A_166, %swap3A_167], %add3A_165 {strides = array<i32>} : memref<16x768xf32, #tpu.memory_space<vmem>>, vector<16xf32>,
      %mul3A_169 = arith.constant 2 : i32
      %mul3A_170 = arith.muli %mul3A_169, %scan3A_106 : i32
      %get3A_171 = arith.index_cast %mul3A_170 : i32 to index
      %get3A_172 = arith.constant 64 : index
      %get3A_173 = tpu.vector_load %arg7[%get3A_171, %get3A_172] {strides = array<i32>} : memref<32x768xf32, #tpu.memory_space<vmem>>, vector<16xf32>,
      %mul3A_174 = arith.constant 2 : i32
      %mul3A_175 = arith.muli %mul3A_174, %scan3A_106 : i32
      %add3A_176 = arith.constant 1 : i32
      %add3A_177 = arith.addi %mul3A_175, %add3A_176 : i32
      %get3A_178 = arith.index_cast %add3A_177 : i32 to index
      %get3A_179 = arith.constant 64 : index
      %get3A_180 = tpu.vector_load %arg7[%get3A_178, %get3A_179] {strides = array<i32>} : memref<32x768xf32, #tpu.memory_space<vmem>>, vector<16xf32>,
      %add3A_181 = arith.addf %get3A_173, %get3A_180 : vector<16xf32>
      %swap3A_182 = arith.index_cast %scan3A_106 : i32 to index
      %swap3A_183 = arith.constant 64 : index
      %swap3A_184 = tpu.vector_load %arg9[%swap3A_182, %swap3A_183] {strides = array<i32>} : memref<16x768xf32, #tpu.memory_space<vmem>>, vector<16xf32>,
      tpu.vector_store %arg9[%swap3A_182, %swap3A_183], %add3A_181 {strides = array<i32>} : memref<16x768xf32, #tpu.memory_space<vmem>>, vector<16xf32>,
      %mul3A_185 = arith.constant 2 : i32
      %mul3A_186 = arith.muli %mul3A_185, %scan3A_106 : i32
      %get3A_187 = arith.index_cast %mul3A_186 : i32 to index
      %get3A_188 = arith.constant 80 : index
      %get3A_189 = tpu.vector_load %arg7[%get3A_187, %get3A_188] {strides = array<i32>} : memref<32x768xf32, #tpu.memory_space<vmem>>, vector<16xf32>,
      %mul3A_190 = arith.constant 2 : i32
      %mul3A_191 = arith.muli %mul3A_190, %scan3A_106 : i32
      %add3A_192 = arith.constant 1 : i32
      %add3A_193 = arith.addi %mul3A_191, %add3A_192 : i32
      %get3A_194 = arith.index_cast %add3A_193 : i32 to index
      %get3A_195 = arith.constant 80 : index
      %get3A_196 = tpu.vector_load %arg7[%get3A_194, %get3A_195] {strides = array<i32>} : memref<32x768xf32, #tpu.memory_space<vmem>>, vector<16xf32>,
      %add3A_197 = arith.addf %get3A_189, %get3A_196 : vector<16xf32>
      %swap3A_198 = arith.index_cast %scan3A_106 : i32 to index
      %swap3A_199 = arith.constant 80 : index
      %swap3A_200 = tpu.vector_load %arg9[%swap3A_198, %swap3A_199] {strides = array<i32>} : memref<16x768xf32, #tpu.memory_space<vmem>>, vector<16xf32>,
      tpu.vector_store %arg9[%swap3A_198, %swap3A_199], %add3A_197 {strides = array<i32>} : memref<16x768xf32, #tpu.memory_space<vmem>>, vector<16xf32>,
      %mul3A_201 = arith.constant 2 : i32
      %mul3A_202 = arith.muli %mul3A_201, %scan3A_106 : i32
      %get3A_203 = arith.index_cast %mul3A_202 : i32 to index
      %get3A_204 = arith.constant 96 : index
      %get3A_205 = tpu.vector_load %arg7[%get3A_203, %get3A_204] {strides = array<i32>} : memref<32x768xf32, #tpu.memory_space<vmem>>, vector<16xf32>,
      %mul3A_206 = arith.constant 2 : i32
      %mul3A_207 = arith.muli %mul3A_206, %scan3A_106 : i32
      %add3A_208 = arith.constant 1 : i32
      %add3A_209 = arith.addi %mul3A_207, %add3A_208 : i32
      %get3A_210 = arith.index_cast %add3A_209 : i32 to index
      %get3A_211 = arith.constant 96 : index
      %get3A_212 = tpu.vector_load %arg7[%get3A_210, %get3A_211] {strides = array<i32>} : memref<32x768xf32, #tpu.memory_space<vmem>>, vector<16xf32>,
      %add3A_213 = arith.addf %get3A_205, %get3A_212 : vector<16xf32>
      %swap3A_214 = arith.index_cast %scan3A_106 : i32 to index
      %swap3A_215 = arith.constant 96 : index
      %swap3A_216 = tpu.vector_load %arg9[%swap3A_214, %swap3A_215] {strides = array<i32>} : memref<16x768xf32, #tpu.memory_space<vmem>>, vector<16xf32>,
      tpu.vector_store %arg9[%swap3A_214, %swap3A_215], %add3A_213 {strides = array<i32>} : memref<16x768xf32, #tpu.memory_space<vmem>>, vector<16xf32>,
      %mul3A_217 = arith.constant 2 : i32
      %mul3A_218 = arith.muli %mul3A_217, %scan3A_106 : i32
      %get3A_219 = arith.index_cast %mul3A_218 : i32 to index
      %get3A_220 = arith.constant 112 : index
      %get3A_221 = tpu.vector_load %arg7[%get3A_219, %get3A_220] {strides = array<i32>} : memref<32x768xf32, #tpu.memory_space<vmem>>, vector<16xf32>,
      %mul3A_222 = arith.constant 2 : i32
      %mul3A_223 = arith.muli %mul3A_222, %scan3A_106 : i32
      %add3A_224 = arith.constant 1 : i32
      %add3A_225 = arith.addi %mul3A_223, %add3A_224 : i32
      %get3A_226 = arith.index_cast %add3A_225 : i32 to index
      %get3A_227 = arith.constant 112 : index
      %get3A_228 = tpu.vector_load %arg7[%get3A_226, %get3A_227] {strides = array<i32>} : memref<32x768xf32, #tpu.memory_space<vmem>>, vector<16xf32>,
      %add3A_229 = arith.addf %get3A_221, %get3A_228 : vector<16xf32>
      %swap3A_230 = arith.index_cast %scan3A_106 : i32 to index
      %swap3A_231 = arith.constant 112 : index
      %swap3A_232 = tpu.vector_load %arg9[%swap3A_230, %swap3A_231] {strides = array<i32>} : memref<16x768xf32, #tpu.memory_space<vmem>>, vector<16xf32>,
      tpu.vector_store %arg9[%swap3A_230, %swap3A_231], %add3A_229 {strides = array<i32>} : memref<16x768xf32, #tpu.memory_space<vmem>>, vector<16xf32>,
      %mul3A_233 = arith.constant 2 : i32
      %mul3A_234 = arith.muli %mul3A_233, %scan3A_106 : i32
      %get3A_235 = arith.index_cast %mul3A_234 : i32 to index
      %get3A_236 = arith.constant 128 : index
      %get3A_237 = tpu.vector_load %arg7[%get3A_235, %get3A_236] {strides = array<i32>} : memref<32x768xf32, #tpu.memory_space<vmem>>, vector<16xf32>,
      %mul3A_238 = arith.constant 2 : i32
      %mul3A_239 = arith.muli %mul3A_238, %scan3A_106 : i32
      %add3A_240 = arith.constant 1 : i32
      %add3A_241 = arith.addi %mul3A_239, %add3A_240 : i32
      %get3A_242 = arith.index_cast %add3A_241 : i32 to index
      %get3A_243 = arith.constant 128 : index
      %get3A_244 = tpu.vector_load %arg7[%get3A_242, %get3A_243] {strides = array<i32>} : memref<32x768xf32, #tpu.memory_space<vmem>>, vector<16xf32>,
      %add3A_245 = arith.addf %get3A_237, %get3A_244 : vector<16xf32>
      %swap3A_246 = arith.index_cast %scan3A_106 : i32 to index
      %swap3A_247 = arith.constant 128 : index
      %swap3A_248 = tpu.vector_load %arg9[%swap3A_246, %swap3A_247] {strides = array<i32>} : memref<16x768xf32, #tpu.memory_space<vmem>>, vector<16xf32>,
      tpu.vector_store %arg9[%swap3A_246, %swap3A_247], %add3A_245 {strides = array<i32>} : memref<16x768xf32, #tpu.memory_space<vmem>>, vector<16xf32>,
      %mul3A_249 = arith.constant 2 : i32
      %mul3A_250 = arith.muli %mul3A_249, %scan3A_106 : i32
      %get3A_251 = arith.index_cast %mul3A_250 : i32 to index
      %get3A_252 = arith.constant 144 : index
      %get3A_253 = tpu.vector_load %arg7[%get3A_251, %get3A_252] {strides = array<i32>} : memref<32x768xf32, #tpu.memory_space<vmem>>, vector<16xf32>,
      %mul3A_254 = arith.constant 2 : i32
      %mul3A_255 = arith.muli %mul3A_254, %scan3A_106 : i32
      %add3A_256 = arith.constant 1 : i32
      %add3A_257 = arith.addi %mul3A_255, %add3A_256 : i32
      %get3A_258 = arith.index_cast %add3A_257 : i32 to index
      %get3A_259 = arith.constant 144 : index
      %get3A_260 = tpu.vector_load %arg7[%get3A_258, %get3A_259] {strides = array<i32>} : memref<32x768xf32, #tpu.memory_space<vmem>>, vector<16xf32>,
      %add3A_261 = arith.addf %get3A_253, %get3A_260 : vector<16xf32>
      %swap3A_262 = arith.index_cast %scan3A_106 : i32 to index
      %swap3A_263 = arith.constant 144 : index
      %swap3A_264 = tpu.vector_load %arg9[%swap3A_262, %swap3A_263] {strides = array<i32>} : memref<16x768xf32, #tpu.memory_space<vmem>>, vector<16xf32>,
      tpu.vector_store %arg9[%swap3A_262, %swap3A_263], %add3A_261 {strides = array<i32>} : memref<16x768xf32, #tpu.memory_space<vmem>>, vector<16xf32>,
      %mul3A_265 = arith.constant 2 : i32
      %mul3A_266 = arith.muli %mul3A_265, %scan3A_106 : i32
      %get3A_267 = arith.index_cast %mul3A_266 : i32 to index
      %get3A_268 = arith.constant 160 : index
      %get3A_269 = tpu.vector_load %arg7[%get3A_267, %get3A_268] {strides = array<i32>} : memref<32x768xf32, #tpu.memory_space<vmem>>, vector<16xf32>,
      %mul3A_270 = arith.constant 2 : i32
      %mul3A_271 = arith.muli %mul3A_270, %scan3A_106 : i32
      %add3A_272 = arith.constant 1 : i32
      %add3A_273 = arith.addi %mul3A_271, %add3A_272 : i32
      %get3A_274 = arith.index_cast %add3A_273 : i32 to index
      %get3A_275 = arith.constant 160 : index
      %get3A_276 = tpu.vector_load %arg7[%get3A_274, %get3A_275] {strides = array<i32>} : memref<32x768xf32, #tpu.memory_space<vmem>>, vector<16xf32>,
      %add3A_277 = arith.addf %get3A_269, %get3A_276 : vector<16xf32>
      %swap3A_278 = arith.index_cast %scan3A_106 : i32 to index
      %swap3A_279 = arith.constant 160 : index
      %swap3A_280 = tpu.vector_load %arg9[%swap3A_278, %swap3A_279] {strides = array<i32>} : memref<16x768xf32, #tpu.memory_space<vmem>>, vector<16xf32>,
      tpu.vector_store %arg9[%swap3A_278, %swap3A_279], %add3A_277 {strides = array<i32>} : memref<16x768xf32, #tpu.memory_space<vmem>>, vector<16xf32>,
      %mul3A_281 = arith.constant 2 : i32
      %mul3A_282 = arith.muli %mul3A_281, %scan3A_106 : i32
      %get3A_283 = arith.index_cast %mul3A_282 : i32 to index
      %get3A_284 = arith.constant 176 : index
      %get3A_285 = tpu.vector_load %arg7[%get3A_283, %get3A_284] {strides = array<i32>} : memref<32x768xf32, #tpu.memory_space<vmem>>, vector<16xf32>,
      %mul3A_286 = arith.constant 2 : i32
      %mul3A_287 = arith.muli %mul3A_286, %scan3A_106 : i32
      %add3A_288 = arith.constant 1 : i32
      %add3A_289 = arith.addi %mul3A_287, %add3A_288 : i32
      %get3A_290 = arith.index_cast %add3A_289 : i32 to index
      %get3A_291 = arith.constant 176 : index
      %get3A_292 = tpu.vector_load %arg7[%get3A_290, %get3A_291] {strides = array<i32>} : memref<32x768xf32, #tpu.memory_space<vmem>>, vector<16xf32>,
      %add3A_293 = arith.addf %get3A_285, %get3A_292 : vector<16xf32>
      %swap3A_294 = arith.index_cast %scan3A_106 : i32 to index
      %swap3A_295 = arith.constant 176 : index
      %swap3A_296 = tpu.vector_load %arg9[%swap3A_294, %swap3A_295] {strides = array<i32>} : memref<16x768xf32, #tpu.memory_space<vmem>>, vector<16xf32>,
      tpu.vector_store %arg9[%swap3A_294, %swap3A_295], %add3A_293 {strides = array<i32>} : memref<16x768xf32, #tpu.memory_space<vmem>>, vector<16xf32>,
      %mul3A_297 = arith.constant 2 : i32
      %mul3A_298 = arith.muli %mul3A_297, %scan3A_106 : i32
      %get3A_299 = arith.index_cast %mul3A_298 : i32 to index
      %get3A_300 = arith.constant 192 : index
      %get3A_301 = tpu.vector_load %arg7[%get3A_299, %get3A_300] {strides = array<i32>} : memref<32x768xf32, #tpu.memory_space<vmem>>, vector<16xf32>,
      %mul3A_302 = arith.constant 2 : i32
      %mul3A_303 = arith.muli %mul3A_302, %scan3A_106 : i32
      %add3A_304 = arith.constant 1 : i32
      %add3A_305 = arith.addi %mul3A_303, %add3A_304 : i32
      %get3A_306 = arith.index_cast %add3A_305 : i32 to index
      %get3A_307 = arith.constant 192 : index
      %get3A_308 = tpu.vector_load %arg7[%get3A_306, %get3A_307] {strides = array<i32>} : memref<32x768xf32, #tpu.memory_space<vmem>>, vector<16xf32>,
      %add3A_309 = arith.addf %get3A_301, %get3A_308 : vector<16xf32>
      %swap3A_310 = arith.index_cast %scan3A_106 : i32 to index
      %swap3A_311 = arith.constant 192 : index
      %swap3A_312 = tpu.vector_load %arg9[%swap3A_310, %swap3A_311] {strides = array<i32>} : memref<16x768xf32, #tpu.memory_space<vmem>>, vector<16xf32>,
      tpu.vector_store %arg9[%swap3A_310, %swap3A_311], %add3A_309 {strides = array<i32>} : memref<16x768xf32, #tpu.memory_space<vmem>>, vector<16xf32>,
      %mul3A_313 = arith.constant 2 : i32
      %mul3A_314 = arith.muli %mul3A_313, %scan3A_106 : i32
      %get3A_315 = arith.index_cast %mul3A_314 : i32 to index
      %get3A_316 = arith.constant 208 : index
      %get3A_317 = tpu.vector_load %arg7[%get3A_315, %get3A_316] {strides = array<i32>} : memref<32x768xf32, #tpu.memory_space<vmem>>, vector<16xf32>,
      %mul3A_318 = arith.constant 2 : i32
      %mul3A_319 = arith.muli %mul3A_318, %scan3A_106 : i32
      %add3A_320 = arith.constant 1 : i32
      %add3A_321 = arith.addi %mul3A_319, %add3A_320 : i32
      %get3A_322 = arith.index_cast %add3A_321 : i32 to index
      %get3A_323 = arith.constant 208 : index
      %get3A_324 = tpu.vector_load %arg7[%get3A_322, %get3A_323] {strides = array<i32>} : memref<32x768xf32, #tpu.memory_space<vmem>>, vector<16xf32>,
      %add3A_325 = arith.addf %get3A_317, %get3A_324 : vector<16xf32>
      %swap3A_326 = arith.index_cast %scan3A_106 : i32 to index
      %swap3A_327 = arith.constant 208 : index
      %swap3A_328 = tpu.vector_load %arg9[%swap3A_326, %swap3A_327] {strides = array<i32>} : memref<16x768xf32, #tpu.memory_space<vmem>>, vector<16xf32>,
      tpu.vector_store %arg9[%swap3A_326, %swap3A_327], %add3A_325 {strides = array<i32>} : memref<16x768xf32, #tpu.memory_space<vmem>>, vector<16xf32>,
      %mul3A_329 = arith.constant 2 : i32
      %mul3A_330 = arith.muli %mul3A_329, %scan3A_106 : i32
      %get3A_331 = arith.index_cast %mul3A_330 : i32 to index
      %get3A_332 = arith.constant 224 : index
      %get3A_333 = tpu.vector_load %arg7[%get3A_331, %get3A_332] {strides = array<i32>} : memref<32x768xf32, #tpu.memory_space<vmem>>, vector<16xf32>,
      %mul3A_334 = arith.constant 2 : i32
      %mul3A_335 = arith.muli %mul3A_334, %scan3A_106 : i32
      %add3A_336 = arith.constant 1 : i32
      %add3A_337 = arith.addi %mul3A_335, %add3A_336 : i32
      %get3A_338 = arith.index_cast %add3A_337 : i32 to index
      %get3A_339 = arith.constant 224 : index
      %get3A_340 = tpu.vector_load %arg7[%get3A_338, %get3A_339] {strides = array<i32>} : memref<32x768xf32, #tpu.memory_space<vmem>>, vector<16xf32>,
      %add3A_341 = arith.addf %get3A_333, %get3A_340 : vector<16xf32>
      %swap3A_342 = arith.index_cast %scan3A_106 : i32 to index
      %swap3A_343 = arith.constant 224 : index
      %swap3A_344 = tpu.vector_load %arg9[%swap3A_342, %swap3A_343] {strides = array<i32>} : memref<16x768xf32, #tpu.memory_space<vmem>>, vector<16xf32>,
      tpu.vector_store %arg9[%swap3A_342, %swap3A_343], %add3A_341 {strides = array<i32>} : memref<16x768xf32, #tpu.memory_space<vmem>>, vector<16xf32>,
      %mul3A_345 = arith.constant 2 : i32
      %mul3A_346 = arith.muli %mul3A_345, %scan3A_106 : i32
      %get3A_347 = arith.index_cast %mul3A_346 : i32 to index
      %get3A_348 = arith.constant 240 : index
      %get3A_349 = tpu.vector_load %arg7[%get3A_347, %get3A_348] {strides = array<i32>} : memref<32x768xf32, #tpu.memory_space<vmem>>, vector<16xf32>,
      %mul3A_350 = arith.constant 2 : i32
      %mul3A_351 = arith.muli %mul3A_350, %scan3A_106 : i32
      %add3A_352 = arith.constant 1 : i32
      %add3A_353 = arith.addi %mul3A_351, %add3A_352 : i32
      %get3A_354 = arith.index_cast %add3A_353 : i32 to index
      %get3A_355 = arith.constant 240 : index
      %get3A_356 = tpu.vector_load %arg7[%get3A_354, %get3A_355] {strides = array<i32>} : memref<32x768xf32, #tpu.memory_space<vmem>>, vector<16xf32>,
      %add3A_357 = arith.addf %get3A_349, %get3A_356 : vector<16xf32>
      %swap3A_358 = arith.index_cast %scan3A_106 : i32 to index
      %swap3A_359 = arith.constant 240 : index
      %swap3A_360 = tpu.vector_load %arg9[%swap3A_358, %swap3A_359] {strides = array<i32>} : memref<16x768xf32, #tpu.memory_space<vmem>>, vector<16xf32>,
      tpu.vector_store %arg9[%swap3A_358, %swap3A_359], %add3A_357 {strides = array<i32>} : memref<16x768xf32, #tpu.memory_space<vmem>>, vector<16xf32>,
      %mul3A_361 = arith.constant 2 : i32
      %mul3A_362 = arith.muli %mul3A_361, %scan3A_106 : i32
      %get3A_363 = arith.index_cast %mul3A_362 : i32 to index
      %get3A_364 = arith.constant 256 : index
      %get3A_365 = tpu.vector_load %arg7[%get3A_363, %get3A_364] {strides = array<i32>} : memref<32x768xf32, #tpu.memory_space<vmem>>, vector<16xf32>,
      %mul3A_366 = arith.constant 2 : i32
      %mul3A_367 = arith.muli %mul3A_366, %scan3A_106 : i32
      %add3A_368 = arith.constant 1 : i32
      %add3A_369 = arith.addi %mul3A_367, %add3A_368 : i32
      %get3A_370 = arith.index_cast %add3A_369 : i32 to index
      %get3A_371 = arith.constant 256 : index
      %get3A_372 = tpu.vector_load %arg7[%get3A_370, %get3A_371] {strides = array<i32>} : memref<32x768xf32, #tpu.memory_space<vmem>>, vector<16xf32>,
      %add3A_373 = arith.addf %get3A_365, %get3A_372 : vector<16xf32>
      %swap3A_374 = arith.index_cast %scan3A_106 : i32 to index
      %swap3A_375 = arith.constant 256 : index
      %swap3A_376 = tpu.vector_load %arg9[%swap3A_374, %swap3A_375] {strides = array<i32>} : memref<16x768xf32, #tpu.memory_space<vmem>>, vector<16xf32>,
      tpu.vector_store %arg9[%swap3A_374, %swap3A_375], %add3A_373 {strides = array<i32>} : memref<16x768xf32, #tpu.memory_space<vmem>>, vector<16xf32>,
      %mul3A_377 = arith.constant 2 : i32
      %mul3A_378 = arith.muli %mul3A_377, %scan3A_106 : i32
      %get3A_379 = arith.index_cast %mul3A_378 : i32 to index
      %get3A_380 = arith.constant 272 : index
      %get3A_381 = tpu.vector_load %arg7[%get3A_379, %get3A_380] {strides = array<i32>} : memref<32x768xf32, #tpu.memory_space<vmem>>, vector<16xf32>,
      %mul3A_382 = arith.constant 2 : i32
      %mul3A_383 = arith.muli %mul3A_382, %scan3A_106 : i32
      %add3A_384 = arith.constant 1 : i32
      %add3A_385 = arith.addi %mul3A_383, %add3A_384 : i32
      %get3A_386 = arith.index_cast %add3A_385 : i32 to index
      %get3A_387 = arith.constant 272 : index
      %get3A_388 = tpu.vector_load %arg7[%get3A_386, %get3A_387] {strides = array<i32>} : memref<32x768xf32, #tpu.memory_space<vmem>>, vector<16xf32>,
      %add3A_389 = arith.addf %get3A_381, %get3A_388 : vector<16xf32>
      %swap3A_390 = arith.index_cast %scan3A_106 : i32 to index
      %swap3A_391 = arith.constant 272 : index
      %swap3A_392 = tpu.vector_load %arg9[%swap3A_390, %swap3A_391] {strides = array<i32>} : memref<16x768xf32, #tpu.memory_space<vmem>>, vector<16xf32>,
      tpu.vector_store %arg9[%swap3A_390, %swap3A_391], %add3A_389 {strides = array<i32>} : memref<16x768xf32, #tpu.memory_space<vmem>>, vector<16xf32>,
      %mul3A_393 = arith.constant 2 : i32
      %mul3A_394 = arith.muli %mul3A_393, %scan3A_106 : i32
      %get3A_395 = arith.index_cast %mul3A_394 : i32 to index
      %get3A_396 = arith.constant 288 : index
      %get3A_397 = tpu.vector_load %arg7[%get3A_395, %get3A_396] {strides = array<i32>} : memref<32x768xf32, #tpu.memory_space<vmem>>, vector<16xf32>,
      %mul3A_398 = arith.constant 2 : i32
      %mul3A_399 = arith.muli %mul3A_398, %scan3A_106 : i32
      %add3A_400 = arith.constant 1 : i32
      %add3A_401 = arith.addi %mul3A_399, %add3A_400 : i32
      %get3A_402 = arith.index_cast %add3A_401 : i32 to index
      %get3A_403 = arith.constant 288 : index
      %get3A_404 = tpu.vector_load %arg7[%get3A_402, %get3A_403] {strides = array<i32>} : memref<32x768xf32, #tpu.memory_space<vmem>>, vector<16xf32>,
      %add3A_405 = arith.addf %get3A_397, %get3A_404 : vector<16xf32>
      %swap3A_406 = arith.index_cast %scan3A_106 : i32 to index
      %swap3A_407 = arith.constant 288 : index
      %swap3A_408 = tpu.vector_load %arg9[%swap3A_406, %swap3A_407] {strides = array<i32>} : memref<16x768xf32, #tpu.memory_space<vmem>>, vector<16xf32>,
      tpu.vector_store %arg9[%swap3A_406, %swap3A_407], %add3A_405 {strides = array<i32>} : memref<16x768xf32, #tpu.memory_space<vmem>>, vector<16xf32>,
      %mul3A_409 = arith.constant 2 : i32
      %mul3A_410 = arith.muli %mul3A_409, %scan3A_106 : i32
      %get3A_411 = arith.index_cast %mul3A_410 : i32 to index
      %get3A_412 = arith.constant 304 : index
      %get3A_413 = tpu.vector_load %arg7[%get3A_411, %get3A_412] {strides = array<i32>} : memref<32x768xf32, #tpu.memory_space<vmem>>, vector<16xf32>,
      %mul3A_414 = arith.constant 2 : i32
      %mul3A_415 = arith.muli %mul3A_414, %scan3A_106 : i32
      %add3A_416 = arith.constant 1 : i32
      %add3A_417 = arith.addi %mul3A_415, %add3A_416 : i32
      %get3A_418 = arith.index_cast %add3A_417 : i32 to index
      %get3A_419 = arith.constant 304 : index
      %get3A_420 = tpu.vector_load %arg7[%get3A_418, %get3A_419] {strides = array<i32>} : memref<32x768xf32, #tpu.memory_space<vmem>>, vector<16xf32>,
      %add3A_421 = arith.addf %get3A_413, %get3A_420 : vector<16xf32>
      %swap3A_422 = arith.index_cast %scan3A_106 : i32 to index
      %swap3A_423 = arith.constant 304 : index
      %swap3A_424 = tpu.vector_load %arg9[%swap3A_422, %swap3A_423] {strides = array<i32>} : memref<16x768xf32, #tpu.memory_space<vmem>>, vector<16xf32>,
      tpu.vector_store %arg9[%swap3A_422, %swap3A_423], %add3A_421 {strides = array<i32>} : memref<16x768xf32, #tpu.memory_space<vmem>>, vector<16xf32>,
      %mul3A_425 = arith.constant 2 : i32
      %mul3A_426 = arith.muli %mul3A_425, %scan3A_106 : i32
      %get3A_427 = arith.index_cast %mul3A_426 : i32 to index
      %get3A_428 = arith.constant 320 : index
      %get3A_429 = tpu.vector_load %arg7[%get3A_427, %get3A_428] {strides = array<i32>} : memref<32x768xf32, #tpu.memory_space<vmem>>, vector<16xf32>,
      %mul3A_430 = arith.constant 2 : i32
      %mul3A_431 = arith.muli %mul3A_430, %scan3A_106 : i32
      %add3A_432 = arith.constant 1 : i32
      %add3A_433 = arith.addi %mul3A_431, %add3A_432 : i32
      %get3A_434 = arith.index_cast %add3A_433 : i32 to index
      %get3A_435 = arith.constant 320 : index
      %get3A_436 = tpu.vector_load %arg7[%get3A_434, %get3A_435] {strides = array<i32>} : memref<32x768xf32, #tpu.memory_space<vmem>>, vector<16xf32>,
      %add3A_437 = arith.addf %get3A_429, %get3A_436 : vector<16xf32>
      %swap3A_438 = arith.index_cast %scan3A_106 : i32 to index
      %swap3A_439 = arith.constant 320 : index
      %swap3A_440 = tpu.vector_load %arg9[%swap3A_438, %swap3A_439] {strides = array<i32>} : memref<16x768xf32, #tpu.memory_space<vmem>>, vector<16xf32>,
      tpu.vector_store %arg9[%swap3A_438, %swap3A_439], %add3A_437 {strides = array<i32>} : memref<16x768xf32, #tpu.memory_space<vmem>>, vector<16xf32>,
      %mul3A_441 = arith.constant 2 : i32
      %mul3A_442 = arith.muli %mul3A_441, %scan3A_106 : i32
      %get3A_443 = arith.index_cast %mul3A_442 : i32 to index
      %get3A_444 = arith.constant 336 : index
      %get3A_445 = tpu.vector_load %arg7[%get3A_443, %get3A_444] {strides = array<i32>} : memref<32x768xf32, #tpu.memory_space<vmem>>, vector<16xf32>,
      %mul3A_446 = arith.constant 2 : i32
      %mul3A_447 = arith.muli %mul3A_446, %scan3A_106 : i32
      %add3A_448 = arith.constant 1 : i32
      %add3A_449 = arith.addi %mul3A_447, %add3A_448 : i32
      %get3A_450 = arith.index_cast %add3A_449 : i32 to index
      %get3A_451 = arith.constant 336 : index
      %get3A_452 = tpu.vector_load %arg7[%get3A_450, %get3A_451] {strides = array<i32>} : memref<32x768xf32, #tpu.memory_space<vmem>>, vector<16xf32>,
      %add3A_453 = arith.addf %get3A_445, %get3A_452 : vector<16xf32>
      %swap3A_454 = arith.index_cast %scan3A_106 : i32 to index
      %swap3A_455 = arith.constant 336 : index
      %swap3A_456 = tpu.vector_load %arg9[%swap3A_454, %swap3A_455] {strides = array<i32>} : memref<16x768xf32, #tpu.memory_space<vmem>>, vector<16xf32>,
      tpu.vector_store %arg9[%swap3A_454, %swap3A_455], %add3A_453 {strides = array<i32>} : memref<16x768xf32, #tpu.memory_space<vmem>>, vector<16xf32>,
      %mul3A_457 = arith.constant 2 : i32
      %mul3A_458 = arith.muli %mul3A_457, %scan3A_106 : i32
      %get3A_459 = arith.index_cast %mul3A_458 : i32 to index
      %get3A_460 = arith.constant 352 : index
      %get3A_461 = tpu.vector_load %arg7[%get3A_459, %get3A_460] {strides = array<i32>} : memref<32x768xf32, #tpu.memory_space<vmem>>, vector<16xf32>,
      %mul3A_462 = arith.constant 2 : i32
      %mul3A_463 = arith.muli %mul3A_462, %scan3A_106 : i32
      %add3A_464 = arith.constant 1 : i32
      %add3A_465 = arith.addi %mul3A_463, %add3A_464 : i32
      %get3A_466 = arith.index_cast %add3A_465 : i32 to index
      %get3A_467 = arith.constant 352 : index
      %get3A_468 = tpu.vector_load %arg7[%get3A_466, %get3A_467] {strides = array<i32>} : memref<32x768xf32, #tpu.memory_space<vmem>>, vector<16xf32>,
      %add3A_469 = arith.addf %get3A_461, %get3A_468 : vector<16xf32>
      %swap3A_470 = arith.index_cast %scan3A_106 : i32 to index
      %swap3A_471 = arith.constant 352 : index
      %swap3A_472 = tpu.vector_load %arg9[%swap3A_470, %swap3A_471] {strides = array<i32>} : memref<16x768xf32, #tpu.memory_space<vmem>>, vector<16xf32>,
      tpu.vector_store %arg9[%swap3A_470, %swap3A_471], %add3A_469 {strides = array<i32>} : memref<16x768xf32, #tpu.memory_space<vmem>>, vector<16xf32>,
      %mul3A_473 = arith.constant 2 : i32
      %mul3A_474 = arith.muli %mul3A_473, %scan3A_106 : i32
      %get3A_475 = arith.index_cast %mul3A_474 : i32 to index
      %get3A_476 = arith.constant 368 : index
      %get3A_477 = tpu.vector_load %arg7[%get3A_475, %get3A_476] {strides = array<i32>} : memref<32x768xf32, #tpu.memory_space<vmem>>, vector<16xf32>,
      %mul3A_478 = arith.constant 2 : i32
      %mul3A_479 = arith.muli %mul3A_478, %scan3A_106 : i32
      %add3A_480 = arith.constant 1 : i32
      %add3A_481 = arith.addi %mul3A_479, %add3A_480 : i32
      %get3A_482 = arith.index_cast %add3A_481 : i32 to index
      %get3A_483 = arith.constant 368 : index
      %get3A_484 = tpu.vector_load %arg7[%get3A_482, %get3A_483] {strides = array<i32>} : memref<32x768xf32, #tpu.memory_space<vmem>>, vector<16xf32>,
      %add3A_485 = arith.addf %get3A_477, %get3A_484 : vector<16xf32>
      %swap3A_486 = arith.index_cast %scan3A_106 : i32 to index
      %swap3A_487 = arith.constant 368 : index
      %swap3A_488 = tpu.vector_load %arg9[%swap3A_486, %swap3A_487] {strides = array<i32>} : memref<16x768xf32, #tpu.memory_space<vmem>>, vector<16xf32>,
      tpu.vector_store %arg9[%swap3A_486, %swap3A_487], %add3A_485 {strides = array<i32>} : memref<16x768xf32, #tpu.memory_space<vmem>>, vector<16xf32>,
      %mul3A_489 = arith.constant 2 : i32
      %mul3A_490 = arith.muli %mul3A_489, %scan3A_106 : i32
      %get3A_491 = arith.index_cast %mul3A_490 : i32 to index
      %get3A_492 = arith.constant 384 : index
      %get3A_493 = tpu.vector_load %arg7[%get3A_491, %get3A_492] {strides = array<i32>} : memref<32x768xf32, #tpu.memory_space<vmem>>, vector<16xf32>,
      %mul3A_494 = arith.constant 2 : i32
      %mul3A_495 = arith.muli %mul3A_494, %scan3A_106 : i32
      %add3A_496 = arith.constant 1 : i32
      %add3A_497 = arith.addi %mul3A_495, %add3A_496 : i32
      %get3A_498 = arith.index_cast %add3A_497 : i32 to index
      %get3A_499 = arith.constant 384 : index
      %get3A_500 = tpu.vector_load %arg7[%get3A_498, %get3A_499] {strides = array<i32>} : memref<32x768xf32, #tpu.memory_space<vmem>>, vector<16xf32>,
      %add3A_501 = arith.addf %get3A_493, %get3A_500 : vector<16xf32>
      %swap3A_502 = arith.index_cast %scan3A_106 : i32 to index
      %swap3A_503 = arith.constant 384 : index
      %swap3A_504 = tpu.vector_load %arg9[%swap3A_502, %swap3A_503] {strides = array<i32>} : memref<16x768xf32, #tpu.memory_space<vmem>>, vector<16xf32>,
      tpu.vector_store %arg9[%swap3A_502, %swap3A_503], %add3A_501 {strides = array<i32>} : memref<16x768xf32, #tpu.memory_space<vmem>>, vector<16xf32>,
      %mul3A_505 = arith.constant 2 : i32
      %mul3A_506 = arith.muli %mul3A_505, %scan3A_106 : i32
      %get3A_507 = arith.index_cast %mul3A_506 : i32 to index
      %get3A_508 = arith.constant 400 : index
      %get3A_509 = tpu.vector_load %arg7[%get3A_507, %get3A_508] {strides = array<i32>} : memref<32x768xf32, #tpu.memory_space<vmem>>, vector<16xf32>,
      %mul3A_510 = arith.constant 2 : i32
      %mul3A_511 = arith.muli %mul3A_510, %scan3A_106 : i32
      %add3A_512 = arith.constant 1 : i32
      %add3A_513 = arith.addi %mul3A_511, %add3A_512 : i32
      %get3A_514 = arith.index_cast %add3A_513 : i32 to index
      %get3A_515 = arith.constant 400 : index
      %get3A_516 = tpu.vector_load %arg7[%get3A_514, %get3A_515] {strides = array<i32>} : memref<32x768xf32, #tpu.memory_space<vmem>>, vector<16xf32>,
      %add3A_517 = arith.addf %get3A_509, %get3A_516 : vector<16xf32>
      %swap3A_518 = arith.index_cast %scan3A_106 : i32 to index
      %swap3A_519 = arith.constant 400 : index
      %swap3A_520 = tpu.vector_load %arg9[%swap3A_518, %swap3A_519] {strides = array<i32>} : memref<16x768xf32, #tpu.memory_space<vmem>>, vector<16xf32>,
      tpu.vector_store %arg9[%swap3A_518, %swap3A_519], %add3A_517 {strides = array<i32>} : memref<16x768xf32, #tpu.memory_space<vmem>>, vector<16xf32>,
      %mul3A_521 = arith.constant 2 : i32
      %mul3A_522 = arith.muli %mul3A_521, %scan3A_106 : i32
      %get3A_523 = arith.index_cast %mul3A_522 : i32 to index
      %get3A_524 = arith.constant 416 : index
      %get3A_525 = tpu.vector_load %arg7[%get3A_523, %get3A_524] {strides = array<i32>} : memref<32x768xf32, #tpu.memory_space<vmem>>, vector<16xf32>,
      %mul3A_526 = arith.constant 2 : i32
      %mul3A_527 = arith.muli %mul3A_526, %scan3A_106 : i32
      %add3A_528 = arith.constant 1 : i32
      %add3A_529 = arith.addi %mul3A_527, %add3A_528 : i32
      %get3A_530 = arith.index_cast %add3A_529 : i32 to index
      %get3A_531 = arith.constant 416 : index
      %get3A_532 = tpu.vector_load %arg7[%get3A_530, %get3A_531] {strides = array<i32>} : memref<32x768xf32, #tpu.memory_space<vmem>>, vector<16xf32>,
      %add3A_533 = arith.addf %get3A_525, %get3A_532 : vector<16xf32>
      %swap3A_534 = arith.index_cast %scan3A_106 : i32 to index
      %swap3A_535 = arith.constant 416 : index
      %swap3A_536 = tpu.vector_load %arg9[%swap3A_534, %swap3A_535] {strides = array<i32>} : memref<16x768xf32, #tpu.memory_space<vmem>>, vector<16xf32>,
      tpu.vector_store %arg9[%swap3A_534, %swap3A_535], %add3A_533 {strides = array<i32>} : memref<16x768xf32, #tpu.memory_space<vmem>>, vector<16xf32>,
      %mul3A_537 = arith.constant 2 : i32
      %mul3A_538 = arith.muli %mul3A_537, %scan3A_106 : i32
      %get3A_539 = arith.index_cast %mul3A_538 : i32 to index
      %get3A_540 = arith.constant 432 : index
      %get3A_541 = tpu.vector_load %arg7[%get3A_539, %get3A_540] {strides = array<i32>} : memref<32x768xf32, #tpu.memory_space<vmem>>, vector<16xf32>,
      %mul3A_542 = arith.constant 2 : i32
      %mul3A_543 = arith.muli %mul3A_542, %scan3A_106 : i32
      %add3A_544 = arith.constant 1 : i32
      %add3A_545 = arith.addi %mul3A_543, %add3A_544 : i32
      %get3A_546 = arith.index_cast %add3A_545 : i32 to index
      %get3A_547 = arith.constant 432 : index
      %get3A_548 = tpu.vector_load %arg7[%get3A_546, %get3A_547] {strides = array<i32>} : memref<32x768xf32, #tpu.memory_space<vmem>>, vector<16xf32>,
      %add3A_549 = arith.addf %get3A_541, %get3A_548 : vector<16xf32>
      %swap3A_550 = arith.index_cast %scan3A_106 : i32 to index
      %swap3A_551 = arith.constant 432 : index
      %swap3A_552 = tpu.vector_load %arg9[%swap3A_550, %swap3A_551] {strides = array<i32>} : memref<16x768xf32, #tpu.memory_space<vmem>>, vector<16xf32>,
      tpu.vector_store %arg9[%swap3A_550, %swap3A_551], %add3A_549 {strides = array<i32>} : memref<16x768xf32, #tpu.memory_space<vmem>>, vector<16xf32>,
      %mul3A_553 = arith.constant 2 : i32
      %mul3A_554 = arith.muli %mul3A_553, %scan3A_106 : i32
      %get3A_555 = arith.index_cast %mul3A_554 : i32 to index
      %get3A_556 = arith.constant 448 : index
      %get3A_557 = tpu.vector_load %arg7[%get3A_555, %get3A_556] {strides = array<i32>} : memref<32x768xf32, #tpu.memory_space<vmem>>, vector<16xf32>,
      %mul3A_558 = arith.constant 2 : i32
      %mul3A_559 = arith.muli %mul3A_558, %scan3A_106 : i32
      %add3A_560 = arith.constant 1 : i32
      %add3A_561 = arith.addi %mul3A_559, %add3A_560 : i32
      %get3A_562 = arith.index_cast %add3A_561 : i32 to index
      %get3A_563 = arith.constant 448 : index
      %get3A_564 = tpu.vector_load %arg7[%get3A_562, %get3A_563] {strides = array<i32>} : memref<32x768xf32, #tpu.memory_space<vmem>>, vector<16xf32>,
      %add3A_565 = arith.addf %get3A_557, %get3A_564 : vector<16xf32>
      %swap3A_566 = arith.index_cast %scan3A_106 : i32 to index
      %swap3A_567 = arith.constant 448 : index
      %swap3A_568 = tpu.vector_load %arg9[%swap3A_566, %swap3A_567] {strides = array<i32>} : memref<16x768xf32, #tpu.memory_space<vmem>>, vector<16xf32>,
      tpu.vector_store %arg9[%swap3A_566, %swap3A_567], %add3A_565 {strides = array<i32>} : memref<16x768xf32, #tpu.memory_space<vmem>>, vector<16xf32>,
      %mul3A_569 = arith.constant 2 : i32
      %mul3A_570 = arith.muli %mul3A_569, %scan3A_106 : i32
      %get3A_571 = arith.index_cast %mul3A_570 : i32 to index
      %get3A_572 = arith.constant 464 : index
      %get3A_573 = tpu.vector_load %arg7[%get3A_571, %get3A_572] {strides = array<i32>} : memref<32x768xf32, #tpu.memory_space<vmem>>, vector<16xf32>,
      %mul3A_574 = arith.constant 2 : i32
      %mul3A_575 = arith.muli %mul3A_574, %scan3A_106 : i32
      %add3A_576 = arith.constant 1 : i32
      %add3A_577 = arith.addi %mul3A_575, %add3A_576 : i32
      %get3A_578 = arith.index_cast %add3A_577 : i32 to index
      %get3A_579 = arith.constant 464 : index
      %get3A_580 = tpu.vector_load %arg7[%get3A_578, %get3A_579] {strides = array<i32>} : memref<32x768xf32, #tpu.memory_space<vmem>>, vector<16xf32>,
      %add3A_581 = arith.addf %get3A_573, %get3A_580 : vector<16xf32>
      %swap3A_582 = arith.index_cast %scan3A_106 : i32 to index
      %swap3A_583 = arith.constant 464 : index
      %swap3A_584 = tpu.vector_load %arg9[%swap3A_582, %swap3A_583] {strides = array<i32>} : memref<16x768xf32, #tpu.memory_space<vmem>>, vector<16xf32>,
      tpu.vector_store %arg9[%swap3A_582, %swap3A_583], %add3A_581 {strides = array<i32>} : memref<16x768xf32, #tpu.memory_space<vmem>>, vector<16xf32>,
      %mul3A_585 = arith.constant 2 : i32
      %mul3A_586 = arith.muli %mul3A_585, %scan3A_106 : i32
      %get3A_587 = arith.index_cast %mul3A_586 : i32 to index
      %get3A_588 = arith.constant 480 : index
      %get3A_589 = tpu.vector_load %arg7[%get3A_587, %get3A_588] {strides = array<i32>} : memref<32x768xf32, #tpu.memory_space<vmem>>, vector<16xf32>,
      %mul3A_590 = arith.constant 2 : i32
      %mul3A_591 = arith.muli %mul3A_590, %scan3A_106 : i32
      %add3A_592 = arith.constant 1 : i32
      %add3A_593 = arith.addi %mul3A_591, %add3A_592 : i32
      %get3A_594 = arith.index_cast %add3A_593 : i32 to index
      %get3A_595 = arith.constant 480 : index
      %get3A_596 = tpu.vector_load %arg7[%get3A_594, %get3A_595] {strides = array<i32>} : memref<32x768xf32, #tpu.memory_space<vmem>>, vector<16xf32>,
      %add3A_597 = arith.addf %get3A_589, %get3A_596 : vector<16xf32>
      %swap3A_598 = arith.index_cast %scan3A_106 : i32 to index
      %swap3A_599 = arith.constant 480 : index
      %swap3A_600 = tpu.vector_load %arg9[%swap3A_598, %swap3A_599] {strides = array<i32>} : memref<16x768xf32, #tpu.memory_space<vmem>>, vector<16xf32>,
      tpu.vector_store %arg9[%swap3A_598, %swap3A_599], %add3A_597 {strides = array<i32>} : memref<16x768xf32, #tpu.memory_space<vmem>>, vector<16xf32>,
      %mul3A_601 = arith.constant 2 : i32
      %mul3A_602 = arith.muli %mul3A_601, %scan3A_106 : i32
      %get3A_603 = arith.index_cast %mul3A_602 : i32 to index
      %get3A_604 = arith.constant 496 : index
      %get3A_605 = tpu.vector_load %arg7[%get3A_603, %get3A_604] {strides = array<i32>} : memref<32x768xf32, #tpu.memory_space<vmem>>, vector<16xf32>,
      %mul3A_606 = arith.constant 2 : i32
      %mul3A_607 = arith.muli %mul3A_606, %scan3A_106 : i32
      %add3A_608 = arith.constant 1 : i32
      %add3A_609 = arith.addi %mul3A_607, %add3A_608 : i32
      %get3A_610 = arith.index_cast %add3A_609 : i32 to index
      %get3A_611 = arith.constant 496 : index
      %get3A_612 = tpu.vector_load %arg7[%get3A_610, %get3A_611] {strides = array<i32>} : memref<32x768xf32, #tpu.memory_space<vmem>>, vector<16xf32>,
      %add3A_613 = arith.addf %get3A_605, %get3A_612 : vector<16xf32>
      %swap3A_614 = arith.index_cast %scan3A_106 : i32 to index
      %swap3A_615 = arith.constant 496 : index
      %swap3A_616 = tpu.vector_load %arg9[%swap3A_614, %swap3A_615] {strides = array<i32>} : memref<16x768xf32, #tpu.memory_space<vmem>>, vector<16xf32>,
      tpu.vector_store %arg9[%swap3A_614, %swap3A_615], %add3A_613 {strides = array<i32>} : memref<16x768xf32, #tpu.memory_space<vmem>>, vector<16xf32>,
      %mul3A_617 = arith.constant 2 : i32
      %mul3A_618 = arith.muli %mul3A_617, %scan3A_106 : i32
      %get3A_619 = arith.index_cast %mul3A_618 : i32 to index
      %get3A_620 = arith.constant 512 : index
      %get3A_621 = tpu.vector_load %arg7[%get3A_619, %get3A_620] {strides = array<i32>} : memref<32x768xf32, #tpu.memory_space<vmem>>, vector<16xf32>,
      %mul3A_622 = arith.constant 2 : i32
      %mul3A_623 = arith.muli %mul3A_622, %scan3A_106 : i32
      %add3A_624 = arith.constant 1 : i32
      %add3A_625 = arith.addi %mul3A_623, %add3A_624 : i32
      %get3A_626 = arith.index_cast %add3A_625 : i32 to index
      %get3A_627 = arith.constant 512 : index
      %get3A_628 = tpu.vector_load %arg7[%get3A_626, %get3A_627] {strides = array<i32>} : memref<32x768xf32, #tpu.memory_space<vmem>>, vector<16xf32>,
      %add3A_629 = arith.addf %get3A_621, %get3A_628 : vector<16xf32>
      %swap3A_630 = arith.index_cast %scan3A_106 : i32 to index
      %swap3A_631 = arith.constant 512 : index
      %swap3A_632 = tpu.vector_load %arg9[%swap3A_630, %swap3A_631] {strides = array<i32>} : memref<16x768xf32, #tpu.memory_space<vmem>>, vector<16xf32>,
      tpu.vector_store %arg9[%swap3A_630, %swap3A_631], %add3A_629 {strides = array<i32>} : memref<16x768xf32, #tpu.memory_space<vmem>>, vector<16xf32>,
      %mul3A_633 = arith.constant 2 : i32
      %mul3A_634 = arith.muli %mul3A_633, %scan3A_106 : i32
      %get3A_635 = arith.index_cast %mul3A_634 : i32 to index
      %get3A_636 = arith.constant 528 : index
      %get3A_637 = tpu.vector_load %arg7[%get3A_635, %get3A_636] {strides = array<i32>} : memref<32x768xf32, #tpu.memory_space<vmem>>, vector<16xf32>,
      %mul3A_638 = arith.constant 2 : i32
      %mul3A_639 = arith.muli %mul3A_638, %scan3A_106 : i32
      %add3A_640 = arith.constant 1 : i32
      %add3A_641 = arith.addi %mul3A_639, %add3A_640 : i32
      %get3A_642 = arith.index_cast %add3A_641 : i32 to index
      %get3A_643 = arith.constant 528 : index
      %get3A_644 = tpu.vector_load %arg7[%get3A_642, %get3A_643] {strides = array<i32>} : memref<32x768xf32, #tpu.memory_space<vmem>>, vector<16xf32>,
      %add3A_645 = arith.addf %get3A_637, %get3A_644 : vector<16xf32>
      %swap3A_646 = arith.index_cast %scan3A_106 : i32 to index
      %swap3A_647 = arith.constant 528 : index
      %swap3A_648 = tpu.vector_load %arg9[%swap3A_646, %swap3A_647] {strides = array<i32>} : memref<16x768xf32, #tpu.memory_space<vmem>>, vector<16xf32>,
      tpu.vector_store %arg9[%swap3A_646, %swap3A_647], %add3A_645 {strides = array<i32>} : memref<16x768xf32, #tpu.memory_space<vmem>>, vector<16xf32>,
      %mul3A_649 = arith.constant 2 : i32
      %mul3A_650 = arith.muli %mul3A_649, %scan3A_106 : i32
      %get3A_651 = arith.index_cast %mul3A_650 : i32 to index
      %get3A_652 = arith.constant 544 : index
      %get3A_653 = tpu.vector_load %arg7[%get3A_651, %get3A_652] {strides = array<i32>} : memref<32x768xf32, #tpu.memory_space<vmem>>, vector<16xf32>,
      %mul3A_654 = arith.constant 2 : i32
      %mul3A_655 = arith.muli %mul3A_654, %scan3A_106 : i32
      %add3A_656 = arith.constant 1 : i32
      %add3A_657 = arith.addi %mul3A_655, %add3A_656 : i32
      %get3A_658 = arith.index_cast %add3A_657 : i32 to index
      %get3A_659 = arith.constant 544 : index
      %get3A_660 = tpu.vector_load %arg7[%get3A_658, %get3A_659] {strides = array<i32>} : memref<32x768xf32, #tpu.memory_space<vmem>>, vector<16xf32>,
      %add3A_661 = arith.addf %get3A_653, %get3A_660 : vector<16xf32>
      %swap3A_662 = arith.index_cast %scan3A_106 : i32 to index
      %swap3A_663 = arith.constant 544 : index
      %swap3A_664 = tpu.vector_load %arg9[%swap3A_662, %swap3A_663] {strides = array<i32>} : memref<16x768xf32, #tpu.memory_space<vmem>>, vector<16xf32>,
      tpu.vector_store %arg9[%swap3A_662, %swap3A_663], %add3A_661 {strides = array<i32>} : memref<16x768xf32, #tpu.memory_space<vmem>>, vector<16xf32>,
      %mul3A_665 = arith.constant 2 : i32
      %mul3A_666 = arith.muli %mul3A_665, %scan3A_106 : i32
      %get3A_667 = arith.index_cast %mul3A_666 : i32 to index
      %get3A_668 = arith.constant 560 : index
      %get3A_669 = tpu.vector_load %arg7[%get3A_667, %get3A_668] {strides = array<i32>} : memref<32x768xf32, #tpu.memory_space<vmem>>, vector<16xf32>,
      %mul3A_670 = arith.constant 2 : i32
      %mul3A_671 = arith.muli %mul3A_670, %scan3A_106 : i32
      %add3A_672 = arith.constant 1 : i32
      %add3A_673 = arith.addi %mul3A_671, %add3A_672 : i32
      %get3A_674 = arith.index_cast %add3A_673 : i32 to index
      %get3A_675 = arith.constant 560 : index
      %get3A_676 = tpu.vector_load %arg7[%get3A_674, %get3A_675] {strides = array<i32>} : memref<32x768xf32, #tpu.memory_space<vmem>>, vector<16xf32>,
      %add3A_677 = arith.addf %get3A_669, %get3A_676 : vector<16xf32>
      %swap3A_678 = arith.index_cast %scan3A_106 : i32 to index
      %swap3A_679 = arith.constant 560 : index
      %swap3A_680 = tpu.vector_load %arg9[%swap3A_678, %swap3A_679] {strides = array<i32>} : memref<16x768xf32, #tpu.memory_space<vmem>>, vector<16xf32>,
      tpu.vector_store %arg9[%swap3A_678, %swap3A_679], %add3A_677 {strides = array<i32>} : memref<16x768xf32, #tpu.memory_space<vmem>>, vector<16xf32>,
      %mul3A_681 = arith.constant 2 : i32
      %mul3A_682 = arith.muli %mul3A_681, %scan3A_106 : i32
      %get3A_683 = arith.index_cast %mul3A_682 : i32 to index
      %get3A_684 = arith.constant 576 : index
      %get3A_685 = tpu.vector_load %arg7[%get3A_683, %get3A_684] {strides = array<i32>} : memref<32x768xf32, #tpu.memory_space<vmem>>, vector<16xf32>,
      %mul3A_686 = arith.constant 2 : i32
      %mul3A_687 = arith.muli %mul3A_686, %scan3A_106 : i32
      %add3A_688 = arith.constant 1 : i32
      %add3A_689 = arith.addi %mul3A_687, %add3A_688 : i32
      %get3A_690 = arith.index_cast %add3A_689 : i32 to index
      %get3A_691 = arith.constant 576 : index
      %get3A_692 = tpu.vector_load %arg7[%get3A_690, %get3A_691] {strides = array<i32>} : memref<32x768xf32, #tpu.memory_space<vmem>>, vector<16xf32>,
      %add3A_693 = arith.addf %get3A_685, %get3A_692 : vector<16xf32>
      %swap3A_694 = arith.index_cast %scan3A_106 : i32 to index
      %swap3A_695 = arith.constant 576 : index
      %swap3A_696 = tpu.vector_load %arg9[%swap3A_694, %swap3A_695] {strides = array<i32>} : memref<16x768xf32, #tpu.memory_space<vmem>>, vector<16xf32>,
      tpu.vector_store %arg9[%swap3A_694, %swap3A_695], %add3A_693 {strides = array<i32>} : memref<16x768xf32, #tpu.memory_space<vmem>>, vector<16xf32>,
      %mul3A_697 = arith.constant 2 : i32
      %mul3A_698 = arith.muli %mul3A_697, %scan3A_106 : i32
      %get3A_699 = arith.index_cast %mul3A_698 : i32 to index
      %get3A_700 = arith.constant 592 : index
      %get3A_701 = tpu.vector_load %arg7[%get3A_699, %get3A_700] {strides = array<i32>} : memref<32x768xf32, #tpu.memory_space<vmem>>, vector<16xf32>,
      %mul3A_702 = arith.constant 2 : i32
      %mul3A_703 = arith.muli %mul3A_702, %scan3A_106 : i32
      %add3A_704 = arith.constant 1 : i32
      %add3A_705 = arith.addi %mul3A_703, %add3A_704 : i32
      %get3A_706 = arith.index_cast %add3A_705 : i32 to index
      %get3A_707 = arith.constant 592 : index
      %get3A_708 = tpu.vector_load %arg7[%get3A_706, %get3A_707] {strides = array<i32>} : memref<32x768xf32, #tpu.memory_space<vmem>>, vector<16xf32>,
      %add3A_709 = arith.addf %get3A_701, %get3A_708 : vector<16xf32>
      %swap3A_710 = arith.index_cast %scan3A_106 : i32 to index
      %swap3A_711 = arith.constant 592 : index
      %swap3A_712 = tpu.vector_load %arg9[%swap3A_710, %swap3A_711] {strides = array<i32>} : memref<16x768xf32, #tpu.memory_space<vmem>>, vector<16xf32>,
      tpu.vector_store %arg9[%swap3A_710, %swap3A_711], %add3A_709 {strides = array<i32>} : memref<16x768xf32, #tpu.memory_space<vmem>>, vector<16xf32>,
      %mul3A_713 = arith.constant 2 : i32
      %mul3A_714 = arith.muli %mul3A_713, %scan3A_106 : i32
      %get3A_715 = arith.index_cast %mul3A_714 : i32 to index
      %get3A_716 = arith.constant 608 : index
      %get3A_717 = tpu.vector_load %arg7[%get3A_715, %get3A_716] {strides = array<i32>} : memref<32x768xf32, #tpu.memory_space<vmem>>, vector<16xf32>,
      %mul3A_718 = arith.constant 2 : i32
      %mul3A_719 = arith.muli %mul3A_718, %scan3A_106 : i32
      %add3A_720 = arith.constant 1 : i32
      %add3A_721 = arith.addi %mul3A_719, %add3A_720 : i32
      %get3A_722 = arith.index_cast %add3A_721 : i32 to index
      %get3A_723 = arith.constant 608 : index
      %get3A_724 = tpu.vector_load %arg7[%get3A_722, %get3A_723] {strides = array<i32>} : memref<32x768xf32, #tpu.memory_space<vmem>>, vector<16xf32>,
      %add3A_725 = arith.addf %get3A_717, %get3A_724 : vector<16xf32>
      %swap3A_726 = arith.index_cast %scan3A_106 : i32 to index
      %swap3A_727 = arith.constant 608 : index
      %swap3A_728 = tpu.vector_load %arg9[%swap3A_726, %swap3A_727] {strides = array<i32>} : memref<16x768xf32, #tpu.memory_space<vmem>>, vector<16xf32>,
      tpu.vector_store %arg9[%swap3A_726, %swap3A_727], %add3A_725 {strides = array<i32>} : memref<16x768xf32, #tpu.memory_space<vmem>>, vector<16xf32>,
      %mul3A_729 = arith.constant 2 : i32
      %mul3A_730 = arith.muli %mul3A_729, %scan3A_106 : i32
      %get3A_731 = arith.index_cast %mul3A_730 : i32 to index
      %get3A_732 = arith.constant 624 : index
      %get3A_733 = tpu.vector_load %arg7[%get3A_731, %get3A_732] {strides = array<i32>} : memref<32x768xf32, #tpu.memory_space<vmem>>, vector<16xf32>,
      %mul3A_734 = arith.constant 2 : i32
      %mul3A_735 = arith.muli %mul3A_734, %scan3A_106 : i32
      %add3A_736 = arith.constant 1 : i32
      %add3A_737 = arith.addi %mul3A_735, %add3A_736 : i32
      %get3A_738 = arith.index_cast %add3A_737 : i32 to index
      %get3A_739 = arith.constant 624 : index
      %get3A_740 = tpu.vector_load %arg7[%get3A_738, %get3A_739] {strides = array<i32>} : memref<32x768xf32, #tpu.memory_space<vmem>>, vector<16xf32>,
      %add3A_741 = arith.addf %get3A_733, %get3A_740 : vector<16xf32>
      %swap3A_742 = arith.index_cast %scan3A_106 : i32 to index
      %swap3A_743 = arith.constant 624 : index
      %swap3A_744 = tpu.vector_load %arg9[%swap3A_742, %swap3A_743] {strides = array<i32>} : memref<16x768xf32, #tpu.memory_space<vmem>>, vector<16xf32>,
      tpu.vector_store %arg9[%swap3A_742, %swap3A_743], %add3A_741 {strides = array<i32>} : memref<16x768xf32, #tpu.memory_space<vmem>>, vector<16xf32>,
      %mul3A_745 = arith.constant 2 : i32
      %mul3A_746 = arith.muli %mul3A_745, %scan3A_106 : i32
      %get3A_747 = arith.index_cast %mul3A_746 : i32 to index
      %get3A_748 = arith.constant 640 : index
      %get3A_749 = tpu.vector_load %arg7[%get3A_747, %get3A_748] {strides = array<i32>} : memref<32x768xf32, #tpu.memory_space<vmem>>, vector<16xf32>,
      %mul3A_750 = arith.constant 2 : i32
      %mul3A_751 = arith.muli %mul3A_750, %scan3A_106 : i32
      %add3A_752 = arith.constant 1 : i32
      %add3A_753 = arith.addi %mul3A_751, %add3A_752 : i32
      %get3A_754 = arith.index_cast %add3A_753 : i32 to index
      %get3A_755 = arith.constant 640 : index
      %get3A_756 = tpu.vector_load %arg7[%get3A_754, %get3A_755] {strides = array<i32>} : memref<32x768xf32, #tpu.memory_space<vmem>>, vector<16xf32>,
      %add3A_757 = arith.addf %get3A_749, %get3A_756 : vector<16xf32>
      %swap3A_758 = arith.index_cast %scan3A_106 : i32 to index
      %swap3A_759 = arith.constant 640 : index
      %swap3A_760 = tpu.vector_load %arg9[%swap3A_758, %swap3A_759] {strides = array<i32>} : memref<16x768xf32, #tpu.memory_space<vmem>>, vector<16xf32>,
      tpu.vector_store %arg9[%swap3A_758, %swap3A_759], %add3A_757 {strides = array<i32>} : memref<16x768xf32, #tpu.memory_space<vmem>>, vector<16xf32>,
      %mul3A_761 = arith.constant 2 : i32
      %mul3A_762 = arith.muli %mul3A_761, %scan3A_106 : i32
      %get3A_763 = arith.index_cast %mul3A_762 : i32 to index
      %get3A_764 = arith.constant 656 : index
      %get3A_765 = tpu.vector_load %arg7[%get3A_763, %get3A_764] {strides = array<i32>} : memref<32x768xf32, #tpu.memory_space<vmem>>, vector<16xf32>,
      %mul3A_766 = arith.constant 2 : i32
      %mul3A_767 = arith.muli %mul3A_766, %scan3A_106 : i32
      %add3A_768 = arith.constant 1 : i32
      %add3A_769 = arith.addi %mul3A_767, %add3A_768 : i32
      %get3A_770 = arith.index_cast %add3A_769 : i32 to index
      %get3A_771 = arith.constant 656 : index
      %get3A_772 = tpu.vector_load %arg7[%get3A_770, %get3A_771] {strides = array<i32>} : memref<32x768xf32, #tpu.memory_space<vmem>>, vector<16xf32>,
      %add3A_773 = arith.addf %get3A_765, %get3A_772 : vector<16xf32>
      %swap3A_774 = arith.index_cast %scan3A_106 : i32 to index
      %swap3A_775 = arith.constant 656 : index
      %swap3A_776 = tpu.vector_load %arg9[%swap3A_774, %swap3A_775] {strides = array<i32>} : memref<16x768xf32, #tpu.memory_space<vmem>>, vector<16xf32>,
      tpu.vector_store %arg9[%swap3A_774, %swap3A_775], %add3A_773 {strides = array<i32>} : memref<16x768xf32, #tpu.memory_space<vmem>>, vector<16xf32>,
      %mul3A_777 = arith.constant 2 : i32
      %mul3A_778 = arith.muli %mul3A_777, %scan3A_106 : i32
      %get3A_779 = arith.index_cast %mul3A_778 : i32 to index
      %get3A_780 = arith.constant 672 : index
      %get3A_781 = tpu.vector_load %arg7[%get3A_779, %get3A_780] {strides = array<i32>} : memref<32x768xf32, #tpu.memory_space<vmem>>, vector<16xf32>,
      %mul3A_782 = arith.constant 2 : i32
      %mul3A_783 = arith.muli %mul3A_782, %scan3A_106 : i32
      %add3A_784 = arith.constant 1 : i32
      %add3A_785 = arith.addi %mul3A_783, %add3A_784 : i32
      %get3A_786 = arith.index_cast %add3A_785 : i32 to index
      %get3A_787 = arith.constant 672 : index
      %get3A_788 = tpu.vector_load %arg7[%get3A_786, %get3A_787] {strides = array<i32>} : memref<32x768xf32, #tpu.memory_space<vmem>>, vector<16xf32>,
      %add3A_789 = arith.addf %get3A_781, %get3A_788 : vector<16xf32>
      %swap3A_790 = arith.index_cast %scan3A_106 : i32 to index
      %swap3A_791 = arith.constant 672 : index
      %swap3A_792 = tpu.vector_load %arg9[%swap3A_790, %swap3A_791] {strides = array<i32>} : memref<16x768xf32, #tpu.memory_space<vmem>>, vector<16xf32>,
      tpu.vector_store %arg9[%swap3A_790, %swap3A_791], %add3A_789 {strides = array<i32>} : memref<16x768xf32, #tpu.memory_space<vmem>>, vector<16xf32>,
      %mul3A_793 = arith.constant 2 : i32
      %mul3A_794 = arith.muli %mul3A_793, %scan3A_106 : i32
      %get3A_795 = arith.index_cast %mul3A_794 : i32 to index
      %get3A_796 = arith.constant 688 : index
      %get3A_797 = tpu.vector_load %arg7[%get3A_795, %get3A_796] {strides = array<i32>} : memref<32x768xf32, #tpu.memory_space<vmem>>, vector<16xf32>,
      %mul3A_798 = arith.constant 2 : i32
      %mul3A_799 = arith.muli %mul3A_798, %scan3A_106 : i32
      %add3A_800 = arith.constant 1 : i32
      %add3A_801 = arith.addi %mul3A_799, %add3A_800 : i32
      %get3A_802 = arith.index_cast %add3A_801 : i32 to index
      %get3A_803 = arith.constant 688 : index
      %get3A_804 = tpu.vector_load %arg7[%get3A_802, %get3A_803] {strides = array<i32>} : memref<32x768xf32, #tpu.memory_space<vmem>>, vector<16xf32>,
      %add3A_805 = arith.addf %get3A_797, %get3A_804 : vector<16xf32>
      %swap3A_806 = arith.index_cast %scan3A_106 : i32 to index
      %swap3A_807 = arith.constant 688 : index
      %swap3A_808 = tpu.vector_load %arg9[%swap3A_806, %swap3A_807] {strides = array<i32>} : memref<16x768xf32, #tpu.memory_space<vmem>>, vector<16xf32>,
      tpu.vector_store %arg9[%swap3A_806, %swap3A_807], %add3A_805 {strides = array<i32>} : memref<16x768xf32, #tpu.memory_space<vmem>>, vector<16xf32>,
      %mul3A_809 = arith.constant 2 : i32
      %mul3A_810 = arith.muli %mul3A_809, %scan3A_106 : i32
      %get3A_811 = arith.index_cast %mul3A_810 : i32 to index
      %get3A_812 = arith.constant 704 : index
      %get3A_813 = tpu.vector_load %arg7[%get3A_811, %get3A_812] {strides = array<i32>} : memref<32x768xf32, #tpu.memory_space<vmem>>, vector<16xf32>,
      %mul3A_814 = arith.constant 2 : i32
      %mul3A_815 = arith.muli %mul3A_814, %scan3A_106 : i32
      %add3A_816 = arith.constant 1 : i32
      %add3A_817 = arith.addi %mul3A_815, %add3A_816 : i32
      %get3A_818 = arith.index_cast %add3A_817 : i32 to index
      %get3A_819 = arith.constant 704 : index
      %get3A_820 = tpu.vector_load %arg7[%get3A_818, %get3A_819] {strides = array<i32>} : memref<32x768xf32, #tpu.memory_space<vmem>>, vector<16xf32>,
      %add3A_821 = arith.addf %get3A_813, %get3A_820 : vector<16xf32>
      %swap3A_822 = arith.index_cast %scan3A_106 : i32 to index
      %swap3A_823 = arith.constant 704 : index
      %swap3A_824 = tpu.vector_load %arg9[%swap3A_822, %swap3A_823] {strides = array<i32>} : memref<16x768xf32, #tpu.memory_space<vmem>>, vector<16xf32>,
      tpu.vector_store %arg9[%swap3A_822, %swap3A_823], %add3A_821 {strides = array<i32>} : memref<16x768xf32, #tpu.memory_space<vmem>>, vector<16xf32>,
      %mul3A_825 = arith.constant 2 : i32
      %mul3A_826 = arith.muli %mul3A_825, %scan3A_106 : i32
      %get3A_827 = arith.index_cast %mul3A_826 : i32 to index
      %get3A_828 = arith.constant 720 : index
      %get3A_829 = tpu.vector_load %arg7[%get3A_827, %get3A_828] {strides = array<i32>} : memref<32x768xf32, #tpu.memory_space<vmem>>, vector<16xf32>,
      %mul3A_830 = arith.constant 2 : i32
      %mul3A_831 = arith.muli %mul3A_830, %scan3A_106 : i32
      %add3A_832 = arith.constant 1 : i32
      %add3A_833 = arith.addi %mul3A_831, %add3A_832 : i32
      %get3A_834 = arith.index_cast %add3A_833 : i32 to index
      %get3A_835 = arith.constant 720 : index
      %get3A_836 = tpu.vector_load %arg7[%get3A_834, %get3A_835] {strides = array<i32>} : memref<32x768xf32, #tpu.memory_space<vmem>>, vector<16xf32>,
      %add3A_837 = arith.addf %get3A_829, %get3A_836 : vector<16xf32>
      %swap3A_838 = arith.index_cast %scan3A_106 : i32 to index
      %swap3A_839 = arith.constant 720 : index
      %swap3A_840 = tpu.vector_load %arg9[%swap3A_838, %swap3A_839] {strides = array<i32>} : memref<16x768xf32, #tpu.memory_space<vmem>>, vector<16xf32>,
      tpu.vector_store %arg9[%swap3A_838, %swap3A_839], %add3A_837 {strides = array<i32>} : memref<16x768xf32, #tpu.memory_space<vmem>>, vector<16xf32>,
      %mul3A_841 = arith.constant 2 : i32
      %mul3A_842 = arith.muli %mul3A_841, %scan3A_106 : i32
      %get3A_843 = arith.index_cast %mul3A_842 : i32 to index
      %get3A_844 = arith.constant 736 : index
      %get3A_845 = tpu.vector_load %arg7[%get3A_843, %get3A_844] {strides = array<i32>} : memref<32x768xf32, #tpu.memory_space<vmem>>, vector<16xf32>,
      %mul3A_846 = arith.constant 2 : i32
      %mul3A_847 = arith.muli %mul3A_846, %scan3A_106 : i32
      %add3A_848 = arith.constant 1 : i32
      %add3A_849 = arith.addi %mul3A_847, %add3A_848 : i32
      %get3A_850 = arith.index_cast %add3A_849 : i32 to index
      %get3A_851 = arith.constant 736 : index
      %get3A_852 = tpu.vector_load %arg7[%get3A_850, %get3A_851] {strides = array<i32>} : memref<32x768xf32, #tpu.memory_space<vmem>>, vector<16xf32>,
      %add3A_853 = arith.addf %get3A_845, %get3A_852 : vector<16xf32>
      %swap3A_854 = arith.index_cast %scan3A_106 : i32 to index
      %swap3A_855 = arith.constant 736 : index
      %swap3A_856 = tpu.vector_load %arg9[%swap3A_854, %swap3A_855] {strides = array<i32>} : memref<16x768xf32, #tpu.memory_space<vmem>>, vector<16xf32>,
      tpu.vector_store %arg9[%swap3A_854, %swap3A_855], %add3A_853 {strides = array<i32>} : memref<16x768xf32, #tpu.memory_space<vmem>>, vector<16xf32>,
      %mul3A_857 = arith.constant 2 : i32
      %mul3A_858 = arith.muli %mul3A_857, %scan3A_106 : i32
      %get3A_859 = arith.index_cast %mul3A_858 : i32 to index
      %get3A_860 = arith.constant 752 : index
      %get3A_861 = tpu.vector_load %arg7[%get3A_859, %get3A_860] {strides = array<i32>} : memref<32x768xf32, #tpu.memory_space<vmem>>, vector<16xf32>,
      %mul3A_862 = arith.constant 2 : i32
      %mul3A_863 = arith.muli %mul3A_862, %scan3A_106 : i32
      %add3A_864 = arith.constant 1 : i32
      %add3A_865 = arith.addi %mul3A_863, %add3A_864 : i32
      %get3A_866 = arith.index_cast %add3A_865 : i32 to index
      %get3A_867 = arith.constant 752 : index
      %get3A_868 = tpu.vector_load %arg7[%get3A_866, %get3A_867] {strides = array<i32>} : memref<32x768xf32, #tpu.memory_space<vmem>>, vector<16xf32>,
      %add3A_869 = arith.addf %get3A_861, %get3A_868 : vector<16xf32>
      %swap3A_870 = arith.index_cast %scan3A_106 : i32 to index
      %swap3A_871 = arith.constant 752 : index
      %swap3A_872 = tpu.vector_load %arg9[%swap3A_870, %swap3A_871] {strides = array<i32>} : memref<16x768xf32, #tpu.memory_space<vmem>>, vector<16xf32>,
      tpu.vector_store %arg9[%swap3A_870, %swap3A_871], %add3A_869 {strides = array<i32>} : memref<16x768xf32, #tpu.memory_space<vmem>>, vector<16xf32>,
    }
    %scan3A_91 = arith.constant 16 : i32
    %add3A_92 = arith.constant 48 : i32
    %add3A_93 = arith.addi %mul3A_2, %add3A_92 : i32
    %dma_start3A_94 = arith.constant 0 : i32
    %dma_start3A_95 = tpu.memref_slice %arg4[%add3A_93, %dma_start3A_94] : memref<2048x768xf32, #tpu.memory_space<hbm>> -> memref<16x768xf32, #tpu.memory_space<hbm>>
    %dma_start3A_96 = arith.constant 0 : i32
    %dma_start3A_97 = tpu.memref_slice %arg4[%add3A_93, %dma_start3A_96] : memref<2048x768xf32, #tpu.memory_space<hbm>> -> memref<16x768xf32, #tpu.memory_space<hbm>>
    tpu.enqueue_dma source(%arg9 : memref<16x768xf32, #tpu.memory_space<vmem>>) target(%dma_start3A_97 : memref<16x768xf32, #tpu.memory_space<hbm>>) target_semaphore(%arg13 : memref<!tpu.dma_semaphore, #tpu.memory_space<semaphore_mem>>)
    %dma_wait3A_98 = arith.constant 0 : i32
    %dma_wait3A_99 = tpu.memref_slice %arg4[%add3A_72, %dma_wait3A_98] : memref<2048x768xf32, #tpu.memory_space<hbm>> -> memref<16x768xf32, #tpu.memory_space<hbm>>
    %dma_wait3A_100 = arith.constant 0 : i32
    %dma_wait3A_101 = tpu.memref_slice %arg4[%add3A_72, %dma_wait3A_100] : memref<2048x768xf32, #tpu.memory_space<hbm>> -> memref<16x768xf32, #tpu.memory_space<hbm>>
    tpu.wait_dma2 semaphore(%arg12 : memref<!tpu.dma_semaphore, #tpu.memory_space<semaphore_mem>>) src(%arg8 : memref<16x768xf32, #tpu.memory_space<vmem>>) dst(%dma_wait3A_101 : memref<16x768xf32, #tpu.memory_space<hbm>>)
    %dma_wait3A_102 = arith.constant 0 : i32
    %dma_wait3A_103 = tpu.memref_slice %arg4[%add3A_93, %dma_wait3A_102] : memref<2048x768xf32, #tpu.memory_space<hbm>> -> memref<16x768xf32, #tpu.memory_space<hbm>>
    %dma_wait3A_104 = arith.constant 0 : i32
    %dma_wait3A_105 = tpu.memref_slice %arg4[%add3A_93, %dma_wait3A_104] : memref<2048x768xf32, #tpu.memory_space<hbm>> -> memref<16x768xf32, #tpu.memory_space<hbm>>
    tpu.wait_dma2 semaphore(%arg13 : memref<!tpu.dma_semaphore, #tpu.memory_space<semaphore_mem>>) src(%arg9 : memref<16x768xf32, #tpu.memory_space<vmem>>) dst(%dma_wait3A_105 : memref<16x768xf32, #tpu.memory_space<hbm>>)
    return
  }
}

#map = affine_map<(d0, d1) -> (0)>
module attributes {stable_mosaic.version = 14 : i64} {
  func.func @_dispatch_body(%arg0: i32, %arg1: i32, %arg2: memref<4096xi32, #tpu.memory_space<hbm>>, %arg3: memref<4096xf32, #tpu.memory_space<hbm>>, %arg4: memref<6144xi32, #tpu.memory_space<hbm>>, %arg5: memref<6144xf32, #tpu.memory_space<hbm>>, %arg6: memref<4096xi32, #tpu.memory_space<vmem>>, %arg7: memref<4096xf32, #tpu.memory_space<vmem>>, %arg8: memref<6144xi32, #tpu.memory_space<vmem>>, %arg9: memref<6144xf32, #tpu.memory_space<vmem>>) attributes {dimension_semantics = [#tpu.dimension_semantics<core_parallel>, #tpu.dimension_semantics<subcore_parallel>], iteration_bounds = array<i64: 2, 16>, scalar_prefetch = 0 : i64, scratch_operands = 4 : i64, tpu.core_type = #tpu.core_type<sc_vector_subcore>, window_params = [{transform_indices = #map}, {transform_indices = #map}, {transform_indices = #map}, {transform_indices = #map}]} {
    %mul3A = arith.constant 2 : i32
    %mul3A_0 = arith.muli %arg1, %mul3A : i32
    %add3A = arith.addi %mul3A_0, %arg0 : i32
    %eq3A = arith.constant 0 : i32
    %eq3A_1 = arith.cmpi eq, %add3A, %eq3A : i32
    %convert_element_type3A = arith.extui %eq3A_1 : i1 to i32
    %cond3A = arith.constant 0 : i32
    %cond3A_2 = arith.cmpi ne, %convert_element_type3A, %cond3A : i32
    scf.if %cond3A_2 {
      "tpu.trace_start"() <{level = 10 : i32, message = "disp_load"}> : () -> ()
      "tpu.region"() ({
        %run_scoped3A = tpu.sem_alloc : memref<!tpu.dma_semaphore, #tpu.memory_space<semaphore_mem>>
        tpu.enqueue_dma source(%arg2 : memref<4096xi32, #tpu.memory_space<hbm>>) target(%arg6 : memref<4096xi32, #tpu.memory_space<vmem>>) target_semaphore(%run_scoped3A : memref<!tpu.dma_semaphore, #tpu.memory_space<semaphore_mem>>)
        tpu.wait_dma2 semaphore(%run_scoped3A : memref<!tpu.dma_semaphore, #tpu.memory_space<semaphore_mem>>) src(%arg2 : memref<4096xi32, #tpu.memory_space<hbm>>) dst(%arg6 : memref<4096xi32, #tpu.memory_space<vmem>>)
        tpu.yield
      }) : () -> ()
      "tpu.region"() ({
        %run_scoped3A = tpu.sem_alloc : memref<!tpu.dma_semaphore, #tpu.memory_space<semaphore_mem>>
        tpu.enqueue_dma source(%arg3 : memref<4096xf32, #tpu.memory_space<hbm>>) target(%arg7 : memref<4096xf32, #tpu.memory_space<vmem>>) target_semaphore(%run_scoped3A : memref<!tpu.dma_semaphore, #tpu.memory_space<semaphore_mem>>)
        tpu.wait_dma2 semaphore(%run_scoped3A : memref<!tpu.dma_semaphore, #tpu.memory_space<semaphore_mem>>) src(%arg3 : memref<4096xf32, #tpu.memory_space<hbm>>) dst(%arg7 : memref<4096xf32, #tpu.memory_space<vmem>>)
        tpu.yield
      }) : () -> ()
      %broadcast_in_dim3A = arith.constant 0 : i32
      "tpu.trace_stop"() : () -> ()
      %broadcast_in_dim3A_3 = vector.broadcast %broadcast_in_dim3A : i32 to vector<16xi32>
      %broadcast_in_dim3A_4 = arith.constant 0.000000e+00 : f32
      %broadcast_in_dim3A_5 = vector.broadcast %broadcast_in_dim3A_4 : f32 to vector<16xf32>
      "tpu.trace_start"() <{level = 10 : i32, message = "disp_init"}> : () -> ()
      %scan3A = arith.constant 0 : i32
      %scan3A_6 = arith.constant 0 : i32
      %scan3A_7 = arith.constant 96 : i32
      %scan3A_8 = arith.addi %scan3A_6, %scan3A_7 : i32
      %scan3A_9 = arith.constant 1 : i32
      scf.for %scan3A_17 = %scan3A_6 to %scan3A_8 step %scan3A_9  : i32 {
        %mul3A_18 = arith.constant 64 : i32
        %mul3A_19 = arith.muli %scan3A_17, %mul3A_18 : i32
        %add3A_20 = arith.constant 0 : i32
        %add3A_21 = arith.addi %mul3A_19, %add3A_20 : i32
        %swap3A = arith.index_cast %add3A_21 : i32 to index
        %swap3A_22 = tpu.vector_load %arg8[%swap3A] {strides = array<i32>} : memref<6144xi32, #tpu.memory_space<vmem>>, vector<16xi32>,
        tpu.vector_store %arg8[%swap3A], %broadcast_in_dim3A_3 {strides = array<i32>} : memref<6144xi32, #tpu.memory_space<vmem>>, vector<16xi32>,
        %mul3A_23 = arith.constant 64 : i32
        %mul3A_24 = arith.muli %scan3A_17, %mul3A_23 : i32
        %add3A_25 = arith.constant 0 : i32
        %add3A_26 = arith.addi %mul3A_24, %add3A_25 : i32
        %swap3A_27 = arith.index_cast %add3A_26 : i32 to index
        %swap3A_28 = tpu.vector_load %arg9[%swap3A_27] {strides = array<i32>} : memref<6144xf32, #tpu.memory_space<vmem>>, vector<16xf32>,
        tpu.vector_store %arg9[%swap3A_27], %broadcast_in_dim3A_5 {strides = array<i32>} : memref<6144xf32, #tpu.memory_space<vmem>>, vector<16xf32>,
        %mul3A_29 = arith.constant 64 : i32
        %mul3A_30 = arith.muli %scan3A_17, %mul3A_29 : i32
        %add3A_31 = arith.constant 16 : i32
        %add3A_32 = arith.addi %mul3A_30, %add3A_31 : i32
        %swap3A_33 = arith.index_cast %add3A_32 : i32 to index
        %swap3A_34 = tpu.vector_load %arg8[%swap3A_33] {strides = array<i32>} : memref<6144xi32, #tpu.memory_space<vmem>>, vector<16xi32>,
        tpu.vector_store %arg8[%swap3A_33], %broadcast_in_dim3A_3 {strides = array<i32>} : memref<6144xi32, #tpu.memory_space<vmem>>, vector<16xi32>,
        %mul3A_35 = arith.constant 64 : i32
        %mul3A_36 = arith.muli %scan3A_17, %mul3A_35 : i32
        %add3A_37 = arith.constant 16 : i32
        %add3A_38 = arith.addi %mul3A_36, %add3A_37 : i32
        %swap3A_39 = arith.index_cast %add3A_38 : i32 to index
        %swap3A_40 = tpu.vector_load %arg9[%swap3A_39] {strides = array<i32>} : memref<6144xf32, #tpu.memory_space<vmem>>, vector<16xf32>,
        tpu.vector_store %arg9[%swap3A_39], %broadcast_in_dim3A_5 {strides = array<i32>} : memref<6144xf32, #tpu.memory_space<vmem>>, vector<16xf32>,
        %mul3A_41 = arith.constant 64 : i32
        %mul3A_42 = arith.muli %scan3A_17, %mul3A_41 : i32
        %add3A_43 = arith.constant 32 : i32
        %add3A_44 = arith.addi %mul3A_42, %add3A_43 : i32
        %swap3A_45 = arith.index_cast %add3A_44 : i32 to index
        %swap3A_46 = tpu.vector_load %arg8[%swap3A_45] {strides = array<i32>} : memref<6144xi32, #tpu.memory_space<vmem>>, vector<16xi32>,
        tpu.vector_store %arg8[%swap3A_45], %broadcast_in_dim3A_3 {strides = array<i32>} : memref<6144xi32, #tpu.memory_space<vmem>>, vector<16xi32>,
        %mul3A_47 = arith.constant 64 : i32
        %mul3A_48 = arith.muli %scan3A_17, %mul3A_47 : i32
        %add3A_49 = arith.constant 32 : i32
        %add3A_50 = arith.addi %mul3A_48, %add3A_49 : i32
        %swap3A_51 = arith.index_cast %add3A_50 : i32 to index
        %swap3A_52 = tpu.vector_load %arg9[%swap3A_51] {strides = array<i32>} : memref<6144xf32, #tpu.memory_space<vmem>>, vector<16xf32>,
        tpu.vector_store %arg9[%swap3A_51], %broadcast_in_dim3A_5 {strides = array<i32>} : memref<6144xf32, #tpu.memory_space<vmem>>, vector<16xf32>,
        %mul3A_53 = arith.constant 64 : i32
        %mul3A_54 = arith.muli %scan3A_17, %mul3A_53 : i32
        %add3A_55 = arith.constant 48 : i32
        %add3A_56 = arith.addi %mul3A_54, %add3A_55 : i32
        %swap3A_57 = arith.index_cast %add3A_56 : i32 to index
        %swap3A_58 = tpu.vector_load %arg8[%swap3A_57] {strides = array<i32>} : memref<6144xi32, #tpu.memory_space<vmem>>, vector<16xi32>,
        tpu.vector_store %arg8[%swap3A_57], %broadcast_in_dim3A_3 {strides = array<i32>} : memref<6144xi32, #tpu.memory_space<vmem>>, vector<16xi32>,
        %mul3A_59 = arith.constant 64 : i32
        %mul3A_60 = arith.muli %scan3A_17, %mul3A_59 : i32
        %add3A_61 = arith.constant 48 : i32
        %add3A_62 = arith.addi %mul3A_60, %add3A_61 : i32
        %swap3A_63 = arith.index_cast %add3A_62 : i32 to index
        %swap3A_64 = tpu.vector_load %arg9[%swap3A_63] {strides = array<i32>} : memref<6144xf32, #tpu.memory_space<vmem>>, vector<16xf32>,
        tpu.vector_store %arg9[%swap3A_63], %broadcast_in_dim3A_5 {strides = array<i32>} : memref<6144xf32, #tpu.memory_space<vmem>>, vector<16xf32>,
      }
      %scan3A_10 = arith.constant 96 : i32
      "tpu.trace_stop"() : () -> ()
      %iota3A = tpu.iota {dimensions = array<i32: 0>} : vector<16xi32>
      "tpu.trace_start"() <{level = 10 : i32, message = "disp_scatter"}> : () -> ()
      %scan3A_11 = arith.constant 0 : i32
      %scan3A_12 = arith.constant 0 : i32
      %scan3A_13 = arith.constant 64 : i32
      %scan3A_14 = arith.addi %scan3A_12, %scan3A_13 : i32
      %scan3A_15 = arith.constant 1 : i32
      scf.for %scan3A_17 = %scan3A_12 to %scan3A_14 step %scan3A_15  : i32 {
        %mul3A_18 = arith.constant 64 : i32
        %mul3A_19 = arith.muli %scan3A_17, %mul3A_18 : i32
        %add3A_20 = arith.constant 0 : i32
        %add3A_21 = arith.addi %mul3A_19, %add3A_20 : i32
        %get3A = arith.index_cast %add3A_21 : i32 to index
        %get3A_22 = tpu.vector_load %arg6[%get3A] {strides = array<i32>} : memref<4096xi32, #tpu.memory_space<vmem>>, vector<16xi32>,
        %add3A_23 = vector.broadcast %add3A_21 : i32 to vector<16xi32>
        %add3A_24 = arith.addi %add3A_23, %iota3A : vector<16xi32>
        %shift_right_logical3A = arith.constant 1 : i32
        %shift_right_logical3A_25 = vector.broadcast %shift_right_logical3A : i32 to vector<16xi32>
        %shift_right_logical3A_26 = arith.shrui %add3A_24, %shift_right_logical3A_25 : vector<16xi32>
        tpu.vector_store_idx %arg8[%get3A_22], %shift_right_logical3A_26 : memref<6144xi32, #tpu.memory_space<vmem>>[vector<16xi32>], vector<16xi32>,
        %get3A_27 = arith.index_cast %add3A_21 : i32 to index
        %get3A_28 = tpu.vector_load %arg7[%get3A_27] {strides = array<i32>} : memref<4096xf32, #tpu.memory_space<vmem>>, vector<16xf32>,
        tpu.vector_store_idx %arg9[%get3A_22], %get3A_28 : memref<6144xf32, #tpu.memory_space<vmem>>[vector<16xi32>], vector<16xf32>,
        %mul3A_29 = arith.constant 64 : i32
        %mul3A_30 = arith.muli %scan3A_17, %mul3A_29 : i32
        %add3A_31 = arith.constant 16 : i32
        %add3A_32 = arith.addi %mul3A_30, %add3A_31 : i32
        %get3A_33 = arith.index_cast %add3A_32 : i32 to index
        %get3A_34 = tpu.vector_load %arg6[%get3A_33] {strides = array<i32>} : memref<4096xi32, #tpu.memory_space<vmem>>, vector<16xi32>,
        %add3A_35 = vector.broadcast %add3A_32 : i32 to vector<16xi32>
        %add3A_36 = arith.addi %add3A_35, %iota3A : vector<16xi32>
        %shift_right_logical3A_37 = arith.constant 1 : i32
        %shift_right_logical3A_38 = vector.broadcast %shift_right_logical3A_37 : i32 to vector<16xi32>
        %shift_right_logical3A_39 = arith.shrui %add3A_36, %shift_right_logical3A_38 : vector<16xi32>
        tpu.vector_store_idx %arg8[%get3A_34], %shift_right_logical3A_39 : memref<6144xi32, #tpu.memory_space<vmem>>[vector<16xi32>], vector<16xi32>,
        %get3A_40 = arith.index_cast %add3A_32 : i32 to index
        %get3A_41 = tpu.vector_load %arg7[%get3A_40] {strides = array<i32>} : memref<4096xf32, #tpu.memory_space<vmem>>, vector<16xf32>,
        tpu.vector_store_idx %arg9[%get3A_34], %get3A_41 : memref<6144xf32, #tpu.memory_space<vmem>>[vector<16xi32>], vector<16xf32>,
        %mul3A_42 = arith.constant 64 : i32
        %mul3A_43 = arith.muli %scan3A_17, %mul3A_42 : i32
        %add3A_44 = arith.constant 32 : i32
        %add3A_45 = arith.addi %mul3A_43, %add3A_44 : i32
        %get3A_46 = arith.index_cast %add3A_45 : i32 to index
        %get3A_47 = tpu.vector_load %arg6[%get3A_46] {strides = array<i32>} : memref<4096xi32, #tpu.memory_space<vmem>>, vector<16xi32>,
        %add3A_48 = vector.broadcast %add3A_45 : i32 to vector<16xi32>
        %add3A_49 = arith.addi %add3A_48, %iota3A : vector<16xi32>
        %shift_right_logical3A_50 = arith.constant 1 : i32
        %shift_right_logical3A_51 = vector.broadcast %shift_right_logical3A_50 : i32 to vector<16xi32>
        %shift_right_logical3A_52 = arith.shrui %add3A_49, %shift_right_logical3A_51 : vector<16xi32>
        tpu.vector_store_idx %arg8[%get3A_47], %shift_right_logical3A_52 : memref<6144xi32, #tpu.memory_space<vmem>>[vector<16xi32>], vector<16xi32>,
        %get3A_53 = arith.index_cast %add3A_45 : i32 to index
        %get3A_54 = tpu.vector_load %arg7[%get3A_53] {strides = array<i32>} : memref<4096xf32, #tpu.memory_space<vmem>>, vector<16xf32>,
        tpu.vector_store_idx %arg9[%get3A_47], %get3A_54 : memref<6144xf32, #tpu.memory_space<vmem>>[vector<16xi32>], vector<16xf32>,
        %mul3A_55 = arith.constant 64 : i32
        %mul3A_56 = arith.muli %scan3A_17, %mul3A_55 : i32
        %add3A_57 = arith.constant 48 : i32
        %add3A_58 = arith.addi %mul3A_56, %add3A_57 : i32
        %get3A_59 = arith.index_cast %add3A_58 : i32 to index
        %get3A_60 = tpu.vector_load %arg6[%get3A_59] {strides = array<i32>} : memref<4096xi32, #tpu.memory_space<vmem>>, vector<16xi32>,
        %add3A_61 = vector.broadcast %add3A_58 : i32 to vector<16xi32>
        %add3A_62 = arith.addi %add3A_61, %iota3A : vector<16xi32>
        %shift_right_logical3A_63 = arith.constant 1 : i32
        %shift_right_logical3A_64 = vector.broadcast %shift_right_logical3A_63 : i32 to vector<16xi32>
        %shift_right_logical3A_65 = arith.shrui %add3A_62, %shift_right_logical3A_64 : vector<16xi32>
        tpu.vector_store_idx %arg8[%get3A_60], %shift_right_logical3A_65 : memref<6144xi32, #tpu.memory_space<vmem>>[vector<16xi32>], vector<16xi32>,
        %get3A_66 = arith.index_cast %add3A_58 : i32 to index
        %get3A_67 = tpu.vector_load %arg7[%get3A_66] {strides = array<i32>} : memref<4096xf32, #tpu.memory_space<vmem>>, vector<16xf32>,
        tpu.vector_store_idx %arg9[%get3A_60], %get3A_67 : memref<6144xf32, #tpu.memory_space<vmem>>[vector<16xi32>], vector<16xf32>,
      }
      %scan3A_16 = arith.constant 64 : i32
      "tpu.trace_stop"() : () -> ()
      "tpu.trace_start"() <{level = 10 : i32, message = "disp_write"}> : () -> ()
      "tpu.region"() ({
        %run_scoped3A = tpu.sem_alloc : memref<!tpu.dma_semaphore, #tpu.memory_space<semaphore_mem>>
        tpu.enqueue_dma source(%arg8 : memref<6144xi32, #tpu.memory_space<vmem>>) target(%arg4 : memref<6144xi32, #tpu.memory_space<hbm>>) target_semaphore(%run_scoped3A : memref<!tpu.dma_semaphore, #tpu.memory_space<semaphore_mem>>)
        tpu.wait_dma2 semaphore(%run_scoped3A : memref<!tpu.dma_semaphore, #tpu.memory_space<semaphore_mem>>) src(%arg8 : memref<6144xi32, #tpu.memory_space<vmem>>) dst(%arg4 : memref<6144xi32, #tpu.memory_space<hbm>>)
        tpu.yield
      }) : () -> ()
      "tpu.region"() ({
        %run_scoped3A = tpu.sem_alloc : memref<!tpu.dma_semaphore, #tpu.memory_space<semaphore_mem>>
        tpu.enqueue_dma source(%arg9 : memref<6144xf32, #tpu.memory_space<vmem>>) target(%arg5 : memref<6144xf32, #tpu.memory_space<hbm>>) target_semaphore(%run_scoped3A : memref<!tpu.dma_semaphore, #tpu.memory_space<semaphore_mem>>)
        tpu.wait_dma2 semaphore(%run_scoped3A : memref<!tpu.dma_semaphore, #tpu.memory_space<semaphore_mem>>) src(%arg9 : memref<6144xf32, #tpu.memory_space<vmem>>) dst(%arg5 : memref<6144xf32, #tpu.memory_space<hbm>>)
        tpu.yield
      }) : () -> ()
      "tpu.trace_stop"() : () -> ()
    } else {
    }
    return
  }
}

module attributes {stable_mosaic.version = 14 : i64} {
  func.func @_router_body(%arg0: memref<2048x768xf32, #tpu.memory_space<vmem>>, %arg1: memref<768x8xf32, #tpu.memory_space<vmem>>, %arg2: memref<2048x2xi32, #tpu.memory_space<vmem>>, %arg3: memref<2048x2xf32, #tpu.memory_space<vmem>>, %arg4: memref<64x1xi32, #tpu.memory_space<vmem>>, %arg5: memref<1x1xf32, #tpu.memory_space<vmem>>) attributes {dimension_semantics = [], scalar_prefetch = 0 : i64, scratch_operands = 0 : i64, tpu.core_type = #tpu.core_type<tc>} {
    %get3A = arith.constant 0 : index
    %get3A_0 = arith.constant 0 : index
    %get3A_1 = vector.load %arg0[%get3A, %get3A_0] : memref<2048x768xf32, #tpu.memory_space<vmem>>, vector<2048x768xf32>
    %get3A_2 = arith.constant 0 : index
    %get3A_3 = arith.constant 0 : index
    %get3A_4 = vector.load %arg1[%get3A_2, %get3A_3] : memref<768x8xf32, #tpu.memory_space<vmem>>, vector<768x8xf32>
    %dot_general3A = arith.constant dense<0.000000e+00> : vector<2048x8xf32>
    %dot_general3A_5 = tpu.matmul %get3A_1, %get3A_4, %dot_general3A {dimension_numbers = #tpu.dot_dimension_numbers<[1], [0], [0], [1], [0, 0, 1, 1], [], []>, transpose_lhs_hint = false} : vector<2048x768xf32>, vector<768x8xf32>, vector<2048x8xf32> -> vector<2048x8xf32>
    %iota3A = tpu.iota {dimensions = array<i32: 1>} : vector<2048x8xi32>
    %reduce_max3A = arith.constant dense<0xFF800000> : vector<2048xf32>
    %reduce_max3A_6 = vector.multi_reduction <maximumf>, %dot_general3A_5, %reduce_max3A [1] : vector<2048x8xf32> to vector<2048xf32>
    %broadcast_in_dim3A = vector.shape_cast %reduce_max3A_6 : vector<2048xf32> to vector<2048x1xf32>
    %eq3A = vector.broadcast %broadcast_in_dim3A : vector<2048x1xf32> to vector<2048x8xf32>
    %eq3A_7 = arith.cmpf oeq, %dot_general3A_5, %eq3A : vector<2048x8xf32>
    %jit3A = arith.constant 8 : i32
    %broadcast_in_dim3A_8 = vector.broadcast %jit3A : i32 to vector<2048x8xi32>
    %select_n3A = arith.select %eq3A_7, %iota3A, %broadcast_in_dim3A_8 : vector<2048x8xi1>, vector<2048x8xi32>
    %reduce_min3A = arith.constant dense<2147483647> : vector<2048xi32>
    %reduce_min3A_9 = vector.multi_reduction <minsi>, %select_n3A, %reduce_min3A [1] : vector<2048x8xi32> to vector<2048xi32>
    %broadcast_in_dim3A_10 = vector.shape_cast %reduce_min3A_9 : vector<2048xi32> to vector<2048x1xi32>
    %eq3A_11 = vector.broadcast %broadcast_in_dim3A_10 : vector<2048x1xi32> to vector<2048x8xi32>
    %eq3A_12 = arith.cmpi eq, %iota3A, %eq3A_11 : vector<2048x8xi32>
    %convert_element_type3A = arith.extui %eq3A_12 : vector<2048x8xi1> to vector<2048x8xi32>
    %convert_element_type3A_13 = arith.sitofp %convert_element_type3A : vector<2048x8xi32> to vector<2048x8xf32>
    %eq3A_14 = vector.broadcast %broadcast_in_dim3A_10 : vector<2048x1xi32> to vector<2048x8xi32>
    %eq3A_15 = arith.cmpi eq, %iota3A, %eq3A_14 : vector<2048x8xi32>
    %jit3A_16 = arith.constant 0xFF800000 : f32
    %broadcast_in_dim3A_17 = vector.broadcast %jit3A_16 : f32 to vector<2048x8xf32>
    %select_n3A_18 = arith.select %eq3A_15, %broadcast_in_dim3A_17, %dot_general3A_5 : vector<2048x8xi1>, vector<2048x8xf32>
    %reduce_max3A_19 = arith.constant dense<0xFF800000> : vector<2048xf32>
    %reduce_max3A_20 = vector.multi_reduction <maximumf>, %select_n3A_18, %reduce_max3A_19 [1] : vector<2048x8xf32> to vector<2048xf32>
    %broadcast_in_dim3A_21 = vector.shape_cast %reduce_max3A_20 : vector<2048xf32> to vector<2048x1xf32>
    %eq3A_22 = vector.broadcast %broadcast_in_dim3A_21 : vector<2048x1xf32> to vector<2048x8xf32>
    %eq3A_23 = arith.cmpf oeq, %select_n3A_18, %eq3A_22 : vector<2048x8xf32>
    %jit3A_24 = arith.constant 8 : i32
    %broadcast_in_dim3A_25 = vector.broadcast %jit3A_24 : i32 to vector<2048x8xi32>
    %select_n3A_26 = arith.select %eq3A_23, %iota3A, %broadcast_in_dim3A_25 : vector<2048x8xi1>, vector<2048x8xi32>
    %reduce_min3A_27 = arith.constant dense<2147483647> : vector<2048xi32>
    %reduce_min3A_28 = vector.multi_reduction <minsi>, %select_n3A_26, %reduce_min3A_27 [1] : vector<2048x8xi32> to vector<2048xi32>
    %broadcast_in_dim3A_29 = vector.shape_cast %reduce_min3A_28 : vector<2048xi32> to vector<2048x1xi32>
    %eq3A_30 = vector.broadcast %broadcast_in_dim3A_29 : vector<2048x1xi32> to vector<2048x8xi32>
    %eq3A_31 = arith.cmpi eq, %iota3A, %eq3A_30 : vector<2048x8xi32>
    %convert_element_type3A_32 = arith.extui %eq3A_31 : vector<2048x8xi1> to vector<2048x8xi32>
    %convert_element_type3A_33 = arith.sitofp %convert_element_type3A_32 : vector<2048x8xi32> to vector<2048x8xf32>
    %sub3A = arith.subf %broadcast_in_dim3A_21, %broadcast_in_dim3A : vector<2048x1xf32>
    %exp3A = math.exp %sub3A : vector<2048x1xf32>
    %add3A = arith.constant 1.000000e+00 : f32
    %add3A_34 = vector.broadcast %add3A : f32 to vector<2048x1xf32>
    %add3A_35 = arith.addf %add3A_34, %exp3A : vector<2048x1xf32>
    %div3A = arith.constant 1.000000e+00 : f32
    %div3A_36 = vector.broadcast %div3A : f32 to vector<2048x1xf32>
    %div3A_37 = arith.divf %div3A_36, %add3A_35 : vector<2048x1xf32>
    %add3A_38 = arith.constant 1.000000e+00 : f32
    %add3A_39 = vector.broadcast %add3A_38 : f32 to vector<2048x1xf32>
    %add3A_40 = arith.addf %add3A_39, %exp3A : vector<2048x1xf32>
    %div3A_41 = arith.divf %exp3A, %add3A_40 : vector<2048x1xf32>
    %concatenate3A = tpu.concatenate %div3A_37, %div3A_41 in 1 : vector<2048x1xf32>, vector<2048x1xf32> -> vector<2048x2xf32>
    %swap3A = arith.constant 0 : index
    %swap3A_42 = arith.constant 0 : index
    %swap3A_43 = vector.load %arg3[%swap3A, %swap3A_42] : memref<2048x2xf32, #tpu.memory_space<vmem>>, vector<2048x2xf32>
    tpu.vector_store %arg3[%swap3A, %swap3A_42], %concatenate3A {strides = array<i32>} : memref<2048x2xf32, #tpu.memory_space<vmem>>, vector<2048x2xf32>,
    %add3A_44 = arith.addf %convert_element_type3A_13, %convert_element_type3A_33 : vector<2048x8xf32>
    %reduce_sum3A = arith.constant dense<0.000000e+00> : vector<8xf32>
    %reduce_sum3A_45 = vector.multi_reduction <add>, %add3A_44, %reduce_sum3A [0] : vector<2048x8xf32> to vector<8xf32>
    %broadcast_in_dim3A_46 = vector.shape_cast %reduce_sum3A_45 : vector<8xf32> to vector<1x8xf32>
    %div3A_47 = arith.constant 4.096000e+03 : f32
    %div3A_48 = vector.broadcast %div3A_47 : f32 to vector<1x8xf32>
    %div3A_49 = arith.divf %broadcast_in_dim3A_46, %div3A_48 : vector<1x8xf32>
    %sub3A_50 = arith.constant 1.250000e-01 : f32
    %sub3A_51 = vector.broadcast %sub3A_50 : f32 to vector<1x8xf32>
    %sub3A_52 = arith.subf %div3A_49, %sub3A_51 : vector<1x8xf32>
    %integer_pow3A = arith.mulf %sub3A_52, %sub3A_52 : vector<1x8xf32>
    %reduce_sum3A_53 = arith.constant dense<0.000000e+00> : vector<1xf32>
    %reduce_sum3A_54 = vector.multi_reduction <add>, %integer_pow3A, %reduce_sum3A_53 [1] : vector<1x8xf32> to vector<1xf32>
    %broadcast_in_dim3A_55 = vector.shape_cast %reduce_sum3A_54 : vector<1xf32> to vector<1x1xf32>
    %div3A_56 = arith.constant 8.000000e+00 : f32
    %div3A_57 = vector.broadcast %div3A_56 : f32 to vector<1x1xf32>
    %div3A_58 = arith.divf %broadcast_in_dim3A_55, %div3A_57 : vector<1x1xf32>
    %swap3A_59 = arith.constant 0 : index
    %swap3A_60 = arith.constant 0 : index
    %swap3A_61 = vector.load %arg5[%swap3A_59, %swap3A_60] : memref<1x1xf32, #tpu.memory_space<vmem>>, vector<1x1xf32>
    tpu.vector_store %arg5[%swap3A_59, %swap3A_60], %div3A_58 {strides = array<i32>} : memref<1x1xf32, #tpu.memory_space<vmem>>, vector<1x1xf32>,
    %add3A_62 = arith.constant 2.550000e+02 : f32
    %add3A_63 = vector.broadcast %add3A_62 : f32 to vector<1x8xf32>
    %add3A_64 = arith.addf %broadcast_in_dim3A_46, %add3A_63 : vector<1x8xf32>
    %div3A_65 = arith.constant 2.560000e+02 : f32
    %div3A_66 = vector.broadcast %div3A_65 : f32 to vector<1x8xf32>
    %div3A_67 = arith.divf %add3A_64, %div3A_66 : vector<1x8xf32>
    %floor3A = math.floor %div3A_67 : vector<1x8xf32>
    %mul3A = arith.constant 2.560000e+02 : f32
    %mul3A_68 = vector.broadcast %mul3A : f32 to vector<1x8xf32>
    %mul3A_69 = arith.mulf %floor3A, %mul3A_68 : vector<1x8xf32>
    %iota3A_70 = tpu.iota {dimensions = array<i32: 0>} : vector<8x8xi32>
    %iota3A_71 = tpu.iota {dimensions = array<i32: 1>} : vector<8x8xi32>
    %lt3A = arith.cmpi slt, %iota3A_70, %iota3A_71 : vector<8x8xi32>
    %convert_element_type3A_72 = arith.extui %lt3A : vector<8x8xi1> to vector<8x8xi32>
    %convert_element_type3A_73 = arith.sitofp %convert_element_type3A_72 : vector<8x8xi32> to vector<8x8xf32>
    %dot_general3A_74 = arith.constant dense<0.000000e+00> : vector<1x8xf32>
    %dot_general3A_75 = tpu.matmul %mul3A_69, %convert_element_type3A_73, %dot_general3A_74 {dimension_numbers = #tpu.dot_dimension_numbers<[1], [0], [0], [1], [0, 0, 1, 1], [], []>, transpose_lhs_hint = false} : vector<1x8xf32>, vector<8x8xf32>, vector<1x8xf32> -> vector<1x8xf32>
    %add3A_76 = arith.addf %dot_general3A_75, %mul3A_69 : vector<1x8xf32>
    %add3A_77 = arith.addf %convert_element_type3A_13, %convert_element_type3A_33 : vector<2048x8xf32>
    %iota3A_78 = tpu.iota {dimensions = array<i32: 0>} : vector<256x256xi32>
    %iota3A_79 = tpu.iota {dimensions = array<i32: 1>} : vector<256x256xi32>
    %lt3A_80 = arith.cmpi slt, %iota3A_79, %iota3A_78 : vector<256x256xi32>
    %convert_element_type3A_81 = arith.extui %lt3A_80 : vector<256x256xi1> to vector<256x256xi32>
    %convert_element_type3A_82 = arith.sitofp %convert_element_type3A_81 : vector<256x256xi32> to vector<256x256xf32>
    %broadcast_in_dim3A_83 = arith.constant 0.000000e+00 : f32
    %broadcast_in_dim3A_84 = vector.broadcast %broadcast_in_dim3A_83 : f32 to vector<1x8xf32>
    %slice3A = vector.extract_strided_slice %add3A_77 {offsets = [0, 0], sizes = [256, 8], strides = [1, 1]} : vector<2048x8xf32> to vector<256x8xf32>
    %dot_general3A_85 = arith.constant dense<0.000000e+00> : vector<256x8xf32>
    %dot_general3A_86 = tpu.matmul %convert_element_type3A_82, %slice3A, %dot_general3A_85 {dimension_numbers = #tpu.dot_dimension_numbers<[1], [0], [0], [1], [0, 0, 1, 1], [], []>, transpose_lhs_hint = false} : vector<256x256xf32>, vector<256x8xf32>, vector<256x8xf32> -> vector<256x8xf32>
    %add3A_87 = vector.broadcast %broadcast_in_dim3A_84 : vector<1x8xf32> to vector<256x8xf32>
    %add3A_88 = arith.addf %dot_general3A_86, %add3A_87 : vector<256x8xf32>
    %reduce_sum3A_89 = arith.constant dense<0.000000e+00> : vector<8xf32>
    %reduce_sum3A_90 = vector.multi_reduction <add>, %slice3A, %reduce_sum3A_89 [0] : vector<256x8xf32> to vector<8xf32>
    %broadcast_in_dim3A_91 = vector.shape_cast %reduce_sum3A_90 : vector<8xf32> to vector<1x8xf32>
    %add3A_92 = arith.addf %broadcast_in_dim3A_84, %broadcast_in_dim3A_91 : vector<1x8xf32>
    %slice3A_93 = vector.extract_strided_slice %add3A_77 {offsets = [256, 0], sizes = [256, 8], strides = [1, 1]} : vector<2048x8xf32> to vector<256x8xf32>
    %dot_general3A_94 = arith.constant dense<0.000000e+00> : vector<256x8xf32>
    %dot_general3A_95 = tpu.matmul %convert_element_type3A_82, %slice3A_93, %dot_general3A_94 {dimension_numbers = #tpu.dot_dimension_numbers<[1], [0], [0], [1], [0, 0, 1, 1], [], []>, transpose_lhs_hint = false} : vector<256x256xf32>, vector<256x8xf32>, vector<256x8xf32> -> vector<256x8xf32>
    %add3A_96 = vector.broadcast %add3A_92 : vector<1x8xf32> to vector<256x8xf32>
    %add3A_97 = arith.addf %dot_general3A_95, %add3A_96 : vector<256x8xf32>
    %reduce_sum3A_98 = arith.constant dense<0.000000e+00> : vector<8xf32>
    %reduce_sum3A_99 = vector.multi_reduction <add>, %slice3A_93, %reduce_sum3A_98 [0] : vector<256x8xf32> to vector<8xf32>
    %broadcast_in_dim3A_100 = vector.shape_cast %reduce_sum3A_99 : vector<8xf32> to vector<1x8xf32>
    %add3A_101 = arith.addf %add3A_92, %broadcast_in_dim3A_100 : vector<1x8xf32>
    %slice3A_102 = vector.extract_strided_slice %add3A_77 {offsets = [512, 0], sizes = [256, 8], strides = [1, 1]} : vector<2048x8xf32> to vector<256x8xf32>
    %dot_general3A_103 = arith.constant dense<0.000000e+00> : vector<256x8xf32>
    %dot_general3A_104 = tpu.matmul %convert_element_type3A_82, %slice3A_102, %dot_general3A_103 {dimension_numbers = #tpu.dot_dimension_numbers<[1], [0], [0], [1], [0, 0, 1, 1], [], []>, transpose_lhs_hint = false} : vector<256x256xf32>, vector<256x8xf32>, vector<256x8xf32> -> vector<256x8xf32>
    %add3A_105 = vector.broadcast %add3A_101 : vector<1x8xf32> to vector<256x8xf32>
    %add3A_106 = arith.addf %dot_general3A_104, %add3A_105 : vector<256x8xf32>
    %reduce_sum3A_107 = arith.constant dense<0.000000e+00> : vector<8xf32>
    %reduce_sum3A_108 = vector.multi_reduction <add>, %slice3A_102, %reduce_sum3A_107 [0] : vector<256x8xf32> to vector<8xf32>
    %broadcast_in_dim3A_109 = vector.shape_cast %reduce_sum3A_108 : vector<8xf32> to vector<1x8xf32>
    %add3A_110 = arith.addf %add3A_101, %broadcast_in_dim3A_109 : vector<1x8xf32>
    %slice3A_111 = vector.extract_strided_slice %add3A_77 {offsets = [768, 0], sizes = [256, 8], strides = [1, 1]} : vector<2048x8xf32> to vector<256x8xf32>
    %dot_general3A_112 = arith.constant dense<0.000000e+00> : vector<256x8xf32>
    %dot_general3A_113 = tpu.matmul %convert_element_type3A_82, %slice3A_111, %dot_general3A_112 {dimension_numbers = #tpu.dot_dimension_numbers<[1], [0], [0], [1], [0, 0, 1, 1], [], []>, transpose_lhs_hint = false} : vector<256x256xf32>, vector<256x8xf32>, vector<256x8xf32> -> vector<256x8xf32>
    %add3A_114 = vector.broadcast %add3A_110 : vector<1x8xf32> to vector<256x8xf32>
    %add3A_115 = arith.addf %dot_general3A_113, %add3A_114 : vector<256x8xf32>
    %reduce_sum3A_116 = arith.constant dense<0.000000e+00> : vector<8xf32>
    %reduce_sum3A_117 = vector.multi_reduction <add>, %slice3A_111, %reduce_sum3A_116 [0] : vector<256x8xf32> to vector<8xf32>
    %broadcast_in_dim3A_118 = vector.shape_cast %reduce_sum3A_117 : vector<8xf32> to vector<1x8xf32>
    %add3A_119 = arith.addf %add3A_110, %broadcast_in_dim3A_118 : vector<1x8xf32>
    %slice3A_120 = vector.extract_strided_slice %add3A_77 {offsets = [1024, 0], sizes = [256, 8], strides = [1, 1]} : vector<2048x8xf32> to vector<256x8xf32>
    %dot_general3A_121 = arith.constant dense<0.000000e+00> : vector<256x8xf32>
    %dot_general3A_122 = tpu.matmul %convert_element_type3A_82, %slice3A_120, %dot_general3A_121 {dimension_numbers = #tpu.dot_dimension_numbers<[1], [0], [0], [1], [0, 0, 1, 1], [], []>, transpose_lhs_hint = false} : vector<256x256xf32>, vector<256x8xf32>, vector<256x8xf32> -> vector<256x8xf32>
    %add3A_123 = vector.broadcast %add3A_119 : vector<1x8xf32> to vector<256x8xf32>
    %add3A_124 = arith.addf %dot_general3A_122, %add3A_123 : vector<256x8xf32>
    %reduce_sum3A_125 = arith.constant dense<0.000000e+00> : vector<8xf32>
    %reduce_sum3A_126 = vector.multi_reduction <add>, %slice3A_120, %reduce_sum3A_125 [0] : vector<256x8xf32> to vector<8xf32>
    %broadcast_in_dim3A_127 = vector.shape_cast %reduce_sum3A_126 : vector<8xf32> to vector<1x8xf32>
    %add3A_128 = arith.addf %add3A_119, %broadcast_in_dim3A_127 : vector<1x8xf32>
    %slice3A_129 = vector.extract_strided_slice %add3A_77 {offsets = [1280, 0], sizes = [256, 8], strides = [1, 1]} : vector<2048x8xf32> to vector<256x8xf32>
    %dot_general3A_130 = arith.constant dense<0.000000e+00> : vector<256x8xf32>
    %dot_general3A_131 = tpu.matmul %convert_element_type3A_82, %slice3A_129, %dot_general3A_130 {dimension_numbers = #tpu.dot_dimension_numbers<[1], [0], [0], [1], [0, 0, 1, 1], [], []>, transpose_lhs_hint = false} : vector<256x256xf32>, vector<256x8xf32>, vector<256x8xf32> -> vector<256x8xf32>
    %add3A_132 = vector.broadcast %add3A_128 : vector<1x8xf32> to vector<256x8xf32>
    %add3A_133 = arith.addf %dot_general3A_131, %add3A_132 : vector<256x8xf32>
    %reduce_sum3A_134 = arith.constant dense<0.000000e+00> : vector<8xf32>
    %reduce_sum3A_135 = vector.multi_reduction <add>, %slice3A_129, %reduce_sum3A_134 [0] : vector<256x8xf32> to vector<8xf32>
    %broadcast_in_dim3A_136 = vector.shape_cast %reduce_sum3A_135 : vector<8xf32> to vector<1x8xf32>
    %add3A_137 = arith.addf %add3A_128, %broadcast_in_dim3A_136 : vector<1x8xf32>
    %slice3A_138 = vector.extract_strided_slice %add3A_77 {offsets = [1536, 0], sizes = [256, 8], strides = [1, 1]} : vector<2048x8xf32> to vector<256x8xf32>
    %dot_general3A_139 = arith.constant dense<0.000000e+00> : vector<256x8xf32>
    %dot_general3A_140 = tpu.matmul %convert_element_type3A_82, %slice3A_138, %dot_general3A_139 {dimension_numbers = #tpu.dot_dimension_numbers<[1], [0], [0], [1], [0, 0, 1, 1], [], []>, transpose_lhs_hint = false} : vector<256x256xf32>, vector<256x8xf32>, vector<256x8xf32> -> vector<256x8xf32>
    %add3A_141 = vector.broadcast %add3A_137 : vector<1x8xf32> to vector<256x8xf32>
    %add3A_142 = arith.addf %dot_general3A_140, %add3A_141 : vector<256x8xf32>
    %reduce_sum3A_143 = arith.constant dense<0.000000e+00> : vector<8xf32>
    %reduce_sum3A_144 = vector.multi_reduction <add>, %slice3A_138, %reduce_sum3A_143 [0] : vector<256x8xf32> to vector<8xf32>
    %broadcast_in_dim3A_145 = vector.shape_cast %reduce_sum3A_144 : vector<8xf32> to vector<1x8xf32>
    %add3A_146 = arith.addf %add3A_137, %broadcast_in_dim3A_145 : vector<1x8xf32>
    %slice3A_147 = vector.extract_strided_slice %add3A_77 {offsets = [1792, 0], sizes = [256, 8], strides = [1, 1]} : vector<2048x8xf32> to vector<256x8xf32>
    %dot_general3A_148 = arith.constant dense<0.000000e+00> : vector<256x8xf32>
    %dot_general3A_149 = tpu.matmul %convert_element_type3A_82, %slice3A_147, %dot_general3A_148 {dimension_numbers = #tpu.dot_dimension_numbers<[1], [0], [0], [1], [0, 0, 1, 1], [], []>, transpose_lhs_hint = false} : vector<256x256xf32>, vector<256x8xf32>, vector<256x8xf32> -> vector<256x8xf32>
    %add3A_150 = vector.broadcast %add3A_146 : vector<1x8xf32> to vector<256x8xf32>
    %add3A_151 = arith.addf %dot_general3A_149, %add3A_150 : vector<256x8xf32>
    %concatenate3A_152 = tpu.concatenate %add3A_88, %add3A_97, %add3A_106, %add3A_115, %add3A_124, %add3A_133, %add3A_142, %add3A_151 in 0 : vector<256x8xf32>, vector<256x8xf32>, vector<256x8xf32>, vector<256x8xf32>, vector<256x8xf32>, vector<256x8xf32>, vector<256x8xf32>, vector<256x8xf32> -> vector<2048x8xf32>
    %add3A_153 = vector.broadcast %dot_general3A_75 : vector<1x8xf32> to vector<2048x8xf32>
    %add3A_154 = arith.addf %add3A_153, %concatenate3A_152 : vector<2048x8xf32>
    %mul3A_155 = arith.mulf %convert_element_type3A_13, %add3A_154 : vector<2048x8xf32>
    %reduce_sum3A_156 = arith.constant dense<0.000000e+00> : vector<2048xf32>
    %reduce_sum3A_157 = vector.multi_reduction <add>, %mul3A_155, %reduce_sum3A_156 [1] : vector<2048x8xf32> to vector<2048xf32>
    %broadcast_in_dim3A_158 = vector.shape_cast %reduce_sum3A_157 : vector<2048xf32> to vector<2048x1xf32>
    %add3A_159 = vector.broadcast %dot_general3A_75 : vector<1x8xf32> to vector<2048x8xf32>
    %add3A_160 = arith.addf %add3A_159, %concatenate3A_152 : vector<2048x8xf32>
    %add3A_161 = arith.addf %add3A_160, %convert_element_type3A_13 : vector<2048x8xf32>
    %mul3A_162 = arith.mulf %convert_element_type3A_33, %add3A_161 : vector<2048x8xf32>
    %reduce_sum3A_163 = arith.constant dense<0.000000e+00> : vector<2048xf32>
    %reduce_sum3A_164 = vector.multi_reduction <add>, %mul3A_162, %reduce_sum3A_163 [1] : vector<2048x8xf32> to vector<2048xf32>
    %broadcast_in_dim3A_165 = vector.shape_cast %reduce_sum3A_164 : vector<2048xf32> to vector<2048x1xf32>
    %concatenate3A_166 = tpu.concatenate %broadcast_in_dim3A_158, %broadcast_in_dim3A_165 in 1 : vector<2048x1xf32>, vector<2048x1xf32> -> vector<2048x2xf32>
    %convert_element_type3A_167 = arith.fptosi %concatenate3A_166 : vector<2048x2xf32> to vector<2048x2xi32>
    %swap3A_168 = arith.constant 0 : index
    %swap3A_169 = arith.constant 0 : index
    %swap3A_170 = vector.load %arg2[%swap3A_168, %swap3A_169] : memref<2048x2xi32, #tpu.memory_space<vmem>>, vector<2048x2xi32>
    tpu.vector_store %arg2[%swap3A_168, %swap3A_169], %convert_element_type3A_167 {strides = array<i32>} : memref<2048x2xi32, #tpu.memory_space<vmem>>, vector<2048x2xi32>,
    %iota3A_171 = tpu.iota {dimensions = array<i32: 0>} : vector<64x8xi32>
    %convert_element_type3A_172 = arith.sitofp %iota3A_171 : vector<64x8xi32> to vector<64x8xf32>
    %mul3A_173 = arith.constant 2.560000e+02 : f32
    %mul3A_174 = vector.broadcast %mul3A_173 : f32 to vector<64x8xf32>
    %mul3A_175 = arith.mulf %convert_element_type3A_172, %mul3A_174 : vector<64x8xf32>
    %ge3A = vector.broadcast %add3A_76 : vector<1x8xf32> to vector<64x8xf32>
    %ge3A_176 = arith.cmpf oge, %mul3A_175, %ge3A : vector<64x8xf32>
    %convert_element_type3A_177 = arith.extui %ge3A_176 : vector<64x8xi1> to vector<64x8xi32>
    %convert_element_type3A_178 = arith.sitofp %convert_element_type3A_177 : vector<64x8xi32> to vector<64x8xf32>
    %reduce_sum3A_179 = arith.constant dense<0.000000e+00> : vector<64xf32>
    %reduce_sum3A_180 = vector.multi_reduction <add>, %convert_element_type3A_178, %reduce_sum3A_179 [1] : vector<64x8xf32> to vector<64xf32>
    %broadcast_in_dim3A_181 = vector.shape_cast %reduce_sum3A_180 : vector<64xf32> to vector<64x1xf32>
    %min3A = arith.constant 7.000000e+00 : f32
    %min3A_182 = vector.broadcast %min3A : f32 to vector<64x1xf32>
    %min3A_183 = arith.minimumf %broadcast_in_dim3A_181, %min3A_182 : vector<64x1xf32>
    %convert_element_type3A_184 = arith.fptosi %min3A_183 : vector<64x1xf32> to vector<64x1xi32>
    %swap3A_185 = arith.constant 0 : index
    %swap3A_186 = arith.constant 0 : index
    %swap3A_187 = vector.load %arg4[%swap3A_185, %swap3A_186] : memref<64x1xi32, #tpu.memory_space<vmem>>, vector<64x1xi32>
    tpu.vector_store %arg4[%swap3A_185, %swap3A_186], %convert_element_type3A_184 {strides = array<i32>} : memref<64x1xi32, #tpu.memory_space<vmem>>, vector<64x1xi32>,
    return
  }
}

module attributes {stable_mosaic.version = 14 : i64} {
  func.func @_gmm_body(%arg0: i32, %arg1: i32, %arg2: memref<24xi32, #tpu.memory_space<smem>>, %arg3: memref<256x1xi32, #tpu.memory_space<vmem>>, %arg4: memref<2048x768xf32, #tpu.memory_space<vmem>>, %arg5: memref<1x768x1536xf32, #tpu.memory_space<vmem>>, %arg6: memref<1x1536x768xf32, #tpu.memory_space<vmem>>, %arg7: memref<256x1xf32, #tpu.memory_space<vmem>>, %arg8: memref<256x768xf32, #tpu.memory_space<vmem>>, %arg9: memref<256x768xf32, #tpu.memory_space<vmem>>, %arg10: memref<6144x768xbf16, #tpu.memory_space<vmem>>) attributes {dimension_semantics = [#tpu.dimension_semantics<arbitrary>, #tpu.dimension_semantics<arbitrary>], iteration_bounds = array<i64: 2, 24>, scalar_prefetch = 1 : i64, scratch_operands = 1 : i64, tpu.core_type = #tpu.core_type<tc>, window_params = [{transform_indices = @transform_0, window_bounds = array<i64: 256, 1>}, {pipeline_mode = #tpu.pipeline_mode<synchronous>, transform_indices = @transform_1, window_bounds = array<i64: 2048, 768>}, {transform_indices = @transform_2, window_bounds = array<i64: 1, 768, 1536>}, {transform_indices = @transform_3, window_bounds = array<i64: 1, 1536, 768>}, {transform_indices = @transform_4, window_bounds = array<i64: 256, 1>}, {transform_indices = @transform_5, window_bounds = array<i64: 256, 768>}, {transform_indices = @transform_6, window_bounds = array<i64: 256, 768>}]} {
    %eq3A = arith.constant 0 : i32
    %eq3A_0 = arith.cmpi eq, %arg0, %eq3A : i32
    %convert_element_type3A = arith.extui %eq3A_0 : i1 to i32
    %cond3A = arith.constant 0 : i32
    %cond3A_1 = arith.cmpi ne, %convert_element_type3A, %cond3A : i32
    scf.if %cond3A_1 {
      %get3A_43 = arith.constant 0 : index
      %get3A_44 = arith.constant 0 : index
      %get3A_45 = vector.load %arg3[%get3A_43, %get3A_44] : memref<256x1xi32, #tpu.memory_space<vmem>>, vector<256x1xi32>
      %iota3A = tpu.iota {dimensions = array<i32: 1>} : vector<256x2048xi32>
      %eq3A_46 = vector.broadcast %get3A_45 : vector<256x1xi32> to vector<256x2048xi32>
      %eq3A_47 = arith.cmpi eq, %iota3A, %eq3A_46 : vector<256x2048xi32>
      %convert_element_type3A_48 = arith.extui %eq3A_47 : vector<256x2048xi1> to vector<256x2048xi32>
      %convert_element_type3A_49 = arith.sitofp %convert_element_type3A_48 : vector<256x2048xi32> to vector<256x2048xf32>
      %get3A_50 = arith.constant 0 : index
      %get3A_51 = arith.constant 0 : index
      %get3A_52 = vector.load %arg4[%get3A_50, %get3A_51] : memref<2048x768xf32, #tpu.memory_space<vmem>>, vector<2048x768xf32>
      %dot_general3A_53 = arith.constant dense<0.000000e+00> : vector<256x768xf32>
      %dot_general3A_54 = tpu.matmul %convert_element_type3A_49, %get3A_52, %dot_general3A_53 {dimension_numbers = #tpu.dot_dimension_numbers<[1], [0], [0], [1], [0, 0, 1, 1], [], []>, transpose_lhs_hint = false} : vector<256x2048xf32>, vector<2048x768xf32>, vector<256x768xf32> -> vector<256x768xf32>
      %convert_element_type3A_55 = arith.truncf %dot_general3A_54 : vector<256x768xf32> to vector<256x768xbf16>
      %mul3A_56 = arith.constant 256 : i32
      %mul3A_57 = arith.muli %arg1, %mul3A_56 : i32
      %swap3A = arith.index_cast %mul3A_57 : i32 to index
      %swap3A_58 = arith.constant 0 : index
      %swap3A_59 = vector.load %arg10[%swap3A, %swap3A_58] : memref<6144x768xbf16, #tpu.memory_space<vmem>>, vector<256x768xbf16>
      tpu.vector_store %arg10[%swap3A, %swap3A_58], %convert_element_type3A_55 {strides = array<i32>} : memref<6144x768xbf16, #tpu.memory_space<vmem>>, vector<256x768xbf16>,
    } else {
    }
    %mul3A = arith.constant 256 : i32
    %mul3A_2 = arith.muli %arg1, %mul3A : i32
    %get3A = arith.index_cast %mul3A_2 : i32 to index
    %get3A_3 = arith.constant 0 : index
    %get3A_4 = vector.load %arg10[%get3A, %get3A_3] : memref<6144x768xbf16, #tpu.memory_space<vmem>>, vector<256x768xbf16>
    %convert_element_type3A_5 = arith.extf %get3A_4 : vector<256x768xbf16> to vector<256x768xf32>
    %get3A_6 = arith.constant 0 : index
    %get3A_7 = arith.constant 0 : index
    %get3A_8 = arith.constant 0 : index
    %get3A_9 = vector.load %arg5[%get3A_6, %get3A_7, %get3A_8] : memref<1x768x1536xf32, #tpu.memory_space<vmem>>, vector<1x768x1536xf32>
    %get3A_10 = vector.shape_cast %get3A_9 : vector<1x768x1536xf32> to vector<768x1536xf32>
    %dot_general3A = arith.constant dense<0.000000e+00> : vector<256x1536xf32>
    %dot_general3A_11 = tpu.matmul %convert_element_type3A_5, %get3A_10, %dot_general3A {dimension_numbers = #tpu.dot_dimension_numbers<[1], [0], [0], [1], [0, 0, 1, 1], [], []>, transpose_lhs_hint = false} : vector<256x768xf32>, vector<768x1536xf32>, vector<256x1536xf32> -> vector<256x1536xf32>
    %mul3A_12 = arith.constant 5.000000e-01 : f32
    %mul3A_13 = vector.broadcast %mul3A_12 : f32 to vector<256x1536xf32>
    %mul3A_14 = arith.mulf %mul3A_13, %dot_general3A_11 : vector<256x1536xf32>
    %mul3A_15 = arith.constant 0.707106769 : f32
    %mul3A_16 = vector.broadcast %mul3A_15 : f32 to vector<256x1536xf32>
    %mul3A_17 = arith.mulf %dot_general3A_11, %mul3A_16 : vector<256x1536xf32>
    %erf3A = math.erf %mul3A_17 : vector<256x1536xf32>
    %add3A = arith.constant 1.000000e+00 : f32
    %add3A_18 = vector.broadcast %add3A : f32 to vector<256x1536xf32>
    %add3A_19 = arith.addf %add3A_18, %erf3A : vector<256x1536xf32>
    %mul3A_20 = arith.mulf %mul3A_14, %add3A_19 : vector<256x1536xf32>
    %get3A_21 = arith.constant 0 : index
    %get3A_22 = arith.constant 0 : index
    %get3A_23 = arith.constant 0 : index
    %get3A_24 = vector.load %arg6[%get3A_21, %get3A_22, %get3A_23] : memref<1x1536x768xf32, #tpu.memory_space<vmem>>, vector<1x1536x768xf32>
    %get3A_25 = vector.shape_cast %get3A_24 : vector<1x1536x768xf32> to vector<1536x768xf32>
    %dot_general3A_26 = arith.constant dense<0.000000e+00> : vector<256x768xf32>
    %dot_general3A_27 = tpu.matmul %mul3A_20, %get3A_25, %dot_general3A_26 {dimension_numbers = #tpu.dot_dimension_numbers<[1], [0], [0], [1], [0, 0, 1, 1], [], []>, transpose_lhs_hint = false} : vector<256x1536xf32>, vector<1536x768xf32>, vector<256x768xf32> -> vector<256x768xf32>
    %get3A_28 = arith.constant 0 : index
    %get3A_29 = arith.constant 0 : index
    %get3A_30 = vector.load %arg7[%get3A_28, %get3A_29] : memref<256x1xf32, #tpu.memory_space<vmem>>, vector<256x1xf32>
    %mul3A_31 = vector.broadcast %get3A_30 : vector<256x1xf32> to vector<256x768xf32>
    %mul3A_32 = arith.mulf %dot_general3A_27, %mul3A_31 : vector<256x768xf32>
    %eq3A_33 = arith.constant 0 : i32
    %eq3A_34 = arith.cmpi eq, %arg0, %eq3A_33 : i32
    %convert_element_type3A_35 = arith.extui %eq3A_34 : i1 to i32
    %cond3A_36 = arith.constant 0 : i32
    %cond3A_37 = arith.cmpi ne, %convert_element_type3A_35, %cond3A_36 : i32
    scf.if %cond3A_37 {
      %swap3A = arith.constant 0 : index
      %swap3A_43 = arith.constant 0 : index
      %swap3A_44 = vector.load %arg9[%swap3A, %swap3A_43] : memref<256x768xf32, #tpu.memory_space<vmem>>, vector<256x768xf32>
      tpu.vector_store %arg9[%swap3A, %swap3A_43], %mul3A_32 {strides = array<i32>} : memref<256x768xf32, #tpu.memory_space<vmem>>, vector<256x768xf32>,
    } else {
    }
    %eq3A_38 = arith.constant 1 : i32
    %eq3A_39 = arith.cmpi eq, %arg0, %eq3A_38 : i32
    %convert_element_type3A_40 = arith.extui %eq3A_39 : i1 to i32
    %cond3A_41 = arith.constant 0 : i32
    %cond3A_42 = arith.cmpi ne, %convert_element_type3A_40, %cond3A_41 : i32
    scf.if %cond3A_42 {
      %get3A_43 = arith.constant 0 : index
      %get3A_44 = arith.constant 0 : index
      %get3A_45 = vector.load %arg8[%get3A_43, %get3A_44] : memref<256x768xf32, #tpu.memory_space<vmem>>, vector<256x768xf32>
      %add3A_46 = arith.addf %get3A_45, %mul3A_32 : vector<256x768xf32>
      %swap3A = arith.constant 0 : index
      %swap3A_47 = arith.constant 0 : index
      %swap3A_48 = vector.load %arg9[%swap3A, %swap3A_47] : memref<256x768xf32, #tpu.memory_space<vmem>>, vector<256x768xf32>
      tpu.vector_store %arg9[%swap3A, %swap3A_47], %add3A_46 {strides = array<i32>} : memref<256x768xf32, #tpu.memory_space<vmem>>, vector<256x768xf32>,
    } else {
    }
    return
  }
  func.func @transform_0(%arg0: i32, %arg1: i32, %arg2: memref<24xi32, #tpu.memory_space<smem>>) -> (i32, i32) {
    %c0_i32 = arith.constant 0 : i32
    %c0_i32_0 = arith.constant 0 : i32
    return %arg1, %c0_i32 : i32, i32
  }
  func.func @transform_1(%arg0: i32, %arg1: i32, %arg2: memref<24xi32, #tpu.memory_space<smem>>) -> (i32, i32) {
    %c0_i32 = arith.constant 0 : i32
    %c0_i32_0 = arith.constant 0 : i32
    %c0_i32_1 = arith.constant 0 : i32
    return %c0_i32, %c0_i32_0 : i32, i32
  }
  func.func @transform_2(%arg0: i32, %arg1: i32, %arg2: memref<24xi32, #tpu.memory_space<smem>>) -> (i32, i32, i32) {
    %get3A = arith.index_cast %arg1 : i32 to index
    %get3A_0 = memref.load %arg2[%get3A] : memref<24xi32, #tpu.memory_space<smem>>
    %c0_i32 = arith.constant 0 : i32
    %c0_i32_1 = arith.constant 0 : i32
    return %get3A_0, %c0_i32, %arg0 : i32, i32, i32
  }
  func.func @transform_3(%arg0: i32, %arg1: i32, %arg2: memref<24xi32, #tpu.memory_space<smem>>) -> (i32, i32, i32) {
    %get3A = arith.index_cast %arg1 : i32 to index
    %get3A_0 = memref.load %arg2[%get3A] : memref<24xi32, #tpu.memory_space<smem>>
    %c0_i32 = arith.constant 0 : i32
    %c0_i32_1 = arith.constant 0 : i32
    return %get3A_0, %arg0, %c0_i32 : i32, i32, i32
  }
  func.func @transform_4(%arg0: i32, %arg1: i32, %arg2: memref<24xi32, #tpu.memory_space<smem>>) -> (i32, i32) {
    %c0_i32 = arith.constant 0 : i32
    %c0_i32_0 = arith.constant 0 : i32
    return %arg1, %c0_i32 : i32, i32
  }
  func.func @transform_5(%arg0: i32, %arg1: i32, %arg2: memref<24xi32, #tpu.memory_space<smem>>) -> (i32, i32) {
    %c0_i32 = arith.constant 0 : i32
    %c0_i32_0 = arith.constant 0 : i32
    return %arg1, %c0_i32 : i32, i32
  }
  func.func @transform_6(%arg0: i32, %arg1: i32, %arg2: memref<24xi32, #tpu.memory_space<smem>>) -> (i32, i32) {
    %c0_i32 = arith.constant 0 : i32
    %c0_i32_0 = arith.constant 0 : i32
    return %arg1, %c0_i32 : i32, i32
  }
}

</mosaic_0001>

<sc_bundles>
// kernel: kernel.6.cloned.1.call-start
scs
__scs_entry_jumppad:
0x0: {  	(pc) =	sbr.rel $0x88, $3  }
0x1: {  	(tag) =	ssettag $0x0;
	lr =	simm.s32 $0x1  }
0x2: {  	[smem:$0x3F9D] =	sst lr;
	_ =	strace $0xD0000000  }
0x3: {  	_ = 	snop  }
0x4: {  	_ = 	snop  }
0x5: {  	_ = 	snop  }
0x6: {  	_ = 	snop  }
0x7: {  	_ = 	snop  }
__scs_overlays_trampoline_lowered:
0x8: {  	[smem:$0x3FAC] =	sst s0  }
0x9: {  	[smem:$0x3FAD] =	sst s1  }
0xa: {  	[smem:$0x3FAE] =	sst s2  }
0xb: {  	[smem:$0x3FAF] =	sst s3  }
0xc: {  	[smem:$0x3FB0] =	sst s4  }
0xd: {  	[smem:$0x3FB1] =	sst s5  }
0xe: {  	[smem:$0x3FB2] =	sst s6  }
0xf: {  	[smem:$0x3FB3] =	sst s7  }
0x10: {  	[smem:$0x3FB4] =	sst s8  }
0x11: {  	[smem:$0x3FB5] =	sst s9;
	s0 =	simm.s32 @!p0 $0x0  }
0x12: {  	s1 =	sld [smem:$0x3F9B];
	s0 =	simm.s32 @p0 $0x1  }
0x13: {  	[smem:$0x3FB6] =	sst s0;
	s0 =	simm.s32 @!p1 $0x0  }
0x14: {  	s2 =	sld [smem:$0x3F9A];
	s0 =	simm.s32 @p1 $0x1  }
0x15: {  	[smem:$0x3FB7] =	sst s0;
	s0 =	simm.s32 @!p2 $0x0  }
0x16: {  	s3 =	sld [smem:$0x3FDB];
	s0 =	simm.s32 @p2 $0x1  }
0x17: {  	s4 =	simm.s32 $0x1BF5;
	[smem:$0x3FB9] =	sst s0  }
0x18: {  	s0 =	sld [smem:$0x3F9C];
	_ =	swait.ge [sflag:s4], $0x0  }
0x19: {  	s7 =	sld [smem:$0x3F9D]  }
0x1a: {  	s8 =	sadd.s32 $0xFFFFE003, lr  }
0x1b: {  	s9 =	sadd.s32 $0xFFFFFEF7, lr;
	s5 =	simm.s32 $0xFFFFFFFF;
	p2 =	slt.u32 s8, $0xFFFFF086  }
0x1c: {  	p1 =	slt.u32 s9, $0xF7A;
	s5 =	simm.s32 @!p2 $0x0  }
0x1d: {  	s5 =	simm.s32 @p1 $0x1;
	p0 =	seq.s32 s7, s2  }
0x1e: {  	s7 =	smul.u32 @!p0 $0xF7A, s2;
	p2 =	seq.s32 @!p0 s5, $0x0  }
0x1f: {  	s9 =	smul.u32 $0xF7A, s1;
	s8 =	simm.s32 @!p0 $0x1BF5;
	p2 =	por !p2, p0  }
0x20: {  	[sflag:s8] =	ssyncset.s32 @!p0 $0xFFFFF086;
	s6 =	sadd.s32 @!p0 s3, s7;
	s7 =	simm.s32 @!p0 $0x108  }
0x21: {  	s3 =	sadd.s32 s3, s9;
	s6 =	sadd.s32 @!p0 $0x88, s6;
	s7 =	simm.s32 @p2 $0x1082  }
0x22: {  	[simem:s7], [sflag:s8] =	dma.local @!p0 [hbm:s6], $0xF7A  }
0x23: {  	s9 =	sor.u32 $0xD0000000, s2;
	s6 =	simm.s32 $0x108;
	_ =	swait.ge @!p0 [sflag:s8], $0x0  }
0x24: {  	s3 =	sadd.s32 $0x88, s3;
	s6 =	simm.s32 @!p1 $0x1082;
	[sflag:s4] =	ssyncset.s32 $0xFFFFF086  }
0x25: {  	[simem:s6], [sflag:s4] =	dma.local [hbm:s3], $0xF7A  }
0x26: {  	[smem:$0x3F9D] =	sst s1;
	(tag) =	ssettag s2;
	_ =	strace s9  }
0x27: {  	s1 =	sld [smem:$0x3FAD]  }
0x28: {  	s2 =	sld [smem:$0x3FAE]  }
0x29: {  	s4 =	sld [smem:$0x3FB0]  }
0x2a: {  	p0 =	seq.s32 s5, $0x0;
	s5 =	sld [smem:$0x3FB1]  }
0x2b: {  	s6 =	sld [smem:$0x3FB2]  }
0x2c: {  	s7 =	sld [smem:$0x3FB3]  }
0x2d: {  	s3 =	simm.s32 $0x108;
	s8 =	sld [smem:$0x3FB4]  }
0x2e: {  	s3 =	simm.s32 @!p0 $0x1082;
	s9 =	sld [smem:$0x3FB5]  }
0x2f: {  	lr =	sadd.s32 s0, s3;
	s0 =	sld [smem:$0x3FAC]  }
0x30: {  	s3 =	sld [smem:$0x3FAF]  }
0x31: {  	[smem:$0x3FB8] =	sst s10  }
0x32: {  	s10 =	sld [smem:$0x3FB6];
	_ =	sdelay $0x3  }
0x33: {  	p0 =	seq.s32 s10, $0x1;
	s10 =	sld [smem:$0x3FB8];
	_ =	sdelay $0x3  }
0x34: {  	[smem:$0x3FB8] =	sst s10  }
0x35: {  	s10 =	sld [smem:$0x3FB7];
	_ =	sdelay $0x3  }
0x36: {  	p1 =	seq.s32 s10, $0x1;
	s10 =	sld [smem:$0x3FB8];
	_ =	sdelay $0x3  }
0x37: {  	[smem:$0x3FB8] =	sst s10  }
0x38: {  	s10 =	sld [smem:$0x3FB9]  }
0x39: {  	_ = 	snop;
	(pc) =	sbr.ind lr, $3  }
0x3a: {  	_ = 	snop  }
0x3b: {  	_ = 	snop  }
0x3c: {  	p2 =	seq.s32 s10, $0x1;
	s10 =	sld [smem:$0x3FB8]  }
0x3d: {  	_ =	shalt  }
0x3e: {  	_ =	shalt  }
0x3f: {  	_ =	shalt  }
0x40: {  	_ =	shalt  }
0x41: {  	_ =	shalt  }
0x42: {  	_ =	shalt  }
0x43: {  	_ =	shalt  }
0x44: {  	_ =	shalt  }
0x45: {  	_ =	shalt  }
0x46: {  	_ =	shalt  }
0x47: {  	_ =	shalt  }
0x48: {  	_ =	shalt  }
0x49: {  	_ =	shalt  }
0x4a: {  	_ =	shalt  }
0x4b: {  	_ =	shalt  }
0x4c: {  	_ =	shalt  }
0x4d: {  	_ =	shalt  }
0x4e: {  	_ =	shalt  }
0x4f: {  	_ =	shalt  }
0x50: {  	_ =	shalt  }
0x51: {  	_ =	shalt  }
0x52: {  	_ =	shalt  }
0x53: {  	_ =	shalt  }
0x54: {  	_ =	shalt  }
0x55: {  	_ =	shalt  }
0x56: {  	_ =	shalt  }
0x57: {  	_ =	shalt  }
0x58: {  	_ =	shalt  }
0x59: {  	_ =	shalt  }
0x5a: {  	_ =	shalt  }
0x5b: {  	_ =	shalt  }
0x5c: {  	_ =	shalt  }
0x5d: {  	_ =	shalt  }
0x5e: {  	_ =	shalt  }
0x5f: {  	_ =	shalt  }
0x60: {  	_ =	shalt  }
0x61: {  	_ =	shalt  }
0x62: {  	_ =	shalt  }
0x63: {  	_ =	shalt  }
0x64: {  	_ =	shalt  }
0x65: {  	_ =	shalt  }
0x66: {  	_ =	shalt  }
0x67: {  	_ =	shalt  }
0x68: {  	_ =	shalt  }
0x69: {  	_ =	shalt  }
0x6a: {  	_ =	shalt  }
0x6b: {  	_ =	shalt  }
0x6c: {  	_ =	shalt  }
0x6d: {  	_ =	shalt  }
0x6e: {  	_ =	shalt  }
0x6f: {  	_ =	shalt  }
0x70: {  	_ =	shalt  }
0x71: {  	_ =	shalt  }
0x72: {  	_ =	shalt  }
0x73: {  	_ =	shalt  }
0x74: {  	_ =	shalt  }
0x75: {  	_ =	shalt  }
0x76: {  	_ =	shalt  }
0x77: {  	_ =	shalt  }
0x78: {  	_ =	shalt  }
0x79: {  	_ =	shalt  }
0x7a: {  	_ =	shalt  }
0x7b: {  	_ =	shalt  }
0x7c: {  	_ =	shalt  }
0x7d: {  	_ =	shalt  }
0x7e: {  	_ =	shalt  }
0x7f: {  	_ =	shalt  }
0x80: {  	_ =	shalt  }
0x81: {  	_ =	shalt  }
0x82: {  	_ =	shalt  }
0x83: {  	_ =	shalt  }
0x84: {  	_ =	shalt  }
0x85: {  	_ =	shalt  }
0x86: {  	_ =	shalt  }
0x87: {  	_ =	shalt  }
.Lfunc_end0:
.L_simem_size_0:
called_computation_lowered:
.L_overlay_start_0:
0x88: {  	s2 =	sld [smem:$0x3FD9]  }
0x89: {  	s3 =	sld [smem:$0x3FFE];
	_ =	sdelay $0x1  }
0x8a: {  	s1 =	srdreg.scid  }
0x8b: {  	s0 =	sand.u32 $0x1, s1  }
0x8c: {  	s14 =	sshll.u32 s0, $0xA;
	s2 =	sadd.s32 s3, s2  }
0x8d: {  	s2 =	sadd.s32 s2, s14  }
0x8e: {  	[smem:$0x3FC4] =	sst s2  }
0x8f: {  	_ = 	snop  }
0x90: {  	s2 =	sld [smem:$0x3FD0];
	_ =	sdelay $0x2  }
0x91: {  	s15 =	simm.s32 $0xA;
	s4 =	simm.s32 $0x10  }
0x92: {  	[smem:s4], [sflag:s15] =	dma.local [hbm:s2], $0x1  }
0x93: {  	_ =	swait.eq [sflag:s15], $0x1  }
0x94: {  	[sflag:s15] =	ssyncset.done $0x0  }
0x95: {  	[sflag:s15] =	ssyncadd.s32 $0xFFFFFFFF  }
0x96: {  	s16 =	sld [smem:$0x10];
	(tm) =	ssettm $0x1  }
0x97: {  	s17 =	sld [smem:$0x3FFB];
	_ =	sdelay $0x3  }
0x98: {  	_ =	strace s17  }
0x99: {  	s3 =	sld [smem:$0x3FFC];
	_ =	sdelay $0x3  }
0x9a: {  	_ =	strace s3  }
0x9b: {  	s3 =	sld [smem:$0x3FFD];
	_ =	sdelay $0x3  }
0x9c: {  	_ =	strace s3  }
0x9d: {  	_ =	strace $0x8FFFFFFF  }
0x9e: {  	s18 =	sld [smem:$0x3FDB];
	_ =	sdelay $0x1  }
0x9f: {  	s19 =	simm.s32 $_scs_section_size  }
0xa0: {  	s5 =	simm.s32 $_size__tile_overlayer_lowered;
	s6 =	simm.s32 $_tile_overlayer_lowered  }
0xa1: {  	s22 =	simm.s32 $0x1BFF;
	s21 =	sshll.u32 s6, $0x1;
	s3 =	sadd.s32 s19, s18  }
0xa2: {  	s7 =	simm.s32 $0x0;
	s20 =	sshll.u32 s5, $0x1;
	s5 =	sadd.s32 s21, s3  }
0xa3: {  	[timem:s7], [sflag:s22] =	dma.local [hbm:s5], s20  }
0xa4: {  	_ =	swait.ge [sflag:s22], s20  }
0xa5: {  	s4 =	ssub.s32 $0x0, s20;
	[sflag:s22] =	ssyncset.done $0x0  }
0xa6: {  	[sflag:s22] =	ssyncadd.s32 s4;
	_ =	sdelay $0x1  }
0xa7: {  	s23 =	simm.s32 $0x1B8B  }
0xa8: {  	_ =	swait.ge [sflag:s23], $0x1  }
0xa9: {  	[sflag:s23] =	ssyncset.done $0x0  }
0xaa: {  	s25 =	simm.s32 $0x1B8E;
	s24 =	sld [smem:$0x3FFE];
	[sflag:s23] =	ssyncadd.s32 $0xFFFFFFFF  }
0xab: {  	s26 =	simm.s32 $execute0_lowered;
	[smem:$0x3FD2] =	sst s25  }
0xac: {  	s5 =	sshll.u32 s26, $0x1;
	_ =	strace $0x80000046;
	[dreg:$0x1] =	wrdreg $0xFFFFFFFF  }
0xad: {  	s28 =	simm.s32 $_size_execute0_lowered;
	s3 =	sadd.s32 s3, s5;
	[dreg:$0x0] =	wrdreg $0x0  }
0xae: {  	s5 =	sshll.u32 s28, $0x1;
	[dreg:$0x2] =	wrdreg s3  }
0xaf: {  	[dreg:$0x3] =	wrdreg s5  }
0xb0: {  	[dreg:$0x4] =	wrdreg $0xC0  }
0xb1: {  	_ =	task [dreg:s7], $0x5FFFF  }
0xb2: {  	[dreg:$0x1] =	wrdreg $0xFFFFFFFF  }
0xb3: {  	[dreg:$0x0] =	wrdreg $0x60  }
0xb4: {  	[dreg:$0x2] =	wrdreg s24  }
0xb5: {  	[dreg:$0x3] =	wrdreg s16  }
0xb6: {  	[dreg:$0x4] =	wrdreg $0x9  }
0xb7: {  	_ =	task.clear_ibuf [dreg:s7], $0x5FFFF;
	_ =	strace $0x90000046  }
0xb8: {  	s29 =	simm.s32 $0x9;
	_ =	strace $0x8000004C  }
0xb9: {  	_ =	swait.ge [sflag:s29], $0x1  }
0xba: {  	[sflag:s29] =	ssyncadd.s32 $0xFFFFFFFF  }
0xbb: {  	_ =	strace $0x9000004C  }
0xbc: {  	_ =	sfence  }
0xbd: {  	s30 =	sld [smem:$0x0];
	_ =	sdelay $0x2  }
0xbe: {  	s31 =	sshll.u32 s1, $0xD;
	s1 =	sshrl.u32 s1, $0x2  }
0xbf: {  	s3 =	sand.u32 $0x4000, s31;
	s1 =	sadd.s32 s1, s30  }
0xc0: {  	s0 =	sor.u32 s3, s0;
	s1 =	sshll.u32 s1, $0x11  }
0xc1: {  	s0 =	sor.u32 s1, s0  }
0xc2: {  	s0 =	sadd.s32 $0x8F2B, s0  }
0xc3: {  	[sflag:s0] =	ssyncadd.remote.s32 $0x1  }
0xc4: {  	_ =	sfence.sel $0xFFFF  }
0xc5: {  	[dreg:$0x0] =	wrdreg $0xFFFFFFFF;
	(pc) =	sbr.abs _section_cstart, $3  }
0xc6: {  	[dreg:$0x1] =	wrdreg $0xFFFFFFFF  }
0xc7: {  	_ =	task.clear_ibuf [dreg:s7], $0x2FFFF;
	_ =	strace $0x9FFFFFFF  }
0xc8: {  	(tm) =	ssettm $0x7FFFFFFF  }
0xc9: {  	_ =	shalt  }
tec
execute0_lowered:
.L_overlay_start_1:
0x0: {  	(tag) =	ssettag $0x1  }
0x1: {  	s0 =	srdreg.scid  }
0x2: {  	s3 =	sand.u32 $0x1, s0;
	s0 =	stileid.u32  }
0x3: {  	s4 =	sshll.u32 s0, $0x1;
	s6 =	ssub.s32 $0x0, s3  }
0x4: {  	p0 =	sne.s32 s4, s6  }
.Ltmp0:
0x5: {  	_ = 	snop;
	(pc) =	sbr.rel @p0 .LBB2_7-.Ltmp0, $4  }
0x6: {  	_ = 	snop  }
0x7: {  	s5 =	rddreg [dreg:$0x0]  }
0x8: {  	s2 =	rddreg [dreg:$0x1]  }
0x9: {  	s1 =	rddreg [dreg:$0x2];
	_ =	strace $0x80000047  }
0xa: {  	s4 =	ssub.s32 $0x2, s3  }
0xb: {  	s3 =	sadd.s32 $0xC00, s5;
	s7 =	simm.s32 $0x0;
	s8 =	simm.s32 $0x1  }
0xc: {  	s9 =	simm.s32 $0x1000;
	s10 =	simm.s32 $0x2000;
	s6 =	sshrl.u32 s4, $0x1  }
0xd: {  	s11 =	simm.s32 $0x3800;
	s12 =	simm.s32 $0x0;
	s6 =	ssub.s32 s4, s6  }
0xe: {  	v0 =	vimm.s32 $0x0;
	v1 =	vimm.f32 $0.0e+00;
	v2 =	vlaneseq.u32;
	s4 =	sadd.s32 $0xE00, s5;
	s5 =	sadd.s32 $0x1000, s5;
	s6 =	smax.u32 s6, $0x1  }
.LBB2_2:
0xf: {  	_ =	strace $0x80000048  }
0x10: {  	[tilespmem:s7], [sflag:$0x1] =	stream.linear.gather [hbm4b:s3+s7], $0x1000, $0x200038;
	[tilespmem:$0x5000] =	vst v63  }
0x11: {  	_ =	swait.ge [sflag:s8], $0x1000  }
0x12: {  	[sflag:s8] =	ssyncset.done $0x0  }
0x13: {  	[sflag:s8] =	ssyncadd.s32 $0xFFFFF000  }
0x14: {  	[tilespmem:s9], [sflag:$0x1] =	stream.linear.gather [hbm4b:s4+s7], $0x1000, $0x200038;
	[tilespmem:$0x5000] =	vst v63  }
0x15: {  	_ =	swait.ge [sflag:s8], $0x1000  }
0x16: {  	[sflag:s8] =	ssyncset.done $0x0  }
0x17: {  	[sflag:s8] =	ssyncadd.s32 $0xFFFFF000  }
0x18: {  	_ =	strace $0x90000048  }
0x19: {  	s13 =	simm.s32 $0x0;
	s14 =	simm.s32 $0x100;
	_ =	strace $0x80000049  }
.LBB2_3:
0x1a: {  	p0 =	sne.s32 s14, $0x5F00;
	[tilespmem:s13+$0x3830] =	vst v1  }
0x1b: {  	[tilespmem:s13+$0x2000] =	vst v0  }
0x1c: {  	[tilespmem:s13+$0x3800] =	vst v1  }
.Ltmp1:
0x1d: {  	[tilespmem:s13+$0x2010] =	vst v0;
	(pc) =	sbr.rel @p0 .LBB2_3-.Ltmp1, $4  }
0x1e: {  	[tilespmem:s13+$0x3810] =	vst v1  }
0x1f: {  	[tilespmem:s13+$0x2020] =	vst v0  }
0x20: {  	[tilespmem:s13+$0x3820] =	vst v1  }
0x21: {  	[tilespmem:s13+$0x2030] =	vst v0;
	s13 =	sshra.s32 s14, $0x2;
	s14 =	sadd.s32 $0x100, s14  }
0x22: {  	[tilespmem:s13+$0x3830] =	vst v1  }
0x23: {  	[tilespmem:s13+$0x2000] =	vst v0  }
0x24: {  	[tilespmem:s13+$0x3800] =	vst v1  }
0x25: {  	[tilespmem:s13+$0x2010] =	vst v0  }
0x26: {  	[tilespmem:s13+$0x3810] =	vst v1  }
0x27: {  	[tilespmem:s13+$0x2020] =	vst v0  }
0x28: {  	[tilespmem:s13+$0x3820] =	vst v1  }
0x29: {  	[tilespmem:s13+$0x2030] =	vst v0  }
0x2a: {  	s13 =	simm.s32 $0x0;
	_ =	strace $0x90000049  }
0x2b: {  	s14 =	simm.s32 $0x20;
	s15 =	simm.s32 $0x1020;
	_ =	strace $0x8000004A  }
.LBB2_5:
0x2c: {  	v3 =	vld [tilespmem:s14+$0xFFFFFFE0];
	_ =	sdelay $0x5  }
0x2d: {  	v4 =	vor.u32 s13, v2  }
0x2e: {  	v4 =	vshrl.u32 v4, $0x1  }
0x2f: {  	[tilespmem:v3+s10+$0x0] =	vst.idx.msk $0xffff, v4  }
0x30: {  	v4 =	vld [tilespmem:s15+$0xFFFFFFE0];
	_ =	sdelay $0x4  }
0x31: {  	[tilespmem:v3+s11+$0x0] =	vst.idx.msk $0xffff, v4  }
0x32: {  	v3 =	vld [tilespmem:s14+$0xFFFFFFF0];
	_ =	sdelay $0x4  }
0x33: {  	s16 =	sadd.s32 $0x10, s13  }
0x34: {  	v61 =	vor.u32 s16, v2  }
0x35: {  	v4 =	vshrl.u32 v61, $0x1  }
0x36: {  	[tilespmem:v3+s10+$0x0] =	vst.idx.msk $0xffff, v4  }
0x37: {  	v4 =	vld [tilespmem:s15+$0xFFFFFFF0];
	_ =	sdelay $0x4  }
0x38: {  	[tilespmem:v3+s11+$0x0] =	vst.idx.msk $0xffff, v4  }
0x39: {  	v3 =	vld [tilespmem:s14+$0x0];
	_ =	sdelay $0x4  }
0x3a: {  	s30 =	sadd.s32 $0x20, s13  }
0x3b: {  	v62 =	vor.u32 s30, v2  }
0x3c: {  	v4 =	vshrl.u32 v62, $0x1  }
0x3d: {  	[tilespmem:v3+s10+$0x0] =	vst.idx.msk $0xffff, v4  }
0x3e: {  	v4 =	vld [tilespmem:s15+$0x0];
	_ =	sdelay $0x4  }
0x3f: {  	[tilespmem:v3+s11+$0x0] =	vst.idx.msk $0xffff, v4  }
0x40: {  	v3 =	vld [tilespmem:s14+$0x10];
	_ =	sdelay $0x4  }
0x41: {  	s31 =	sadd.s32 $0x30, s13  }
0x42: {  	v63 =	vor.u32 s31, v2  }
0x43: {  	v4 =	vshrl.u32 v63, $0x1  }
0x44: {  	[tilespmem:v3+s10+$0x0] =	vst.idx.msk $0xffff, v4  }
0x45: {  	p0 =	sne.s32 s13, $0xFC0;
	v4 =	vld [tilespmem:s15+$0x10]  }
.Ltmp2:
0x46: {  	_ = 	snop;
	(pc) =	sbr.rel @p0 .LBB2_5-.Ltmp2, $2  }
0x47: {  	_ =	sdelay $0x2  }
0x48: {  	s13 =	sadd.s32 $0x40, s13;
	s14 =	sadd.s32 $0x40, s14;
	s15 =	sadd.s32 $0x40, s15;
	[tilespmem:v3+s11+$0x0] =	vst.idx.msk $0xffff, v4  }
0x49: {  	_ =	strace $0x9000004A  }
0x4a: {  	_ =	strace $0x8000004B  }
0x4b: {  	[hbm4b:s2+s7] =	stream.linear.scatter [tilespmem:s10], [sflag:$0x1], $0x1800, $0x200038;
	[tilespmem:$0x5000] =	vst v63  }
0x4c: {  	_ =	swait.ge [sflag:s8], $0x1800  }
0x4d: {  	s12 =	sadd.s32 $0x1, s12;
	[sflag:s8] =	ssyncset.done $0x0  }
0x4e: {  	p0 =	sne.s32 s12, s6;
	[sflag:s8] =	ssyncadd.s32 $0xFFFFE800  }
0x4f: {  	[hbm4b:s5+s7] =	stream.linear.scatter [tilespmem:s11], [sflag:$0x1], $0x1800, $0x200038;
	[tilespmem:$0x5000] =	vst v63  }
.Ltmp3:
0x50: {  	_ = 	snop;
	(pc) =	sbr.rel @p0 .LBB2_2-.Ltmp3, $4  }
0x51: {  	_ =	swait.ge [sflag:s8], $0x1800  }
0x52: {  	[sflag:s8] =	ssyncset.done $0x0  }
0x53: {  	[sflag:s8] =	ssyncadd.s32 $0xFFFFE800  }
0x54: {  	_ =	strace $0x9000004B  }
.LBB2_7:
0x55: {  	_ =	sfence.sel $0x180000  }
0x56: {  	[bflag:$0x0] =	sbarrier.arrive $0xFFFF  }
0x57: {  	p0 =	sne.s32 s0, $0x0;
	_ =	strace $0x90000047  }
0x58: {  	s0 =	sadd.s32 @!p0 $0x100000, s1;
	[bflag:$0x2] =	sbarrier.arrive $0xFFFF  }
0x59: {  	[sflag:s0] =	ssyncadd.tile.s32 @!p0 $0x1;
	_ =	shalt  }
.Lfunc_end2:
_tile_overlayer_lowered:
.L_overlay_start_2:
0x5a: {  	(tag) =	ssettag $0x2  }
0x5b: {  	s0 =	rddreg [dreg:$0x0];
	s2 =	stileid.u32  }
0x5c: {  	s1 =	rddreg [dreg:$0x1];
	p0 =	sne.s32 s2, $0x0  }
0x5d: {  	s3 =	rddreg [dreg:$0x2];
	[bflag:$0x3] =	sbarrier.arrive $0xFFFF;
	s2 =	simm.s32 @!p0 $0x1C01  }
0x5e: {  	[timem:s3], [sflag:s2] =	dma.local @!p0 [hbm:s0], s1  }
0x5f: {  	s0 =	simm.s32 @!p0 $0x1  }
0x60: {  	_ =	swait.ge @!p0 [sflag:s0], s1  }
0x61: {  	s1 =	ssub.s32 @!p0 $0x0, s1;
	[sflag:s0] =	ssyncset.done @!p0 $0x0  }
0x62: {  	[sflag:s0] =	ssyncadd.s32 @!p0 s1  }
0x63: {  	[bflag:$0x3] =	sbarrier.arrive $0xFFFF  }
0x64: {  	_ =	shalt  }

// kernel: kernel.9.cloned.1.call-start
scs
__scs_entry_jumppad:
0x0: {  	(pc) =	sbr.rel $0x88, $3  }
0x1: {  	(tag) =	ssettag $0x0;
	lr =	simm.s32 $0x1  }
0x2: {  	[smem:$0x3F9D] =	sst lr;
	_ =	strace $0xD0000000  }
0x3: {  	_ = 	snop  }
0x4: {  	_ = 	snop  }
0x5: {  	_ = 	snop  }
0x6: {  	_ = 	snop  }
0x7: {  	_ = 	snop  }
__scs_overlays_trampoline_lowered:
0x8: {  	[smem:$0x3FAC] =	sst s0  }
0x9: {  	[smem:$0x3FAD] =	sst s1  }
0xa: {  	[smem:$0x3FAE] =	sst s2  }
0xb: {  	[smem:$0x3FAF] =	sst s3  }
0xc: {  	[smem:$0x3FB0] =	sst s4  }
0xd: {  	[smem:$0x3FB1] =	sst s5  }
0xe: {  	[smem:$0x3FB2] =	sst s6  }
0xf: {  	[smem:$0x3FB3] =	sst s7  }
0x10: {  	[smem:$0x3FB4] =	sst s8  }
0x11: {  	[smem:$0x3FB5] =	sst s9;
	s0 =	simm.s32 @!p0 $0x0  }
0x12: {  	s1 =	sld [smem:$0x3F9B];
	s0 =	simm.s32 @p0 $0x1  }
0x13: {  	[smem:$0x3FB6] =	sst s0;
	s0 =	simm.s32 @!p1 $0x0  }
0x14: {  	s2 =	sld [smem:$0x3F9A];
	s0 =	simm.s32 @p1 $0x1  }
0x15: {  	[smem:$0x3FB7] =	sst s0;
	s0 =	simm.s32 @!p2 $0x0  }
0x16: {  	s3 =	sld [smem:$0x3FDB];
	s0 =	simm.s32 @p2 $0x1  }
0x17: {  	s4 =	simm.s32 $0x1BF5;
	[smem:$0x3FB9] =	sst s0  }
0x18: {  	s0 =	sld [smem:$0x3F9C];
	_ =	swait.ge [sflag:s4], $0x0  }
0x19: {  	s7 =	sld [smem:$0x3F9D]  }
0x1a: {  	s8 =	sadd.s32 $0xFFFFE003, lr  }
0x1b: {  	s9 =	sadd.s32 $0xFFFFFEF7, lr;
	s5 =	simm.s32 $0xFFFFFFFF;
	p2 =	slt.u32 s8, $0xFFFFF086  }
0x1c: {  	p1 =	slt.u32 s9, $0xF7A;
	s5 =	simm.s32 @!p2 $0x0  }
0x1d: {  	s5 =	simm.s32 @p1 $0x1;
	p0 =	seq.s32 s7, s2  }
0x1e: {  	s7 =	smul.u32 @!p0 $0xF7A, s2;
	p2 =	seq.s32 @!p0 s5, $0x0  }
0x1f: {  	s9 =	smul.u32 $0xF7A, s1;
	s8 =	simm.s32 @!p0 $0x1BF5;
	p2 =	por !p2, p0  }
0x20: {  	[sflag:s8] =	ssyncset.s32 @!p0 $0xFFFFF086;
	s6 =	sadd.s32 @!p0 s3, s7;
	s7 =	simm.s32 @!p0 $0x108  }
0x21: {  	s3 =	sadd.s32 s3, s9;
	s6 =	sadd.s32 @!p0 $0x88, s6;
	s7 =	simm.s32 @p2 $0x1082  }
0x22: {  	[simem:s7], [sflag:s8] =	dma.local @!p0 [hbm:s6], $0xF7A  }
0x23: {  	s9 =	sor.u32 $0xD0000000, s2;
	s6 =	simm.s32 $0x108;
	_ =	swait.ge @!p0 [sflag:s8], $0x0  }
0x24: {  	s3 =	sadd.s32 $0x88, s3;
	s6 =	simm.s32 @!p1 $0x1082;
	[sflag:s4] =	ssyncset.s32 $0xFFFFF086  }
0x25: {  	[simem:s6], [sflag:s4] =	dma.local [hbm:s3], $0xF7A  }
0x26: {  	[smem:$0x3F9D] =	sst s1;
	(tag) =	ssettag s2;
	_ =	strace s9  }
0x27: {  	s1 =	sld [smem:$0x3FAD]  }
0x28: {  	s2 =	sld [smem:$0x3FAE]  }
0x29: {  	s4 =	sld [smem:$0x3FB0]  }
0x2a: {  	p0 =	seq.s32 s5, $0x0;
	s5 =	sld [smem:$0x3FB1]  }
0x2b: {  	s6 =	sld [smem:$0x3FB2]  }
0x2c: {  	s7 =	sld [smem:$0x3FB3]  }
0x2d: {  	s3 =	simm.s32 $0x108;
	s8 =	sld [smem:$0x3FB4]  }
0x2e: {  	s3 =	simm.s32 @!p0 $0x1082;
	s9 =	sld [smem:$0x3FB5]  }
0x2f: {  	lr =	sadd.s32 s0, s3;
	s0 =	sld [smem:$0x3FAC]  }
0x30: {  	s3 =	sld [smem:$0x3FAF]  }
0x31: {  	[smem:$0x3FB8] =	sst s10  }
0x32: {  	s10 =	sld [smem:$0x3FB6];
	_ =	sdelay $0x3  }
0x33: {  	p0 =	seq.s32 s10, $0x1;
	s10 =	sld [smem:$0x3FB8];
	_ =	sdelay $0x3  }
0x34: {  	[smem:$0x3FB8] =	sst s10  }
0x35: {  	s10 =	sld [smem:$0x3FB7];
	_ =	sdelay $0x3  }
0x36: {  	p1 =	seq.s32 s10, $0x1;
	s10 =	sld [smem:$0x3FB8];
	_ =	sdelay $0x3  }
0x37: {  	[smem:$0x3FB8] =	sst s10  }
0x38: {  	s10 =	sld [smem:$0x3FB9]  }
0x39: {  	_ = 	snop;
	(pc) =	sbr.ind lr, $3  }
0x3a: {  	_ = 	snop  }
0x3b: {  	_ = 	snop  }
0x3c: {  	p2 =	seq.s32 s10, $0x1;
	s10 =	sld [smem:$0x3FB8]  }
0x3d: {  	_ =	shalt  }
0x3e: {  	_ =	shalt  }
0x3f: {  	_ =	shalt  }
0x40: {  	_ =	shalt  }
0x41: {  	_ =	shalt  }
0x42: {  	_ =	shalt  }
0x43: {  	_ =	shalt  }
0x44: {  	_ =	shalt  }
0x45: {  	_ =	shalt  }
0x46: {  	_ =	shalt  }
0x47: {  	_ =	shalt  }
0x48: {  	_ =	shalt  }
0x49: {  	_ =	shalt  }
0x4a: {  	_ =	shalt  }
0x4b: {  	_ =	shalt  }
0x4c: {  	_ =	shalt  }
0x4d: {  	_ =	shalt  }
0x4e: {  	_ =	shalt  }
0x4f: {  	_ =	shalt  }
0x50: {  	_ =	shalt  }
0x51: {  	_ =	shalt  }
0x52: {  	_ =	shalt  }
0x53: {  	_ =	shalt  }
0x54: {  	_ =	shalt  }
0x55: {  	_ =	shalt  }
0x56: {  	_ =	shalt  }
0x57: {  	_ =	shalt  }
0x58: {  	_ =	shalt  }
0x59: {  	_ =	shalt  }
0x5a: {  	_ =	shalt  }
0x5b: {  	_ =	shalt  }
0x5c: {  	_ =	shalt  }
0x5d: {  	_ =	shalt  }
0x5e: {  	_ =	shalt  }
0x5f: {  	_ =	shalt  }
0x60: {  	_ =	shalt  }
0x61: {  	_ =	shalt  }
0x62: {  	_ =	shalt  }
0x63: {  	_ =	shalt  }
0x64: {  	_ =	shalt  }
0x65: {  	_ =	shalt  }
0x66: {  	_ =	shalt  }
0x67: {  	_ =	shalt  }
0x68: {  	_ =	shalt  }
0x69: {  	_ =	shalt  }
0x6a: {  	_ =	shalt  }
0x6b: {  	_ =	shalt  }
0x6c: {  	_ =	shalt  }
0x6d: {  	_ =	shalt  }
0x6e: {  	_ =	shalt  }
0x6f: {  	_ =	shalt  }
0x70: {  	_ =	shalt  }
0x71: {  	_ =	shalt  }
0x72: {  	_ =	shalt  }
0x73: {  	_ =	shalt  }
0x74: {  	_ =	shalt  }
0x75: {  	_ =	shalt  }
0x76: {  	_ =	shalt  }
0x77: {  	_ =	shalt  }
0x78: {  	_ =	shalt  }
0x79: {  	_ =	shalt  }
0x7a: {  	_ =	shalt  }
0x7b: {  	_ =	shalt  }
0x7c: {  	_ =	shalt  }
0x7d: {  	_ =	shalt  }
0x7e: {  	_ =	shalt  }
0x7f: {  	_ =	shalt  }
0x80: {  	_ =	shalt  }
0x81: {  	_ =	shalt  }
0x82: {  	_ =	shalt  }
0x83: {  	_ =	shalt  }
0x84: {  	_ =	shalt  }
0x85: {  	_ =	shalt  }
0x86: {  	_ =	shalt  }
0x87: {  	_ =	shalt  }
.Lfunc_end0:
.L_simem_size_0:
called_computation.1_lowered:
.L_overlay_start_0:
0x88: {  	s2 =	sld [smem:$0x3FD9]  }
0x89: {  	s3 =	sld [smem:$0x3FFE];
	_ =	sdelay $0x1  }
0x8a: {  	s1 =	srdreg.scid  }
0x8b: {  	s0 =	sand.u32 $0x1, s1  }
0x8c: {  	s14 =	sshll.u32 s0, $0xA;
	s2 =	sadd.s32 s3, s2  }
0x8d: {  	s2 =	sadd.s32 s2, s14  }
0x8e: {  	[smem:$0x3FC4] =	sst s2  }
0x8f: {  	_ = 	snop  }
0x90: {  	s2 =	sld [smem:$0x3FD0];
	_ =	sdelay $0x2  }
0x91: {  	s15 =	simm.s32 $0xA;
	s4 =	simm.s32 $0x10  }
0x92: {  	[smem:s4], [sflag:s15] =	dma.local [hbm:s2], $0x1  }
0x93: {  	_ =	swait.eq [sflag:s15], $0x1  }
0x94: {  	[sflag:s15] =	ssyncset.done $0x0  }
0x95: {  	[sflag:s15] =	ssyncadd.s32 $0xFFFFFFFF  }
0x96: {  	s16 =	sld [smem:$0x10];
	(tm) =	ssettm $0x1  }
0x97: {  	s17 =	sld [smem:$0x3FFB];
	_ =	sdelay $0x3  }
0x98: {  	_ =	strace s17  }
0x99: {  	s3 =	sld [smem:$0x3FFC];
	_ =	sdelay $0x3  }
0x9a: {  	_ =	strace s3  }
0x9b: {  	s3 =	sld [smem:$0x3FFD];
	_ =	sdelay $0x3  }
0x9c: {  	_ =	strace s3  }
0x9d: {  	_ =	strace $0x8FFFFFFF  }
0x9e: {  	s18 =	sld [smem:$0x3FDB];
	_ =	sdelay $0x1  }
0x9f: {  	s19 =	simm.s32 $_scs_section_size  }
0xa0: {  	s5 =	simm.s32 $_size__tile_overlayer_lowered;
	s6 =	simm.s32 $_tile_overlayer_lowered  }
0xa1: {  	s22 =	simm.s32 $0x1BFF;
	s21 =	sshll.u32 s6, $0x1;
	s3 =	sadd.s32 s19, s18  }
0xa2: {  	s7 =	simm.s32 $0x0;
	s20 =	sshll.u32 s5, $0x1;
	s5 =	sadd.s32 s21, s3  }
0xa3: {  	[timem:s7], [sflag:s22] =	dma.local [hbm:s5], s20  }
0xa4: {  	_ =	swait.ge [sflag:s22], s20  }
0xa5: {  	s4 =	ssub.s32 $0x0, s20;
	[sflag:s22] =	ssyncset.done $0x0  }
0xa6: {  	[sflag:s22] =	ssyncadd.s32 s4;
	_ =	sdelay $0x1  }
0xa7: {  	s23 =	simm.s32 $0x1B8B  }
0xa8: {  	_ =	swait.ge [sflag:s23], $0x1  }
0xa9: {  	[sflag:s23] =	ssyncset.done $0x0  }
0xaa: {  	s25 =	simm.s32 $0x1B8E;
	s24 =	sld [smem:$0x3FFE];
	[sflag:s23] =	ssyncadd.s32 $0xFFFFFFFF  }
0xab: {  	s26 =	simm.s32 $execute0_lowered;
	[smem:$0x3FD2] =	sst s25  }
0xac: {  	s5 =	sshll.u32 s26, $0x1;
	_ =	strace $0x8000004D;
	[dreg:$0x1] =	wrdreg $0xFFFFFFFF  }
0xad: {  	s28 =	simm.s32 $_size_execute0_lowered;
	s3 =	sadd.s32 s3, s5;
	[dreg:$0x0] =	wrdreg $0x0  }
0xae: {  	s5 =	sshll.u32 s28, $0x1;
	[dreg:$0x2] =	wrdreg s3  }
0xaf: {  	[dreg:$0x3] =	wrdreg s5  }
0xb0: {  	[dreg:$0x4] =	wrdreg $0xC0  }
0xb1: {  	_ =	task [dreg:s7], $0x5FFFF  }
0xb2: {  	[dreg:$0x1] =	wrdreg $0xFFFFFFFF  }
0xb3: {  	[dreg:$0x0] =	wrdreg $0x60  }
0xb4: {  	[dreg:$0x2] =	wrdreg s24  }
0xb5: {  	[dreg:$0x3] =	wrdreg s16  }
0xb6: {  	[dreg:$0x4] =	wrdreg $0x9  }
0xb7: {  	_ =	task.clear_ibuf [dreg:s7], $0x5FFFF;
	_ =	strace $0x9000004D  }
0xb8: {  	s29 =	simm.s32 $0x9;
	_ =	strace $0x8000004F  }
0xb9: {  	_ =	swait.ge [sflag:s29], $0x1  }
0xba: {  	[sflag:s29] =	ssyncadd.s32 $0xFFFFFFFF  }
0xbb: {  	_ =	strace $0x9000004F  }
0xbc: {  	_ =	sfence  }
0xbd: {  	s30 =	sld [smem:$0x0];
	_ =	sdelay $0x2  }
0xbe: {  	s31 =	sshll.u32 s1, $0xD;
	s1 =	sshrl.u32 s1, $0x2  }
0xbf: {  	s3 =	sand.u32 $0x4000, s31;
	s1 =	sadd.s32 s1, s30  }
0xc0: {  	s0 =	sor.u32 s3, s0;
	s1 =	sshll.u32 s1, $0x11  }
0xc1: {  	s0 =	sor.u32 s1, s0  }
0xc2: {  	s0 =	sadd.s32 $0x8F2B, s0  }
0xc3: {  	[sflag:s0] =	ssyncadd.remote.s32 $0x1  }
0xc4: {  	_ =	sfence.sel $0xFFFF  }
0xc5: {  	[dreg:$0x0] =	wrdreg $0xFFFFFFFF;
	(pc) =	sbr.abs _section_cstart, $3  }
0xc6: {  	[dreg:$0x1] =	wrdreg $0xFFFFFFFF  }
0xc7: {  	_ =	task.clear_ibuf [dreg:s7], $0x2FFFF;
	_ =	strace $0x9FFFFFFF  }
0xc8: {  	(tm) =	ssettm $0x7FFFFFFF  }
0xc9: {  	_ =	shalt  }
tec
execute0_lowered:
.L_overlay_start_1:
0x0: {  	(tag) =	ssettag $0x1  }
0x1: {  	s0 =	rddreg [dreg:$0x0]  }
0x2: {  	s1 =	rddreg [dreg:$0x1];
	s2 =	simm.s32 $0x0;
	s3 =	srdreg.scid  }
0x3: {  	s5 =	stileid.u32;
	s12 =	simm.s32 $0x5;
	s30 =	simm.s32 $0x8080  }
0x4: {  	s31 =	simm.s32 $0x8880;
	s13 =	simm.s32 $0xA080;
	s14 =	simm.s32 $0xA880  }
0x5: {  	s15 =	simm.s32 $0xB080;
	s16 =	simm.s32 $0xB880;
	s17 =	simm.s32 $0x1  }
0x6: {  	s18 =	simm.s32 $0xC080;
	s19 =	simm.s32 $0x2;
	s20 =	simm.s32 $0x3  }
0x7: {  	s21 =	simm.s32 $0x4;
	s22 =	simm.s32 $0x0;
	[smem:$0x7FF] =	sst s2  }
0x8: {  	s4 =	sand.u32 $0x1, s3;
	s5 =	sshll.u32 s5, $0x1;
	s3 =	sadd.s32 $0xE00, s0  }
0x9: {  	_ =	strace $0x8000004E;
	s5 =	sor.u32 s4, s5;
	s4 =	ssub.s32 $0x2, s4  }
0xa: {  	s6 =	sshll.u32 s5, $0x4;
	s7 =	sshrl.u32 s4, $0x1;
	s8 =	smul.u32 $0xC000, s5  }
0xb: {  	s23 =	smul.u32 $0x1800, s5;
	s5 =	sadd.s32 $0xF00, s0;
	s6 =	sadd.s32 s6, s0  }
0xc: {  	s4 =	ssub.s32 s4, s7;
	s24 =	sadd.s32 $0xC00, s6;
	s8 =	sshrl.u32 s8, $0x3  }
0xd: {  	s7 =	sadd.s32 s1, s23;
	s29 =	smax.u32 s4, $0x1;
	[dreg:$0x3] =	wrdreg s24  }
0xe: {  	s25 =	sadd.s32 s1, s8;
	s26 =	sadd.s32 $0x600, s7;
	[dreg:$0x7] =	wrdreg s29  }
0xf: {  	v2 =	vlaneseq.u32;
	s6 =	sadd.s32 $0x1000, s0;
	[dreg:$0x4] =	wrdreg s26;
	s28 =	sadd.s32 $0xC00, s25  }
0x10: {  	vm0 =	vmmov $0xffff;
	v1 =	vshrl.u32 v2, $0x3;
	s4 =	simm.s32 $0xF080;
	s0 =	sadd.s32 $0x1200, s25;
	[dreg:$0x5] =	wrdreg s28  }
0x11: {  	v0 =	vand.u32 $0x7, v2;
	v2 =	vor.u32 $0x8, v2;
	v1 =	vmul.u32 $0x8, v1;
	s1 =	simm.s32 $0x9880;
	[dreg:$0x6] =	wrdreg s0;
	s0 =	simm.s32 $0x9080  }
.LBB2_1:
0x12: {  	s8 =	rddreg [dreg:$0x3]  }
0x13: {  	[tilespmem:s2], [sflag:$0x5] =	stream.linear.gather [hbm4b:s8+s2], $0x80, $0x38;
	[tilespmem:$0x12080] =	vst v63  }
0x14: {  	_ =	swait.ge [sflag:s12], $0x80  }
0x15: {  	[sflag:s12] =	ssyncset.done $0x0  }
0x16: {  	[sflag:s12] =	ssyncadd.s32 $0xFFFFFF80  }
0x17: {  	v3 =	vld [tilespmem:$0x0];
	_ =	sdelay $0x4  }
0x18: {  	v4 =	vshrl.u32 v3, $0x3  }
0x19: {  	v4 =	vmul.u32 $0x30, v4  }
0x1a: {  	v3 =	vand.u32 $0x7, v3  }
0x1b: {  	v3 =	vor.u32 v3, v4  }
0x1c: {  	v4 =	vperm.xlane v3, v0;
	_ =	sdelay $0x1  }
0x1d: {  	v4 =	vadd.s32 v1, v4;
	_ =	sdelay $0x3  }
0x1e: {  	s11 =	simm.s32 $0x80;
	v3 =	vperm.xlane v3, v2  }
0x1f: {  	[tilespmem:s11], [sflag:$0x1] =	stream.indirect_vreg.gather [hbm4b:s3+s2], $0x80, v4, vm0, $0xb8;
	[tilespmem:$0x12080] =	vst v63  }
0x20: {  	s23 =	simm.s32 $0x880;
	v3 =	vadd.s32 v1, v3  }
0x21: {  	[tilespmem:s23], [sflag:$0x1] =	stream.indirect_vreg.gather [hbm4b:s5+s2], $0x80, v4, vm0, $0xb8;
	[tilespmem:$0x12080] =	vst v63  }
0x22: {  	s24 =	simm.s32 $0x1080  }
0x23: {  	[tilespmem:s24], [sflag:$0x1] =	stream.indirect_vreg.gather [hbm4b:s6+s2], $0x80, v4, vm0, $0xb8;
	[tilespmem:$0x12080] =	vst v63  }
0x24: {  	s25 =	simm.s32 $0x1880  }
0x25: {  	[tilespmem:s25], [sflag:$0x1] =	stream.indirect_vreg.gather [hbm4b:s3+s2], $0x80, v3, vm0, $0xb8;
	[tilespmem:$0x12080] =	vst v63  }
0x26: {  	s26 =	simm.s32 $0x2080  }
0x27: {  	[tilespmem:s26], [sflag:$0x1] =	stream.indirect_vreg.gather [hbm4b:s5+s2], $0x80, v3, vm0, $0xb8;
	[tilespmem:$0x12080] =	vst v63  }
0x28: {  	s28 =	simm.s32 $0x2880  }
0x29: {  	[tilespmem:s28], [sflag:$0x1] =	stream.indirect_vreg.gather [hbm4b:s6+s2], $0x80, v3, vm0, $0xb8;
	[tilespmem:$0x12080] =	vst v63  }
0x2a: {  	v3 =	vld [tilespmem:$0x10];
	_ =	sdelay $0x4  }
0x2b: {  	v61 =	vshrl.u32 v3, $0x3  }
0x2c: {  	v4 =	vmul.u32 $0x30, v61  }
0x2d: {  	v3 =	vand.u32 $0x7, v3  }
0x2e: {  	v3 =	vor.u32 v3, v4  }
0x2f: {  	v4 =	vperm.xlane v3, v0;
	_ =	sdelay $0x1  }
0x30: {  	v4 =	vadd.s32 v1, v4;
	_ =	sdelay $0x3  }
0x31: {  	s29 =	simm.s32 $0x3080;
	v3 =	vperm.xlane v3, v2  }
0x32: {  	[tilespmem:s29], [sflag:$0x1] =	stream.indirect_vreg.gather [hbm4b:s3+s2], $0x80, v4, vm0, $0xb8;
	[tilespmem:$0x12080] =	vst v63  }
0x33: {  	s9 =	simm.s32 $0x3880;
	v3 =	vadd.s32 v1, v3  }
0x34: {  	[tilespmem:s9], [sflag:$0x1] =	stream.indirect_vreg.gather [hbm4b:s5+s2], $0x80, v4, vm0, $0xb8;
	[tilespmem:$0x12080] =	vst v63  }
0x35: {  	s10 =	simm.s32 $0x4080  }
0x36: {  	[tilespmem:s10], [sflag:$0x1] =	stream.indirect_vreg.gather [hbm4b:s6+s2], $0x80, v4, vm0, $0xb8;
	[tilespmem:$0x12080] =	vst v63  }
0x37: {  	s11 =	simm.s32 $0x4880  }
0x38: {  	[tilespmem:s11], [sflag:$0x1] =	stream.indirect_vreg.gather [hbm4b:s3+s2], $0x80, v3, vm0, $0xb8;
	[tilespmem:$0x12080] =	vst v63  }
0x39: {  	s23 =	simm.s32 $0x5080  }
0x3a: {  	[tilespmem:s23], [sflag:$0x1] =	stream.indirect_vreg.gather [hbm4b:s5+s2], $0x80, v3, vm0, $0xb8;
	[tilespmem:$0x12080] =	vst v63  }
0x3b: {  	s24 =	simm.s32 $0x5880  }
0x3c: {  	[tilespmem:s24], [sflag:$0x1] =	stream.indirect_vreg.gather [hbm4b:s6+s2], $0x80, v3, vm0, $0xb8;
	[tilespmem:$0x12080] =	vst v63  }
0x3d: {  	v3 =	vld [tilespmem:$0x20];
	_ =	sdelay $0x4  }
0x3e: {  	v62 =	vshrl.u32 v3, $0x3  }
0x3f: {  	v4 =	vmul.u32 $0x30, v62  }
0x40: {  	v3 =	vand.u32 $0x7, v3  }
0x41: {  	v3 =	vor.u32 v3, v4  }
0x42: {  	v4 =	vperm.xlane v3, v0;
	_ =	sdelay $0x1  }
0x43: {  	v4 =	vadd.s32 v1, v4;
	_ =	sdelay $0x3  }
0x44: {  	s25 =	simm.s32 $0x6080;
	v3 =	vperm.xlane v3, v2  }
0x45: {  	[tilespmem:s25], [sflag:$0x2] =	stream.indirect_vreg.gather [hbm4b:s3+s2], $0x80, v4, vm0, $0xb8;
	[tilespmem:$0x12080] =	vst v63  }
0x46: {  	s26 =	simm.s32 $0x6880;
	v3 =	vadd.s32 v1, v3  }
0x47: {  	[tilespmem:s26], [sflag:$0x2] =	stream.indirect_vreg.gather [hbm4b:s5+s2], $0x80, v4, vm0, $0xb8;
	[tilespmem:$0x12080] =	vst v63  }
0x48: {  	s28 =	simm.s32 $0x7080  }
0x49: {  	[tilespmem:s28], [sflag:$0x2] =	stream.indirect_vreg.gather [hbm4b:s6+s2], $0x80, v4, vm0, $0xb8;
	[tilespmem:$0x12080] =	vst v63  }
0x4a: {  	s29 =	simm.s32 $0x7880  }
0x4b: {  	[tilespmem:s29], [sflag:$0x2] =	stream.indirect_vreg.gather [hbm4b:s3+s2], $0x80, v3, vm0, $0xb8;
	[tilespmem:$0x12080] =	vst v63  }
0x4c: {  	_ = 	snop  }
0x4d: {  	[tilespmem:s30], [sflag:$0x2] =	stream.indirect_vreg.gather [hbm4b:s5+s2], $0x80, v3, vm0, $0xb8;
	[tilespmem:$0x12080] =	vst v63  }
0x4e: {  	_ = 	snop  }
0x4f: {  	[tilespmem:s31], [sflag:$0x2] =	stream.indirect_vreg.gather [hbm4b:s6+s2], $0x80, v3, vm0, $0xb8;
	[tilespmem:$0x12080] =	vst v63  }
0x50: {  	v3 =	vld [tilespmem:$0x30];
	_ =	sdelay $0x4  }
0x51: {  	v63 =	vshrl.u32 v3, $0x3  }
0x52: {  	v4 =	vmul.u32 $0x30, v63  }
0x53: {  	v3 =	vand.u32 $0x7, v3  }
0x54: {  	v3 =	vor.u32 v3, v4  }
0x55: {  	v4 =	vperm.xlane v3, v0;
	_ =	sdelay $0x1  }
0x56: {  	v4 =	vadd.s32 v1, v4;
	_ =	sdelay $0x3  }
0x57: {  	v3 =	vperm.xlane v3, v2  }
0x58: {  	[tilespmem:s0], [sflag:$0x2] =	stream.indirect_vreg.gather [hbm4b:s3+s2], $0x80, v4, vm0, $0xb8;
	[tilespmem:$0x12080] =	vst v63  }
0x59: {  	v3 =	vadd.s32 v1, v3  }
0x5a: {  	[tilespmem:s1], [sflag:$0x2] =	stream.indirect_vreg.gather [hbm4b:s5+s2], $0x80, v4, vm0, $0xb8;
	[tilespmem:$0x12080] =	vst v63  }
0x5b: {  	_ = 	snop  }
0x5c: {  	[tilespmem:s13], [sflag:$0x2] =	stream.indirect_vreg.gather [hbm4b:s6+s2], $0x80, v4, vm0, $0xb8;
	[tilespmem:$0x12080] =	vst v63  }
0x5d: {  	_ = 	snop  }
0x5e: {  	[tilespmem:s14], [sflag:$0x2] =	stream.indirect_vreg.gather [hbm4b:s3+s2], $0x80, v3, vm0, $0xb8;
	[tilespmem:$0x12080] =	vst v63  }
0x5f: {  	_ = 	snop  }
0x60: {  	[tilespmem:s15], [sflag:$0x2] =	stream.indirect_vreg.gather [hbm4b:s5+s2], $0x80, v3, vm0, $0xb8;
	[tilespmem:$0x12080] =	vst v63  }
0x61: {  	_ = 	snop  }
0x62: {  	[tilespmem:s16], [sflag:$0x2] =	stream.indirect_vreg.gather [hbm4b:s6+s2], $0x80, v3, vm0, $0xb8;
	[tilespmem:$0x12080] =	vst v63  }
0x63: {  	_ =	swait.ge [sflag:s17], $0x6000  }
0x64: {  	s23 =	simm.s32 $0x0;
	[sflag:s17] =	ssyncset.done $0x0  }
0x65: {  	s24 =	simm.s32 $0x0;
	s25 =	simm.s32 $0x0;
	[sflag:s17] =	ssyncadd.s32 $0xFFFFA000  }
.LBB2_2:
0x66: {  	s8 =	sshrl.u32 s25, $0x2  }
0x67: {  	s8 =	smul.u32 $0x6000, s8;
	_ =	sdelay $0x1  }
0x68: {  	s9 =	sshra.s32 s8, $0x2  }
0x69: {  	s26 =	sand.u32 $0x300, s23;
	s8 =	sor.u32 $0x80, s9  }
0x6a: {  	s28 =	sor.u32 $0x80, s26;
	s10 =	sor.u32 s26, s8  }
0x6b: {  	s29 =	sadd.s32 s28, s8;
	v3 =	vld [tilespmem:s10+$0x0]  }
0x6c: {  	v4 =	vld [tilespmem:s29+$0x0];
	_ =	sdelay $0x1  }
0x6d: {  	s11 =	sshrl.u32 s25, $0x3  }
0x6e: {  	s8 =	smul.u32 $0x6000, s11;
	_ =	sdelay $0x1  }
0x6f: {  	s11 =	sand.u32 $0x380, s24;
	s8 =	sshra.s32 s8, $0x2;
	v3 =	vadd.f32 v4, v3  }
0x70: {  	s8 =	sor.u32 s11, s8  }
0x71: {  	[tilespmem:s8+$0xC080] =	vst v3  }
0x72: {  	v3 =	vld [tilespmem:s10+$0x10]  }
0x73: {  	v17 =	vld [tilespmem:s29+$0x10];
	_ =	sdelay $0x4  }
0x74: {  	v3 =	vadd.f32 v17, v3;
	_ =	sdelay $0x1  }
0x75: {  	[tilespmem:s8+$0xC090] =	vst v3  }
0x76: {  	v3 =	vld [tilespmem:s10+$0x20]  }
0x77: {  	v18 =	vld [tilespmem:s29+$0x20];
	_ =	sdelay $0x4  }
0x78: {  	v3 =	vadd.f32 v18, v3;
	_ =	sdelay $0x1  }
0x79: {  	[tilespmem:s8+$0xC0A0] =	vst v3  }
0x7a: {  	v3 =	vld [tilespmem:s10+$0x30]  }
0x7b: {  	v19 =	vld [tilespmem:s29+$0x30];
	_ =	sdelay $0x4  }
0x7c: {  	v3 =	vadd.f32 v19, v3;
	_ =	sdelay $0x1  }
0x7d: {  	[tilespmem:s8+$0xC0B0] =	vst v3  }
0x7e: {  	v3 =	vld [tilespmem:s10+$0x40]  }
0x7f: {  	v20 =	vld [tilespmem:s29+$0x40];
	_ =	sdelay $0x4  }
0x80: {  	v3 =	vadd.f32 v20, v3;
	_ =	sdelay $0x1  }
0x81: {  	[tilespmem:s8+$0xC0C0] =	vst v3  }
0x82: {  	v3 =	vld [tilespmem:s10+$0x50]  }
0x83: {  	v21 =	vld [tilespmem:s29+$0x50];
	_ =	sdelay $0x4  }
0x84: {  	v3 =	vadd.f32 v21, v3;
	_ =	sdelay $0x1  }
0x85: {  	[tilespmem:s8+$0xC0D0] =	vst v3  }
0x86: {  	v3 =	vld [tilespmem:s10+$0x60]  }
0x87: {  	v22 =	vld [tilespmem:s29+$0x60];
	_ =	sdelay $0x4  }
0x88: {  	v3 =	vadd.f32 v22, v3;
	_ =	sdelay $0x1  }
0x89: {  	[tilespmem:s8+$0xC0E0] =	vst v3  }
0x8a: {  	v3 =	vld [tilespmem:s10+$0x70]  }
0x8b: {  	v23 =	vld [tilespmem:s29+$0x70];
	_ =	sdelay $0x4  }
0x8c: {  	v3 =	vadd.f32 v23, v3;
	_ =	sdelay $0x1  }
0x8d: {  	[tilespmem:s8+$0xC0F0] =	vst v3  }
0x8e: {  	v3 =	vld [tilespmem:s10+$0x400]  }
0x8f: {  	v24 =	vld [tilespmem:s29+$0x400];
	_ =	sdelay $0x4  }
0x90: {  	v3 =	vadd.f32 v24, v3;
	_ =	sdelay $0x1  }
0x91: {  	[tilespmem:s8+$0xC480] =	vst v3  }
0x92: {  	v3 =	vld [tilespmem:s10+$0x410]  }
0x93: {  	v25 =	vld [tilespmem:s29+$0x410];
	_ =	sdelay $0x4  }
0x94: {  	v3 =	vadd.f32 v25, v3;
	_ =	sdelay $0x1  }
0x95: {  	[tilespmem:s8+$0xC490] =	vst v3  }
0x96: {  	v3 =	vld [tilespmem:s10+$0x420]  }
0x97: {  	v26 =	vld [tilespmem:s29+$0x420];
	_ =	sdelay $0x4  }
0x98: {  	v3 =	vadd.f32 v26, v3;
	_ =	sdelay $0x1  }
0x99: {  	[tilespmem:s8+$0xC4A0] =	vst v3  }
0x9a: {  	v3 =	vld [tilespmem:s10+$0x430]  }
0x9b: {  	v27 =	vld [tilespmem:s29+$0x430];
	_ =	sdelay $0x4  }
0x9c: {  	v3 =	vadd.f32 v27, v3;
	_ =	sdelay $0x1  }
0x9d: {  	[tilespmem:s8+$0xC4B0] =	vst v3  }
0x9e: {  	v3 =	vld [tilespmem:s10+$0x440]  }
0x9f: {  	v28 =	vld [tilespmem:s29+$0x440];
	_ =	sdelay $0x4  }
0xa0: {  	v3 =	vadd.f32 v28, v3;
	_ =	sdelay $0x1  }
0xa1: {  	[tilespmem:s8+$0xC4C0] =	vst v3  }
0xa2: {  	v3 =	vld [tilespmem:s10+$0x450]  }
0xa3: {  	v29 =	vld [tilespmem:s29+$0x450];
	_ =	sdelay $0x4  }
0xa4: {  	v3 =	vadd.f32 v29, v3;
	_ =	sdelay $0x1  }
0xa5: {  	[tilespmem:s8+$0xC4D0] =	vst v3  }
0xa6: {  	v3 =	vld [tilespmem:s10+$0x460]  }
0xa7: {  	v30 =	vld [tilespmem:s29+$0x460];
	_ =	sdelay $0x4  }
0xa8: {  	v3 =	vadd.f32 v30, v3;
	_ =	sdelay $0x1  }
0xa9: {  	[tilespmem:s8+$0xC4E0] =	vst v3  }
0xaa: {  	v3 =	vld [tilespmem:s10+$0x470]  }
0xab: {  	v31 =	vld [tilespmem:s29+$0x470];
	_ =	sdelay $0x4  }
0xac: {  	v3 =	vadd.f32 v31, v3  }
0xad: {  	s11 =	sadd.s32 $0x880, s9  }
0xae: {  	s29 =	sor.u32 s26, s11;
	[tilespmem:s8+$0xC4F0] =	vst v3  }
0xaf: {  	s10 =	sadd.s32 s28, s11;
	v3 =	vld [tilespmem:s29+$0x0]  }
0xb0: {  	v32 =	vld [tilespmem:s10+$0x0];
	_ =	sdelay $0x4  }
0xb1: {  	v3 =	vadd.f32 v32, v3;
	_ =	sdelay $0x1  }
0xb2: {  	[tilespmem:s8+$0xC880] =	vst v3  }
0xb3: {  	v3 =	vld [tilespmem:s29+$0x10]  }
0xb4: {  	v33 =	vld [tilespmem:s10+$0x10];
	_ =	sdelay $0x4  }
0xb5: {  	v3 =	vadd.f32 v33, v3;
	_ =	sdelay $0x1  }
0xb6: {  	[tilespmem:s8+$0xC890] =	vst v3  }
0xb7: {  	v3 =	vld [tilespmem:s29+$0x20]  }
0xb8: {  	v34 =	vld [tilespmem:s10+$0x20];
	_ =	sdelay $0x4  }
0xb9: {  	v3 =	vadd.f32 v34, v3;
	_ =	sdelay $0x1  }
0xba: {  	[tilespmem:s8+$0xC8A0] =	vst v3  }
0xbb: {  	v3 =	vld [tilespmem:s29+$0x30]  }
0xbc: {  	v35 =	vld [tilespmem:s10+$0x30];
	_ =	sdelay $0x4  }
0xbd: {  	v3 =	vadd.f32 v35, v3;
	_ =	sdelay $0x1  }
0xbe: {  	[tilespmem:s8+$0xC8B0] =	vst v3  }
0xbf: {  	v3 =	vld [tilespmem:s29+$0x40]  }
0xc0: {  	v36 =	vld [tilespmem:s10+$0x40];
	_ =	sdelay $0x4  }
0xc1: {  	v3 =	vadd.f32 v36, v3;
	_ =	sdelay $0x1  }
0xc2: {  	[tilespmem:s8+$0xC8C0] =	vst v3  }
0xc3: {  	v3 =	vld [tilespmem:s29+$0x50]  }
0xc4: {  	v37 =	vld [tilespmem:s10+$0x50];
	_ =	sdelay $0x4  }
0xc5: {  	v3 =	vadd.f32 v37, v3;
	_ =	sdelay $0x1  }
0xc6: {  	[tilespmem:s8+$0xC8D0] =	vst v3  }
0xc7: {  	v3 =	vld [tilespmem:s29+$0x60]  }
0xc8: {  	v38 =	vld [tilespmem:s10+$0x60];
	_ =	sdelay $0x4  }
0xc9: {  	v3 =	vadd.f32 v38, v3;
	_ =	sdelay $0x1  }
0xca: {  	[tilespmem:s8+$0xC8E0] =	vst v3  }
0xcb: {  	v3 =	vld [tilespmem:s29+$0x70]  }
0xcc: {  	v39 =	vld [tilespmem:s10+$0x70];
	_ =	sdelay $0x4  }
0xcd: {  	v3 =	vadd.f32 v39, v3  }
0xce: {  	s11 =	sadd.s32 $0xC80, s9  }
0xcf: {  	s29 =	sor.u32 s26, s11;
	[tilespmem:s8+$0xC8F0] =	vst v3  }
0xd0: {  	s10 =	sadd.s32 s28, s11;
	v3 =	vld [tilespmem:s29+$0x0]  }
0xd1: {  	v40 =	vld [tilespmem:s10+$0x0];
	_ =	sdelay $0x4  }
0xd2: {  	v3 =	vadd.f32 v40, v3;
	_ =	sdelay $0x1  }
0xd3: {  	[tilespmem:s8+$0xCC80] =	vst v3  }
0xd4: {  	v3 =	vld [tilespmem:s29+$0x10]  }
0xd5: {  	v41 =	vld [tilespmem:s10+$0x10];
	_ =	sdelay $0x4  }
0xd6: {  	v3 =	vadd.f32 v41, v3;
	_ =	sdelay $0x1  }
0xd7: {  	[tilespmem:s8+$0xCC90] =	vst v3  }
0xd8: {  	v3 =	vld [tilespmem:s29+$0x20]  }
0xd9: {  	v42 =	vld [tilespmem:s10+$0x20];
	_ =	sdelay $0x4  }
0xda: {  	v3 =	vadd.f32 v42, v3;
	_ =	sdelay $0x1  }
0xdb: {  	[tilespmem:s8+$0xCCA0] =	vst v3  }
0xdc: {  	v3 =	vld [tilespmem:s29+$0x30]  }
0xdd: {  	v43 =	vld [tilespmem:s10+$0x30];
	_ =	sdelay $0x4  }
0xde: {  	v3 =	vadd.f32 v43, v3;
	_ =	sdelay $0x1  }
0xdf: {  	[tilespmem:s8+$0xCCB0] =	vst v3  }
0xe0: {  	v3 =	vld [tilespmem:s29+$0x40]  }
0xe1: {  	v44 =	vld [tilespmem:s10+$0x40];
	_ =	sdelay $0x4  }
0xe2: {  	v3 =	vadd.f32 v44, v3;
	_ =	sdelay $0x1  }
0xe3: {  	[tilespmem:s8+$0xCCC0] =	vst v3  }
0xe4: {  	v3 =	vld [tilespmem:s29+$0x50]  }
0xe5: {  	v45 =	vld [tilespmem:s10+$0x50];
	_ =	sdelay $0x4  }
0xe6: {  	v3 =	vadd.f32 v45, v3;
	_ =	sdelay $0x1  }
0xe7: {  	[tilespmem:s8+$0xCCD0] =	vst v3  }
0xe8: {  	v3 =	vld [tilespmem:s29+$0x60]  }
0xe9: {  	v46 =	vld [tilespmem:s10+$0x60];
	_ =	sdelay $0x4  }
0xea: {  	v3 =	vadd.f32 v46, v3;
	_ =	sdelay $0x1  }
0xeb: {  	[tilespmem:s8+$0xCCE0] =	vst v3  }
0xec: {  	v3 =	vld [tilespmem:s29+$0x70]  }
0xed: {  	v47 =	vld [tilespmem:s10+$0x70];
	_ =	sdelay $0x4  }
0xee: {  	v3 =	vadd.f32 v47, v3  }
0xef: {  	s11 =	sadd.s32 $0x1080, s9  }
0xf0: {  	s29 =	sor.u32 s26, s11;
	[tilespmem:s8+$0xCCF0] =	vst v3  }
0xf1: {  	s10 =	sadd.s32 s28, s11;
	v3 =	vld [tilespmem:s29+$0x0]  }
0xf2: {  	v48 =	vld [tilespmem:s10+$0x0];
	_ =	sdelay $0x4  }
0xf3: {  	v3 =	vadd.f32 v48, v3;
	_ =	sdelay $0x1  }
0xf4: {  	[tilespmem:s8+$0xD080] =	vst v3  }
0xf5: {  	v3 =	vld [tilespmem:s29+$0x10]  }
0xf6: {  	v49 =	vld [tilespmem:s10+$0x10];
	_ =	sdelay $0x4  }
0xf7: {  	v3 =	vadd.f32 v49, v3;
	_ =	sdelay $0x1  }
0xf8: {  	[tilespmem:s8+$0xD090] =	vst v3  }
0xf9: {  	v3 =	vld [tilespmem:s29+$0x20]  }
0xfa: {  	v50 =	vld [tilespmem:s10+$0x20];
	_ =	sdelay $0x4  }
0xfb: {  	v3 =	vadd.f32 v50, v3;
	_ =	sdelay $0x1  }
0xfc: {  	[tilespmem:s8+$0xD0A0] =	vst v3  }
0xfd: {  	v3 =	vld [tilespmem:s29+$0x30]  }
0xfe: {  	v51 =	vld [tilespmem:s10+$0x30];
	_ =	sdelay $0x4  }
0xff: {  	v3 =	vadd.f32 v51, v3;
	_ =	sdelay $0x1  }
0x100: {  	[tilespmem:s8+$0xD0B0] =	vst v3  }
0x101: {  	v3 =	vld [tilespmem:s29+$0x40]  }
0x102: {  	v52 =	vld [tilespmem:s10+$0x40];
	_ =	sdelay $0x4  }
0x103: {  	v3 =	vadd.f32 v52, v3;
	_ =	sdelay $0x1  }
0x104: {  	[tilespmem:s8+$0xD0C0] =	vst v3  }
0x105: {  	v3 =	vld [tilespmem:s29+$0x50]  }
0x106: {  	v53 =	vld [tilespmem:s10+$0x50];
	_ =	sdelay $0x4  }
0x107: {  	v3 =	vadd.f32 v53, v3;
	_ =	sdelay $0x1  }
0x108: {  	[tilespmem:s8+$0xD0D0] =	vst v3  }
0x109: {  	v3 =	vld [tilespmem:s29+$0x60]  }
0x10a: {  	v54 =	vld [tilespmem:s10+$0x60];
	_ =	sdelay $0x4  }
0x10b: {  	v3 =	vadd.f32 v54, v3;
	_ =	sdelay $0x1  }
0x10c: {  	[tilespmem:s8+$0xD0E0] =	vst v3  }
0x10d: {  	v3 =	vld [tilespmem:s29+$0x70]  }
0x10e: {  	v55 =	vld [tilespmem:s10+$0x70];
	_ =	sdelay $0x4  }
0x10f: {  	v3 =	vadd.f32 v55, v3  }
0x110: {  	s9 =	sadd.s32 $0x1480, s9  }
0x111: {  	s29 =	sor.u32 s26, s9;
	[tilespmem:s8+$0xD0F0] =	vst v3  }
0x112: {  	s9 =	sadd.s32 s28, s9;
	v3 =	vld [tilespmem:s29+$0x0]  }
0x113: {  	v56 =	vld [tilespmem:s9+$0x0];
	_ =	sdelay $0x4  }
0x114: {  	v3 =	vadd.f32 v56, v3;
	_ =	sdelay $0x1  }
0x115: {  	[tilespmem:s8+$0xD480] =	vst v3  }
0x116: {  	v3 =	vld [tilespmem:s29+$0x10]  }
0x117: {  	v57 =	vld [tilespmem:s9+$0x10];
	_ =	sdelay $0x4  }
0x118: {  	v3 =	vadd.f32 v57, v3;
	_ =	sdelay $0x1  }
0x119: {  	[tilespmem:s8+$0xD490] =	vst v3  }
0x11a: {  	v3 =	vld [tilespmem:s29+$0x20]  }
0x11b: {  	v58 =	vld [tilespmem:s9+$0x20];
	_ =	sdelay $0x4  }
0x11c: {  	v3 =	vadd.f32 v58, v3;
	_ =	sdelay $0x1  }
0x11d: {  	[tilespmem:s8+$0xD4A0] =	vst v3  }
0x11e: {  	v3 =	vld [tilespmem:s29+$0x30]  }
0x11f: {  	v59 =	vld [tilespmem:s9+$0x30];
	_ =	sdelay $0x4  }
0x120: {  	v3 =	vadd.f32 v59, v3;
	_ =	sdelay $0x1  }
0x121: {  	[tilespmem:s8+$0xD4B0] =	vst v3  }
0x122: {  	v3 =	vld [tilespmem:s29+$0x40]  }
0x123: {  	v60 =	vld [tilespmem:s9+$0x40];
	_ =	sdelay $0x4  }
0x124: {  	v3 =	vadd.f32 v60, v3;
	_ =	sdelay $0x1  }
0x125: {  	[tilespmem:s8+$0xD4C0] =	vst v3  }
0x126: {  	v3 =	vld [tilespmem:s29+$0x50]  }
0x127: {  	v61 =	vld [tilespmem:s9+$0x50];
	_ =	sdelay $0x4  }
0x128: {  	v3 =	vadd.f32 v61, v3;
	_ =	sdelay $0x1  }
0x129: {  	[tilespmem:s8+$0xD4D0] =	vst v3  }
0x12a: {  	v3 =	vld [tilespmem:s29+$0x60]  }
0x12b: {  	v62 =	vld [tilespmem:s9+$0x60];
	_ =	sdelay $0x4  }
0x12c: {  	v3 =	vadd.f32 v62, v3;
	_ =	sdelay $0x1  }
0x12d: {  	[tilespmem:s8+$0xD4E0] =	vst v3  }
0x12e: {  	v3 =	vld [tilespmem:s29+$0x70]  }
0x12f: {  	v63 =	vld [tilespmem:s9+$0x70];
	_ =	sdelay $0x1  }
0x130: {  	p0 =	sne.s32 s25, $0xF  }
.Ltmp0:
0x131: {  	_ = 	snop;
	(pc) =	sbr.rel @p0 .LBB2_2-.Ltmp0, $3  }
0x132: {  	_ = 	snop  }
0x133: {  	v3 =	vadd.f32 v63, v3;
	_ =	sdelay $0x1  }
0x134: {  	s23 =	sadd.s32 $0x100, s23;
	s25 =	sadd.s32 $0x1, s25;
	s24 =	sadd.s32 $0x80, s24;
	[tilespmem:s8+$0xD4F0] =	vst v3  }
0x135: {  	v3 =	vld [tilespmem:$0x40];
	_ =	sdelay $0x4  }
0x136: {  	v4 =	vshrl.u32 v3, $0x3  }
0x137: {  	v4 =	vmul.u32 $0x30, v4  }
0x138: {  	v3 =	vand.u32 $0x7, v3  }
0x139: {  	v3 =	vor.u32 v3, v4  }
0x13a: {  	v4 =	vperm.xlane v3, v0;
	_ =	sdelay $0x1  }
0x13b: {  	v4 =	vadd.s32 v1, v4;
	_ =	sdelay $0x3  }
0x13c: {  	s23 =	simm.s32 $0x0;
	s8 =	simm.s32 $0x80;
	v3 =	vperm.xlane v3, v2  }
0x13d: {  	[tilespmem:s8], [sflag:$0x1] =	stream.indirect_vreg.gather [hbm4b:s3+s23], $0x80, v4, vm0, $0xb8;
	[tilespmem:$0x12080] =	vst v63  }
0x13e: {  	s26 =	simm.s32 $0x880;
	v3 =	vadd.s32 v1, v3  }
0x13f: {  	[tilespmem:s26], [sflag:$0x1] =	stream.indirect_vreg.gather [hbm4b:s5+s23], $0x80, v4, vm0, $0xb8;
	[tilespmem:$0x12080] =	vst v63  }
0x140: {  	s28 =	simm.s32 $0x1080  }
0x141: {  	[tilespmem:s28], [sflag:$0x1] =	stream.indirect_vreg.gather [hbm4b:s6+s23], $0x80, v4, vm0, $0xb8;
	[tilespmem:$0x12080] =	vst v63  }
0x142: {  	s29 =	simm.s32 $0x1880  }
0x143: {  	[tilespmem:s29], [sflag:$0x1] =	stream.indirect_vreg.gather [hbm4b:s3+s23], $0x80, v3, vm0, $0xb8;
	[tilespmem:$0x12080] =	vst v63  }
0x144: {  	s9 =	simm.s32 $0x2080  }
0x145: {  	[tilespmem:s9], [sflag:$0x1] =	stream.indirect_vreg.gather [hbm4b:s5+s23], $0x80, v3, vm0, $0xb8;
	[tilespmem:$0x12080] =	vst v63  }
0x146: {  	s10 =	simm.s32 $0x2880  }
0x147: {  	[tilespmem:s10], [sflag:$0x1] =	stream.indirect_vreg.gather [hbm4b:s6+s23], $0x80, v3, vm0, $0xb8;
	[tilespmem:$0x12080] =	vst v63  }
0x148: {  	v3 =	vld [tilespmem:$0x50];
	_ =	sdelay $0x4  }
0x149: {  	v63 =	vshrl.u32 v3, $0x3  }
0x14a: {  	v4 =	vmul.u32 $0x30, v63  }
0x14b: {  	v3 =	vand.u32 $0x7, v3  }
0x14c: {  	v3 =	vor.u32 v3, v4  }
0x14d: {  	v4 =	vperm.xlane v3, v0;
	_ =	sdelay $0x1  }
0x14e: {  	v4 =	vadd.s32 v1, v4;
	_ =	sdelay $0x3  }
0x14f: {  	s11 =	simm.s32 $0x3080;
	v3 =	vperm.xlane v3, v2  }
0x150: {  	[tilespmem:s11], [sflag:$0x1] =	stream.indirect_vreg.gather [hbm4b:s3+s23], $0x80, v4, vm0, $0xb8;
	[tilespmem:$0x12080] =	vst v63  }
0x151: {  	s24 =	simm.s32 $0x3880;
	v3 =	vadd.s32 v1, v3  }
0x152: {  	[tilespmem:s24], [sflag:$0x1] =	stream.indirect_vreg.gather [hbm4b:s5+s23], $0x80, v4, vm0, $0xb8;
	[tilespmem:$0x12080] =	vst v63  }
0x153: {  	s25 =	simm.s32 $0x4080  }
0x154: {  	[tilespmem:s25], [sflag:$0x1] =	stream.indirect_vreg.gather [hbm4b:s6+s23], $0x80, v4, vm0, $0xb8;
	[tilespmem:$0x12080] =	vst v63  }
0x155: {  	s26 =	simm.s32 $0x4880  }
0x156: {  	[tilespmem:s26], [sflag:$0x1] =	stream.indirect_vreg.gather [hbm4b:s3+s23], $0x80, v3, vm0, $0xb8;
	[tilespmem:$0x12080] =	vst v63  }
0x157: {  	s28 =	simm.s32 $0x5080  }
0x158: {  	[tilespmem:s28], [sflag:$0x1] =	stream.indirect_vreg.gather [hbm4b:s5+s23], $0x80, v3, vm0, $0xb8;
	[tilespmem:$0x12080] =	vst v63  }
0x159: {  	s29 =	simm.s32 $0x5880  }
0x15a: {  	[tilespmem:s29], [sflag:$0x1] =	stream.indirect_vreg.gather [hbm4b:s6+s23], $0x80, v3, vm0, $0xb8;
	[tilespmem:$0x12080] =	vst v63  }
0x15b: {  	_ = 	snop  }
0x15c: {  	[hbm4b:s7+s23] =	stream.linear.scatter [tilespmem:s18], [sflag:$0x3], $0x3000, $0x38;
	[tilespmem:$0x12080] =	vst v63  }
0x15d: {  	_ =	swait.ge [sflag:s19], $0x6000  }
0x15e: {  	[sflag:s19] =	ssyncset.done $0x0  }
0x15f: {  	s24 =	simm.s32 $0x0;
	s25 =	simm.s32 $0x0;
	[sflag:s19] =	ssyncadd.s32 $0xFFFFA000  }
.LBB2_4:
0x160: {  	s8 =	sshrl.u32 s25, $0x2  }
0x161: {  	s8 =	smul.u32 $0x6000, s8;
	_ =	sdelay $0x1  }
0x162: {  	s26 =	sshra.s32 s8, $0x2  }
0x163: {  	s8 =	sand.u32 $0x300, s23;
	s11 =	sadd.s32 $0x6080, s26  }
0x164: {  	s9 =	sor.u32 $0x80, s8;
	s10 =	sor.u32 s8, s11  }
0x165: {  	s29 =	sadd.s32 s9, s11;
	v3 =	vld [tilespmem:s10+$0x0]  }
0x166: {  	v4 =	vld [tilespmem:s29+$0x0];
	_ =	sdelay $0x1  }
0x167: {  	s28 =	sshrl.u32 s25, $0x3  }
0x168: {  	s11 =	smul.u32 $0x6000, s28;
	_ =	sdelay $0x1  }
0x169: {  	s28 =	sand.u32 $0x380, s24;
	s11 =	sshra.s32 s11, $0x2;
	v3 =	vadd.f32 v4, v3  }
0x16a: {  	s28 =	sor.u32 s28, s11  }
0x16b: {  	[tilespmem:s28+$0xF080] =	vst v3  }
0x16c: {  	v3 =	vld [tilespmem:s10+$0x10]  }
0x16d: {  	v17 =	vld [tilespmem:s29+$0x10];
	_ =	sdelay $0x4  }
0x16e: {  	v3 =	vadd.f32 v17, v3;
	_ =	sdelay $0x1  }
0x16f: {  	[tilespmem:s28+$0xF090] =	vst v3  }
0x170: {  	v3 =	vld [tilespmem:s10+$0x20]  }
0x171: {  	v18 =	vld [tilespmem:s29+$0x20];
	_ =	sdelay $0x4  }
0x172: {  	v3 =	vadd.f32 v18, v3;
	_ =	sdelay $0x1  }
0x173: {  	[tilespmem:s28+$0xF0A0] =	vst v3  }
0x174: {  	v3 =	vld [tilespmem:s10+$0x30]  }
0x175: {  	v19 =	vld [tilespmem:s29+$0x30];
	_ =	sdelay $0x4  }
0x176: {  	v3 =	vadd.f32 v19, v3;
	_ =	sdelay $0x1  }
0x177: {  	[tilespmem:s28+$0xF0B0] =	vst v3  }
0x178: {  	v3 =	vld [tilespmem:s10+$0x40]  }
0x179: {  	v20 =	vld [tilespmem:s29+$0x40];
	_ =	sdelay $0x4  }
0x17a: {  	v3 =	vadd.f32 v20, v3;
	_ =	sdelay $0x1  }
0x17b: {  	[tilespmem:s28+$0xF0C0] =	vst v3  }
0x17c: {  	v3 =	vld [tilespmem:s10+$0x50]  }
0x17d: {  	v21 =	vld [tilespmem:s29+$0x50];
	_ =	sdelay $0x4  }
0x17e: {  	v3 =	vadd.f32 v21, v3;
	_ =	sdelay $0x1  }
0x17f: {  	[tilespmem:s28+$0xF0D0] =	vst v3  }
0x180: {  	v3 =	vld [tilespmem:s10+$0x60]  }
0x181: {  	v22 =	vld [tilespmem:s29+$0x60];
	_ =	sdelay $0x4  }
0x182: {  	v3 =	vadd.f32 v22, v3;
	_ =	sdelay $0x1  }
0x183: {  	[tilespmem:s28+$0xF0E0] =	vst v3  }
0x184: {  	v3 =	vld [tilespmem:s10+$0x70]  }
0x185: {  	v23 =	vld [tilespmem:s29+$0x70];
	_ =	sdelay $0x4  }
0x186: {  	v3 =	vadd.f32 v23, v3;
	_ =	sdelay $0x1  }
0x187: {  	[tilespmem:s28+$0xF0F0] =	vst v3  }
0x188: {  	v3 =	vld [tilespmem:s10+$0x400]  }
0x189: {  	v24 =	vld [tilespmem:s29+$0x400];
	_ =	sdelay $0x4  }
0x18a: {  	v3 =	vadd.f32 v24, v3;
	_ =	sdelay $0x1  }
0x18b: {  	[tilespmem:s28+$0xF480] =	vst v3  }
0x18c: {  	v3 =	vld [tilespmem:s10+$0x410]  }
0x18d: {  	v25 =	vld [tilespmem:s29+$0x410];
	_ =	sdelay $0x4  }
0x18e: {  	v3 =	vadd.f32 v25, v3;
	_ =	sdelay $0x1  }
0x18f: {  	[tilespmem:s28+$0xF490] =	vst v3  }
0x190: {  	v3 =	vld [tilespmem:s10+$0x420]  }
0x191: {  	v26 =	vld [tilespmem:s29+$0x420];
	_ =	sdelay $0x4  }
0x192: {  	v3 =	vadd.f32 v26, v3;
	_ =	sdelay $0x1  }
0x193: {  	[tilespmem:s28+$0xF4A0] =	vst v3  }
0x194: {  	v3 =	vld [tilespmem:s10+$0x430]  }
0x195: {  	v27 =	vld [tilespmem:s29+$0x430];
	_ =	sdelay $0x4  }
0x196: {  	v3 =	vadd.f32 v27, v3;
	_ =	sdelay $0x1  }
0x197: {  	[tilespmem:s28+$0xF4B0] =	vst v3  }
0x198: {  	v3 =	vld [tilespmem:s10+$0x440]  }
0x199: {  	v28 =	vld [tilespmem:s29+$0x440];
	_ =	sdelay $0x4  }
0x19a: {  	v3 =	vadd.f32 v28, v3;
	_ =	sdelay $0x1  }
0x19b: {  	[tilespmem:s28+$0xF4C0] =	vst v3  }
0x19c: {  	v3 =	vld [tilespmem:s10+$0x450]  }
0x19d: {  	v29 =	vld [tilespmem:s29+$0x450];
	_ =	sdelay $0x4  }
0x19e: {  	v3 =	vadd.f32 v29, v3;
	_ =	sdelay $0x1  }
0x19f: {  	[tilespmem:s28+$0xF4D0] =	vst v3  }
0x1a0: {  	v3 =	vld [tilespmem:s10+$0x460]  }
0x1a1: {  	v30 =	vld [tilespmem:s29+$0x460];
	_ =	sdelay $0x4  }
0x1a2: {  	v3 =	vadd.f32 v30, v3;
	_ =	sdelay $0x1  }
0x1a3: {  	[tilespmem:s28+$0xF4E0] =	vst v3  }
0x1a4: {  	v3 =	vld [tilespmem:s10+$0x470]  }
0x1a5: {  	v31 =	vld [tilespmem:s29+$0x470];
	_ =	sdelay $0x4  }
0x1a6: {  	v3 =	vadd.f32 v31, v3  }
0x1a7: {  	s11 =	sadd.s32 $0x6880, s26  }
0x1a8: {  	s29 =	sor.u32 s8, s11;
	[tilespmem:s28+$0xF4F0] =	vst v3  }
0x1a9: {  	s10 =	sadd.s32 s9, s11;
	v3 =	vld [tilespmem:s29+$0x0]  }
0x1aa: {  	v32 =	vld [tilespmem:s10+$0x0];
	_ =	sdelay $0x4  }
0x1ab: {  	v3 =	vadd.f32 v32, v3;
	_ =	sdelay $0x1  }
0x1ac: {  	[tilespmem:s28+$0xF880] =	vst v3  }
0x1ad: {  	v3 =	vld [tilespmem:s29+$0x10]  }
0x1ae: {  	v33 =	vld [tilespmem:s10+$0x10];
	_ =	sdelay $0x4  }
0x1af: {  	v3 =	vadd.f32 v33, v3;
	_ =	sdelay $0x1  }
0x1b0: {  	[tilespmem:s28+$0xF890] =	vst v3  }
0x1b1: {  	v3 =	vld [tilespmem:s29+$0x20]  }
0x1b2: {  	v34 =	vld [tilespmem:s10+$0x20];
	_ =	sdelay $0x4  }
0x1b3: {  	v3 =	vadd.f32 v34, v3;
	_ =	sdelay $0x1  }
0x1b4: {  	[tilespmem:s28+$0xF8A0] =	vst v3  }
0x1b5: {  	v3 =	vld [tilespmem:s29+$0x30]  }
0x1b6: {  	v35 =	vld [tilespmem:s10+$0x30];
	_ =	sdelay $0x4  }
0x1b7: {  	v3 =	vadd.f32 v35, v3;
	_ =	sdelay $0x1  }
0x1b8: {  	[tilespmem:s28+$0xF8B0] =	vst v3  }
0x1b9: {  	v3 =	vld [tilespmem:s29+$0x40]  }
0x1ba: {  	v36 =	vld [tilespmem:s10+$0x40];
	_ =	sdelay $0x4  }
0x1bb: {  	v3 =	vadd.f32 v36, v3;
	_ =	sdelay $0x1  }
0x1bc: {  	[tilespmem:s28+$0xF8C0] =	vst v3  }
0x1bd: {  	v3 =	vld [tilespmem:s29+$0x50]  }
0x1be: {  	v37 =	vld [tilespmem:s10+$0x50];
	_ =	sdelay $0x4  }
0x1bf: {  	v3 =	vadd.f32 v37, v3;
	_ =	sdelay $0x1  }
0x1c0: {  	[tilespmem:s28+$0xF8D0] =	vst v3  }
0x1c1: {  	v3 =	vld [tilespmem:s29+$0x60]  }
0x1c2: {  	v38 =	vld [tilespmem:s10+$0x60];
	_ =	sdelay $0x4  }
0x1c3: {  	v3 =	vadd.f32 v38, v3;
	_ =	sdelay $0x1  }
0x1c4: {  	[tilespmem:s28+$0xF8E0] =	vst v3  }
0x1c5: {  	v3 =	vld [tilespmem:s29+$0x70]  }
0x1c6: {  	v39 =	vld [tilespmem:s10+$0x70];
	_ =	sdelay $0x4  }
0x1c7: {  	v3 =	vadd.f32 v39, v3  }
0x1c8: {  	s11 =	sadd.s32 $0x6C80, s26  }
0x1c9: {  	s29 =	sor.u32 s8, s11;
	[tilespmem:s28+$0xF8F0] =	vst v3  }
0x1ca: {  	s10 =	sadd.s32 s9, s11;
	v3 =	vld [tilespmem:s29+$0x0]  }
0x1cb: {  	v40 =	vld [tilespmem:s10+$0x0];
	_ =	sdelay $0x4  }
0x1cc: {  	v3 =	vadd.f32 v40, v3;
	_ =	sdelay $0x1  }
0x1cd: {  	[tilespmem:s28+$0xFC80] =	vst v3  }
0x1ce: {  	v3 =	vld [tilespmem:s29+$0x10]  }
0x1cf: {  	v41 =	vld [tilespmem:s10+$0x10];
	_ =	sdelay $0x4  }
0x1d0: {  	v3 =	vadd.f32 v41, v3;
	_ =	sdelay $0x1  }
0x1d1: {  	[tilespmem:s28+$0xFC90] =	vst v3  }
0x1d2: {  	v3 =	vld [tilespmem:s29+$0x20]  }
0x1d3: {  	v42 =	vld [tilespmem:s10+$0x20];
	_ =	sdelay $0x4  }
0x1d4: {  	v3 =	vadd.f32 v42, v3;
	_ =	sdelay $0x1  }
0x1d5: {  	[tilespmem:s28+$0xFCA0] =	vst v3  }
0x1d6: {  	v3 =	vld [tilespmem:s29+$0x30]  }
0x1d7: {  	v43 =	vld [tilespmem:s10+$0x30];
	_ =	sdelay $0x4  }
0x1d8: {  	v3 =	vadd.f32 v43, v3;
	_ =	sdelay $0x1  }
0x1d9: {  	[tilespmem:s28+$0xFCB0] =	vst v3  }
0x1da: {  	v3 =	vld [tilespmem:s29+$0x40]  }
0x1db: {  	v44 =	vld [tilespmem:s10+$0x40];
	_ =	sdelay $0x4  }
0x1dc: {  	v3 =	vadd.f32 v44, v3;
	_ =	sdelay $0x1  }
0x1dd: {  	[tilespmem:s28+$0xFCC0] =	vst v3  }
0x1de: {  	v3 =	vld [tilespmem:s29+$0x50]  }
0x1df: {  	v45 =	vld [tilespmem:s10+$0x50];
	_ =	sdelay $0x4  }
0x1e0: {  	v3 =	vadd.f32 v45, v3;
	_ =	sdelay $0x1  }
0x1e1: {  	[tilespmem:s28+$0xFCD0] =	vst v3  }
0x1e2: {  	v3 =	vld [tilespmem:s29+$0x60]  }
0x1e3: {  	v46 =	vld [tilespmem:s10+$0x60];
	_ =	sdelay $0x4  }
0x1e4: {  	v3 =	vadd.f32 v46, v3;
	_ =	sdelay $0x1  }
0x1e5: {  	[tilespmem:s28+$0xFCE0] =	vst v3  }
0x1e6: {  	v3 =	vld [tilespmem:s29+$0x70]  }
0x1e7: {  	v47 =	vld [tilespmem:s10+$0x70];
	_ =	sdelay $0x4  }
0x1e8: {  	v3 =	vadd.f32 v47, v3  }
0x1e9: {  	s29 =	sadd.s32 $0x7080, s26  }
0x1ea: {  	s11 =	sor.u32 s8, s29;
	[tilespmem:s28+$0xFCF0] =	vst v3  }
0x1eb: {  	s10 =	sadd.s32 s9, s29;
	v3 =	vld [tilespmem:s11+$0x0]  }
0x1ec: {  	v48 =	vld [tilespmem:s10+$0x0];
	_ =	sdelay $0x4  }
0x1ed: {  	v3 =	vadd.f32 v48, v3;
	_ =	sdelay $0x1  }
0x1ee: {  	[tilespmem:s28+$0x10080] =	vst v3  }
0x1ef: {  	v3 =	vld [tilespmem:s11+$0x10]  }
0x1f0: {  	v49 =	vld [tilespmem:s10+$0x10];
	_ =	sdelay $0x4  }
0x1f1: {  	v3 =	vadd.f32 v49, v3  }
0x1f2: {  	s29 =	sadd.s32 $0x10080, s28  }
0x1f3: {  	[tilespmem:s29+$0x10] =	vst v3  }
0x1f4: {  	v3 =	vld [tilespmem:s11+$0x20]  }
0x1f5: {  	v50 =	vld [tilespmem:s10+$0x20];
	_ =	sdelay $0x4  }
0x1f6: {  	v3 =	vadd.f32 v50, v3;
	_ =	sdelay $0x1  }
0x1f7: {  	[tilespmem:s29+$0x20] =	vst v3  }
0x1f8: {  	v3 =	vld [tilespmem:s11+$0x30]  }
0x1f9: {  	v51 =	vld [tilespmem:s10+$0x30];
	_ =	sdelay $0x4  }
0x1fa: {  	v3 =	vadd.f32 v51, v3;
	_ =	sdelay $0x1  }
0x1fb: {  	[tilespmem:s29+$0x30] =	vst v3  }
0x1fc: {  	v3 =	vld [tilespmem:s11+$0x40]  }
0x1fd: {  	v52 =	vld [tilespmem:s10+$0x40];
	_ =	sdelay $0x4  }
0x1fe: {  	v3 =	vadd.f32 v52, v3;
	_ =	sdelay $0x1  }
0x1ff: {  	[tilespmem:s29+$0x40] =	vst v3  }
0x200: {  	v3 =	vld [tilespmem:s11+$0x50]  }
0x201: {  	v53 =	vld [tilespmem:s10+$0x50];
	_ =	sdelay $0x4  }
0x202: {  	v3 =	vadd.f32 v53, v3;
	_ =	sdelay $0x1  }
0x203: {  	[tilespmem:s29+$0x50] =	vst v3  }
0x204: {  	v3 =	vld [tilespmem:s11+$0x60]  }
0x205: {  	v54 =	vld [tilespmem:s10+$0x60];
	_ =	sdelay $0x4  }
0x206: {  	v3 =	vadd.f32 v54, v3;
	_ =	sdelay $0x1  }
0x207: {  	[tilespmem:s29+$0x60] =	vst v3  }
0x208: {  	v3 =	vld [tilespmem:s11+$0x70]  }
0x209: {  	v55 =	vld [tilespmem:s10+$0x70];
	_ =	sdelay $0x4  }
0x20a: {  	v3 =	vadd.f32 v55, v3  }
0x20b: {  	s26 =	sadd.s32 $0x7480, s26  }
0x20c: {  	s8 =	sor.u32 s8, s26;
	[tilespmem:s29+$0x70] =	vst v3  }
0x20d: {  	s9 =	sadd.s32 s9, s26;
	v3 =	vld [tilespmem:s8+$0x0]  }
0x20e: {  	v56 =	vld [tilespmem:s9+$0x0];
	_ =	sdelay $0x4  }
0x20f: {  	v3 =	vadd.f32 v56, v3;
	_ =	sdelay $0x1  }
0x210: {  	[tilespmem:s28+$0x10480] =	vst v3  }
0x211: {  	v3 =	vld [tilespmem:s8+$0x10]  }
0x212: {  	v57 =	vld [tilespmem:s9+$0x10];
	_ =	sdelay $0x4  }
0x213: {  	v3 =	vadd.f32 v57, v3  }
0x214: {  	s29 =	sadd.s32 $0x10480, s28  }
0x215: {  	[tilespmem:s29+$0x10] =	vst v3  }
0x216: {  	v3 =	vld [tilespmem:s8+$0x20]  }
0x217: {  	v58 =	vld [tilespmem:s9+$0x20];
	_ =	sdelay $0x4  }
0x218: {  	v3 =	vadd.f32 v58, v3;
	_ =	sdelay $0x1  }
0x219: {  	[tilespmem:s29+$0x20] =	vst v3  }
0x21a: {  	v3 =	vld [tilespmem:s8+$0x30]  }
0x21b: {  	v59 =	vld [tilespmem:s9+$0x30];
	_ =	sdelay $0x4  }
0x21c: {  	v3 =	vadd.f32 v59, v3;
	_ =	sdelay $0x1  }
0x21d: {  	[tilespmem:s29+$0x30] =	vst v3  }
0x21e: {  	v3 =	vld [tilespmem:s8+$0x40]  }
0x21f: {  	v60 =	vld [tilespmem:s9+$0x40];
	_ =	sdelay $0x4  }
0x220: {  	v3 =	vadd.f32 v60, v3;
	_ =	sdelay $0x1  }
0x221: {  	[tilespmem:s29+$0x40] =	vst v3  }
0x222: {  	v3 =	vld [tilespmem:s8+$0x50]  }
0x223: {  	v61 =	vld [tilespmem:s9+$0x50];
	_ =	sdelay $0x4  }
0x224: {  	v3 =	vadd.f32 v61, v3;
	_ =	sdelay $0x1  }
0x225: {  	[tilespmem:s29+$0x50] =	vst v3  }
0x226: {  	v3 =	vld [tilespmem:s8+$0x60]  }
0x227: {  	v62 =	vld [tilespmem:s9+$0x60];
	_ =	sdelay $0x4  }
0x228: {  	v3 =	vadd.f32 v62, v3;
	_ =	sdelay $0x1  }
0x229: {  	[tilespmem:s29+$0x60] =	vst v3  }
0x22a: {  	v3 =	vld [tilespmem:s8+$0x70]  }
0x22b: {  	v63 =	vld [tilespmem:s9+$0x70];
	_ =	sdelay $0x1  }
0x22c: {  	p0 =	sne.s32 s25, $0xF  }
.Ltmp1:
0x22d: {  	_ = 	snop;
	(pc) =	sbr.rel @p0 .LBB2_4-.Ltmp1, $3  }
0x22e: {  	_ = 	snop  }
0x22f: {  	v3 =	vadd.f32 v63, v3;
	_ =	sdelay $0x1  }
0x230: {  	s25 =	sadd.s32 $0x1, s25;
	s23 =	sadd.s32 $0x100, s23;
	s24 =	sadd.s32 $0x80, s24;
	[tilespmem:s29+$0x70] =	vst v3  }
0x231: {  	v3 =	vld [tilespmem:$0x60];
	_ =	sdelay $0x4  }
0x232: {  	v4 =	vshrl.u32 v3, $0x3  }
0x233: {  	v4 =	vmul.u32 $0x30, v4  }
0x234: {  	v3 =	vand.u32 $0x7, v3  }
0x235: {  	v3 =	vor.u32 v3, v4  }
0x236: {  	v4 =	vperm.xlane v3, v0;
	_ =	sdelay $0x1  }
0x237: {  	v4 =	vadd.s32 v1, v4;
	_ =	sdelay $0x3  }
0x238: {  	s23 =	simm.s32 $0x0;
	s8 =	simm.s32 $0x6080;
	v3 =	vperm.xlane v3, v2  }
0x239: {  	[tilespmem:s8], [sflag:$0x2] =	stream.indirect_vreg.gather [hbm4b:s3+s23], $0x80, v4, vm0, $0xb8;
	[tilespmem:$0x12080] =	vst v63  }
0x23a: {  	s25 =	simm.s32 $0x6880;
	v3 =	vadd.s32 v1, v3  }
0x23b: {  	[tilespmem:s25], [sflag:$0x2] =	stream.indirect_vreg.gather [hbm4b:s5+s23], $0x80, v4, vm0, $0xb8;
	[tilespmem:$0x12080] =	vst v63  }
0x23c: {  	s26 =	simm.s32 $0x7080  }
0x23d: {  	[tilespmem:s26], [sflag:$0x2] =	stream.indirect_vreg.gather [hbm4b:s6+s23], $0x80, v4, vm0, $0xb8;
	[tilespmem:$0x12080] =	vst v63  }
0x23e: {  	s28 =	simm.s32 $0x7880  }
0x23f: {  	[tilespmem:s28], [sflag:$0x2] =	stream.indirect_vreg.gather [hbm4b:s3+s23], $0x80, v3, vm0, $0xb8;
	[tilespmem:$0x12080] =	vst v63  }
0x240: {  	_ = 	snop  }
0x241: {  	[tilespmem:s30], [sflag:$0x2] =	stream.indirect_vreg.gather [hbm4b:s5+s23], $0x80, v3, vm0, $0xb8;
	[tilespmem:$0x12080] =	vst v63  }
0x242: {  	_ = 	snop  }
0x243: {  	[tilespmem:s31], [sflag:$0x2] =	stream.indirect_vreg.gather [hbm4b:s6+s23], $0x80, v3, vm0, $0xb8;
	[tilespmem:$0x12080] =	vst v63  }
0x244: {  	v3 =	vld [tilespmem:$0x70];
	_ =	sdelay $0x4  }
0x245: {  	v63 =	vshrl.u32 v3, $0x3  }
0x246: {  	v4 =	vmul.u32 $0x30, v63  }
0x247: {  	v3 =	vand.u32 $0x7, v3  }
0x248: {  	v3 =	vor.u32 v3, v4  }
0x249: {  	v4 =	vperm.xlane v3, v0;
	_ =	sdelay $0x1  }
0x24a: {  	v4 =	vadd.s32 v1, v4;
	_ =	sdelay $0x3  }
0x24b: {  	v3 =	vperm.xlane v3, v2  }
0x24c: {  	[tilespmem:s0], [sflag:$0x2] =	stream.indirect_vreg.gather [hbm4b:s3+s23], $0x80, v4, vm0, $0xb8;
	[tilespmem:$0x12080] =	vst v63  }
0x24d: {  	v3 =	vadd.s32 v1, v3  }
0x24e: {  	[tilespmem:s1], [sflag:$0x2] =	stream.indirect_vreg.gather [hbm4b:s5+s23], $0x80, v4, vm0, $0xb8;
	[tilespmem:$0x12080] =	vst v63  }
0x24f: {  	_ = 	snop  }
0x250: {  	[tilespmem:s13], [sflag:$0x2] =	stream.indirect_vreg.gather [hbm4b:s6+s23], $0x80, v4, vm0, $0xb8;
	[tilespmem:$0x12080] =	vst v63  }
0x251: {  	_ = 	snop  }
0x252: {  	[tilespmem:s14], [sflag:$0x2] =	stream.indirect_vreg.gather [hbm4b:s3+s23], $0x80, v3, vm0, $0xb8;
	[tilespmem:$0x12080] =	vst v63  }
0x253: {  	_ = 	snop  }
0x254: {  	[tilespmem:s15], [sflag:$0x2] =	stream.indirect_vreg.gather [hbm4b:s5+s23], $0x80, v3, vm0, $0xb8;
	[tilespmem:$0x12080] =	vst v63  }
0x255: {  	_ = 	snop  }
0x256: {  	[tilespmem:s16], [sflag:$0x2] =	stream.indirect_vreg.gather [hbm4b:s6+s23], $0x80, v3, vm0, $0xb8;
	[tilespmem:$0x12080] =	vst v63  }
0x257: {  	s29 =	rddreg [dreg:$0x4]  }
0x258: {  	[hbm4b:s29+s23] =	stream.linear.scatter [tilespmem:s4], [sflag:$0x4], $0x3000, $0x38;
	[tilespmem:$0x12080] =	vst v63  }
0x259: {  	_ =	swait.ge [sflag:s17], $0x6000  }
0x25a: {  	[sflag:s17] =	ssyncset.done $0x0  }
0x25b: {  	[sflag:s17] =	ssyncadd.s32 $0xFFFFA000  }
0x25c: {  	_ =	swait.ge [sflag:s20], $0x3000  }
0x25d: {  	[sflag:s20] =	ssyncset.done $0x0  }
0x25e: {  	s24 =	simm.s32 $0x0;
	s25 =	simm.s32 $0x0;
	[sflag:s20] =	ssyncadd.s32 $0xFFFFD000  }
.LBB2_6:
0x25f: {  	s8 =	sshrl.u32 s25, $0x2  }
0x260: {  	s8 =	smul.u32 $0x6000, s8;
	_ =	sdelay $0x1  }
0x261: {  	s26 =	sshra.s32 s8, $0x2  }
0x262: {  	s9 =	sand.u32 $0x300, s23;
	s8 =	sor.u32 $0x80, s26  }
0x263: {  	s28 =	sor.u32 $0x80, s9;
	s10 =	sor.u32 s9, s8  }
0x264: {  	s29 =	sadd.s32 s28, s8;
	v3 =	vld [tilespmem:s10+$0x0]  }
0x265: {  	v4 =	vld [tilespmem:s29+$0x0];
	_ =	sdelay $0x1  }
0x266: {  	s11 =	sshrl.u32 s25, $0x3  }
0x267: {  	s8 =	smul.u32 $0x6000, s11;
	_ =	sdelay $0x1  }
0x268: {  	s11 =	sand.u32 $0x380, s24;
	s8 =	sshra.s32 s8, $0x2;
	v3 =	vadd.f32 v4, v3  }
0x269: {  	s8 =	sor.u32 s11, s8  }
0x26a: {  	[tilespmem:s8+$0xC080] =	vst v3  }
0x26b: {  	v3 =	vld [tilespmem:s10+$0x10]  }
0x26c: {  	v17 =	vld [tilespmem:s29+$0x10];
	_ =	sdelay $0x4  }
0x26d: {  	v3 =	vadd.f32 v17, v3;
	_ =	sdelay $0x1  }
0x26e: {  	[tilespmem:s8+$0xC090] =	vst v3  }
0x26f: {  	v3 =	vld [tilespmem:s10+$0x20]  }
0x270: {  	v18 =	vld [tilespmem:s29+$0x20];
	_ =	sdelay $0x4  }
0x271: {  	v3 =	vadd.f32 v18, v3;
	_ =	sdelay $0x1  }
0x272: {  	[tilespmem:s8+$0xC0A0] =	vst v3  }
0x273: {  	v3 =	vld [tilespmem:s10+$0x30]  }
0x274: {  	v19 =	vld [tilespmem:s29+$0x30];
	_ =	sdelay $0x4  }
0x275: {  	v3 =	vadd.f32 v19, v3;
	_ =	sdelay $0x1  }
0x276: {  	[tilespmem:s8+$0xC0B0] =	vst v3  }
0x277: {  	v3 =	vld [tilespmem:s10+$0x40]  }
0x278: {  	v20 =	vld [tilespmem:s29+$0x40];
	_ =	sdelay $0x4  }
0x279: {  	v3 =	vadd.f32 v20, v3;
	_ =	sdelay $0x1  }
0x27a: {  	[tilespmem:s8+$0xC0C0] =	vst v3  }
0x27b: {  	v3 =	vld [tilespmem:s10+$0x50]  }
0x27c: {  	v21 =	vld [tilespmem:s29+$0x50];
	_ =	sdelay $0x4  }
0x27d: {  	v3 =	vadd.f32 v21, v3;
	_ =	sdelay $0x1  }
0x27e: {  	[tilespmem:s8+$0xC0D0] =	vst v3  }
0x27f: {  	v3 =	vld [tilespmem:s10+$0x60]  }
0x280: {  	v22 =	vld [tilespmem:s29+$0x60];
	_ =	sdelay $0x4  }
0x281: {  	v3 =	vadd.f32 v22, v3;
	_ =	sdelay $0x1  }
0x282: {  	[tilespmem:s8+$0xC0E0] =	vst v3  }
0x283: {  	v3 =	vld [tilespmem:s10+$0x70]  }
0x284: {  	v23 =	vld [tilespmem:s29+$0x70];
	_ =	sdelay $0x4  }
0x285: {  	v3 =	vadd.f32 v23, v3;
	_ =	sdelay $0x1  }
0x286: {  	[tilespmem:s8+$0xC0F0] =	vst v3  }
0x287: {  	v3 =	vld [tilespmem:s10+$0x400]  }
0x288: {  	v24 =	vld [tilespmem:s29+$0x400];
	_ =	sdelay $0x4  }
0x289: {  	v3 =	vadd.f32 v24, v3;
	_ =	sdelay $0x1  }
0x28a: {  	[tilespmem:s8+$0xC480] =	vst v3  }
0x28b: {  	v3 =	vld [tilespmem:s10+$0x410]  }
0x28c: {  	v25 =	vld [tilespmem:s29+$0x410];
	_ =	sdelay $0x4  }
0x28d: {  	v3 =	vadd.f32 v25, v3;
	_ =	sdelay $0x1  }
0x28e: {  	[tilespmem:s8+$0xC490] =	vst v3  }
0x28f: {  	v3 =	vld [tilespmem:s10+$0x420]  }
0x290: {  	v26 =	vld [tilespmem:s29+$0x420];
	_ =	sdelay $0x4  }
0x291: {  	v3 =	vadd.f32 v26, v3;
	_ =	sdelay $0x1  }
0x292: {  	[tilespmem:s8+$0xC4A0] =	vst v3  }
0x293: {  	v3 =	vld [tilespmem:s10+$0x430]  }
0x294: {  	v27 =	vld [tilespmem:s29+$0x430];
	_ =	sdelay $0x4  }
0x295: {  	v3 =	vadd.f32 v27, v3;
	_ =	sdelay $0x1  }
0x296: {  	[tilespmem:s8+$0xC4B0] =	vst v3  }
0x297: {  	v3 =	vld [tilespmem:s10+$0x440]  }
0x298: {  	v28 =	vld [tilespmem:s29+$0x440];
	_ =	sdelay $0x4  }
0x299: {  	v3 =	vadd.f32 v28, v3;
	_ =	sdelay $0x1  }
0x29a: {  	[tilespmem:s8+$0xC4C0] =	vst v3  }
0x29b: {  	v3 =	vld [tilespmem:s10+$0x450]  }
0x29c: {  	v29 =	vld [tilespmem:s29+$0x450];
	_ =	sdelay $0x4  }
0x29d: {  	v3 =	vadd.f32 v29, v3;
	_ =	sdelay $0x1  }
0x29e: {  	[tilespmem:s8+$0xC4D0] =	vst v3  }
0x29f: {  	v3 =	vld [tilespmem:s10+$0x460]  }
0x2a0: {  	v30 =	vld [tilespmem:s29+$0x460];
	_ =	sdelay $0x4  }
0x2a1: {  	v3 =	vadd.f32 v30, v3;
	_ =	sdelay $0x1  }
0x2a2: {  	[tilespmem:s8+$0xC4E0] =	vst v3  }
0x2a3: {  	v3 =	vld [tilespmem:s10+$0x470]  }
0x2a4: {  	v31 =	vld [tilespmem:s29+$0x470];
	_ =	sdelay $0x4  }
0x2a5: {  	v3 =	vadd.f32 v31, v3  }
0x2a6: {  	s11 =	sadd.s32 $0x880, s26  }
0x2a7: {  	s29 =	sor.u32 s9, s11;
	[tilespmem:s8+$0xC4F0] =	vst v3  }
0x2a8: {  	s10 =	sadd.s32 s28, s11;
	v3 =	vld [tilespmem:s29+$0x0]  }
0x2a9: {  	v32 =	vld [tilespmem:s10+$0x0];
	_ =	sdelay $0x4  }
0x2aa: {  	v3 =	vadd.f32 v32, v3;
	_ =	sdelay $0x1  }
0x2ab: {  	[tilespmem:s8+$0xC880] =	vst v3  }
0x2ac: {  	v3 =	vld [tilespmem:s29+$0x10]  }
0x2ad: {  	v33 =	vld [tilespmem:s10+$0x10];
	_ =	sdelay $0x4  }
0x2ae: {  	v3 =	vadd.f32 v33, v3;
	_ =	sdelay $0x1  }
0x2af: {  	[tilespmem:s8+$0xC890] =	vst v3  }
0x2b0: {  	v3 =	vld [tilespmem:s29+$0x20]  }
0x2b1: {  	v34 =	vld [tilespmem:s10+$0x20];
	_ =	sdelay $0x4  }
0x2b2: {  	v3 =	vadd.f32 v34, v3;
	_ =	sdelay $0x1  }
0x2b3: {  	[tilespmem:s8+$0xC8A0] =	vst v3  }
0x2b4: {  	v3 =	vld [tilespmem:s29+$0x30]  }
0x2b5: {  	v35 =	vld [tilespmem:s10+$0x30];
	_ =	sdelay $0x4  }
0x2b6: {  	v3 =	vadd.f32 v35, v3;
	_ =	sdelay $0x1  }
0x2b7: {  	[tilespmem:s8+$0xC8B0] =	vst v3  }
0x2b8: {  	v3 =	vld [tilespmem:s29+$0x40]  }
0x2b9: {  	v36 =	vld [tilespmem:s10+$0x40];
	_ =	sdelay $0x4  }
0x2ba: {  	v3 =	vadd.f32 v36, v3;
	_ =	sdelay $0x1  }
0x2bb: {  	[tilespmem:s8+$0xC8C0] =	vst v3  }
0x2bc: {  	v3 =	vld [tilespmem:s29+$0x50]  }
0x2bd: {  	v37 =	vld [tilespmem:s10+$0x50];
	_ =	sdelay $0x4  }
0x2be: {  	v3 =	vadd.f32 v37, v3;
	_ =	sdelay $0x1  }
0x2bf: {  	[tilespmem:s8+$0xC8D0] =	vst v3  }
0x2c0: {  	v3 =	vld [tilespmem:s29+$0x60]  }
0x2c1: {  	v38 =	vld [tilespmem:s10+$0x60];
	_ =	sdelay $0x4  }
0x2c2: {  	v3 =	vadd.f32 v38, v3;
	_ =	sdelay $0x1  }
0x2c3: {  	[tilespmem:s8+$0xC8E0] =	vst v3  }
0x2c4: {  	v3 =	vld [tilespmem:s29+$0x70]  }
0x2c5: {  	v39 =	vld [tilespmem:s10+$0x70];
	_ =	sdelay $0x4  }
0x2c6: {  	v3 =	vadd.f32 v39, v3  }
0x2c7: {  	s11 =	sadd.s32 $0xC80, s26  }
0x2c8: {  	s29 =	sor.u32 s9, s11;
	[tilespmem:s8+$0xC8F0] =	vst v3  }
0x2c9: {  	s10 =	sadd.s32 s28, s11;
	v3 =	vld [tilespmem:s29+$0x0]  }
0x2ca: {  	v40 =	vld [tilespmem:s10+$0x0];
	_ =	sdelay $0x4  }
0x2cb: {  	v3 =	vadd.f32 v40, v3;
	_ =	sdelay $0x1  }
0x2cc: {  	[tilespmem:s8+$0xCC80] =	vst v3  }
0x2cd: {  	v3 =	vld [tilespmem:s29+$0x10]  }
0x2ce: {  	v41 =	vld [tilespmem:s10+$0x10];
	_ =	sdelay $0x4  }
0x2cf: {  	v3 =	vadd.f32 v41, v3;
	_ =	sdelay $0x1  }
0x2d0: {  	[tilespmem:s8+$0xCC90] =	vst v3  }
0x2d1: {  	v3 =	vld [tilespmem:s29+$0x20]  }
0x2d2: {  	v42 =	vld [tilespmem:s10+$0x20];
	_ =	sdelay $0x4  }
0x2d3: {  	v3 =	vadd.f32 v42, v3;
	_ =	sdelay $0x1  }
0x2d4: {  	[tilespmem:s8+$0xCCA0] =	vst v3  }
0x2d5: {  	v3 =	vld [tilespmem:s29+$0x30]  }
0x2d6: {  	v43 =	vld [tilespmem:s10+$0x30];
	_ =	sdelay $0x4  }
0x2d7: {  	v3 =	vadd.f32 v43, v3;
	_ =	sdelay $0x1  }
0x2d8: {  	[tilespmem:s8+$0xCCB0] =	vst v3  }
0x2d9: {  	v3 =	vld [tilespmem:s29+$0x40]  }
0x2da: {  	v44 =	vld [tilespmem:s10+$0x40];
	_ =	sdelay $0x4  }
0x2db: {  	v3 =	vadd.f32 v44, v3;
	_ =	sdelay $0x1  }
0x2dc: {  	[tilespmem:s8+$0xCCC0] =	vst v3  }
0x2dd: {  	v3 =	vld [tilespmem:s29+$0x50]  }
0x2de: {  	v45 =	vld [tilespmem:s10+$0x50];
	_ =	sdelay $0x4  }
0x2df: {  	v3 =	vadd.f32 v45, v3;
	_ =	sdelay $0x1  }
0x2e0: {  	[tilespmem:s8+$0xCCD0] =	vst v3  }
0x2e1: {  	v3 =	vld [tilespmem:s29+$0x60]  }
0x2e2: {  	v46 =	vld [tilespmem:s10+$0x60];
	_ =	sdelay $0x4  }
0x2e3: {  	v3 =	vadd.f32 v46, v3;
	_ =	sdelay $0x1  }
0x2e4: {  	[tilespmem:s8+$0xCCE0] =	vst v3  }
0x2e5: {  	v3 =	vld [tilespmem:s29+$0x70]  }
0x2e6: {  	v47 =	vld [tilespmem:s10+$0x70];
	_ =	sdelay $0x4  }
0x2e7: {  	v3 =	vadd.f32 v47, v3  }
0x2e8: {  	s11 =	sadd.s32 $0x1080, s26  }
0x2e9: {  	s29 =	sor.u32 s9, s11;
	[tilespmem:s8+$0xCCF0] =	vst v3  }
0x2ea: {  	s10 =	sadd.s32 s28, s11;
	v3 =	vld [tilespmem:s29+$0x0]  }
0x2eb: {  	v48 =	vld [tilespmem:s10+$0x0];
	_ =	sdelay $0x4  }
0x2ec: {  	v3 =	vadd.f32 v48, v3;
	_ =	sdelay $0x1  }
0x2ed: {  	[tilespmem:s8+$0xD080] =	vst v3  }
0x2ee: {  	v3 =	vld [tilespmem:s29+$0x10]  }
0x2ef: {  	v49 =	vld [tilespmem:s10+$0x10];
	_ =	sdelay $0x4  }
0x2f0: {  	v3 =	vadd.f32 v49, v3;
	_ =	sdelay $0x1  }
0x2f1: {  	[tilespmem:s8+$0xD090] =	vst v3  }
0x2f2: {  	v3 =	vld [tilespmem:s29+$0x20]  }
0x2f3: {  	v50 =	vld [tilespmem:s10+$0x20];
	_ =	sdelay $0x4  }
0x2f4: {  	v3 =	vadd.f32 v50, v3;
	_ =	sdelay $0x1  }
0x2f5: {  	[tilespmem:s8+$0xD0A0] =	vst v3  }
0x2f6: {  	v3 =	vld [tilespmem:s29+$0x30]  }
0x2f7: {  	v51 =	vld [tilespmem:s10+$0x30];
	_ =	sdelay $0x4  }
0x2f8: {  	v3 =	vadd.f32 v51, v3;
	_ =	sdelay $0x1  }
0x2f9: {  	[tilespmem:s8+$0xD0B0] =	vst v3  }
0x2fa: {  	v3 =	vld [tilespmem:s29+$0x40]  }
0x2fb: {  	v52 =	vld [tilespmem:s10+$0x40];
	_ =	sdelay $0x4  }
0x2fc: {  	v3 =	vadd.f32 v52, v3;
	_ =	sdelay $0x1  }
0x2fd: {  	[tilespmem:s8+$0xD0C0] =	vst v3  }
0x2fe: {  	v3 =	vld [tilespmem:s29+$0x50]  }
0x2ff: {  	v53 =	vld [tilespmem:s10+$0x50];
	_ =	sdelay $0x4  }
0x300: {  	v3 =	vadd.f32 v53, v3;
	_ =	sdelay $0x1  }
0x301: {  	[tilespmem:s8+$0xD0D0] =	vst v3  }
0x302: {  	v3 =	vld [tilespmem:s29+$0x60]  }
0x303: {  	v54 =	vld [tilespmem:s10+$0x60];
	_ =	sdelay $0x4  }
0x304: {  	v3 =	vadd.f32 v54, v3;
	_ =	sdelay $0x1  }
0x305: {  	[tilespmem:s8+$0xD0E0] =	vst v3  }
0x306: {  	v3 =	vld [tilespmem:s29+$0x70]  }
0x307: {  	v55 =	vld [tilespmem:s10+$0x70];
	_ =	sdelay $0x4  }
0x308: {  	v3 =	vadd.f32 v55, v3  }
0x309: {  	s29 =	sadd.s32 $0x1480, s26  }
0x30a: {  	s9 =	sor.u32 s9, s29;
	[tilespmem:s8+$0xD0F0] =	vst v3  }
0x30b: {  	s10 =	sadd.s32 s28, s29;
	v3 =	vld [tilespmem:s9+$0x0]  }
0x30c: {  	v56 =	vld [tilespmem:s10+$0x0];
	_ =	sdelay $0x4  }
0x30d: {  	v3 =	vadd.f32 v56, v3;
	_ =	sdelay $0x1  }
0x30e: {  	[tilespmem:s8+$0xD480] =	vst v3  }
0x30f: {  	v3 =	vld [tilespmem:s9+$0x10]  }
0x310: {  	v57 =	vld [tilespmem:s10+$0x10];
	_ =	sdelay $0x4  }
0x311: {  	v3 =	vadd.f32 v57, v3;
	_ =	sdelay $0x1  }
0x312: {  	[tilespmem:s8+$0xD490] =	vst v3  }
0x313: {  	v3 =	vld [tilespmem:s9+$0x20]  }
0x314: {  	v58 =	vld [tilespmem:s10+$0x20];
	_ =	sdelay $0x4  }
0x315: {  	v3 =	vadd.f32 v58, v3;
	_ =	sdelay $0x1  }
0x316: {  	[tilespmem:s8+$0xD4A0] =	vst v3  }
0x317: {  	v3 =	vld [tilespmem:s9+$0x30]  }
0x318: {  	v59 =	vld [tilespmem:s10+$0x30];
	_ =	sdelay $0x4  }
0x319: {  	v3 =	vadd.f32 v59, v3;
	_ =	sdelay $0x1  }
0x31a: {  	[tilespmem:s8+$0xD4B0] =	vst v3  }
0x31b: {  	v3 =	vld [tilespmem:s9+$0x40]  }
0x31c: {  	v60 =	vld [tilespmem:s10+$0x40];
	_ =	sdelay $0x4  }
0x31d: {  	v3 =	vadd.f32 v60, v3;
	_ =	sdelay $0x1  }
0x31e: {  	[tilespmem:s8+$0xD4C0] =	vst v3  }
0x31f: {  	v3 =	vld [tilespmem:s9+$0x50]  }
0x320: {  	v61 =	vld [tilespmem:s10+$0x50];
	_ =	sdelay $0x4  }
0x321: {  	v3 =	vadd.f32 v61, v3;
	_ =	sdelay $0x1  }
0x322: {  	[tilespmem:s8+$0xD4D0] =	vst v3  }
0x323: {  	v3 =	vld [tilespmem:s9+$0x60]  }
0x324: {  	v62 =	vld [tilespmem:s10+$0x60];
	_ =	sdelay $0x4  }
0x325: {  	v3 =	vadd.f32 v62, v3;
	_ =	sdelay $0x1  }
0x326: {  	[tilespmem:s8+$0xD4E0] =	vst v3  }
0x327: {  	v3 =	vld [tilespmem:s9+$0x70]  }
0x328: {  	v63 =	vld [tilespmem:s10+$0x70];
	_ =	sdelay $0x1  }
0x329: {  	p0 =	sne.s32 s25, $0xF  }
.Ltmp2:
0x32a: {  	_ = 	snop;
	(pc) =	sbr.rel @p0 .LBB2_6-.Ltmp2, $3  }
0x32b: {  	_ = 	snop  }
0x32c: {  	v3 =	vadd.f32 v63, v3;
	_ =	sdelay $0x1  }
0x32d: {  	s23 =	sadd.s32 $0x100, s23;
	s25 =	sadd.s32 $0x1, s25;
	s24 =	sadd.s32 $0x80, s24;
	[tilespmem:s8+$0xD4F0] =	vst v3  }
0x32e: {  	s23 =	simm.s32 $0x0;
	s8 =	rddreg [dreg:$0x5]  }
0x32f: {  	[hbm4b:s8+s23] =	stream.linear.scatter [tilespmem:s18], [sflag:$0x3], $0x3000, $0x38;
	[tilespmem:$0x12080] =	vst v63  }
0x330: {  	_ =	swait.ge [sflag:s19], $0x6000  }
0x331: {  	[sflag:s19] =	ssyncset.done $0x0  }
0x332: {  	[sflag:s19] =	ssyncadd.s32 $0xFFFFA000  }
0x333: {  	_ =	swait.ge [sflag:s21], $0x3000  }
0x334: {  	[sflag:s21] =	ssyncset.done $0x0  }
0x335: {  	s24 =	simm.s32 $0x0;
	s25 =	simm.s32 $0x0;
	[sflag:s21] =	ssyncadd.s32 $0xFFFFD000  }
.LBB2_8:
0x336: {  	s8 =	sshrl.u32 s25, $0x2  }
0x337: {  	s8 =	smul.u32 $0x6000, s8;
	_ =	sdelay $0x1  }
0x338: {  	s9 =	sshra.s32 s8, $0x2  }
0x339: {  	s8 =	sand.u32 $0x300, s23;
	s11 =	sadd.s32 $0x6080, s9  }
0x33a: {  	s26 =	sor.u32 $0x80, s8;
	s10 =	sor.u32 s8, s11  }
0x33b: {  	s29 =	sadd.s32 s26, s11;
	v3 =	vld [tilespmem:s10+$0x0]  }
0x33c: {  	v4 =	vld [tilespmem:s29+$0x0];
	_ =	sdelay $0x1  }
0x33d: {  	s28 =	sshrl.u32 s25, $0x3  }
0x33e: {  	s11 =	smul.u32 $0x6000, s28;
	_ =	sdelay $0x1  }
0x33f: {  	s28 =	sand.u32 $0x380, s24;
	s11 =	sshra.s32 s11, $0x2;
	v3 =	vadd.f32 v4, v3  }
0x340: {  	s28 =	sor.u32 s28, s11  }
0x341: {  	[tilespmem:s28+$0xF080] =	vst v3  }
0x342: {  	v3 =	vld [tilespmem:s10+$0x10]  }
0x343: {  	v17 =	vld [tilespmem:s29+$0x10];
	_ =	sdelay $0x4  }
0x344: {  	v3 =	vadd.f32 v17, v3;
	_ =	sdelay $0x1  }
0x345: {  	[tilespmem:s28+$0xF090] =	vst v3  }
0x346: {  	v3 =	vld [tilespmem:s10+$0x20]  }
0x347: {  	v18 =	vld [tilespmem:s29+$0x20];
	_ =	sdelay $0x4  }
0x348: {  	v3 =	vadd.f32 v18, v3;
	_ =	sdelay $0x1  }
0x349: {  	[tilespmem:s28+$0xF0A0] =	vst v3  }
0x34a: {  	v3 =	vld [tilespmem:s10+$0x30]  }
0x34b: {  	v19 =	vld [tilespmem:s29+$0x30];
	_ =	sdelay $0x4  }
0x34c: {  	v3 =	vadd.f32 v19, v3;
	_ =	sdelay $0x1  }
0x34d: {  	[tilespmem:s28+$0xF0B0] =	vst v3  }
0x34e: {  	v3 =	vld [tilespmem:s10+$0x40]  }
0x34f: {  	v20 =	vld [tilespmem:s29+$0x40];
	_ =	sdelay $0x4  }
0x350: {  	v3 =	vadd.f32 v20, v3;
	_ =	sdelay $0x1  }
0x351: {  	[tilespmem:s28+$0xF0C0] =	vst v3  }
0x352: {  	v3 =	vld [tilespmem:s10+$0x50]  }
0x353: {  	v21 =	vld [tilespmem:s29+$0x50];
	_ =	sdelay $0x4  }
0x354: {  	v3 =	vadd.f32 v21, v3;
	_ =	sdelay $0x1  }
0x355: {  	[tilespmem:s28+$0xF0D0] =	vst v3  }
0x356: {  	v3 =	vld [tilespmem:s10+$0x60]  }
0x357: {  	v22 =	vld [tilespmem:s29+$0x60];
	_ =	sdelay $0x4  }
0x358: {  	v3 =	vadd.f32 v22, v3;
	_ =	sdelay $0x1  }
0x359: {  	[tilespmem:s28+$0xF0E0] =	vst v3  }
0x35a: {  	v3 =	vld [tilespmem:s10+$0x70]  }
0x35b: {  	v23 =	vld [tilespmem:s29+$0x70];
	_ =	sdelay $0x4  }
0x35c: {  	v3 =	vadd.f32 v23, v3;
	_ =	sdelay $0x1  }
0x35d: {  	[tilespmem:s28+$0xF0F0] =	vst v3  }
0x35e: {  	v3 =	vld [tilespmem:s10+$0x400]  }
0x35f: {  	v24 =	vld [tilespmem:s29+$0x400];
	_ =	sdelay $0x4  }
0x360: {  	v3 =	vadd.f32 v24, v3;
	_ =	sdelay $0x1  }
0x361: {  	[tilespmem:s28+$0xF480] =	vst v3  }
0x362: {  	v3 =	vld [tilespmem:s10+$0x410]  }
0x363: {  	v25 =	vld [tilespmem:s29+$0x410];
	_ =	sdelay $0x4  }
0x364: {  	v3 =	vadd.f32 v25, v3;
	_ =	sdelay $0x1  }
0x365: {  	[tilespmem:s28+$0xF490] =	vst v3  }
0x366: {  	v3 =	vld [tilespmem:s10+$0x420]  }
0x367: {  	v26 =	vld [tilespmem:s29+$0x420];
	_ =	sdelay $0x4  }
0x368: {  	v3 =	vadd.f32 v26, v3;
	_ =	sdelay $0x1  }
0x369: {  	[tilespmem:s28+$0xF4A0] =	vst v3  }
0x36a: {  	v3 =	vld [tilespmem:s10+$0x430]  }
0x36b: {  	v27 =	vld [tilespmem:s29+$0x430];
	_ =	sdelay $0x4  }
0x36c: {  	v3 =	vadd.f32 v27, v3;
	_ =	sdelay $0x1  }
0x36d: {  	[tilespmem:s28+$0xF4B0] =	vst v3  }
0x36e: {  	v3 =	vld [tilespmem:s10+$0x440]  }
0x36f: {  	v28 =	vld [tilespmem:s29+$0x440];
	_ =	sdelay $0x4  }
0x370: {  	v3 =	vadd.f32 v28, v3;
	_ =	sdelay $0x1  }
0x371: {  	[tilespmem:s28+$0xF4C0] =	vst v3  }
0x372: {  	v3 =	vld [tilespmem:s10+$0x450]  }
0x373: {  	v29 =	vld [tilespmem:s29+$0x450];
	_ =	sdelay $0x4  }
0x374: {  	v3 =	vadd.f32 v29, v3;
	_ =	sdelay $0x1  }
0x375: {  	[tilespmem:s28+$0xF4D0] =	vst v3  }
0x376: {  	v3 =	vld [tilespmem:s10+$0x460]  }
0x377: {  	v30 =	vld [tilespmem:s29+$0x460];
	_ =	sdelay $0x4  }
0x378: {  	v3 =	vadd.f32 v30, v3;
	_ =	sdelay $0x1  }
0x379: {  	[tilespmem:s28+$0xF4E0] =	vst v3  }
0x37a: {  	v3 =	vld [tilespmem:s10+$0x470]  }
0x37b: {  	v31 =	vld [tilespmem:s29+$0x470];
	_ =	sdelay $0x4  }
0x37c: {  	v3 =	vadd.f32 v31, v3  }
0x37d: {  	s11 =	sadd.s32 $0x6880, s9  }
0x37e: {  	s29 =	sor.u32 s8, s11;
	[tilespmem:s28+$0xF4F0] =	vst v3  }
0x37f: {  	s10 =	sadd.s32 s26, s11;
	v3 =	vld [tilespmem:s29+$0x0]  }
0x380: {  	v32 =	vld [tilespmem:s10+$0x0];
	_ =	sdelay $0x4  }
0x381: {  	v3 =	vadd.f32 v32, v3;
	_ =	sdelay $0x1  }
0x382: {  	[tilespmem:s28+$0xF880] =	vst v3  }
0x383: {  	v3 =	vld [tilespmem:s29+$0x10]  }
0x384: {  	v33 =	vld [tilespmem:s10+$0x10];
	_ =	sdelay $0x4  }
0x385: {  	v3 =	vadd.f32 v33, v3;
	_ =	sdelay $0x1  }
0x386: {  	[tilespmem:s28+$0xF890] =	vst v3  }
0x387: {  	v3 =	vld [tilespmem:s29+$0x20]  }
0x388: {  	v34 =	vld [tilespmem:s10+$0x20];
	_ =	sdelay $0x4  }
0x389: {  	v3 =	vadd.f32 v34, v3;
	_ =	sdelay $0x1  }
0x38a: {  	[tilespmem:s28+$0xF8A0] =	vst v3  }
0x38b: {  	v3 =	vld [tilespmem:s29+$0x30]  }
0x38c: {  	v35 =	vld [tilespmem:s10+$0x30];
	_ =	sdelay $0x4  }
0x38d: {  	v3 =	vadd.f32 v35, v3;
	_ =	sdelay $0x1  }
0x38e: {  	[tilespmem:s28+$0xF8B0] =	vst v3  }
0x38f: {  	v3 =	vld [tilespmem:s29+$0x40]  }
0x390: {  	v36 =	vld [tilespmem:s10+$0x40];
	_ =	sdelay $0x4  }
0x391: {  	v3 =	vadd.f32 v36, v3;
	_ =	sdelay $0x1  }
0x392: {  	[tilespmem:s28+$0xF8C0] =	vst v3  }
0x393: {  	v3 =	vld [tilespmem:s29+$0x50]  }
0x394: {  	v37 =	vld [tilespmem:s10+$0x50];
	_ =	sdelay $0x4  }
0x395: {  	v3 =	vadd.f32 v37, v3;
	_ =	sdelay $0x1  }
0x396: {  	[tilespmem:s28+$0xF8D0] =	vst v3  }
0x397: {  	v3 =	vld [tilespmem:s29+$0x60]  }
0x398: {  	v38 =	vld [tilespmem:s10+$0x60];
	_ =	sdelay $0x4  }
0x399: {  	v3 =	vadd.f32 v38, v3;
	_ =	sdelay $0x1  }
0x39a: {  	[tilespmem:s28+$0xF8E0] =	vst v3  }
0x39b: {  	v3 =	vld [tilespmem:s29+$0x70]  }
0x39c: {  	v39 =	vld [tilespmem:s10+$0x70];
	_ =	sdelay $0x4  }
0x39d: {  	v3 =	vadd.f32 v39, v3  }
0x39e: {  	s11 =	sadd.s32 $0x6C80, s9  }
0x39f: {  	s29 =	sor.u32 s8, s11;
	[tilespmem:s28+$0xF8F0] =	vst v3  }
0x3a0: {  	s10 =	sadd.s32 s26, s11;
	v3 =	vld [tilespmem:s29+$0x0]  }
0x3a1: {  	v40 =	vld [tilespmem:s10+$0x0];
	_ =	sdelay $0x4  }
0x3a2: {  	v3 =	vadd.f32 v40, v3;
	_ =	sdelay $0x1  }
0x3a3: {  	[tilespmem:s28+$0xFC80] =	vst v3  }
0x3a4: {  	v3 =	vld [tilespmem:s29+$0x10]  }
0x3a5: {  	v41 =	vld [tilespmem:s10+$0x10];
	_ =	sdelay $0x4  }
0x3a6: {  	v3 =	vadd.f32 v41, v3;
	_ =	sdelay $0x1  }
0x3a7: {  	[tilespmem:s28+$0xFC90] =	vst v3  }
0x3a8: {  	v3 =	vld [tilespmem:s29+$0x20]  }
0x3a9: {  	v42 =	vld [tilespmem:s10+$0x20];
	_ =	sdelay $0x4  }
0x3aa: {  	v3 =	vadd.f32 v42, v3;
	_ =	sdelay $0x1  }
0x3ab: {  	[tilespmem:s28+$0xFCA0] =	vst v3  }
0x3ac: {  	v3 =	vld [tilespmem:s29+$0x30]  }
0x3ad: {  	v43 =	vld [tilespmem:s10+$0x30];
	_ =	sdelay $0x4  }
0x3ae: {  	v3 =	vadd.f32 v43, v3;
	_ =	sdelay $0x1  }
0x3af: {  	[tilespmem:s28+$0xFCB0] =	vst v3  }
0x3b0: {  	v3 =	vld [tilespmem:s29+$0x40]  }
0x3b1: {  	v44 =	vld [tilespmem:s10+$0x40];
	_ =	sdelay $0x4  }
0x3b2: {  	v3 =	vadd.f32 v44, v3;
	_ =	sdelay $0x1  }
0x3b3: {  	[tilespmem:s28+$0xFCC0] =	vst v3  }
0x3b4: {  	v3 =	vld [tilespmem:s29+$0x50]  }
0x3b5: {  	v45 =	vld [tilespmem:s10+$0x50];
	_ =	sdelay $0x4  }
0x3b6: {  	v3 =	vadd.f32 v45, v3;
	_ =	sdelay $0x1  }
0x3b7: {  	[tilespmem:s28+$0xFCD0] =	vst v3  }
0x3b8: {  	v3 =	vld [tilespmem:s29+$0x60]  }
0x3b9: {  	v46 =	vld [tilespmem:s10+$0x60];
	_ =	sdelay $0x4  }
0x3ba: {  	v3 =	vadd.f32 v46, v3;
	_ =	sdelay $0x1  }
0x3bb: {  	[tilespmem:s28+$0xFCE0] =	vst v3  }
0x3bc: {  	v3 =	vld [tilespmem:s29+$0x70]  }
0x3bd: {  	v47 =	vld [tilespmem:s10+$0x70];
	_ =	sdelay $0x4  }
0x3be: {  	v3 =	vadd.f32 v47, v3  }
0x3bf: {  	s29 =	sadd.s32 $0x7080, s9  }
0x3c0: {  	s11 =	sor.u32 s8, s29;
	[tilespmem:s28+$0xFCF0] =	vst v3  }
0x3c1: {  	s10 =	sadd.s32 s26, s29;
	v3 =	vld [tilespmem:s11+$0x0]  }
0x3c2: {  	v48 =	vld [tilespmem:s10+$0x0];
	_ =	sdelay $0x4  }
0x3c3: {  	v3 =	vadd.f32 v48, v3;
	_ =	sdelay $0x1  }
0x3c4: {  	[tilespmem:s28+$0x10080] =	vst v3  }
0x3c5: {  	v3 =	vld [tilespmem:s11+$0x10]  }
0x3c6: {  	v49 =	vld [tilespmem:s10+$0x10];
	_ =	sdelay $0x4  }
0x3c7: {  	v3 =	vadd.f32 v49, v3  }
0x3c8: {  	s29 =	sadd.s32 $0x10080, s28  }
0x3c9: {  	[tilespmem:s29+$0x10] =	vst v3  }
0x3ca: {  	v3 =	vld [tilespmem:s11+$0x20]  }
0x3cb: {  	v50 =	vld [tilespmem:s10+$0x20];
	_ =	sdelay $0x4  }
0x3cc: {  	v3 =	vadd.f32 v50, v3;
	_ =	sdelay $0x1  }
0x3cd: {  	[tilespmem:s29+$0x20] =	vst v3  }
0x3ce: {  	v3 =	vld [tilespmem:s11+$0x30]  }
0x3cf: {  	v51 =	vld [tilespmem:s10+$0x30];
	_ =	sdelay $0x4  }
0x3d0: {  	v3 =	vadd.f32 v51, v3;
	_ =	sdelay $0x1  }
0x3d1: {  	[tilespmem:s29+$0x30] =	vst v3  }
0x3d2: {  	v3 =	vld [tilespmem:s11+$0x40]  }
0x3d3: {  	v52 =	vld [tilespmem:s10+$0x40];
	_ =	sdelay $0x4  }
0x3d4: {  	v3 =	vadd.f32 v52, v3;
	_ =	sdelay $0x1  }
0x3d5: {  	[tilespmem:s29+$0x40] =	vst v3  }
0x3d6: {  	v3 =	vld [tilespmem:s11+$0x50]  }
0x3d7: {  	v53 =	vld [tilespmem:s10+$0x50];
	_ =	sdelay $0x4  }
0x3d8: {  	v3 =	vadd.f32 v53, v3;
	_ =	sdelay $0x1  }
0x3d9: {  	[tilespmem:s29+$0x50] =	vst v3  }
0x3da: {  	v3 =	vld [tilespmem:s11+$0x60]  }
0x3db: {  	v54 =	vld [tilespmem:s10+$0x60];
	_ =	sdelay $0x4  }
0x3dc: {  	v3 =	vadd.f32 v54, v3;
	_ =	sdelay $0x1  }
0x3dd: {  	[tilespmem:s29+$0x60] =	vst v3  }
0x3de: {  	v3 =	vld [tilespmem:s11+$0x70]  }
0x3df: {  	v55 =	vld [tilespmem:s10+$0x70];
	_ =	sdelay $0x4  }
0x3e0: {  	v3 =	vadd.f32 v55, v3  }
0x3e1: {  	s9 =	sadd.s32 $0x7480, s9  }
0x3e2: {  	s8 =	sor.u32 s8, s9;
	[tilespmem:s29+$0x70] =	vst v3  }
0x3e3: {  	s9 =	sadd.s32 s26, s9;
	v3 =	vld [tilespmem:s8+$0x0]  }
0x3e4: {  	v56 =	vld [tilespmem:s9+$0x0];
	_ =	sdelay $0x4  }
0x3e5: {  	v3 =	vadd.f32 v56, v3;
	_ =	sdelay $0x1  }
0x3e6: {  	[tilespmem:s28+$0x10480] =	vst v3  }
0x3e7: {  	v3 =	vld [tilespmem:s8+$0x10]  }
0x3e8: {  	v57 =	vld [tilespmem:s9+$0x10];
	_ =	sdelay $0x4  }
0x3e9: {  	v3 =	vadd.f32 v57, v3  }
0x3ea: {  	s29 =	sadd.s32 $0x10480, s28  }
0x3eb: {  	[tilespmem:s29+$0x10] =	vst v3  }
0x3ec: {  	v3 =	vld [tilespmem:s8+$0x20]  }
0x3ed: {  	v58 =	vld [tilespmem:s9+$0x20];
	_ =	sdelay $0x4  }
0x3ee: {  	v3 =	vadd.f32 v58, v3;
	_ =	sdelay $0x1  }
0x3ef: {  	[tilespmem:s29+$0x20] =	vst v3  }
0x3f0: {  	v3 =	vld [tilespmem:s8+$0x30]  }
0x3f1: {  	v59 =	vld [tilespmem:s9+$0x30];
	_ =	sdelay $0x4  }
0x3f2: {  	v3 =	vadd.f32 v59, v3;
	_ =	sdelay $0x1  }
0x3f3: {  	[tilespmem:s29+$0x30] =	vst v3  }
0x3f4: {  	v3 =	vld [tilespmem:s8+$0x40]  }
0x3f5: {  	v60 =	vld [tilespmem:s9+$0x40];
	_ =	sdelay $0x4  }
0x3f6: {  	v3 =	vadd.f32 v60, v3;
	_ =	sdelay $0x1  }
0x3f7: {  	[tilespmem:s29+$0x40] =	vst v3  }
0x3f8: {  	v3 =	vld [tilespmem:s8+$0x50]  }
0x3f9: {  	v61 =	vld [tilespmem:s9+$0x50];
	_ =	sdelay $0x4  }
0x3fa: {  	v3 =	vadd.f32 v61, v3;
	_ =	sdelay $0x1  }
0x3fb: {  	[tilespmem:s29+$0x50] =	vst v3  }
0x3fc: {  	v3 =	vld [tilespmem:s8+$0x60]  }
0x3fd: {  	v62 =	vld [tilespmem:s9+$0x60];
	_ =	sdelay $0x4  }
0x3fe: {  	v3 =	vadd.f32 v62, v3;
	_ =	sdelay $0x1  }
0x3ff: {  	[tilespmem:s29+$0x60] =	vst v3  }
0x400: {  	v3 =	vld [tilespmem:s8+$0x70]  }
0x401: {  	v63 =	vld [tilespmem:s9+$0x70];
	_ =	sdelay $0x1  }
0x402: {  	p0 =	sne.s32 s25, $0xF  }
.Ltmp3:
0x403: {  	_ = 	snop;
	(pc) =	sbr.rel @p0 .LBB2_8-.Ltmp3, $3  }
0x404: {  	_ = 	snop  }
0x405: {  	v3 =	vadd.f32 v63, v3;
	_ =	sdelay $0x1  }
0x406: {  	s25 =	sadd.s32 $0x1, s25;
	s23 =	sadd.s32 $0x100, s23;
	s24 =	sadd.s32 $0x80, s24;
	[tilespmem:s29+$0x70] =	vst v3  }
0x407: {  	s8 =	rddreg [dreg:$0x6]  }
0x408: {  	[hbm4b:s8+s2] =	stream.linear.scatter [tilespmem:s4], [sflag:$0x4], $0x3000, $0x38;
	[tilespmem:$0x12080] =	vst v63  }
0x409: {  	_ =	swait.ge [sflag:s20], $0x3000  }
0x40a: {  	[sflag:s20] =	ssyncset.done $0x0  }
0x40b: {  	[sflag:s20] =	ssyncadd.s32 $0xFFFFD000  }
0x40c: {  	_ =	swait.ge [sflag:s21], $0x3000  }
0x40d: {  	s22 =	sadd.s32 $0x1, s22;
	s29 =	rddreg [dreg:$0x7]  }
0x40e: {  	p0 =	sne.s32 s22, s29  }
.Ltmp4:
0x40f: {  	_ = 	snop;
	(pc) =	sbr.rel @p0 .LBB2_1-.Ltmp4, $3  }
0x410: {  	_ =	sdelay $0x1  }
0x411: {  	[sflag:s21] =	ssyncset.done $0x0  }
0x412: {  	[sflag:s21] =	ssyncadd.s32 $0xFFFFD000  }
0x413: {  	_ =	sfence.sel $0x180000  }
0x414: {  	[bflag:$0x0] =	sbarrier.arrive $0xFFFF  }
0x415: {  	_ =	strace $0x9000004E  }
0x416: {  	s0 =	stileid.u32;
	[bflag:$0x2] =	sbarrier.arrive $0xFFFF  }
0x417: {  	p0 =	sne.s32 s0, $0x0;
	s0 =	rddreg [dreg:$0x2]  }
0x418: {  	s0 =	sadd.s32 @!p0 $0x100000, s0  }
0x419: {  	[sflag:s0] =	ssyncadd.tile.s32 @!p0 $0x1;
	_ =	shalt  }
.Lfunc_end2:
_tile_overlayer_lowered:
.L_overlay_start_2:
0x41a: {  	(tag) =	ssettag $0x2  }
0x41b: {  	s0 =	rddreg [dreg:$0x0];
	s2 =	stileid.u32  }
0x41c: {  	s1 =	rddreg [dreg:$0x1];
	p0 =	sne.s32 s2, $0x0  }
0x41d: {  	s3 =	rddreg [dreg:$0x2];
	[bflag:$0x3] =	sbarrier.arrive $0xFFFF;
	s2 =	simm.s32 @!p0 $0x1C05  }
0x41e: {  	[timem:s3], [sflag:s2] =	dma.local @!p0 [hbm:s0], s1  }
0x41f: {  	s0 =	simm.s32 @!p0 $0x5  }
0x420: {  	_ =	swait.ge @!p0 [sflag:s0], s1  }
0x421: {  	s1 =	ssub.s32 @!p0 $0x0, s1;
	[sflag:s0] =	ssyncset.done @!p0 $0x0  }
0x422: {  	[sflag:s0] =	ssyncadd.s32 @!p0 s1  }
0x423: {  	[bflag:$0x3] =	sbarrier.arrive $0xFFFF  }
0x424: {  	_ =	shalt  }

</sc_bundles>
